<compile_context>
chip_gen: v7x
topology: tpu7x:2x2x1
jax: 0.10.2.dev20260603
libtpu: 0.0.44.dev20260713+nightly
codegen_flags: <defaults>
</compile_context>

<pallas_src>
import functools

import numpy as np
import jax
import jax.numpy as jnp
from jax import lax
from jax.experimental import pallas as pl
from jax.experimental.pallas import tpu as pltpu
from jax.experimental.pallas import tpu_sc as plsc

_N = 100000
_E = 1600000
_T = 48
_D = 32

_NPAD = 102400
_BN = 6400


def _conv_body(x_ref, pt_ref, y_ref):
    ts = lax.broadcasted_iota(jnp.int32, (_D, 1), 0).astype(jnp.float32) + 1.0
    logt = jnp.log(ts)
    p0 = pt_ref[0:1, :]
    p1 = pt_ref[1:2, :]
    s0 = 1.0 / (1.0 + jnp.exp(-p0))
    s1 = 1.0 / (1.0 + jnp.exp(-p1))
    a = 1.0 + (s0 * 0.25 + 0.005) * 10.0
    b = 0.1 + s1 * 1.2
    logk = (a - 1.0) * logt - ts / b
    k = jnp.exp(logk)
    k = k / (jnp.sum(k, axis=0, keepdims=True) + 1e-8)
    xblk = x_ref[...]
    xp = jnp.concatenate(
        [jnp.zeros((_D - 1, _BN), jnp.float32), xblk], axis=0)
    y = k[0:1, :] * xblk
    for d in range(1, _D):
        y = y + k[d:d + 1, :] * lax.slice_in_dim(xp, _D - 1 - d,
                                                 _D - 1 - d + _T, axis=0)
    y_ref[...] = y


def _conv(x, params_t):
    return pl.pallas_call(
        _conv_body,
        grid=(_NPAD // _BN,),
        in_specs=[
            pl.BlockSpec((_T, _BN), lambda i: (0, i)),
            pl.BlockSpec((2, _BN), lambda i: (0, i)),
        ],
        out_specs=pl.BlockSpec((_T, _BN), lambda i: (0, i)),
        out_shape=jax.ShapeDtypeStruct((_T, _NPAD), jnp.float32),
    )(x, params_t)


_NPART = 25000
_EPT = 102400
_EPAD = 16 * _EPT
_CB = 512
_NCHUNK = _EPT // _CB
_NSUPER = _NCHUNK // 2
_BLK = 128
_NBLK = _CB // _BLK

_mesh = plsc.VectorSubcoreMesh(core_axis_name="c", subcore_axis_name="s")


@functools.partial(
    pl.kernel,
    out_type=jax.ShapeDtypeStruct((_N, _T), jnp.float32),
    mesh=_mesh,
    compiler_params=pltpu.CompilerParams(needs_layout_passes=False,
                                         use_tc_tiling_on_sc=False),
    scratch_types=[
        pltpu.VMEM_SHARED((_NPART + 16, _T), jnp.float32),
        pltpu.VMEM((_CB,), jnp.int32),
        pltpu.VMEM((_CB,), jnp.int32),
        pltpu.VMEM((_CB,), jnp.int32),
        pltpu.VMEM((_NBLK, _BLK), jnp.int32),
        pltpu.VMEM((_CB, _T), jnp.float32),
        pltpu.VMEM((_CB,), jnp.int32),
        pltpu.VMEM((_CB,), jnp.int32),
        pltpu.VMEM((_CB,), jnp.int32),
        pltpu.VMEM((_NBLK, _BLK), jnp.int32),
        pltpu.VMEM((_CB, _T), jnp.float32),
        pltpu.SemaphoreType.DMA,
        pltpu.SemaphoreType.DMA,
        pltpu.SemaphoreType.DMA,
        pltpu.SemaphoreType.DMA,
        pltpu.SemaphoreType.DMA,
        pltpu.SemaphoreType.DMA,
    ],
)
def _route(yt, src_e, dst_e, out, accum,
           dstvA, srcvA, gidxA, sidxA, rowsA,
           dstvB, srcvB, gidxB, sidxB, rowsB,
           esemA, esemB, gsemA, gsemB, ssemA, ssemB):
    c = lax.axis_index("c")
    s = lax.axis_index("s")
    bufA = (dstvA, srcvA, gidxA, sidxA, rowsA, esemA, gsemA, ssemA)
    bufB = (dstvB, srcvB, gidxB, sidxB, rowsB, esemB, gsemB, ssemB)

    def edges_issue(ch, buf):
        dstv, srcv, _, _, _, esem, _, _ = buf
        base = s * _EPT + ch * _CB
        pltpu.async_copy(dst_e.at[pl.ds(base, _CB)], dstv, esem)
        pltpu.async_copy(src_e.at[pl.ds(base, _CB)], srcv, esem)

    def edges_wait(buf):
        dstv, srcv, _, _, _, esem, _, _ = buf
        pltpu.make_async_copy(dst_e.at[pl.ds(0, _CB)], dstv, esem).wait()
        pltpu.make_async_copy(src_e.at[pl.ds(0, _CB)], srcv, esem).wait()

    def gfire(buf):
        _, _, gidx, _, rows, _, gsem, _ = buf
        for j in range(_NBLK):
            pltpu.async_copy(yt.at[gidx.at[pl.ds(j * _BLK, _BLK)]],
                             rows.at[pl.ds(j * _BLK, _BLK)], gsem)

    def gdrain(buf):
        _, _, gidx, _, rows, _, gsem, _ = buf
        for j in range(_NBLK):
            pltpu.make_async_copy(yt.at[gidx.at[pl.ds(j * _BLK, _BLK)]],
                                  rows.at[pl.ds(j * _BLK, _BLK)],
                                  gsem).wait()

    def sfire(buf):
        _, _, _, sidx, rows, _, _, ssem = buf
        for j in range(_NBLK):
            pltpu.async_copy(rows.at[pl.ds(j * _BLK, _BLK)],
                             accum.at[sidx.at[j]], ssem, add=True)

    def sdrain(buf):
        _, _, _, sidx, rows, _, _, ssem = buf
        for j in range(_NBLK):
            pltpu.make_async_copy(rows.at[pl.ds(j * _BLK, _BLK)],
                                  accum.at[sidx.at[j]], ssem).wait()

    for p in range(2):
        lo = (2 * c + p) * _NPART
        trash = _NPART + s

        for k in range(2):
            idx = s + 16 * k

            @pl.when(idx < 25)
            def _():
                pltpu.sync_copy(yt.at[pl.ds(lo + idx * 1000, 1000)],
                                accum.at[pl.ds(idx * 1000, 1000)])
        plsc.subcore_barrier()

        def scan(buf):
            dstv, srcv, gidx, sidx, _, _, _, _ = buf

            def scan_body(i, _):
                d = dstv[pl.ds(i * 16, 16)]
                gidx[pl.ds(i * 16, 16)] = srcv[pl.ds(i * 16, 16)]
                m = jnp.logical_and(d >= lo, d < lo + _NPART)
                sidx[i // 8, pl.ds((i % 8) * 16, 16)] = (
                    jnp.where(m, d - lo, trash))
                return 0

            lax.fori_loop(0, _CB // 16, scan_body, 0)

        edges_issue(0, bufA)
        edges_issue(1, bufB)
        edges_wait(bufA)
        scan(bufA)
        edges_issue(2, bufA)
        gfire(bufA)
        edges_wait(bufB)
        scan(bufB)
        edges_issue(3, bufB)
        gfire(bufB)
        gdrain(bufA)
        sfire(bufA)

        def super_body(k, carry):
            gdrain(bufB)
            sfire(bufB)
            sdrain(bufA)
            edges_wait(bufA)
            scan(bufA)

            @pl.when(k < _NSUPER - 1)
            def _():
                edges_issue(2 * k + 2, bufA)

            gfire(bufA)
            sdrain(bufB)
            edges_wait(bufB)
            scan(bufB)

            @pl.when(k < _NSUPER - 1)
            def _():
                edges_issue(2 * k + 3, bufB)

            gfire(bufB)
            gdrain(bufA)
            sfire(bufA)
            return 0

        lax.fori_loop(1, _NSUPER, super_body, 0)
        gdrain(bufB)
        sfire(bufB)
        sdrain(bufA)
        sdrain(bufB)
        plsc.subcore_barrier()
        for k in range(2):
            idx = s + 16 * k

            @pl.when(idx < 25)
            def _():
                pltpu.sync_copy(accum.at[pl.ds(idx * 1000, 1000)],
                                out.at[pl.ds(lo + idx * 1000, 1000)])
        plsc.subcore_barrier()


def kernel(x, edge_index, params):
    xpad = jnp.pad(x, ((0, 0), (0, _NPAD - _N)))
    ppad = jnp.pad(params.T, ((0, 0), (0, _NPAD - _N)))
    y = _conv(xpad, ppad)
    yt = y[:, :_N].T
    src_p = jnp.pad(edge_index[0], (0, _EPAD - _E))
    dst_p = jnp.pad(edge_index[1], (0, _EPAD - _E), constant_values=-1)
    routed = _route(yt, src_p, dst_p)
    return routed.T

# --- scband reference (transcript-rebuilt; emitter-appended) ---
"""Pipeline reference for scband-calibrated-routing-64982855188717 (READ-ONLY COPY).

The authoritative reference and input builder live on the scoring server;
editing this copy changes nothing except your own understanding.
"""

import jax, jax.numpy as jnp
import numpy as np
from jax.scipy.special import gammaln

N = 100000   # river-network nodes
E = 1600000  # directed edges (upstream -> downstream)
T = 48       # time steps of runoff forcing
D = 32       # max_delay: IRF kernel taps


def setup_inputs(seed: int = 0) -> dict:
    key = jax.random.key(seed)
    k1, k2, k3 = jax.random.split(key, 3)
    # runoff forcing per node per timestep (non-negative)
    x = jax.random.uniform(k1, (T, N), dtype=jnp.float32)
    # graph connectivity (row 0 = src/upstream, row 1 = dst/downstream)
    edge_index = jax.random.randint(k2, (2, E), 0, N, dtype=jnp.int32)
    # learned raw per-node IRF parameters (the nn.Parameter 'params' of shape [N, 2])
    params = jax.random.normal(k3, (N, 2), dtype=jnp.float32)
    return {"x": x, "edge_index": edge_index, "params": params}


def _forward(x, edge_index, params):
    # param_mode == 'sigmoid': squash raw params into physical range
    offset = jnp.array([0.005, 0.0], dtype=jnp.float32)[None]
    rng = jnp.array([0.25, 1.2], dtype=jnp.float32)[None]
    p = jax.nn.sigmoid(params) * rng + offset  # [N, 2]
    # gamma-shaped impulse response function per node over D delay taps
    t = jnp.arange(1, D + 1, dtype=jnp.float32)  # [D]
    a = 1.0 + p[:, 0:1] * 10.0   # shape parameter, [N, 1]
    b = 0.1 + p[:, 1:2]          # scale parameter, [N, 1]
    logk = (a - 1.0) * jnp.log(t)[None, :] - t[None, :] / b - gammaln(a) - a * jnp.log(b)
    K = jnp.exp(logk)
    K = K / (jnp.sum(K, axis=-1, keepdims=True) + 1e-8)  # [N, D], unit-mass IRF
    # causal per-node convolution of runoff with its IRF (LTI routing of local runoff)
    xp = jnp.concatenate([jnp.zeros((D - 1, x.shape[1]), dtype=x.dtype), x], axis=0)
    y = jnp.zeros_like(x)
    for d in range(D):
        y = y + K[:, d][None, :] * jax.lax.dynamic_slice_in_dim(xp, D - 1 - d, x.shape[0], axis=0)
    # route convolved flow one hop downstream along the network: gather at src, scatter-add at dst
    src = edge_index[0]
    dst = edge_index[1]
    yt = jnp.transpose(y)                      # [N, T]
    gathered = jnp.take(yt, src, axis=0)       # [E, T] gather (memory-bound)
    routed = yt.at[dst].add(gathered)          # [N, T] scatter-add (memory-bound)
    return jnp.transpose(routed)               # [T, N]


def reference(x, edge_index, params):
    return _forward(x, edge_index, params)

if __name__ == "__main__":
    import jax
    _d = setup_inputs()
    print(jax.jit(kernel)(*tuple(_d.values())))

</pallas_src>

<mosaic_0001>
#map = affine_map<(d0, d1) -> (0, 0)>
#map1 = affine_map<(d0, d1) -> (0)>
module attributes {stable_mosaic.version = 14 : i64} {
  func.func @_route(%arg0: i32, %arg1: i32, %arg2: memref<100000x48xf32, #tpu.memory_space<hbm>>, %arg3: memref<1638400xi32, #tpu.memory_space<hbm>>, %arg4: memref<1638400xi32, #tpu.memory_space<hbm>>, %arg5: memref<100000x48xf32, #tpu.memory_space<hbm>>, %arg6: memref<25016x48xf32, #tpu.memory_space<vmem_shared>>, %arg7: memref<512xi32, #tpu.memory_space<vmem>>, %arg8: memref<512xi32, #tpu.memory_space<vmem>>, %arg9: memref<512xi32, #tpu.memory_space<vmem>>, %arg10: memref<4x128xi32, #tpu.memory_space<vmem>>, %arg11: memref<512x48xf32, #tpu.memory_space<vmem>>, %arg12: memref<512xi32, #tpu.memory_space<vmem>>, %arg13: memref<512xi32, #tpu.memory_space<vmem>>, %arg14: memref<512xi32, #tpu.memory_space<vmem>>, %arg15: memref<4x128xi32, #tpu.memory_space<vmem>>, %arg16: memref<512x48xf32, #tpu.memory_space<vmem>>, %arg17: memref<!tpu.dma_semaphore, #tpu.memory_space<semaphore_mem>>, %arg18: memref<!tpu.dma_semaphore, #tpu.memory_space<semaphore_mem>>, %arg19: memref<!tpu.dma_semaphore, #tpu.memory_space<semaphore_mem>>, %arg20: memref<!tpu.dma_semaphore, #tpu.memory_space<semaphore_mem>>, %arg21: memref<!tpu.dma_semaphore, #tpu.memory_space<semaphore_mem>>, %arg22: memref<!tpu.dma_semaphore, #tpu.memory_space<semaphore_mem>>) attributes {dimension_semantics = [#tpu.dimension_semantics<core_parallel>, #tpu.dimension_semantics<subcore_parallel>], iteration_bounds = array<i64: 2, 16>, scalar_prefetch = 0 : i64, scratch_operands = 17 : i64, tpu.core_type = #tpu.core_type<sc_vector_subcore>, window_params = [{transform_indices = #map}, {transform_indices = #map1}, {transform_indices = #map1}, {transform_indices = #map}]} {
    %mul3A = arith.constant 2 : i32
    %mul3A_0 = arith.muli %mul3A, %arg0 : i32
    %add3A = arith.constant 0 : i32
    %add3A_1 = arith.addi %mul3A_0, %add3A : i32
    %mul3A_2 = arith.constant 25000 : i32
    %mul3A_3 = arith.muli %add3A_1, %mul3A_2 : i32
    %add3A_4 = arith.constant 25000 : i32
    %add3A_5 = arith.addi %add3A_4, %arg1 : i32
    %add3A_6 = arith.constant 0 : i32
    %add3A_7 = arith.addi %arg1, %add3A_6 : i32
    %lt3A = arith.constant 25 : i32
    %lt3A_8 = arith.cmpi slt, %add3A_7, %lt3A : i32
    %convert_element_type3A = arith.extui %lt3A_8 : i1 to i32
    %cond3A = arith.constant 0 : i32
    %cond3A_9 = arith.cmpi ne, %convert_element_type3A, %cond3A : i32
    scf.if %cond3A_9 {
      %mul3A_783 = arith.constant 1000 : i32
      %mul3A_784 = arith.muli %add3A_7, %mul3A_783 : i32
      %add3A_785 = arith.addi %mul3A_3, %mul3A_784 : i32
      %mul3A_786 = arith.constant 1000 : i32
      %mul3A_787 = arith.muli %add3A_7, %mul3A_786 : i32
      "tpu.region"() ({
        %run_scoped3A = tpu.sem_alloc : memref<!tpu.dma_semaphore, #tpu.memory_space<semaphore_mem>>
        %dma_start3A_788 = arith.constant 0 : i32
        %dma_start3A_789 = tpu.memref_slice %arg6[%mul3A_787, %dma_start3A_788] : memref<25016x48xf32, #tpu.memory_space<vmem_shared>> -> memref<1000x48xf32, #tpu.memory_space<vmem_shared>>
        %dma_start3A_790 = arith.constant 0 : i32
        %dma_start3A_791 = tpu.memref_slice %arg2[%add3A_785, %dma_start3A_790] : memref<100000x48xf32, #tpu.memory_space<hbm>> -> memref<1000x48xf32, #tpu.memory_space<hbm>>
        tpu.enqueue_dma source(%dma_start3A_791 : memref<1000x48xf32, #tpu.memory_space<hbm>>) target(%dma_start3A_789 : memref<1000x48xf32, #tpu.memory_space<vmem_shared>>) target_semaphore(%run_scoped3A : memref<!tpu.dma_semaphore, #tpu.memory_space<semaphore_mem>>)
        %dma_wait3A_792 = arith.constant 0 : i32
        %dma_wait3A_793 = tpu.memref_slice %arg6[%mul3A_787, %dma_wait3A_792] : memref<25016x48xf32, #tpu.memory_space<vmem_shared>> -> memref<1000x48xf32, #tpu.memory_space<vmem_shared>>
        %dma_wait3A_794 = arith.constant 0 : i32
        %dma_wait3A_795 = tpu.memref_slice %arg2[%add3A_785, %dma_wait3A_794] : memref<100000x48xf32, #tpu.memory_space<hbm>> -> memref<1000x48xf32, #tpu.memory_space<hbm>>
        tpu.wait_dma2 semaphore(%run_scoped3A : memref<!tpu.dma_semaphore, #tpu.memory_space<semaphore_mem>>) src(%dma_wait3A_795 : memref<1000x48xf32, #tpu.memory_space<hbm>>) dst(%dma_wait3A_793 : memref<1000x48xf32, #tpu.memory_space<vmem_shared>>)
        tpu.yield
      }) : () -> ()
    } else {
    }
    %add3A_10 = arith.constant 16 : i32
    %add3A_11 = arith.addi %arg1, %add3A_10 : i32
    %lt3A_12 = arith.constant 25 : i32
    %lt3A_13 = arith.cmpi slt, %add3A_11, %lt3A_12 : i32
    %convert_element_type3A_14 = arith.extui %lt3A_13 : i1 to i32
    %cond3A_15 = arith.constant 0 : i32
    %cond3A_16 = arith.cmpi ne, %convert_element_type3A_14, %cond3A_15 : i32
    scf.if %cond3A_16 {
      %mul3A_783 = arith.constant 1000 : i32
      %mul3A_784 = arith.muli %add3A_11, %mul3A_783 : i32
      %add3A_785 = arith.addi %mul3A_3, %mul3A_784 : i32
      %mul3A_786 = arith.constant 1000 : i32
      %mul3A_787 = arith.muli %add3A_11, %mul3A_786 : i32
      "tpu.region"() ({
        %run_scoped3A = tpu.sem_alloc : memref<!tpu.dma_semaphore, #tpu.memory_space<semaphore_mem>>
        %dma_start3A_788 = arith.constant 0 : i32
        %dma_start3A_789 = tpu.memref_slice %arg6[%mul3A_787, %dma_start3A_788] : memref<25016x48xf32, #tpu.memory_space<vmem_shared>> -> memref<1000x48xf32, #tpu.memory_space<vmem_shared>>
        %dma_start3A_790 = arith.constant 0 : i32
        %dma_start3A_791 = tpu.memref_slice %arg2[%add3A_785, %dma_start3A_790] : memref<100000x48xf32, #tpu.memory_space<hbm>> -> memref<1000x48xf32, #tpu.memory_space<hbm>>
        tpu.enqueue_dma source(%dma_start3A_791 : memref<1000x48xf32, #tpu.memory_space<hbm>>) target(%dma_start3A_789 : memref<1000x48xf32, #tpu.memory_space<vmem_shared>>) target_semaphore(%run_scoped3A : memref<!tpu.dma_semaphore, #tpu.memory_space<semaphore_mem>>)
        %dma_wait3A_792 = arith.constant 0 : i32
        %dma_wait3A_793 = tpu.memref_slice %arg6[%mul3A_787, %dma_wait3A_792] : memref<25016x48xf32, #tpu.memory_space<vmem_shared>> -> memref<1000x48xf32, #tpu.memory_space<vmem_shared>>
        %dma_wait3A_794 = arith.constant 0 : i32
        %dma_wait3A_795 = tpu.memref_slice %arg2[%add3A_785, %dma_wait3A_794] : memref<100000x48xf32, #tpu.memory_space<hbm>> -> memref<1000x48xf32, #tpu.memory_space<hbm>>
        tpu.wait_dma2 semaphore(%run_scoped3A : memref<!tpu.dma_semaphore, #tpu.memory_space<semaphore_mem>>) src(%dma_wait3A_795 : memref<1000x48xf32, #tpu.memory_space<hbm>>) dst(%dma_wait3A_793 : memref<1000x48xf32, #tpu.memory_space<vmem_shared>>)
        tpu.yield
      }) : () -> ()
    } else {
    }
    %barrier3A = arith.constant 0 : index
    tpu.barrier barrier_id(%barrier3A)
    %mul3A_17 = arith.constant 102400 : i32
    %mul3A_18 = arith.muli %arg1, %mul3A_17 : i32
    %add3A_19 = arith.constant 0 : i32
    %add3A_20 = arith.addi %mul3A_18, %add3A_19 : i32
    %dma_start3A = tpu.memref_slice %arg4[%add3A_20] : memref<1638400xi32, #tpu.memory_space<hbm>> -> memref<512xi32, #tpu.memory_space<hbm>>
    %dma_start3A_21 = tpu.memref_slice %arg4[%add3A_20] : memref<1638400xi32, #tpu.memory_space<hbm>> -> memref<512xi32, #tpu.memory_space<hbm>>
    tpu.enqueue_dma source(%dma_start3A_21 : memref<512xi32, #tpu.memory_space<hbm>>) target(%arg7 : memref<512xi32, #tpu.memory_space<vmem>>) target_semaphore(%arg17 : memref<!tpu.dma_semaphore, #tpu.memory_space<semaphore_mem>>)
    %dma_start3A_22 = tpu.memref_slice %arg3[%add3A_20] : memref<1638400xi32, #tpu.memory_space<hbm>> -> memref<512xi32, #tpu.memory_space<hbm>>
    %dma_start3A_23 = tpu.memref_slice %arg3[%add3A_20] : memref<1638400xi32, #tpu.memory_space<hbm>> -> memref<512xi32, #tpu.memory_space<hbm>>
    tpu.enqueue_dma source(%dma_start3A_23 : memref<512xi32, #tpu.memory_space<hbm>>) target(%arg8 : memref<512xi32, #tpu.memory_space<vmem>>) target_semaphore(%arg17 : memref<!tpu.dma_semaphore, #tpu.memory_space<semaphore_mem>>)
    %mul3A_24 = arith.constant 102400 : i32
    %mul3A_25 = arith.muli %arg1, %mul3A_24 : i32
    %add3A_26 = arith.constant 512 : i32
    %add3A_27 = arith.addi %mul3A_25, %add3A_26 : i32
    %dma_start3A_28 = tpu.memref_slice %arg4[%add3A_27] : memref<1638400xi32, #tpu.memory_space<hbm>> -> memref<512xi32, #tpu.memory_space<hbm>>
    %dma_start3A_29 = tpu.memref_slice %arg4[%add3A_27] : memref<1638400xi32, #tpu.memory_space<hbm>> -> memref<512xi32, #tpu.memory_space<hbm>>
    tpu.enqueue_dma source(%dma_start3A_29 : memref<512xi32, #tpu.memory_space<hbm>>) target(%arg12 : memref<512xi32, #tpu.memory_space<vmem>>) target_semaphore(%arg18 : memref<!tpu.dma_semaphore, #tpu.memory_space<semaphore_mem>>)
    %dma_start3A_30 = tpu.memref_slice %arg3[%add3A_27] : memref<1638400xi32, #tpu.memory_space<hbm>> -> memref<512xi32, #tpu.memory_space<hbm>>
    %dma_start3A_31 = tpu.memref_slice %arg3[%add3A_27] : memref<1638400xi32, #tpu.memory_space<hbm>> -> memref<512xi32, #tpu.memory_space<hbm>>
    tpu.enqueue_dma source(%dma_start3A_31 : memref<512xi32, #tpu.memory_space<hbm>>) target(%arg13 : memref<512xi32, #tpu.memory_space<vmem>>) target_semaphore(%arg18 : memref<!tpu.dma_semaphore, #tpu.memory_space<semaphore_mem>>)
    %dma_wait3A = arith.constant 0 : i32
    %dma_wait3A_32 = tpu.memref_slice %arg4[%dma_wait3A] : memref<1638400xi32, #tpu.memory_space<hbm>> -> memref<512xi32, #tpu.memory_space<hbm>>
    %dma_wait3A_33 = arith.constant 0 : i32
    %dma_wait3A_34 = tpu.memref_slice %arg4[%dma_wait3A_33] : memref<1638400xi32, #tpu.memory_space<hbm>> -> memref<512xi32, #tpu.memory_space<hbm>>
    tpu.wait_dma2 semaphore(%arg17 : memref<!tpu.dma_semaphore, #tpu.memory_space<semaphore_mem>>) src(%dma_wait3A_34 : memref<512xi32, #tpu.memory_space<hbm>>) dst(%arg7 : memref<512xi32, #tpu.memory_space<vmem>>)
    %dma_wait3A_35 = arith.constant 0 : i32
    %dma_wait3A_36 = tpu.memref_slice %arg3[%dma_wait3A_35] : memref<1638400xi32, #tpu.memory_space<hbm>> -> memref<512xi32, #tpu.memory_space<hbm>>
    %dma_wait3A_37 = arith.constant 0 : i32
    %dma_wait3A_38 = tpu.memref_slice %arg3[%dma_wait3A_37] : memref<1638400xi32, #tpu.memory_space<hbm>> -> memref<512xi32, #tpu.memory_space<hbm>>
    tpu.wait_dma2 semaphore(%arg17 : memref<!tpu.dma_semaphore, #tpu.memory_space<semaphore_mem>>) src(%dma_wait3A_38 : memref<512xi32, #tpu.memory_space<hbm>>) dst(%arg8 : memref<512xi32, #tpu.memory_space<vmem>>)
    %scan3A = arith.constant 0 : i32
    %scan3A_39 = arith.constant 0 : i32
    %scan3A_40 = arith.constant 32 : i32
    %scan3A_41 = arith.addi %scan3A_39, %scan3A_40 : i32
    %scan3A_42 = arith.constant 1 : i32
    %scan3A_43 = scf.for %scan3A_783 = %scan3A_39 to %scan3A_41 step %scan3A_42 iter_args(%scan3A_784 = %scan3A) -> (i32)  : i32 {
      %mul3A_785 = arith.constant 16 : i32
      %mul3A_786 = arith.muli %scan3A_783, %mul3A_785 : i32
      %get3A = arith.index_cast %mul3A_786 : i32 to index
      %get3A_787 = tpu.vector_load %arg7[%get3A] {strides = array<i32>} : memref<512xi32, #tpu.memory_space<vmem>>, vector<16xi32>,
      %mul3A_788 = arith.constant 16 : i32
      %mul3A_789 = arith.muli %scan3A_783, %mul3A_788 : i32
      %get3A_790 = arith.index_cast %mul3A_789 : i32 to index
      %get3A_791 = tpu.vector_load %arg8[%get3A_790] {strides = array<i32>} : memref<512xi32, #tpu.memory_space<vmem>>, vector<16xi32>,
      %mul3A_792 = arith.constant 16 : i32
      %mul3A_793 = arith.muli %scan3A_783, %mul3A_792 : i32
      %swap3A = arith.index_cast %mul3A_793 : i32 to index
      %swap3A_794 = tpu.vector_load %arg9[%swap3A] {strides = array<i32>} : memref<512xi32, #tpu.memory_space<vmem>>, vector<16xi32>,
      tpu.vector_store %arg9[%swap3A], %get3A_791 {strides = array<i32>} : memref<512xi32, #tpu.memory_space<vmem>>, vector<16xi32>,
      %ge3A = vector.broadcast %mul3A_3 : i32 to vector<16xi32>
      %ge3A_795 = arith.cmpi sge, %get3A_787, %ge3A : vector<16xi32>
      %add3A_796 = arith.constant 25000 : i32
      %add3A_797 = arith.addi %mul3A_3, %add3A_796 : i32
      %lt3A_798 = vector.broadcast %add3A_797 : i32 to vector<16xi32>
      %lt3A_799 = arith.cmpi slt, %get3A_787, %lt3A_798 : vector<16xi32>
      %and3A = arith.andi %ge3A_795, %lt3A_799 : vector<16xi1>
      %sub3A = vector.broadcast %mul3A_3 : i32 to vector<16xi32>
      %sub3A_800 = arith.subi %get3A_787, %sub3A : vector<16xi32>
      %broadcast_in_dim3A = vector.broadcast %add3A_5 : i32 to vector<16xi32>
      %select_n3A = arith.select %and3A, %sub3A_800, %broadcast_in_dim3A : vector<16xi1>, vector<16xi32>
      %jit3A = arith.constant 8 : i32
      %div3A = arith.divsi %scan3A_783, %jit3A : i32
      %sign3A = arith.constant 0 : i32
      %sign3A_801 = arith.cmpi sgt, %scan3A_783, %sign3A : i32
      %sign3A_802 = arith.extui %sign3A_801 : i1 to i32
      %sign3A_803 = arith.constant 0 : i32
      %sign3A_804 = arith.cmpi slt, %scan3A_783, %sign3A_803 : i32
      %sign3A_805 = arith.extui %sign3A_804 : i1 to i32
      %sign3A_806 = arith.subi %sign3A_802, %sign3A_805 : i32
      %sign3A_807 = arith.constant 0 : i32
      %sign3A_808 = arith.cmpi sgt, %jit3A, %sign3A_807 : i32
      %sign3A_809 = arith.extui %sign3A_808 : i1 to i32
      %sign3A_810 = arith.constant 0 : i32
      %sign3A_811 = arith.cmpi slt, %jit3A, %sign3A_810 : i32
      %sign3A_812 = arith.extui %sign3A_811 : i1 to i32
      %sign3A_813 = arith.subi %sign3A_809, %sign3A_812 : i32
      %ne3A = arith.cmpi ne, %sign3A_806, %sign3A_813 : i32
      %rem3A = arith.remsi %scan3A_783, %jit3A : i32
      %ne3A_814 = arith.constant 0 : i32
      %ne3A_815 = arith.cmpi ne, %rem3A, %ne3A_814 : i32
      %and3A_816 = arith.andi %ne3A, %ne3A_815 : i1
      %sub3A_817 = arith.constant 1 : i32
      %sub3A_818 = arith.subi %div3A, %sub3A_817 : i32
      %select_n3A_819 = arith.select %and3A_816, %sub3A_818, %div3A : i32
      %jit3A_820 = arith.constant 8 : i32
      %eq3A = arith.constant 0 : i32
      %eq3A_821 = arith.cmpi eq, %jit3A_820, %eq3A : i32
      %jit3A_822 = arith.constant 1 : i32
      %select_n3A_823 = arith.select %eq3A_821, %jit3A_822, %jit3A_820 : i32
      %rem3A_824 = arith.remsi %scan3A_783, %select_n3A_823 : i32
      %ne3A_825 = arith.constant 0 : i32
      %ne3A_826 = arith.cmpi ne, %rem3A_824, %ne3A_825 : i32
      %lt3A_827 = arith.constant 0 : i32
      %lt3A_828 = arith.cmpi slt, %rem3A_824, %lt3A_827 : i32
      %lt3A_829 = arith.constant 0 : i32
      %lt3A_830 = arith.cmpi slt, %select_n3A_823, %lt3A_829 : i32
      %ne3A_831 = arith.xori %lt3A_828, %lt3A_830 : i1
      %and3A_832 = arith.andi %ne3A_831, %ne3A_826 : i1
      %add3A_833 = arith.addi %rem3A_824, %select_n3A_823 : i32
      %select_n3A_834 = arith.select %and3A_832, %add3A_833, %rem3A_824 : i32
      %mul3A_835 = arith.constant 16 : i32
      %mul3A_836 = arith.muli %select_n3A_834, %mul3A_835 : i32
      %swap3A_837 = arith.index_cast %select_n3A_819 : i32 to index
      %swap3A_838 = arith.index_cast %mul3A_836 : i32 to index
      %swap3A_839 = tpu.vector_load %arg10[%swap3A_837, %swap3A_838] {strides = array<i32>} : memref<4x128xi32, #tpu.memory_space<vmem>>, vector<16xi32>,
      tpu.vector_store %arg10[%swap3A_837, %swap3A_838], %select_n3A {strides = array<i32>} : memref<4x128xi32, #tpu.memory_space<vmem>>, vector<16xi32>,
      %scan3A_840 = arith.constant 0 : i32
      scf.yield %scan3A_840 : i32
    }
    %scan3A_44 = arith.constant 32 : i32
    %mul3A_45 = arith.constant 102400 : i32
    %mul3A_46 = arith.muli %arg1, %mul3A_45 : i32
    %add3A_47 = arith.constant 1024 : i32
    %add3A_48 = arith.addi %mul3A_46, %add3A_47 : i32
    %dma_start3A_49 = tpu.memref_slice %arg4[%add3A_48] : memref<1638400xi32, #tpu.memory_space<hbm>> -> memref<512xi32, #tpu.memory_space<hbm>>
    %dma_start3A_50 = tpu.memref_slice %arg4[%add3A_48] : memref<1638400xi32, #tpu.memory_space<hbm>> -> memref<512xi32, #tpu.memory_space<hbm>>
    tpu.enqueue_dma source(%dma_start3A_50 : memref<512xi32, #tpu.memory_space<hbm>>) target(%arg7 : memref<512xi32, #tpu.memory_space<vmem>>) target_semaphore(%arg17 : memref<!tpu.dma_semaphore, #tpu.memory_space<semaphore_mem>>)
    %dma_start3A_51 = tpu.memref_slice %arg3[%add3A_48] : memref<1638400xi32, #tpu.memory_space<hbm>> -> memref<512xi32, #tpu.memory_space<hbm>>
    %dma_start3A_52 = tpu.memref_slice %arg3[%add3A_48] : memref<1638400xi32, #tpu.memory_space<hbm>> -> memref<512xi32, #tpu.memory_space<hbm>>
    tpu.enqueue_dma source(%dma_start3A_52 : memref<512xi32, #tpu.memory_space<hbm>>) target(%arg8 : memref<512xi32, #tpu.memory_space<vmem>>) target_semaphore(%arg17 : memref<!tpu.dma_semaphore, #tpu.memory_space<semaphore_mem>>)
    %dma_start3A_53 = arith.constant 0 : i32
    %dma_start3A_54 = arith.constant 0 : i32
    %dma_start3A_55 = tpu.memref_slice %arg11[%dma_start3A_53, %dma_start3A_54] : memref<512x48xf32, #tpu.memory_space<vmem>> -> memref<128x48xf32, #tpu.memory_space<vmem>>
    %dma_start3A_56 = arith.constant 0 : i32
    %dma_start3A_57 = tpu.memref_slice %arg9[%dma_start3A_56] : memref<512xi32, #tpu.memory_space<vmem>> -> memref<128xi32, #tpu.memory_space<vmem>>
    %dma_start3A_58 = arith.constant 0 : i32
    %dma_start3A_59 = arith.constant 0 : i32
    %dma_start3A_60 = tpu.memref_slice %arg2[%dma_start3A_58, %dma_start3A_59] : memref<100000x48xf32, #tpu.memory_space<hbm>> -> memref<100000x48xf32, #tpu.memory_space<hbm>>
    tpu.enqueue_indirect_dma source(%dma_start3A_60 : memref<100000x48xf32, #tpu.memory_space<hbm>>) target(%dma_start3A_55 : memref<128x48xf32, #tpu.memory_space<vmem>>) offsets(%dma_start3A_57 : memref<128xi32, #tpu.memory_space<vmem>>) semaphore(%arg19 : memref<!tpu.dma_semaphore, #tpu.memory_space<semaphore_mem>>)
    %dma_start3A_61 = arith.constant 128 : i32
    %dma_start3A_62 = arith.constant 0 : i32
    %dma_start3A_63 = tpu.memref_slice %arg11[%dma_start3A_61, %dma_start3A_62] : memref<512x48xf32, #tpu.memory_space<vmem>> -> memref<128x48xf32, #tpu.memory_space<vmem>>
    %dma_start3A_64 = arith.constant 128 : i32
    %dma_start3A_65 = tpu.memref_slice %arg9[%dma_start3A_64] : memref<512xi32, #tpu.memory_space<vmem>> -> memref<128xi32, #tpu.memory_space<vmem>>
    %dma_start3A_66 = arith.constant 0 : i32
    %dma_start3A_67 = arith.constant 0 : i32
    %dma_start3A_68 = tpu.memref_slice %arg2[%dma_start3A_66, %dma_start3A_67] : memref<100000x48xf32, #tpu.memory_space<hbm>> -> memref<100000x48xf32, #tpu.memory_space<hbm>>
    tpu.enqueue_indirect_dma source(%dma_start3A_68 : memref<100000x48xf32, #tpu.memory_space<hbm>>) target(%dma_start3A_63 : memref<128x48xf32, #tpu.memory_space<vmem>>) offsets(%dma_start3A_65 : memref<128xi32, #tpu.memory_space<vmem>>) semaphore(%arg19 : memref<!tpu.dma_semaphore, #tpu.memory_space<semaphore_mem>>)
    %dma_start3A_69 = arith.constant 256 : i32
    %dma_start3A_70 = arith.constant 0 : i32
    %dma_start3A_71 = tpu.memref_slice %arg11[%dma_start3A_69, %dma_start3A_70] : memref<512x48xf32, #tpu.memory_space<vmem>> -> memref<128x48xf32, #tpu.memory_space<vmem>>
    %dma_start3A_72 = arith.constant 256 : i32
    %dma_start3A_73 = tpu.memref_slice %arg9[%dma_start3A_72] : memref<512xi32, #tpu.memory_space<vmem>> -> memref<128xi32, #tpu.memory_space<vmem>>
    %dma_start3A_74 = arith.constant 0 : i32
    %dma_start3A_75 = arith.constant 0 : i32
    %dma_start3A_76 = tpu.memref_slice %arg2[%dma_start3A_74, %dma_start3A_75] : memref<100000x48xf32, #tpu.memory_space<hbm>> -> memref<100000x48xf32, #tpu.memory_space<hbm>>
    tpu.enqueue_indirect_dma source(%dma_start3A_76 : memref<100000x48xf32, #tpu.memory_space<hbm>>) target(%dma_start3A_71 : memref<128x48xf32, #tpu.memory_space<vmem>>) offsets(%dma_start3A_73 : memref<128xi32, #tpu.memory_space<vmem>>) semaphore(%arg19 : memref<!tpu.dma_semaphore, #tpu.memory_space<semaphore_mem>>)
    %dma_start3A_77 = arith.constant 384 : i32
    %dma_start3A_78 = arith.constant 0 : i32
    %dma_start3A_79 = tpu.memref_slice %arg11[%dma_start3A_77, %dma_start3A_78] : memref<512x48xf32, #tpu.memory_space<vmem>> -> memref<128x48xf32, #tpu.memory_space<vmem>>
    %dma_start3A_80 = arith.constant 384 : i32
    %dma_start3A_81 = tpu.memref_slice %arg9[%dma_start3A_80] : memref<512xi32, #tpu.memory_space<vmem>> -> memref<128xi32, #tpu.memory_space<vmem>>
    %dma_start3A_82 = arith.constant 0 : i32
    %dma_start3A_83 = arith.constant 0 : i32
    %dma_start3A_84 = tpu.memref_slice %arg2[%dma_start3A_82, %dma_start3A_83] : memref<100000x48xf32, #tpu.memory_space<hbm>> -> memref<100000x48xf32, #tpu.memory_space<hbm>>
    tpu.enqueue_indirect_dma source(%dma_start3A_84 : memref<100000x48xf32, #tpu.memory_space<hbm>>) target(%dma_start3A_79 : memref<128x48xf32, #tpu.memory_space<vmem>>) offsets(%dma_start3A_81 : memref<128xi32, #tpu.memory_space<vmem>>) semaphore(%arg19 : memref<!tpu.dma_semaphore, #tpu.memory_space<semaphore_mem>>)
    %dma_wait3A_85 = arith.constant 0 : i32
    %dma_wait3A_86 = tpu.memref_slice %arg4[%dma_wait3A_85] : memref<1638400xi32, #tpu.memory_space<hbm>> -> memref<512xi32, #tpu.memory_space<hbm>>
    %dma_wait3A_87 = arith.constant 0 : i32
    %dma_wait3A_88 = tpu.memref_slice %arg4[%dma_wait3A_87] : memref<1638400xi32, #tpu.memory_space<hbm>> -> memref<512xi32, #tpu.memory_space<hbm>>
    tpu.wait_dma2 semaphore(%arg18 : memref<!tpu.dma_semaphore, #tpu.memory_space<semaphore_mem>>) src(%dma_wait3A_88 : memref<512xi32, #tpu.memory_space<hbm>>) dst(%arg12 : memref<512xi32, #tpu.memory_space<vmem>>)
    %dma_wait3A_89 = arith.constant 0 : i32
    %dma_wait3A_90 = tpu.memref_slice %arg3[%dma_wait3A_89] : memref<1638400xi32, #tpu.memory_space<hbm>> -> memref<512xi32, #tpu.memory_space<hbm>>
    %dma_wait3A_91 = arith.constant 0 : i32
    %dma_wait3A_92 = tpu.memref_slice %arg3[%dma_wait3A_91] : memref<1638400xi32, #tpu.memory_space<hbm>> -> memref<512xi32, #tpu.memory_space<hbm>>
    tpu.wait_dma2 semaphore(%arg18 : memref<!tpu.dma_semaphore, #tpu.memory_space<semaphore_mem>>) src(%dma_wait3A_92 : memref<512xi32, #tpu.memory_space<hbm>>) dst(%arg13 : memref<512xi32, #tpu.memory_space<vmem>>)
    %scan3A_93 = arith.constant 0 : i32
    %scan3A_94 = arith.constant 0 : i32
    %scan3A_95 = arith.constant 32 : i32
    %scan3A_96 = arith.addi %scan3A_94, %scan3A_95 : i32
    %scan3A_97 = arith.constant 1 : i32
    %scan3A_98 = scf.for %scan3A_783 = %scan3A_94 to %scan3A_96 step %scan3A_97 iter_args(%scan3A_784 = %scan3A_93) -> (i32)  : i32 {
      %mul3A_785 = arith.constant 16 : i32
      %mul3A_786 = arith.muli %scan3A_783, %mul3A_785 : i32
      %get3A = arith.index_cast %mul3A_786 : i32 to index
      %get3A_787 = tpu.vector_load %arg12[%get3A] {strides = array<i32>} : memref<512xi32, #tpu.memory_space<vmem>>, vector<16xi32>,
      %mul3A_788 = arith.constant 16 : i32
      %mul3A_789 = arith.muli %scan3A_783, %mul3A_788 : i32
      %get3A_790 = arith.index_cast %mul3A_789 : i32 to index
      %get3A_791 = tpu.vector_load %arg13[%get3A_790] {strides = array<i32>} : memref<512xi32, #tpu.memory_space<vmem>>, vector<16xi32>,
      %mul3A_792 = arith.constant 16 : i32
      %mul3A_793 = arith.muli %scan3A_783, %mul3A_792 : i32
      %swap3A = arith.index_cast %mul3A_793 : i32 to index
      %swap3A_794 = tpu.vector_load %arg14[%swap3A] {strides = array<i32>} : memref<512xi32, #tpu.memory_space<vmem>>, vector<16xi32>,
      tpu.vector_store %arg14[%swap3A], %get3A_791 {strides = array<i32>} : memref<512xi32, #tpu.memory_space<vmem>>, vector<16xi32>,
      %ge3A = vector.broadcast %mul3A_3 : i32 to vector<16xi32>
      %ge3A_795 = arith.cmpi sge, %get3A_787, %ge3A : vector<16xi32>
      %add3A_796 = arith.constant 25000 : i32
      %add3A_797 = arith.addi %mul3A_3, %add3A_796 : i32
      %lt3A_798 = vector.broadcast %add3A_797 : i32 to vector<16xi32>
      %lt3A_799 = arith.cmpi slt, %get3A_787, %lt3A_798 : vector<16xi32>
      %and3A = arith.andi %ge3A_795, %lt3A_799 : vector<16xi1>
      %sub3A = vector.broadcast %mul3A_3 : i32 to vector<16xi32>
      %sub3A_800 = arith.subi %get3A_787, %sub3A : vector<16xi32>
      %broadcast_in_dim3A = vector.broadcast %add3A_5 : i32 to vector<16xi32>
      %select_n3A = arith.select %and3A, %sub3A_800, %broadcast_in_dim3A : vector<16xi1>, vector<16xi32>
      %jit3A = arith.constant 8 : i32
      %div3A = arith.divsi %scan3A_783, %jit3A : i32
      %sign3A = arith.constant 0 : i32
      %sign3A_801 = arith.cmpi sgt, %scan3A_783, %sign3A : i32
      %sign3A_802 = arith.extui %sign3A_801 : i1 to i32
      %sign3A_803 = arith.constant 0 : i32
      %sign3A_804 = arith.cmpi slt, %scan3A_783, %sign3A_803 : i32
      %sign3A_805 = arith.extui %sign3A_804 : i1 to i32
      %sign3A_806 = arith.subi %sign3A_802, %sign3A_805 : i32
      %sign3A_807 = arith.constant 0 : i32
      %sign3A_808 = arith.cmpi sgt, %jit3A, %sign3A_807 : i32
      %sign3A_809 = arith.extui %sign3A_808 : i1 to i32
      %sign3A_810 = arith.constant 0 : i32
      %sign3A_811 = arith.cmpi slt, %jit3A, %sign3A_810 : i32
      %sign3A_812 = arith.extui %sign3A_811 : i1 to i32
      %sign3A_813 = arith.subi %sign3A_809, %sign3A_812 : i32
      %ne3A = arith.cmpi ne, %sign3A_806, %sign3A_813 : i32
      %rem3A = arith.remsi %scan3A_783, %jit3A : i32
      %ne3A_814 = arith.constant 0 : i32
      %ne3A_815 = arith.cmpi ne, %rem3A, %ne3A_814 : i32
      %and3A_816 = arith.andi %ne3A, %ne3A_815 : i1
      %sub3A_817 = arith.constant 1 : i32
      %sub3A_818 = arith.subi %div3A, %sub3A_817 : i32
      %select_n3A_819 = arith.select %and3A_816, %sub3A_818, %div3A : i32
      %jit3A_820 = arith.constant 8 : i32
      %eq3A = arith.constant 0 : i32
      %eq3A_821 = arith.cmpi eq, %jit3A_820, %eq3A : i32
      %jit3A_822 = arith.constant 1 : i32
      %select_n3A_823 = arith.select %eq3A_821, %jit3A_822, %jit3A_820 : i32
      %rem3A_824 = arith.remsi %scan3A_783, %select_n3A_823 : i32
      %ne3A_825 = arith.constant 0 : i32
      %ne3A_826 = arith.cmpi ne, %rem3A_824, %ne3A_825 : i32
      %lt3A_827 = arith.constant 0 : i32
      %lt3A_828 = arith.cmpi slt, %rem3A_824, %lt3A_827 : i32
      %lt3A_829 = arith.constant 0 : i32
      %lt3A_830 = arith.cmpi slt, %select_n3A_823, %lt3A_829 : i32
      %ne3A_831 = arith.xori %lt3A_828, %lt3A_830 : i1
      %and3A_832 = arith.andi %ne3A_831, %ne3A_826 : i1
      %add3A_833 = arith.addi %rem3A_824, %select_n3A_823 : i32
      %select_n3A_834 = arith.select %and3A_832, %add3A_833, %rem3A_824 : i32
      %mul3A_835 = arith.constant 16 : i32
      %mul3A_836 = arith.muli %select_n3A_834, %mul3A_835 : i32
      %swap3A_837 = arith.index_cast %select_n3A_819 : i32 to index
      %swap3A_838 = arith.index_cast %mul3A_836 : i32 to index
      %swap3A_839 = tpu.vector_load %arg15[%swap3A_837, %swap3A_838] {strides = array<i32>} : memref<4x128xi32, #tpu.memory_space<vmem>>, vector<16xi32>,
      tpu.vector_store %arg15[%swap3A_837, %swap3A_838], %select_n3A {strides = array<i32>} : memref<4x128xi32, #tpu.memory_space<vmem>>, vector<16xi32>,
      %scan3A_840 = arith.constant 0 : i32
      scf.yield %scan3A_840 : i32
    }
    %scan3A_99 = arith.constant 32 : i32
    %mul3A_100 = arith.constant 102400 : i32
    %mul3A_101 = arith.muli %arg1, %mul3A_100 : i32
    %add3A_102 = arith.constant 1536 : i32
    %add3A_103 = arith.addi %mul3A_101, %add3A_102 : i32
    %dma_start3A_104 = tpu.memref_slice %arg4[%add3A_103] : memref<1638400xi32, #tpu.memory_space<hbm>> -> memref<512xi32, #tpu.memory_space<hbm>>
    %dma_start3A_105 = tpu.memref_slice %arg4[%add3A_103] : memref<1638400xi32, #tpu.memory_space<hbm>> -> memref<512xi32, #tpu.memory_space<hbm>>
    tpu.enqueue_dma source(%dma_start3A_105 : memref<512xi32, #tpu.memory_space<hbm>>) target(%arg12 : memref<512xi32, #tpu.memory_space<vmem>>) target_semaphore(%arg18 : memref<!tpu.dma_semaphore, #tpu.memory_space<semaphore_mem>>)
    %dma_start3A_106 = tpu.memref_slice %arg3[%add3A_103] : memref<1638400xi32, #tpu.memory_space<hbm>> -> memref<512xi32, #tpu.memory_space<hbm>>
    %dma_start3A_107 = tpu.memref_slice %arg3[%add3A_103] : memref<1638400xi32, #tpu.memory_space<hbm>> -> memref<512xi32, #tpu.memory_space<hbm>>
    tpu.enqueue_dma source(%dma_start3A_107 : memref<512xi32, #tpu.memory_space<hbm>>) target(%arg13 : memref<512xi32, #tpu.memory_space<vmem>>) target_semaphore(%arg18 : memref<!tpu.dma_semaphore, #tpu.memory_space<semaphore_mem>>)
    %dma_start3A_108 = arith.constant 0 : i32
    %dma_start3A_109 = arith.constant 0 : i32
    %dma_start3A_110 = tpu.memref_slice %arg16[%dma_start3A_108, %dma_start3A_109] : memref<512x48xf32, #tpu.memory_space<vmem>> -> memref<128x48xf32, #tpu.memory_space<vmem>>
    %dma_start3A_111 = arith.constant 0 : i32
    %dma_start3A_112 = tpu.memref_slice %arg14[%dma_start3A_111] : memref<512xi32, #tpu.memory_space<vmem>> -> memref<128xi32, #tpu.memory_space<vmem>>
    %dma_start3A_113 = arith.constant 0 : i32
    %dma_start3A_114 = arith.constant 0 : i32
    %dma_start3A_115 = tpu.memref_slice %arg2[%dma_start3A_113, %dma_start3A_114] : memref<100000x48xf32, #tpu.memory_space<hbm>> -> memref<100000x48xf32, #tpu.memory_space<hbm>>
    tpu.enqueue_indirect_dma source(%dma_start3A_115 : memref<100000x48xf32, #tpu.memory_space<hbm>>) target(%dma_start3A_110 : memref<128x48xf32, #tpu.memory_space<vmem>>) offsets(%dma_start3A_112 : memref<128xi32, #tpu.memory_space<vmem>>) semaphore(%arg20 : memref<!tpu.dma_semaphore, #tpu.memory_space<semaphore_mem>>)
    %dma_start3A_116 = arith.constant 128 : i32
    %dma_start3A_117 = arith.constant 0 : i32
    %dma_start3A_118 = tpu.memref_slice %arg16[%dma_start3A_116, %dma_start3A_117] : memref<512x48xf32, #tpu.memory_space<vmem>> -> memref<128x48xf32, #tpu.memory_space<vmem>>
    %dma_start3A_119 = arith.constant 128 : i32
    %dma_start3A_120 = tpu.memref_slice %arg14[%dma_start3A_119] : memref<512xi32, #tpu.memory_space<vmem>> -> memref<128xi32, #tpu.memory_space<vmem>>
    %dma_start3A_121 = arith.constant 0 : i32
    %dma_start3A_122 = arith.constant 0 : i32
    %dma_start3A_123 = tpu.memref_slice %arg2[%dma_start3A_121, %dma_start3A_122] : memref<100000x48xf32, #tpu.memory_space<hbm>> -> memref<100000x48xf32, #tpu.memory_space<hbm>>
    tpu.enqueue_indirect_dma source(%dma_start3A_123 : memref<100000x48xf32, #tpu.memory_space<hbm>>) target(%dma_start3A_118 : memref<128x48xf32, #tpu.memory_space<vmem>>) offsets(%dma_start3A_120 : memref<128xi32, #tpu.memory_space<vmem>>) semaphore(%arg20 : memref<!tpu.dma_semaphore, #tpu.memory_space<semaphore_mem>>)
    %dma_start3A_124 = arith.constant 256 : i32
    %dma_start3A_125 = arith.constant 0 : i32
    %dma_start3A_126 = tpu.memref_slice %arg16[%dma_start3A_124, %dma_start3A_125] : memref<512x48xf32, #tpu.memory_space<vmem>> -> memref<128x48xf32, #tpu.memory_space<vmem>>
    %dma_start3A_127 = arith.constant 256 : i32
    %dma_start3A_128 = tpu.memref_slice %arg14[%dma_start3A_127] : memref<512xi32, #tpu.memory_space<vmem>> -> memref<128xi32, #tpu.memory_space<vmem>>
    %dma_start3A_129 = arith.constant 0 : i32
    %dma_start3A_130 = arith.constant 0 : i32
    %dma_start3A_131 = tpu.memref_slice %arg2[%dma_start3A_129, %dma_start3A_130] : memref<100000x48xf32, #tpu.memory_space<hbm>> -> memref<100000x48xf32, #tpu.memory_space<hbm>>
    tpu.enqueue_indirect_dma source(%dma_start3A_131 : memref<100000x48xf32, #tpu.memory_space<hbm>>) target(%dma_start3A_126 : memref<128x48xf32, #tpu.memory_space<vmem>>) offsets(%dma_start3A_128 : memref<128xi32, #tpu.memory_space<vmem>>) semaphore(%arg20 : memref<!tpu.dma_semaphore, #tpu.memory_space<semaphore_mem>>)
    %dma_start3A_132 = arith.constant 384 : i32
    %dma_start3A_133 = arith.constant 0 : i32
    %dma_start3A_134 = tpu.memref_slice %arg16[%dma_start3A_132, %dma_start3A_133] : memref<512x48xf32, #tpu.memory_space<vmem>> -> memref<128x48xf32, #tpu.memory_space<vmem>>
    %dma_start3A_135 = arith.constant 384 : i32
    %dma_start3A_136 = tpu.memref_slice %arg14[%dma_start3A_135] : memref<512xi32, #tpu.memory_space<vmem>> -> memref<128xi32, #tpu.memory_space<vmem>>
    %dma_start3A_137 = arith.constant 0 : i32
    %dma_start3A_138 = arith.constant 0 : i32
    %dma_start3A_139 = tpu.memref_slice %arg2[%dma_start3A_137, %dma_start3A_138] : memref<100000x48xf32, #tpu.memory_space<hbm>> -> memref<100000x48xf32, #tpu.memory_space<hbm>>
    tpu.enqueue_indirect_dma source(%dma_start3A_139 : memref<100000x48xf32, #tpu.memory_space<hbm>>) target(%dma_start3A_134 : memref<128x48xf32, #tpu.memory_space<vmem>>) offsets(%dma_start3A_136 : memref<128xi32, #tpu.memory_space<vmem>>) semaphore(%arg20 : memref<!tpu.dma_semaphore, #tpu.memory_space<semaphore_mem>>)
    %dma_wait3A_140 = arith.constant 0 : i32
    %dma_wait3A_141 = arith.constant 0 : i32
    %dma_wait3A_142 = tpu.memref_slice %arg11[%dma_wait3A_140, %dma_wait3A_141] : memref<512x48xf32, #tpu.memory_space<vmem>> -> memref<128x48xf32, #tpu.memory_space<vmem>>
    %dma_wait3A_143 = arith.constant 0 : i32
    %dma_wait3A_144 = tpu.memref_slice %arg9[%dma_wait3A_143] : memref<512xi32, #tpu.memory_space<vmem>> -> memref<128xi32, #tpu.memory_space<vmem>>
    %dma_wait3A_145 = arith.constant 0 : i32
    %dma_wait3A_146 = arith.constant 0 : i32
    %dma_wait3A_147 = tpu.memref_slice %arg2[%dma_wait3A_145, %dma_wait3A_146] : memref<100000x48xf32, #tpu.memory_space<hbm>> -> memref<100000x48xf32, #tpu.memory_space<hbm>>
    tpu.wait_indirect_dma semaphore(%arg19 : memref<!tpu.dma_semaphore, #tpu.memory_space<semaphore_mem>>) src(%dma_wait3A_147 : memref<100000x48xf32, #tpu.memory_space<hbm>>) dst(%dma_wait3A_142 : memref<128x48xf32, #tpu.memory_space<vmem>>)
    %dma_wait3A_148 = arith.constant 128 : i32
    %dma_wait3A_149 = arith.constant 0 : i32
    %dma_wait3A_150 = tpu.memref_slice %arg11[%dma_wait3A_148, %dma_wait3A_149] : memref<512x48xf32, #tpu.memory_space<vmem>> -> memref<128x48xf32, #tpu.memory_space<vmem>>
    %dma_wait3A_151 = arith.constant 128 : i32
    %dma_wait3A_152 = tpu.memref_slice %arg9[%dma_wait3A_151] : memref<512xi32, #tpu.memory_space<vmem>> -> memref<128xi32, #tpu.memory_space<vmem>>
    %dma_wait3A_153 = arith.constant 0 : i32
    %dma_wait3A_154 = arith.constant 0 : i32
    %dma_wait3A_155 = tpu.memref_slice %arg2[%dma_wait3A_153, %dma_wait3A_154] : memref<100000x48xf32, #tpu.memory_space<hbm>> -> memref<100000x48xf32, #tpu.memory_space<hbm>>
    tpu.wait_indirect_dma semaphore(%arg19 : memref<!tpu.dma_semaphore, #tpu.memory_space<semaphore_mem>>) src(%dma_wait3A_155 : memref<100000x48xf32, #tpu.memory_space<hbm>>) dst(%dma_wait3A_150 : memref<128x48xf32, #tpu.memory_space<vmem>>)
    %dma_wait3A_156 = arith.constant 256 : i32
    %dma_wait3A_157 = arith.constant 0 : i32
    %dma_wait3A_158 = tpu.memref_slice %arg11[%dma_wait3A_156, %dma_wait3A_157] : memref<512x48xf32, #tpu.memory_space<vmem>> -> memref<128x48xf32, #tpu.memory_space<vmem>>
    %dma_wait3A_159 = arith.constant 256 : i32
    %dma_wait3A_160 = tpu.memref_slice %arg9[%dma_wait3A_159] : memref<512xi32, #tpu.memory_space<vmem>> -> memref<128xi32, #tpu.memory_space<vmem>>
    %dma_wait3A_161 = arith.constant 0 : i32
    %dma_wait3A_162 = arith.constant 0 : i32
    %dma_wait3A_163 = tpu.memref_slice %arg2[%dma_wait3A_161, %dma_wait3A_162] : memref<100000x48xf32, #tpu.memory_space<hbm>> -> memref<100000x48xf32, #tpu.memory_space<hbm>>
    tpu.wait_indirect_dma semaphore(%arg19 : memref<!tpu.dma_semaphore, #tpu.memory_space<semaphore_mem>>) src(%dma_wait3A_163 : memref<100000x48xf32, #tpu.memory_space<hbm>>) dst(%dma_wait3A_158 : memref<128x48xf32, #tpu.memory_space<vmem>>)
    %dma_wait3A_164 = arith.constant 384 : i32
    %dma_wait3A_165 = arith.constant 0 : i32
    %dma_wait3A_166 = tpu.memref_slice %arg11[%dma_wait3A_164, %dma_wait3A_165] : memref<512x48xf32, #tpu.memory_space<vmem>> -> memref<128x48xf32, #tpu.memory_space<vmem>>
    %dma_wait3A_167 = arith.constant 384 : i32
    %dma_wait3A_168 = tpu.memref_slice %arg9[%dma_wait3A_167] : memref<512xi32, #tpu.memory_space<vmem>> -> memref<128xi32, #tpu.memory_space<vmem>>
    %dma_wait3A_169 = arith.constant 0 : i32
    %dma_wait3A_170 = arith.constant 0 : i32
    %dma_wait3A_171 = tpu.memref_slice %arg2[%dma_wait3A_169, %dma_wait3A_170] : memref<100000x48xf32, #tpu.memory_space<hbm>> -> memref<100000x48xf32, #tpu.memory_space<hbm>>
    tpu.wait_indirect_dma semaphore(%arg19 : memref<!tpu.dma_semaphore, #tpu.memory_space<semaphore_mem>>) src(%dma_wait3A_171 : memref<100000x48xf32, #tpu.memory_space<hbm>>) dst(%dma_wait3A_166 : memref<128x48xf32, #tpu.memory_space<vmem>>)
    %dma_start3A_172 = arith.constant 0 : i32
    %dma_start3A_173 = arith.constant 0 : i32
    %dma_start3A_174 = arith.constant 0 : i32
    %dma_start3A_175 = tpu.memref_slice %arg11[%dma_start3A_173, %dma_start3A_174] : memref<512x48xf32, #tpu.memory_space<vmem>> -> memref<128x48xf32, #tpu.memory_space<vmem>>
    %dma_start3A_176 = arith.constant 0 : i32
    %dma_start3A_177 = tpu.memref_slice %arg10[%dma_start3A_172, %dma_start3A_176] : memref<4x128xi32, #tpu.memory_space<vmem>> -> memref<1x128xi32, #tpu.memory_space<vmem>>
    %dma_start3A_178 = tpu.memref_squeeze %dma_start3A_177 : memref<1x128xi32, #tpu.memory_space<vmem>> -> memref<128xi32, #tpu.memory_space<vmem>>
    %dma_start3A_179 = arith.constant 0 : i32
    %dma_start3A_180 = arith.constant 0 : i32
    %dma_start3A_181 = tpu.memref_slice %arg6[%dma_start3A_179, %dma_start3A_180] : memref<25016x48xf32, #tpu.memory_space<vmem_shared>> -> memref<25016x48xf32, #tpu.memory_space<vmem_shared>>
    tpu.enqueue_indirect_dma source(%dma_start3A_175 : memref<128x48xf32, #tpu.memory_space<vmem>>) target(%dma_start3A_181 : memref<25016x48xf32, #tpu.memory_space<vmem_shared>>) offsets(%dma_start3A_178 : memref<128xi32, #tpu.memory_space<vmem>>) semaphore(%arg21 : memref<!tpu.dma_semaphore, #tpu.memory_space<semaphore_mem>>) {add = true}
    %dma_start3A_182 = arith.constant 1 : i32
    %dma_start3A_183 = arith.constant 128 : i32
    %dma_start3A_184 = arith.constant 0 : i32
    %dma_start3A_185 = tpu.memref_slice %arg11[%dma_start3A_183, %dma_start3A_184] : memref<512x48xf32, #tpu.memory_space<vmem>> -> memref<128x48xf32, #tpu.memory_space<vmem>>
    %dma_start3A_186 = arith.constant 0 : i32
    %dma_start3A_187 = tpu.memref_slice %arg10[%dma_start3A_182, %dma_start3A_186] : memref<4x128xi32, #tpu.memory_space<vmem>> -> memref<1x128xi32, #tpu.memory_space<vmem>>
    %dma_start3A_188 = tpu.memref_squeeze %dma_start3A_187 : memref<1x128xi32, #tpu.memory_space<vmem>> -> memref<128xi32, #tpu.memory_space<vmem>>
    %dma_start3A_189 = arith.constant 0 : i32
    %dma_start3A_190 = arith.constant 0 : i32
    %dma_start3A_191 = tpu.memref_slice %arg6[%dma_start3A_189, %dma_start3A_190] : memref<25016x48xf32, #tpu.memory_space<vmem_shared>> -> memref<25016x48xf32, #tpu.memory_space<vmem_shared>>
    tpu.enqueue_indirect_dma source(%dma_start3A_185 : memref<128x48xf32, #tpu.memory_space<vmem>>) target(%dma_start3A_191 : memref<25016x48xf32, #tpu.memory_space<vmem_shared>>) offsets(%dma_start3A_188 : memref<128xi32, #tpu.memory_space<vmem>>) semaphore(%arg21 : memref<!tpu.dma_semaphore, #tpu.memory_space<semaphore_mem>>) {add = true}
    %dma_start3A_192 = arith.constant 2 : i32
    %dma_start3A_193 = arith.constant 256 : i32
    %dma_start3A_194 = arith.constant 0 : i32
    %dma_start3A_195 = tpu.memref_slice %arg11[%dma_start3A_193, %dma_start3A_194] : memref<512x48xf32, #tpu.memory_space<vmem>> -> memref<128x48xf32, #tpu.memory_space<vmem>>
    %dma_start3A_196 = arith.constant 0 : i32
    %dma_start3A_197 = tpu.memref_slice %arg10[%dma_start3A_192, %dma_start3A_196] : memref<4x128xi32, #tpu.memory_space<vmem>> -> memref<1x128xi32, #tpu.memory_space<vmem>>
    %dma_start3A_198 = tpu.memref_squeeze %dma_start3A_197 : memref<1x128xi32, #tpu.memory_space<vmem>> -> memref<128xi32, #tpu.memory_space<vmem>>
    %dma_start3A_199 = arith.constant 0 : i32
    %dma_start3A_200 = arith.constant 0 : i32
    %dma_start3A_201 = tpu.memref_slice %arg6[%dma_start3A_199, %dma_start3A_200] : memref<25016x48xf32, #tpu.memory_space<vmem_shared>> -> memref<25016x48xf32, #tpu.memory_space<vmem_shared>>
    tpu.enqueue_indirect_dma source(%dma_start3A_195 : memref<128x48xf32, #tpu.memory_space<vmem>>) target(%dma_start3A_201 : memref<25016x48xf32, #tpu.memory_space<vmem_shared>>) offsets(%dma_start3A_198 : memref<128xi32, #tpu.memory_space<vmem>>) semaphore(%arg21 : memref<!tpu.dma_semaphore, #tpu.memory_space<semaphore_mem>>) {add = true}
    %dma_start3A_202 = arith.constant 3 : i32
    %dma_start3A_203 = arith.constant 384 : i32
    %dma_start3A_204 = arith.constant 0 : i32
    %dma_start3A_205 = tpu.memref_slice %arg11[%dma_start3A_203, %dma_start3A_204] : memref<512x48xf32, #tpu.memory_space<vmem>> -> memref<128x48xf32, #tpu.memory_space<vmem>>
    %dma_start3A_206 = arith.constant 0 : i32
    %dma_start3A_207 = tpu.memref_slice %arg10[%dma_start3A_202, %dma_start3A_206] : memref<4x128xi32, #tpu.memory_space<vmem>> -> memref<1x128xi32, #tpu.memory_space<vmem>>
    %dma_start3A_208 = tpu.memref_squeeze %dma_start3A_207 : memref<1x128xi32, #tpu.memory_space<vmem>> -> memref<128xi32, #tpu.memory_space<vmem>>
    %dma_start3A_209 = arith.constant 0 : i32
    %dma_start3A_210 = arith.constant 0 : i32
    %dma_start3A_211 = tpu.memref_slice %arg6[%dma_start3A_209, %dma_start3A_210] : memref<25016x48xf32, #tpu.memory_space<vmem_shared>> -> memref<25016x48xf32, #tpu.memory_space<vmem_shared>>
    tpu.enqueue_indirect_dma source(%dma_start3A_205 : memref<128x48xf32, #tpu.memory_space<vmem>>) target(%dma_start3A_211 : memref<25016x48xf32, #tpu.memory_space<vmem_shared>>) offsets(%dma_start3A_208 : memref<128xi32, #tpu.memory_space<vmem>>) semaphore(%arg21 : memref<!tpu.dma_semaphore, #tpu.memory_space<semaphore_mem>>) {add = true}
    %scan3A_212 = arith.constant 0 : i32
    %scan3A_213 = arith.constant 1 : i32
    %scan3A_214 = arith.constant 99 : i32
    %scan3A_215 = arith.addi %scan3A_213, %scan3A_214 : i32
    %scan3A_216 = arith.constant 1 : i32
    %scan3A_217 = scf.for %scan3A_783 = %scan3A_213 to %scan3A_215 step %scan3A_216 iter_args(%scan3A_784 = %scan3A_212) -> (i32)  : i32 {
      %dma_wait3A_785 = arith.constant 0 : i32
      %dma_wait3A_786 = arith.constant 0 : i32
      %dma_wait3A_787 = tpu.memref_slice %arg16[%dma_wait3A_785, %dma_wait3A_786] : memref<512x48xf32, #tpu.memory_space<vmem>> -> memref<128x48xf32, #tpu.memory_space<vmem>>
      %dma_wait3A_788 = arith.constant 0 : i32
      %dma_wait3A_789 = tpu.memref_slice %arg14[%dma_wait3A_788] : memref<512xi32, #tpu.memory_space<vmem>> -> memref<128xi32, #tpu.memory_space<vmem>>
      %dma_wait3A_790 = arith.constant 0 : i32
      %dma_wait3A_791 = arith.constant 0 : i32
      %dma_wait3A_792 = tpu.memref_slice %arg2[%dma_wait3A_790, %dma_wait3A_791] : memref<100000x48xf32, #tpu.memory_space<hbm>> -> memref<100000x48xf32, #tpu.memory_space<hbm>>
      tpu.wait_indirect_dma semaphore(%arg20 : memref<!tpu.dma_semaphore, #tpu.memory_space<semaphore_mem>>) src(%dma_wait3A_792 : memref<100000x48xf32, #tpu.memory_space<hbm>>) dst(%dma_wait3A_787 : memref<128x48xf32, #tpu.memory_space<vmem>>)
      %dma_wait3A_793 = arith.constant 128 : i32
      %dma_wait3A_794 = arith.constant 0 : i32
      %dma_wait3A_795 = tpu.memref_slice %arg16[%dma_wait3A_793, %dma_wait3A_794] : memref<512x48xf32, #tpu.memory_space<vmem>> -> memref<128x48xf32, #tpu.memory_space<vmem>>
      %dma_wait3A_796 = arith.constant 128 : i32
      %dma_wait3A_797 = tpu.memref_slice %arg14[%dma_wait3A_796] : memref<512xi32, #tpu.memory_space<vmem>> -> memref<128xi32, #tpu.memory_space<vmem>>
      %dma_wait3A_798 = arith.constant 0 : i32
      %dma_wait3A_799 = arith.constant 0 : i32
      %dma_wait3A_800 = tpu.memref_slice %arg2[%dma_wait3A_798, %dma_wait3A_799] : memref<100000x48xf32, #tpu.memory_space<hbm>> -> memref<100000x48xf32, #tpu.memory_space<hbm>>
      tpu.wait_indirect_dma semaphore(%arg20 : memref<!tpu.dma_semaphore, #tpu.memory_space<semaphore_mem>>) src(%dma_wait3A_800 : memref<100000x48xf32, #tpu.memory_space<hbm>>) dst(%dma_wait3A_795 : memref<128x48xf32, #tpu.memory_space<vmem>>)
      %dma_wait3A_801 = arith.constant 256 : i32
      %dma_wait3A_802 = arith.constant 0 : i32
      %dma_wait3A_803 = tpu.memref_slice %arg16[%dma_wait3A_801, %dma_wait3A_802] : memref<512x48xf32, #tpu.memory_space<vmem>> -> memref<128x48xf32, #tpu.memory_space<vmem>>
      %dma_wait3A_804 = arith.constant 256 : i32
      %dma_wait3A_805 = tpu.memref_slice %arg14[%dma_wait3A_804] : memref<512xi32, #tpu.memory_space<vmem>> -> memref<128xi32, #tpu.memory_space<vmem>>
      %dma_wait3A_806 = arith.constant 0 : i32
      %dma_wait3A_807 = arith.constant 0 : i32
      %dma_wait3A_808 = tpu.memref_slice %arg2[%dma_wait3A_806, %dma_wait3A_807] : memref<100000x48xf32, #tpu.memory_space<hbm>> -> memref<100000x48xf32, #tpu.memory_space<hbm>>
      tpu.wait_indirect_dma semaphore(%arg20 : memref<!tpu.dma_semaphore, #tpu.memory_space<semaphore_mem>>) src(%dma_wait3A_808 : memref<100000x48xf32, #tpu.memory_space<hbm>>) dst(%dma_wait3A_803 : memref<128x48xf32, #tpu.memory_space<vmem>>)
      %dma_wait3A_809 = arith.constant 384 : i32
      %dma_wait3A_810 = arith.constant 0 : i32
      %dma_wait3A_811 = tpu.memref_slice %arg16[%dma_wait3A_809, %dma_wait3A_810] : memref<512x48xf32, #tpu.memory_space<vmem>> -> memref<128x48xf32, #tpu.memory_space<vmem>>
      %dma_wait3A_812 = arith.constant 384 : i32
      %dma_wait3A_813 = tpu.memref_slice %arg14[%dma_wait3A_812] : memref<512xi32, #tpu.memory_space<vmem>> -> memref<128xi32, #tpu.memory_space<vmem>>
      %dma_wait3A_814 = arith.constant 0 : i32
      %dma_wait3A_815 = arith.constant 0 : i32
      %dma_wait3A_816 = tpu.memref_slice %arg2[%dma_wait3A_814, %dma_wait3A_815] : memref<100000x48xf32, #tpu.memory_space<hbm>> -> memref<100000x48xf32, #tpu.memory_space<hbm>>
      tpu.wait_indirect_dma semaphore(%arg20 : memref<!tpu.dma_semaphore, #tpu.memory_space<semaphore_mem>>) src(%dma_wait3A_816 : memref<100000x48xf32, #tpu.memory_space<hbm>>) dst(%dma_wait3A_811 : memref<128x48xf32, #tpu.memory_space<vmem>>)
      %dma_start3A_817 = arith.constant 0 : i32
      %dma_start3A_818 = arith.constant 0 : i32
      %dma_start3A_819 = arith.constant 0 : i32
      %dma_start3A_820 = tpu.memref_slice %arg16[%dma_start3A_818, %dma_start3A_819] : memref<512x48xf32, #tpu.memory_space<vmem>> -> memref<128x48xf32, #tpu.memory_space<vmem>>
      %dma_start3A_821 = arith.constant 0 : i32
      %dma_start3A_822 = tpu.memref_slice %arg15[%dma_start3A_817, %dma_start3A_821] : memref<4x128xi32, #tpu.memory_space<vmem>> -> memref<1x128xi32, #tpu.memory_space<vmem>>
      %dma_start3A_823 = tpu.memref_squeeze %dma_start3A_822 : memref<1x128xi32, #tpu.memory_space<vmem>> -> memref<128xi32, #tpu.memory_space<vmem>>
      %dma_start3A_824 = arith.constant 0 : i32
      %dma_start3A_825 = arith.constant 0 : i32
      %dma_start3A_826 = tpu.memref_slice %arg6[%dma_start3A_824, %dma_start3A_825] : memref<25016x48xf32, #tpu.memory_space<vmem_shared>> -> memref<25016x48xf32, #tpu.memory_space<vmem_shared>>
      tpu.enqueue_indirect_dma source(%dma_start3A_820 : memref<128x48xf32, #tpu.memory_space<vmem>>) target(%dma_start3A_826 : memref<25016x48xf32, #tpu.memory_space<vmem_shared>>) offsets(%dma_start3A_823 : memref<128xi32, #tpu.memory_space<vmem>>) semaphore(%arg22 : memref<!tpu.dma_semaphore, #tpu.memory_space<semaphore_mem>>) {add = true}
      %dma_start3A_827 = arith.constant 1 : i32
      %dma_start3A_828 = arith.constant 128 : i32
      %dma_start3A_829 = arith.constant 0 : i32
      %dma_start3A_830 = tpu.memref_slice %arg16[%dma_start3A_828, %dma_start3A_829] : memref<512x48xf32, #tpu.memory_space<vmem>> -> memref<128x48xf32, #tpu.memory_space<vmem>>
      %dma_start3A_831 = arith.constant 0 : i32
      %dma_start3A_832 = tpu.memref_slice %arg15[%dma_start3A_827, %dma_start3A_831] : memref<4x128xi32, #tpu.memory_space<vmem>> -> memref<1x128xi32, #tpu.memory_space<vmem>>
      %dma_start3A_833 = tpu.memref_squeeze %dma_start3A_832 : memref<1x128xi32, #tpu.memory_space<vmem>> -> memref<128xi32, #tpu.memory_space<vmem>>
      %dma_start3A_834 = arith.constant 0 : i32
      %dma_start3A_835 = arith.constant 0 : i32
      %dma_start3A_836 = tpu.memref_slice %arg6[%dma_start3A_834, %dma_start3A_835] : memref<25016x48xf32, #tpu.memory_space<vmem_shared>> -> memref<25016x48xf32, #tpu.memory_space<vmem_shared>>
      tpu.enqueue_indirect_dma source(%dma_start3A_830 : memref<128x48xf32, #tpu.memory_space<vmem>>) target(%dma_start3A_836 : memref<25016x48xf32, #tpu.memory_space<vmem_shared>>) offsets(%dma_start3A_833 : memref<128xi32, #tpu.memory_space<vmem>>) semaphore(%arg22 : memref<!tpu.dma_semaphore, #tpu.memory_space<semaphore_mem>>) {add = true}
      %dma_start3A_837 = arith.constant 2 : i32
      %dma_start3A_838 = arith.constant 256 : i32
      %dma_start3A_839 = arith.constant 0 : i32
      %dma_start3A_840 = tpu.memref_slice %arg16[%dma_start3A_838, %dma_start3A_839] : memref<512x48xf32, #tpu.memory_space<vmem>> -> memref<128x48xf32, #tpu.memory_space<vmem>>
      %dma_start3A_841 = arith.constant 0 : i32
      %dma_start3A_842 = tpu.memref_slice %arg15[%dma_start3A_837, %dma_start3A_841] : memref<4x128xi32, #tpu.memory_space<vmem>> -> memref<1x128xi32, #tpu.memory_space<vmem>>
      %dma_start3A_843 = tpu.memref_squeeze %dma_start3A_842 : memref<1x128xi32, #tpu.memory_space<vmem>> -> memref<128xi32, #tpu.memory_space<vmem>>
      %dma_start3A_844 = arith.constant 0 : i32
      %dma_start3A_845 = arith.constant 0 : i32
      %dma_start3A_846 = tpu.memref_slice %arg6[%dma_start3A_844, %dma_start3A_845] : memref<25016x48xf32, #tpu.memory_space<vmem_shared>> -> memref<25016x48xf32, #tpu.memory_space<vmem_shared>>
      tpu.enqueue_indirect_dma source(%dma_start3A_840 : memref<128x48xf32, #tpu.memory_space<vmem>>) target(%dma_start3A_846 : memref<25016x48xf32, #tpu.memory_space<vmem_shared>>) offsets(%dma_start3A_843 : memref<128xi32, #tpu.memory_space<vmem>>) semaphore(%arg22 : memref<!tpu.dma_semaphore, #tpu.memory_space<semaphore_mem>>) {add = true}
      %dma_start3A_847 = arith.constant 3 : i32
      %dma_start3A_848 = arith.constant 384 : i32
      %dma_start3A_849 = arith.constant 0 : i32
      %dma_start3A_850 = tpu.memref_slice %arg16[%dma_start3A_848, %dma_start3A_849] : memref<512x48xf32, #tpu.memory_space<vmem>> -> memref<128x48xf32, #tpu.memory_space<vmem>>
      %dma_start3A_851 = arith.constant 0 : i32
      %dma_start3A_852 = tpu.memref_slice %arg15[%dma_start3A_847, %dma_start3A_851] : memref<4x128xi32, #tpu.memory_space<vmem>> -> memref<1x128xi32, #tpu.memory_space<vmem>>
      %dma_start3A_853 = tpu.memref_squeeze %dma_start3A_852 : memref<1x128xi32, #tpu.memory_space<vmem>> -> memref<128xi32, #tpu.memory_space<vmem>>
      %dma_start3A_854 = arith.constant 0 : i32
      %dma_start3A_855 = arith.constant 0 : i32
      %dma_start3A_856 = tpu.memref_slice %arg6[%dma_start3A_854, %dma_start3A_855] : memref<25016x48xf32, #tpu.memory_space<vmem_shared>> -> memref<25016x48xf32, #tpu.memory_space<vmem_shared>>
      tpu.enqueue_indirect_dma source(%dma_start3A_850 : memref<128x48xf32, #tpu.memory_space<vmem>>) target(%dma_start3A_856 : memref<25016x48xf32, #tpu.memory_space<vmem_shared>>) offsets(%dma_start3A_853 : memref<128xi32, #tpu.memory_space<vmem>>) semaphore(%arg22 : memref<!tpu.dma_semaphore, #tpu.memory_space<semaphore_mem>>) {add = true}
      %dma_wait3A_857 = arith.constant 0 : i32
      %dma_wait3A_858 = arith.constant 0 : i32
      %dma_wait3A_859 = arith.constant 0 : i32
      %dma_wait3A_860 = tpu.memref_slice %arg11[%dma_wait3A_858, %dma_wait3A_859] : memref<512x48xf32, #tpu.memory_space<vmem>> -> memref<128x48xf32, #tpu.memory_space<vmem>>
      %dma_wait3A_861 = arith.constant 0 : i32
      %dma_wait3A_862 = tpu.memref_slice %arg10[%dma_wait3A_857, %dma_wait3A_861] : memref<4x128xi32, #tpu.memory_space<vmem>> -> memref<1x128xi32, #tpu.memory_space<vmem>>
      %dma_wait3A_863 = tpu.memref_squeeze %dma_wait3A_862 : memref<1x128xi32, #tpu.memory_space<vmem>> -> memref<128xi32, #tpu.memory_space<vmem>>
      %dma_wait3A_864 = arith.constant 0 : i32
      %dma_wait3A_865 = arith.constant 0 : i32
      %dma_wait3A_866 = tpu.memref_slice %arg6[%dma_wait3A_864, %dma_wait3A_865] : memref<25016x48xf32, #tpu.memory_space<vmem_shared>> -> memref<25016x48xf32, #tpu.memory_space<vmem_shared>>
      tpu.wait_indirect_dma semaphore(%arg21 : memref<!tpu.dma_semaphore, #tpu.memory_space<semaphore_mem>>) src(%dma_wait3A_860 : memref<128x48xf32, #tpu.memory_space<vmem>>) dst(%dma_wait3A_866 : memref<25016x48xf32, #tpu.memory_space<vmem_shared>>)
      %dma_wait3A_867 = arith.constant 1 : i32
      %dma_wait3A_868 = arith.constant 128 : i32
      %dma_wait3A_869 = arith.constant 0 : i32
      %dma_wait3A_870 = tpu.memref_slice %arg11[%dma_wait3A_868, %dma_wait3A_869] : memref<512x48xf32, #tpu.memory_space<vmem>> -> memref<128x48xf32, #tpu.memory_space<vmem>>
      %dma_wait3A_871 = arith.constant 0 : i32
      %dma_wait3A_872 = tpu.memref_slice %arg10[%dma_wait3A_867, %dma_wait3A_871] : memref<4x128xi32, #tpu.memory_space<vmem>> -> memref<1x128xi32, #tpu.memory_space<vmem>>
      %dma_wait3A_873 = tpu.memref_squeeze %dma_wait3A_872 : memref<1x128xi32, #tpu.memory_space<vmem>> -> memref<128xi32, #tpu.memory_space<vmem>>
      %dma_wait3A_874 = arith.constant 0 : i32
      %dma_wait3A_875 = arith.constant 0 : i32
      %dma_wait3A_876 = tpu.memref_slice %arg6[%dma_wait3A_874, %dma_wait3A_875] : memref<25016x48xf32, #tpu.memory_space<vmem_shared>> -> memref<25016x48xf32, #tpu.memory_space<vmem_shared>>
      tpu.wait_indirect_dma semaphore(%arg21 : memref<!tpu.dma_semaphore, #tpu.memory_space<semaphore_mem>>) src(%dma_wait3A_870 : memref<128x48xf32, #tpu.memory_space<vmem>>) dst(%dma_wait3A_876 : memref<25016x48xf32, #tpu.memory_space<vmem_shared>>)
      %dma_wait3A_877 = arith.constant 2 : i32
      %dma_wait3A_878 = arith.constant 256 : i32
      %dma_wait3A_879 = arith.constant 0 : i32
      %dma_wait3A_880 = tpu.memref_slice %arg11[%dma_wait3A_878, %dma_wait3A_879] : memref<512x48xf32, #tpu.memory_space<vmem>> -> memref<128x48xf32, #tpu.memory_space<vmem>>
      %dma_wait3A_881 = arith.constant 0 : i32
      %dma_wait3A_882 = tpu.memref_slice %arg10[%dma_wait3A_877, %dma_wait3A_881] : memref<4x128xi32, #tpu.memory_space<vmem>> -> memref<1x128xi32, #tpu.memory_space<vmem>>
      %dma_wait3A_883 = tpu.memref_squeeze %dma_wait3A_882 : memref<1x128xi32, #tpu.memory_space<vmem>> -> memref<128xi32, #tpu.memory_space<vmem>>
      %dma_wait3A_884 = arith.constant 0 : i32
      %dma_wait3A_885 = arith.constant 0 : i32
      %dma_wait3A_886 = tpu.memref_slice %arg6[%dma_wait3A_884, %dma_wait3A_885] : memref<25016x48xf32, #tpu.memory_space<vmem_shared>> -> memref<25016x48xf32, #tpu.memory_space<vmem_shared>>
      tpu.wait_indirect_dma semaphore(%arg21 : memref<!tpu.dma_semaphore, #tpu.memory_space<semaphore_mem>>) src(%dma_wait3A_880 : memref<128x48xf32, #tpu.memory_space<vmem>>) dst(%dma_wait3A_886 : memref<25016x48xf32, #tpu.memory_space<vmem_shared>>)
      %dma_wait3A_887 = arith.constant 3 : i32
      %dma_wait3A_888 = arith.constant 384 : i32
      %dma_wait3A_889 = arith.constant 0 : i32
      %dma_wait3A_890 = tpu.memref_slice %arg11[%dma_wait3A_888, %dma_wait3A_889] : memref<512x48xf32, #tpu.memory_space<vmem>> -> memref<128x48xf32, #tpu.memory_space<vmem>>
      %dma_wait3A_891 = arith.constant 0 : i32
      %dma_wait3A_892 = tpu.memref_slice %arg10[%dma_wait3A_887, %dma_wait3A_891] : memref<4x128xi32, #tpu.memory_space<vmem>> -> memref<1x128xi32, #tpu.memory_space<vmem>>
      %dma_wait3A_893 = tpu.memref_squeeze %dma_wait3A_892 : memref<1x128xi32, #tpu.memory_space<vmem>> -> memref<128xi32, #tpu.memory_space<vmem>>
      %dma_wait3A_894 = arith.constant 0 : i32
      %dma_wait3A_895 = arith.constant 0 : i32
      %dma_wait3A_896 = tpu.memref_slice %arg6[%dma_wait3A_894, %dma_wait3A_895] : memref<25016x48xf32, #tpu.memory_space<vmem_shared>> -> memref<25016x48xf32, #tpu.memory_space<vmem_shared>>
      tpu.wait_indirect_dma semaphore(%arg21 : memref<!tpu.dma_semaphore, #tpu.memory_space<semaphore_mem>>) src(%dma_wait3A_890 : memref<128x48xf32, #tpu.memory_space<vmem>>) dst(%dma_wait3A_896 : memref<25016x48xf32, #tpu.memory_space<vmem_shared>>)
      %dma_wait3A_897 = arith.constant 0 : i32
      %dma_wait3A_898 = tpu.memref_slice %arg4[%dma_wait3A_897] : memref<1638400xi32, #tpu.memory_space<hbm>> -> memref<512xi32, #tpu.memory_space<hbm>>
      %dma_wait3A_899 = arith.constant 0 : i32
      %dma_wait3A_900 = tpu.memref_slice %arg4[%dma_wait3A_899] : memref<1638400xi32, #tpu.memory_space<hbm>> -> memref<512xi32, #tpu.memory_space<hbm>>
      tpu.wait_dma2 semaphore(%arg17 : memref<!tpu.dma_semaphore, #tpu.memory_space<semaphore_mem>>) src(%dma_wait3A_900 : memref<512xi32, #tpu.memory_space<hbm>>) dst(%arg7 : memref<512xi32, #tpu.memory_space<vmem>>)
      %dma_wait3A_901 = arith.constant 0 : i32
      %dma_wait3A_902 = tpu.memref_slice %arg3[%dma_wait3A_901] : memref<1638400xi32, #tpu.memory_space<hbm>> -> memref<512xi32, #tpu.memory_space<hbm>>
      %dma_wait3A_903 = arith.constant 0 : i32
      %dma_wait3A_904 = tpu.memref_slice %arg3[%dma_wait3A_903] : memref<1638400xi32, #tpu.memory_space<hbm>> -> memref<512xi32, #tpu.memory_space<hbm>>
      tpu.wait_dma2 semaphore(%arg17 : memref<!tpu.dma_semaphore, #tpu.memory_space<semaphore_mem>>) src(%dma_wait3A_904 : memref<512xi32, #tpu.memory_space<hbm>>) dst(%arg8 : memref<512xi32, #tpu.memory_space<vmem>>)
      %scan3A_905 = arith.constant 0 : i32
      %scan3A_906 = arith.constant 0 : i32
      %scan3A_907 = arith.constant 32 : i32
      %scan3A_908 = arith.addi %scan3A_906, %scan3A_907 : i32
      %scan3A_909 = arith.constant 1 : i32
      %scan3A_910 = scf.for %scan3A_1114 = %scan3A_906 to %scan3A_908 step %scan3A_909 iter_args(%scan3A_1115 = %scan3A_905) -> (i32)  : i32 {
        %mul3A_1116 = arith.constant 16 : i32
        %mul3A_1117 = arith.muli %scan3A_1114, %mul3A_1116 : i32
        %get3A = arith.index_cast %mul3A_1117 : i32 to index
        %get3A_1118 = tpu.vector_load %arg7[%get3A] {strides = array<i32>} : memref<512xi32, #tpu.memory_space<vmem>>, vector<16xi32>,
        %mul3A_1119 = arith.constant 16 : i32
        %mul3A_1120 = arith.muli %scan3A_1114, %mul3A_1119 : i32
        %get3A_1121 = arith.index_cast %mul3A_1120 : i32 to index
        %get3A_1122 = tpu.vector_load %arg8[%get3A_1121] {strides = array<i32>} : memref<512xi32, #tpu.memory_space<vmem>>, vector<16xi32>,
        %mul3A_1123 = arith.constant 16 : i32
        %mul3A_1124 = arith.muli %scan3A_1114, %mul3A_1123 : i32
        %swap3A = arith.index_cast %mul3A_1124 : i32 to index
        %swap3A_1125 = tpu.vector_load %arg9[%swap3A] {strides = array<i32>} : memref<512xi32, #tpu.memory_space<vmem>>, vector<16xi32>,
        tpu.vector_store %arg9[%swap3A], %get3A_1122 {strides = array<i32>} : memref<512xi32, #tpu.memory_space<vmem>>, vector<16xi32>,
        %ge3A = vector.broadcast %mul3A_3 : i32 to vector<16xi32>
        %ge3A_1126 = arith.cmpi sge, %get3A_1118, %ge3A : vector<16xi32>
        %add3A_1127 = arith.constant 25000 : i32
        %add3A_1128 = arith.addi %mul3A_3, %add3A_1127 : i32
        %lt3A_1129 = vector.broadcast %add3A_1128 : i32 to vector<16xi32>
        %lt3A_1130 = arith.cmpi slt, %get3A_1118, %lt3A_1129 : vector<16xi32>
        %and3A = arith.andi %ge3A_1126, %lt3A_1130 : vector<16xi1>
        %sub3A = vector.broadcast %mul3A_3 : i32 to vector<16xi32>
        %sub3A_1131 = arith.subi %get3A_1118, %sub3A : vector<16xi32>
        %broadcast_in_dim3A = vector.broadcast %add3A_5 : i32 to vector<16xi32>
        %select_n3A = arith.select %and3A, %sub3A_1131, %broadcast_in_dim3A : vector<16xi1>, vector<16xi32>
        %jit3A = arith.constant 8 : i32
        %div3A = arith.divsi %scan3A_1114, %jit3A : i32
        %sign3A = arith.constant 0 : i32
        %sign3A_1132 = arith.cmpi sgt, %scan3A_1114, %sign3A : i32
        %sign3A_1133 = arith.extui %sign3A_1132 : i1 to i32
        %sign3A_1134 = arith.constant 0 : i32
        %sign3A_1135 = arith.cmpi slt, %scan3A_1114, %sign3A_1134 : i32
        %sign3A_1136 = arith.extui %sign3A_1135 : i1 to i32
        %sign3A_1137 = arith.subi %sign3A_1133, %sign3A_1136 : i32
        %sign3A_1138 = arith.constant 0 : i32
        %sign3A_1139 = arith.cmpi sgt, %jit3A, %sign3A_1138 : i32
        %sign3A_1140 = arith.extui %sign3A_1139 : i1 to i32
        %sign3A_1141 = arith.constant 0 : i32
        %sign3A_1142 = arith.cmpi slt, %jit3A, %sign3A_1141 : i32
        %sign3A_1143 = arith.extui %sign3A_1142 : i1 to i32
        %sign3A_1144 = arith.subi %sign3A_1140, %sign3A_1143 : i32
        %ne3A = arith.cmpi ne, %sign3A_1137, %sign3A_1144 : i32
        %rem3A = arith.remsi %scan3A_1114, %jit3A : i32
        %ne3A_1145 = arith.constant 0 : i32
        %ne3A_1146 = arith.cmpi ne, %rem3A, %ne3A_1145 : i32
        %and3A_1147 = arith.andi %ne3A, %ne3A_1146 : i1
        %sub3A_1148 = arith.constant 1 : i32
        %sub3A_1149 = arith.subi %div3A, %sub3A_1148 : i32
        %select_n3A_1150 = arith.select %and3A_1147, %sub3A_1149, %div3A : i32
        %jit3A_1151 = arith.constant 8 : i32
        %eq3A = arith.constant 0 : i32
        %eq3A_1152 = arith.cmpi eq, %jit3A_1151, %eq3A : i32
        %jit3A_1153 = arith.constant 1 : i32
        %select_n3A_1154 = arith.select %eq3A_1152, %jit3A_1153, %jit3A_1151 : i32
        %rem3A_1155 = arith.remsi %scan3A_1114, %select_n3A_1154 : i32
        %ne3A_1156 = arith.constant 0 : i32
        %ne3A_1157 = arith.cmpi ne, %rem3A_1155, %ne3A_1156 : i32
        %lt3A_1158 = arith.constant 0 : i32
        %lt3A_1159 = arith.cmpi slt, %rem3A_1155, %lt3A_1158 : i32
        %lt3A_1160 = arith.constant 0 : i32
        %lt3A_1161 = arith.cmpi slt, %select_n3A_1154, %lt3A_1160 : i32
        %ne3A_1162 = arith.xori %lt3A_1159, %lt3A_1161 : i1
        %and3A_1163 = arith.andi %ne3A_1162, %ne3A_1157 : i1
        %add3A_1164 = arith.addi %rem3A_1155, %select_n3A_1154 : i32
        %select_n3A_1165 = arith.select %and3A_1163, %add3A_1164, %rem3A_1155 : i32
        %mul3A_1166 = arith.constant 16 : i32
        %mul3A_1167 = arith.muli %select_n3A_1165, %mul3A_1166 : i32
        %swap3A_1168 = arith.index_cast %select_n3A_1150 : i32 to index
        %swap3A_1169 = arith.index_cast %mul3A_1167 : i32 to index
        %swap3A_1170 = tpu.vector_load %arg10[%swap3A_1168, %swap3A_1169] {strides = array<i32>} : memref<4x128xi32, #tpu.memory_space<vmem>>, vector<16xi32>,
        tpu.vector_store %arg10[%swap3A_1168, %swap3A_1169], %select_n3A {strides = array<i32>} : memref<4x128xi32, #tpu.memory_space<vmem>>, vector<16xi32>,
        %scan3A_1171 = arith.constant 0 : i32
        scf.yield %scan3A_1171 : i32
      }
      %scan3A_911 = arith.constant 32 : i32
      %lt3A_912 = arith.constant 99 : i32
      %lt3A_913 = arith.cmpi slt, %scan3A_783, %lt3A_912 : i32
      %convert_element_type3A_914 = arith.extui %lt3A_913 : i1 to i32
      %cond3A_915 = arith.constant 0 : i32
      %cond3A_916 = arith.cmpi ne, %convert_element_type3A_914, %cond3A_915 : i32
      scf.if %cond3A_916 {
        %mul3A_1114 = arith.constant 2 : i32
        %mul3A_1115 = arith.muli %mul3A_1114, %scan3A_783 : i32
        %add3A_1116 = arith.constant 2 : i32
        %add3A_1117 = arith.addi %mul3A_1115, %add3A_1116 : i32
        %mul3A_1118 = arith.constant 102400 : i32
        %mul3A_1119 = arith.muli %arg1, %mul3A_1118 : i32
        %mul3A_1120 = arith.constant 512 : i32
        %mul3A_1121 = arith.muli %add3A_1117, %mul3A_1120 : i32
        %add3A_1122 = arith.addi %mul3A_1119, %mul3A_1121 : i32
        %dma_start3A_1123 = tpu.memref_slice %arg4[%add3A_1122] : memref<1638400xi32, #tpu.memory_space<hbm>> -> memref<512xi32, #tpu.memory_space<hbm>>
        %dma_start3A_1124 = tpu.memref_slice %arg4[%add3A_1122] : memref<1638400xi32, #tpu.memory_space<hbm>> -> memref<512xi32, #tpu.memory_space<hbm>>
        tpu.enqueue_dma source(%dma_start3A_1124 : memref<512xi32, #tpu.memory_space<hbm>>) target(%arg7 : memref<512xi32, #tpu.memory_space<vmem>>) target_semaphore(%arg17 : memref<!tpu.dma_semaphore, #tpu.memory_space<semaphore_mem>>)
        %dma_start3A_1125 = tpu.memref_slice %arg3[%add3A_1122] : memref<1638400xi32, #tpu.memory_space<hbm>> -> memref<512xi32, #tpu.memory_space<hbm>>
        %dma_start3A_1126 = tpu.memref_slice %arg3[%add3A_1122] : memref<1638400xi32, #tpu.memory_space<hbm>> -> memref<512xi32, #tpu.memory_space<hbm>>
        tpu.enqueue_dma source(%dma_start3A_1126 : memref<512xi32, #tpu.memory_space<hbm>>) target(%arg8 : memref<512xi32, #tpu.memory_space<vmem>>) target_semaphore(%arg17 : memref<!tpu.dma_semaphore, #tpu.memory_space<semaphore_mem>>)
      } else {
      }
      %dma_start3A_917 = arith.constant 0 : i32
      %dma_start3A_918 = arith.constant 0 : i32
      %dma_start3A_919 = tpu.memref_slice %arg11[%dma_start3A_917, %dma_start3A_918] : memref<512x48xf32, #tpu.memory_space<vmem>> -> memref<128x48xf32, #tpu.memory_space<vmem>>
      %dma_start3A_920 = arith.constant 0 : i32
      %dma_start3A_921 = tpu.memref_slice %arg9[%dma_start3A_920] : memref<512xi32, #tpu.memory_space<vmem>> -> memref<128xi32, #tpu.memory_space<vmem>>
      %dma_start3A_922 = arith.constant 0 : i32
      %dma_start3A_923 = arith.constant 0 : i32
      %dma_start3A_924 = tpu.memref_slice %arg2[%dma_start3A_922, %dma_start3A_923] : memref<100000x48xf32, #tpu.memory_space<hbm>> -> memref<100000x48xf32, #tpu.memory_space<hbm>>
      tpu.enqueue_indirect_dma source(%dma_start3A_924 : memref<100000x48xf32, #tpu.memory_space<hbm>>) target(%dma_start3A_919 : memref<128x48xf32, #tpu.memory_space<vmem>>) offsets(%dma_start3A_921 : memref<128xi32, #tpu.memory_space<vmem>>) semaphore(%arg19 : memref<!tpu.dma_semaphore, #tpu.memory_space<semaphore_mem>>)
      %dma_start3A_925 = arith.constant 128 : i32
      %dma_start3A_926 = arith.constant 0 : i32
      %dma_start3A_927 = tpu.memref_slice %arg11[%dma_start3A_925, %dma_start3A_926] : memref<512x48xf32, #tpu.memory_space<vmem>> -> memref<128x48xf32, #tpu.memory_space<vmem>>
      %dma_start3A_928 = arith.constant 128 : i32
      %dma_start3A_929 = tpu.memref_slice %arg9[%dma_start3A_928] : memref<512xi32, #tpu.memory_space<vmem>> -> memref<128xi32, #tpu.memory_space<vmem>>
      %dma_start3A_930 = arith.constant 0 : i32
      %dma_start3A_931 = arith.constant 0 : i32
      %dma_start3A_932 = tpu.memref_slice %arg2[%dma_start3A_930, %dma_start3A_931] : memref<100000x48xf32, #tpu.memory_space<hbm>> -> memref<100000x48xf32, #tpu.memory_space<hbm>>
      tpu.enqueue_indirect_dma source(%dma_start3A_932 : memref<100000x48xf32, #tpu.memory_space<hbm>>) target(%dma_start3A_927 : memref<128x48xf32, #tpu.memory_space<vmem>>) offsets(%dma_start3A_929 : memref<128xi32, #tpu.memory_space<vmem>>) semaphore(%arg19 : memref<!tpu.dma_semaphore, #tpu.memory_space<semaphore_mem>>)
      %dma_start3A_933 = arith.constant 256 : i32
      %dma_start3A_934 = arith.constant 0 : i32
      %dma_start3A_935 = tpu.memref_slice %arg11[%dma_start3A_933, %dma_start3A_934] : memref<512x48xf32, #tpu.memory_space<vmem>> -> memref<128x48xf32, #tpu.memory_space<vmem>>
      %dma_start3A_936 = arith.constant 256 : i32
      %dma_start3A_937 = tpu.memref_slice %arg9[%dma_start3A_936] : memref<512xi32, #tpu.memory_space<vmem>> -> memref<128xi32, #tpu.memory_space<vmem>>
      %dma_start3A_938 = arith.constant 0 : i32
      %dma_start3A_939 = arith.constant 0 : i32
      %dma_start3A_940 = tpu.memref_slice %arg2[%dma_start3A_938, %dma_start3A_939] : memref<100000x48xf32, #tpu.memory_space<hbm>> -> memref<100000x48xf32, #tpu.memory_space<hbm>>
      tpu.enqueue_indirect_dma source(%dma_start3A_940 : memref<100000x48xf32, #tpu.memory_space<hbm>>) target(%dma_start3A_935 : memref<128x48xf32, #tpu.memory_space<vmem>>) offsets(%dma_start3A_937 : memref<128xi32, #tpu.memory_space<vmem>>) semaphore(%arg19 : memref<!tpu.dma_semaphore, #tpu.memory_space<semaphore_mem>>)
      %dma_start3A_941 = arith.constant 384 : i32
      %dma_start3A_942 = arith.constant 0 : i32
      %dma_start3A_943 = tpu.memref_slice %arg11[%dma_start3A_941, %dma_start3A_942] : memref<512x48xf32, #tpu.memory_space<vmem>> -> memref<128x48xf32, #tpu.memory_space<vmem>>
      %dma_start3A_944 = arith.constant 384 : i32
      %dma_start3A_945 = tpu.memref_slice %arg9[%dma_start3A_944] : memref<512xi32, #tpu.memory_space<vmem>> -> memref<128xi32, #tpu.memory_space<vmem>>
      %dma_start3A_946 = arith.constant 0 : i32
      %dma_start3A_947 = arith.constant 0 : i32
      %dma_start3A_948 = tpu.memref_slice %arg2[%dma_start3A_946, %dma_start3A_947] : memref<100000x48xf32, #tpu.memory_space<hbm>> -> memref<100000x48xf32, #tpu.memory_space<hbm>>
      tpu.enqueue_indirect_dma source(%dma_start3A_948 : memref<100000x48xf32, #tpu.memory_space<hbm>>) target(%dma_start3A_943 : memref<128x48xf32, #tpu.memory_space<vmem>>) offsets(%dma_start3A_945 : memref<128xi32, #tpu.memory_space<vmem>>) semaphore(%arg19 : memref<!tpu.dma_semaphore, #tpu.memory_space<semaphore_mem>>)
      %dma_wait3A_949 = arith.constant 0 : i32
      %dma_wait3A_950 = arith.constant 0 : i32
      %dma_wait3A_951 = arith.constant 0 : i32
      %dma_wait3A_952 = tpu.memref_slice %arg16[%dma_wait3A_950, %dma_wait3A_951] : memref<512x48xf32, #tpu.memory_space<vmem>> -> memref<128x48xf32, #tpu.memory_space<vmem>>
      %dma_wait3A_953 = arith.constant 0 : i32
      %dma_wait3A_954 = tpu.memref_slice %arg15[%dma_wait3A_949, %dma_wait3A_953] : memref<4x128xi32, #tpu.memory_space<vmem>> -> memref<1x128xi32, #tpu.memory_space<vmem>>
      %dma_wait3A_955 = tpu.memref_squeeze %dma_wait3A_954 : memref<1x128xi32, #tpu.memory_space<vmem>> -> memref<128xi32, #tpu.memory_space<vmem>>
      %dma_wait3A_956 = arith.constant 0 : i32
      %dma_wait3A_957 = arith.constant 0 : i32
      %dma_wait3A_958 = tpu.memref_slice %arg6[%dma_wait3A_956, %dma_wait3A_957] : memref<25016x48xf32, #tpu.memory_space<vmem_shared>> -> memref<25016x48xf32, #tpu.memory_space<vmem_shared>>
      tpu.wait_indirect_dma semaphore(%arg22 : memref<!tpu.dma_semaphore, #tpu.memory_space<semaphore_mem>>) src(%dma_wait3A_952 : memref<128x48xf32, #tpu.memory_space<vmem>>) dst(%dma_wait3A_958 : memref<25016x48xf32, #tpu.memory_space<vmem_shared>>)
      %dma_wait3A_959 = arith.constant 1 : i32
      %dma_wait3A_960 = arith.constant 128 : i32
      %dma_wait3A_961 = arith.constant 0 : i32
      %dma_wait3A_962 = tpu.memref_slice %arg16[%dma_wait3A_960, %dma_wait3A_961] : memref<512x48xf32, #tpu.memory_space<vmem>> -> memref<128x48xf32, #tpu.memory_space<vmem>>
      %dma_wait3A_963 = arith.constant 0 : i32
      %dma_wait3A_964 = tpu.memref_slice %arg15[%dma_wait3A_959, %dma_wait3A_963] : memref<4x128xi32, #tpu.memory_space<vmem>> -> memref<1x128xi32, #tpu.memory_space<vmem>>
      %dma_wait3A_965 = tpu.memref_squeeze %dma_wait3A_964 : memref<1x128xi32, #tpu.memory_space<vmem>> -> memref<128xi32, #tpu.memory_space<vmem>>
      %dma_wait3A_966 = arith.constant 0 : i32
      %dma_wait3A_967 = arith.constant 0 : i32
      %dma_wait3A_968 = tpu.memref_slice %arg6[%dma_wait3A_966, %dma_wait3A_967] : memref<25016x48xf32, #tpu.memory_space<vmem_shared>> -> memref<25016x48xf32, #tpu.memory_space<vmem_shared>>
      tpu.wait_indirect_dma semaphore(%arg22 : memref<!tpu.dma_semaphore, #tpu.memory_space<semaphore_mem>>) src(%dma_wait3A_962 : memref<128x48xf32, #tpu.memory_space<vmem>>) dst(%dma_wait3A_968 : memref<25016x48xf32, #tpu.memory_space<vmem_shared>>)
      %dma_wait3A_969 = arith.constant 2 : i32
      %dma_wait3A_970 = arith.constant 256 : i32
      %dma_wait3A_971 = arith.constant 0 : i32
      %dma_wait3A_972 = tpu.memref_slice %arg16[%dma_wait3A_970, %dma_wait3A_971] : memref<512x48xf32, #tpu.memory_space<vmem>> -> memref<128x48xf32, #tpu.memory_space<vmem>>
      %dma_wait3A_973 = arith.constant 0 : i32
      %dma_wait3A_974 = tpu.memref_slice %arg15[%dma_wait3A_969, %dma_wait3A_973] : memref<4x128xi32, #tpu.memory_space<vmem>> -> memref<1x128xi32, #tpu.memory_space<vmem>>
      %dma_wait3A_975 = tpu.memref_squeeze %dma_wait3A_974 : memref<1x128xi32, #tpu.memory_space<vmem>> -> memref<128xi32, #tpu.memory_space<vmem>>
      %dma_wait3A_976 = arith.constant 0 : i32
      %dma_wait3A_977 = arith.constant 0 : i32
      %dma_wait3A_978 = tpu.memref_slice %arg6[%dma_wait3A_976, %dma_wait3A_977] : memref<25016x48xf32, #tpu.memory_space<vmem_shared>> -> memref<25016x48xf32, #tpu.memory_space<vmem_shared>>
      tpu.wait_indirect_dma semaphore(%arg22 : memref<!tpu.dma_semaphore, #tpu.memory_space<semaphore_mem>>) src(%dma_wait3A_972 : memref<128x48xf32, #tpu.memory_space<vmem>>) dst(%dma_wait3A_978 : memref<25016x48xf32, #tpu.memory_space<vmem_shared>>)
      %dma_wait3A_979 = arith.constant 3 : i32
      %dma_wait3A_980 = arith.constant 384 : i32
      %dma_wait3A_981 = arith.constant 0 : i32
      %dma_wait3A_982 = tpu.memref_slice %arg16[%dma_wait3A_980, %dma_wait3A_981] : memref<512x48xf32, #tpu.memory_space<vmem>> -> memref<128x48xf32, #tpu.memory_space<vmem>>
      %dma_wait3A_983 = arith.constant 0 : i32
      %dma_wait3A_984 = tpu.memref_slice %arg15[%dma_wait3A_979, %dma_wait3A_983] : memref<4x128xi32, #tpu.memory_space<vmem>> -> memref<1x128xi32, #tpu.memory_space<vmem>>
      %dma_wait3A_985 = tpu.memref_squeeze %dma_wait3A_984 : memref<1x128xi32, #tpu.memory_space<vmem>> -> memref<128xi32, #tpu.memory_space<vmem>>
      %dma_wait3A_986 = arith.constant 0 : i32
      %dma_wait3A_987 = arith.constant 0 : i32
      %dma_wait3A_988 = tpu.memref_slice %arg6[%dma_wait3A_986, %dma_wait3A_987] : memref<25016x48xf32, #tpu.memory_space<vmem_shared>> -> memref<25016x48xf32, #tpu.memory_space<vmem_shared>>
      tpu.wait_indirect_dma semaphore(%arg22 : memref<!tpu.dma_semaphore, #tpu.memory_space<semaphore_mem>>) src(%dma_wait3A_982 : memref<128x48xf32, #tpu.memory_space<vmem>>) dst(%dma_wait3A_988 : memref<25016x48xf32, #tpu.memory_space<vmem_shared>>)
      %dma_wait3A_989 = arith.constant 0 : i32
      %dma_wait3A_990 = tpu.memref_slice %arg4[%dma_wait3A_989] : memref<1638400xi32, #tpu.memory_space<hbm>> -> memref<512xi32, #tpu.memory_space<hbm>>
      %dma_wait3A_991 = arith.constant 0 : i32
      %dma_wait3A_992 = tpu.memref_slice %arg4[%dma_wait3A_991] : memref<1638400xi32, #tpu.memory_space<hbm>> -> memref<512xi32, #tpu.memory_space<hbm>>
      tpu.wait_dma2 semaphore(%arg18 : memref<!tpu.dma_semaphore, #tpu.memory_space<semaphore_mem>>) src(%dma_wait3A_992 : memref<512xi32, #tpu.memory_space<hbm>>) dst(%arg12 : memref<512xi32, #tpu.memory_space<vmem>>)
      %dma_wait3A_993 = arith.constant 0 : i32
      %dma_wait3A_994 = tpu.memref_slice %arg3[%dma_wait3A_993] : memref<1638400xi32, #tpu.memory_space<hbm>> -> memref<512xi32, #tpu.memory_space<hbm>>
      %dma_wait3A_995 = arith.constant 0 : i32
      %dma_wait3A_996 = tpu.memref_slice %arg3[%dma_wait3A_995] : memref<1638400xi32, #tpu.memory_space<hbm>> -> memref<512xi32, #tpu.memory_space<hbm>>
      tpu.wait_dma2 semaphore(%arg18 : memref<!tpu.dma_semaphore, #tpu.memory_space<semaphore_mem>>) src(%dma_wait3A_996 : memref<512xi32, #tpu.memory_space<hbm>>) dst(%arg13 : memref<512xi32, #tpu.memory_space<vmem>>)
      %scan3A_997 = arith.constant 0 : i32
      %scan3A_998 = arith.constant 0 : i32
      %scan3A_999 = arith.constant 32 : i32
      %scan3A_1000 = arith.addi %scan3A_998, %scan3A_999 : i32
      %scan3A_1001 = arith.constant 1 : i32
      %scan3A_1002 = scf.for %scan3A_1114 = %scan3A_998 to %scan3A_1000 step %scan3A_1001 iter_args(%scan3A_1115 = %scan3A_997) -> (i32)  : i32 {
        %mul3A_1116 = arith.constant 16 : i32
        %mul3A_1117 = arith.muli %scan3A_1114, %mul3A_1116 : i32
        %get3A = arith.index_cast %mul3A_1117 : i32 to index
        %get3A_1118 = tpu.vector_load %arg12[%get3A] {strides = array<i32>} : memref<512xi32, #tpu.memory_space<vmem>>, vector<16xi32>,
        %mul3A_1119 = arith.constant 16 : i32
        %mul3A_1120 = arith.muli %scan3A_1114, %mul3A_1119 : i32
        %get3A_1121 = arith.index_cast %mul3A_1120 : i32 to index
        %get3A_1122 = tpu.vector_load %arg13[%get3A_1121] {strides = array<i32>} : memref<512xi32, #tpu.memory_space<vmem>>, vector<16xi32>,
        %mul3A_1123 = arith.constant 16 : i32
        %mul3A_1124 = arith.muli %scan3A_1114, %mul3A_1123 : i32
        %swap3A = arith.index_cast %mul3A_1124 : i32 to index
        %swap3A_1125 = tpu.vector_load %arg14[%swap3A] {strides = array<i32>} : memref<512xi32, #tpu.memory_space<vmem>>, vector<16xi32>,
        tpu.vector_store %arg14[%swap3A], %get3A_1122 {strides = array<i32>} : memref<512xi32, #tpu.memory_space<vmem>>, vector<16xi32>,
        %ge3A = vector.broadcast %mul3A_3 : i32 to vector<16xi32>
        %ge3A_1126 = arith.cmpi sge, %get3A_1118, %ge3A : vector<16xi32>
        %add3A_1127 = arith.constant 25000 : i32
        %add3A_1128 = arith.addi %mul3A_3, %add3A_1127 : i32
        %lt3A_1129 = vector.broadcast %add3A_1128 : i32 to vector<16xi32>
        %lt3A_1130 = arith.cmpi slt, %get3A_1118, %lt3A_1129 : vector<16xi32>
        %and3A = arith.andi %ge3A_1126, %lt3A_1130 : vector<16xi1>
        %sub3A = vector.broadcast %mul3A_3 : i32 to vector<16xi32>
        %sub3A_1131 = arith.subi %get3A_1118, %sub3A : vector<16xi32>
        %broadcast_in_dim3A = vector.broadcast %add3A_5 : i32 to vector<16xi32>
        %select_n3A = arith.select %and3A, %sub3A_1131, %broadcast_in_dim3A : vector<16xi1>, vector<16xi32>
        %jit3A = arith.constant 8 : i32
        %div3A = arith.divsi %scan3A_1114, %jit3A : i32
        %sign3A = arith.constant 0 : i32
        %sign3A_1132 = arith.cmpi sgt, %scan3A_1114, %sign3A : i32
        %sign3A_1133 = arith.extui %sign3A_1132 : i1 to i32
        %sign3A_1134 = arith.constant 0 : i32
        %sign3A_1135 = arith.cmpi slt, %scan3A_1114, %sign3A_1134 : i32
        %sign3A_1136 = arith.extui %sign3A_1135 : i1 to i32
        %sign3A_1137 = arith.subi %sign3A_1133, %sign3A_1136 : i32
        %sign3A_1138 = arith.constant 0 : i32
        %sign3A_1139 = arith.cmpi sgt, %jit3A, %sign3A_1138 : i32
        %sign3A_1140 = arith.extui %sign3A_1139 : i1 to i32
        %sign3A_1141 = arith.constant 0 : i32
        %sign3A_1142 = arith.cmpi slt, %jit3A, %sign3A_1141 : i32
        %sign3A_1143 = arith.extui %sign3A_1142 : i1 to i32
        %sign3A_1144 = arith.subi %sign3A_1140, %sign3A_1143 : i32
        %ne3A = arith.cmpi ne, %sign3A_1137, %sign3A_1144 : i32
        %rem3A = arith.remsi %scan3A_1114, %jit3A : i32
        %ne3A_1145 = arith.constant 0 : i32
        %ne3A_1146 = arith.cmpi ne, %rem3A, %ne3A_1145 : i32
        %and3A_1147 = arith.andi %ne3A, %ne3A_1146 : i1
        %sub3A_1148 = arith.constant 1 : i32
        %sub3A_1149 = arith.subi %div3A, %sub3A_1148 : i32
        %select_n3A_1150 = arith.select %and3A_1147, %sub3A_1149, %div3A : i32
        %jit3A_1151 = arith.constant 8 : i32
        %eq3A = arith.constant 0 : i32
        %eq3A_1152 = arith.cmpi eq, %jit3A_1151, %eq3A : i32
        %jit3A_1153 = arith.constant 1 : i32
        %select_n3A_1154 = arith.select %eq3A_1152, %jit3A_1153, %jit3A_1151 : i32
        %rem3A_1155 = arith.remsi %scan3A_1114, %select_n3A_1154 : i32
        %ne3A_1156 = arith.constant 0 : i32
        %ne3A_1157 = arith.cmpi ne, %rem3A_1155, %ne3A_1156 : i32
        %lt3A_1158 = arith.constant 0 : i32
        %lt3A_1159 = arith.cmpi slt, %rem3A_1155, %lt3A_1158 : i32
        %lt3A_1160 = arith.constant 0 : i32
        %lt3A_1161 = arith.cmpi slt, %select_n3A_1154, %lt3A_1160 : i32
        %ne3A_1162 = arith.xori %lt3A_1159, %lt3A_1161 : i1
        %and3A_1163 = arith.andi %ne3A_1162, %ne3A_1157 : i1
        %add3A_1164 = arith.addi %rem3A_1155, %select_n3A_1154 : i32
        %select_n3A_1165 = arith.select %and3A_1163, %add3A_1164, %rem3A_1155 : i32
        %mul3A_1166 = arith.constant 16 : i32
        %mul3A_1167 = arith.muli %select_n3A_1165, %mul3A_1166 : i32
        %swap3A_1168 = arith.index_cast %select_n3A_1150 : i32 to index
        %swap3A_1169 = arith.index_cast %mul3A_1167 : i32 to index
        %swap3A_1170 = tpu.vector_load %arg15[%swap3A_1168, %swap3A_1169] {strides = array<i32>} : memref<4x128xi32, #tpu.memory_space<vmem>>, vector<16xi32>,
        tpu.vector_store %arg15[%swap3A_1168, %swap3A_1169], %select_n3A {strides = array<i32>} : memref<4x128xi32, #tpu.memory_space<vmem>>, vector<16xi32>,
        %scan3A_1171 = arith.constant 0 : i32
        scf.yield %scan3A_1171 : i32
      }
      %scan3A_1003 = arith.constant 32 : i32
      %lt3A_1004 = arith.constant 99 : i32
      %lt3A_1005 = arith.cmpi slt, %scan3A_783, %lt3A_1004 : i32
      %convert_element_type3A_1006 = arith.extui %lt3A_1005 : i1 to i32
      %cond3A_1007 = arith.constant 0 : i32
      %cond3A_1008 = arith.cmpi ne, %convert_element_type3A_1006, %cond3A_1007 : i32
      scf.if %cond3A_1008 {
        %mul3A_1114 = arith.constant 2 : i32
        %mul3A_1115 = arith.muli %mul3A_1114, %scan3A_783 : i32
        %add3A_1116 = arith.constant 3 : i32
        %add3A_1117 = arith.addi %mul3A_1115, %add3A_1116 : i32
        %mul3A_1118 = arith.constant 102400 : i32
        %mul3A_1119 = arith.muli %arg1, %mul3A_1118 : i32
        %mul3A_1120 = arith.constant 512 : i32
        %mul3A_1121 = arith.muli %add3A_1117, %mul3A_1120 : i32
        %add3A_1122 = arith.addi %mul3A_1119, %mul3A_1121 : i32
        %dma_start3A_1123 = tpu.memref_slice %arg4[%add3A_1122] : memref<1638400xi32, #tpu.memory_space<hbm>> -> memref<512xi32, #tpu.memory_space<hbm>>
        %dma_start3A_1124 = tpu.memref_slice %arg4[%add3A_1122] : memref<1638400xi32, #tpu.memory_space<hbm>> -> memref<512xi32, #tpu.memory_space<hbm>>
        tpu.enqueue_dma source(%dma_start3A_1124 : memref<512xi32, #tpu.memory_space<hbm>>) target(%arg12 : memref<512xi32, #tpu.memory_space<vmem>>) target_semaphore(%arg18 : memref<!tpu.dma_semaphore, #tpu.memory_space<semaphore_mem>>)
        %dma_start3A_1125 = tpu.memref_slice %arg3[%add3A_1122] : memref<1638400xi32, #tpu.memory_space<hbm>> -> memref<512xi32, #tpu.memory_space<hbm>>
        %dma_start3A_1126 = tpu.memref_slice %arg3[%add3A_1122] : memref<1638400xi32, #tpu.memory_space<hbm>> -> memref<512xi32, #tpu.memory_space<hbm>>
        tpu.enqueue_dma source(%dma_start3A_1126 : memref<512xi32, #tpu.memory_space<hbm>>) target(%arg13 : memref<512xi32, #tpu.memory_space<vmem>>) target_semaphore(%arg18 : memref<!tpu.dma_semaphore, #tpu.memory_space<semaphore_mem>>)
      } else {
      }
      %dma_start3A_1009 = arith.constant 0 : i32
      %dma_start3A_1010 = arith.constant 0 : i32
      %dma_start3A_1011 = tpu.memref_slice %arg16[%dma_start3A_1009, %dma_start3A_1010] : memref<512x48xf32, #tpu.memory_space<vmem>> -> memref<128x48xf32, #tpu.memory_space<vmem>>
      %dma_start3A_1012 = arith.constant 0 : i32
      %dma_start3A_1013 = tpu.memref_slice %arg14[%dma_start3A_1012] : memref<512xi32, #tpu.memory_space<vmem>> -> memref<128xi32, #tpu.memory_space<vmem>>
      %dma_start3A_1014 = arith.constant 0 : i32
      %dma_start3A_1015 = arith.constant 0 : i32
      %dma_start3A_1016 = tpu.memref_slice %arg2[%dma_start3A_1014, %dma_start3A_1015] : memref<100000x48xf32, #tpu.memory_space<hbm>> -> memref<100000x48xf32, #tpu.memory_space<hbm>>
      tpu.enqueue_indirect_dma source(%dma_start3A_1016 : memref<100000x48xf32, #tpu.memory_space<hbm>>) target(%dma_start3A_1011 : memref<128x48xf32, #tpu.memory_space<vmem>>) offsets(%dma_start3A_1013 : memref<128xi32, #tpu.memory_space<vmem>>) semaphore(%arg20 : memref<!tpu.dma_semaphore, #tpu.memory_space<semaphore_mem>>)
      %dma_start3A_1017 = arith.constant 128 : i32
      %dma_start3A_1018 = arith.constant 0 : i32
      %dma_start3A_1019 = tpu.memref_slice %arg16[%dma_start3A_1017, %dma_start3A_1018] : memref<512x48xf32, #tpu.memory_space<vmem>> -> memref<128x48xf32, #tpu.memory_space<vmem>>
      %dma_start3A_1020 = arith.constant 128 : i32
      %dma_start3A_1021 = tpu.memref_slice %arg14[%dma_start3A_1020] : memref<512xi32, #tpu.memory_space<vmem>> -> memref<128xi32, #tpu.memory_space<vmem>>
      %dma_start3A_1022 = arith.constant 0 : i32
      %dma_start3A_1023 = arith.constant 0 : i32
      %dma_start3A_1024 = tpu.memref_slice %arg2[%dma_start3A_1022, %dma_start3A_1023] : memref<100000x48xf32, #tpu.memory_space<hbm>> -> memref<100000x48xf32, #tpu.memory_space<hbm>>
      tpu.enqueue_indirect_dma source(%dma_start3A_1024 : memref<100000x48xf32, #tpu.memory_space<hbm>>) target(%dma_start3A_1019 : memref<128x48xf32, #tpu.memory_space<vmem>>) offsets(%dma_start3A_1021 : memref<128xi32, #tpu.memory_space<vmem>>) semaphore(%arg20 : memref<!tpu.dma_semaphore, #tpu.memory_space<semaphore_mem>>)
      %dma_start3A_1025 = arith.constant 256 : i32
      %dma_start3A_1026 = arith.constant 0 : i32
      %dma_start3A_1027 = tpu.memref_slice %arg16[%dma_start3A_1025, %dma_start3A_1026] : memref<512x48xf32, #tpu.memory_space<vmem>> -> memref<128x48xf32, #tpu.memory_space<vmem>>
      %dma_start3A_1028 = arith.constant 256 : i32
      %dma_start3A_1029 = tpu.memref_slice %arg14[%dma_start3A_1028] : memref<512xi32, #tpu.memory_space<vmem>> -> memref<128xi32, #tpu.memory_space<vmem>>
      %dma_start3A_1030 = arith.constant 0 : i32
      %dma_start3A_1031 = arith.constant 0 : i32
      %dma_start3A_1032 = tpu.memref_slice %arg2[%dma_start3A_1030, %dma_start3A_1031] : memref<100000x48xf32, #tpu.memory_space<hbm>> -> memref<100000x48xf32, #tpu.memory_space<hbm>>
      tpu.enqueue_indirect_dma source(%dma_start3A_1032 : memref<100000x48xf32, #tpu.memory_space<hbm>>) target(%dma_start3A_1027 : memref<128x48xf32, #tpu.memory_space<vmem>>) offsets(%dma_start3A_1029 : memref<128xi32, #tpu.memory_space<vmem>>) semaphore(%arg20 : memref<!tpu.dma_semaphore, #tpu.memory_space<semaphore_mem>>)
      %dma_start3A_1033 = arith.constant 384 : i32
      %dma_start3A_1034 = arith.constant 0 : i32
      %dma_start3A_1035 = tpu.memref_slice %arg16[%dma_start3A_1033, %dma_start3A_1034] : memref<512x48xf32, #tpu.memory_space<vmem>> -> memref<128x48xf32, #tpu.memory_space<vmem>>
      %dma_start3A_1036 = arith.constant 384 : i32
      %dma_start3A_1037 = tpu.memref_slice %arg14[%dma_start3A_1036] : memref<512xi32, #tpu.memory_space<vmem>> -> memref<128xi32, #tpu.memory_space<vmem>>
      %dma_start3A_1038 = arith.constant 0 : i32
      %dma_start3A_1039 = arith.constant 0 : i32
      %dma_start3A_1040 = tpu.memref_slice %arg2[%dma_start3A_1038, %dma_start3A_1039] : memref<100000x48xf32, #tpu.memory_space<hbm>> -> memref<100000x48xf32, #tpu.memory_space<hbm>>
      tpu.enqueue_indirect_dma source(%dma_start3A_1040 : memref<100000x48xf32, #tpu.memory_space<hbm>>) target(%dma_start3A_1035 : memref<128x48xf32, #tpu.memory_space<vmem>>) offsets(%dma_start3A_1037 : memref<128xi32, #tpu.memory_space<vmem>>) semaphore(%arg20 : memref<!tpu.dma_semaphore, #tpu.memory_space<semaphore_mem>>)
      %dma_wait3A_1041 = arith.constant 0 : i32
      %dma_wait3A_1042 = arith.constant 0 : i32
      %dma_wait3A_1043 = tpu.memref_slice %arg11[%dma_wait3A_1041, %dma_wait3A_1042] : memref<512x48xf32, #tpu.memory_space<vmem>> -> memref<128x48xf32, #tpu.memory_space<vmem>>
      %dma_wait3A_1044 = arith.constant 0 : i32
      %dma_wait3A_1045 = tpu.memref_slice %arg9[%dma_wait3A_1044] : memref<512xi32, #tpu.memory_space<vmem>> -> memref<128xi32, #tpu.memory_space<vmem>>
      %dma_wait3A_1046 = arith.constant 0 : i32
      %dma_wait3A_1047 = arith.constant 0 : i32
      %dma_wait3A_1048 = tpu.memref_slice %arg2[%dma_wait3A_1046, %dma_wait3A_1047] : memref<100000x48xf32, #tpu.memory_space<hbm>> -> memref<100000x48xf32, #tpu.memory_space<hbm>>
      tpu.wait_indirect_dma semaphore(%arg19 : memref<!tpu.dma_semaphore, #tpu.memory_space<semaphore_mem>>) src(%dma_wait3A_1048 : memref<100000x48xf32, #tpu.memory_space<hbm>>) dst(%dma_wait3A_1043 : memref<128x48xf32, #tpu.memory_space<vmem>>)
      %dma_wait3A_1049 = arith.constant 128 : i32
      %dma_wait3A_1050 = arith.constant 0 : i32
      %dma_wait3A_1051 = tpu.memref_slice %arg11[%dma_wait3A_1049, %dma_wait3A_1050] : memref<512x48xf32, #tpu.memory_space<vmem>> -> memref<128x48xf32, #tpu.memory_space<vmem>>
      %dma_wait3A_1052 = arith.constant 128 : i32
      %dma_wait3A_1053 = tpu.memref_slice %arg9[%dma_wait3A_1052] : memref<512xi32, #tpu.memory_space<vmem>> -> memref<128xi32, #tpu.memory_space<vmem>>
      %dma_wait3A_1054 = arith.constant 0 : i32
      %dma_wait3A_1055 = arith.constant 0 : i32
      %dma_wait3A_1056 = tpu.memref_slice %arg2[%dma_wait3A_1054, %dma_wait3A_1055] : memref<100000x48xf32, #tpu.memory_space<hbm>> -> memref<100000x48xf32, #tpu.memory_space<hbm>>
      tpu.wait_indirect_dma semaphore(%arg19 : memref<!tpu.dma_semaphore, #tpu.memory_space<semaphore_mem>>) src(%dma_wait3A_1056 : memref<100000x48xf32, #tpu.memory_space<hbm>>) dst(%dma_wait3A_1051 : memref<128x48xf32, #tpu.memory_space<vmem>>)
      %dma_wait3A_1057 = arith.constant 256 : i32
      %dma_wait3A_1058 = arith.constant 0 : i32
      %dma_wait3A_1059 = tpu.memref_slice %arg11[%dma_wait3A_1057, %dma_wait3A_1058] : memref<512x48xf32, #tpu.memory_space<vmem>> -> memref<128x48xf32, #tpu.memory_space<vmem>>
      %dma_wait3A_1060 = arith.constant 256 : i32
      %dma_wait3A_1061 = tpu.memref_slice %arg9[%dma_wait3A_1060] : memref<512xi32, #tpu.memory_space<vmem>> -> memref<128xi32, #tpu.memory_space<vmem>>
      %dma_wait3A_1062 = arith.constant 0 : i32
      %dma_wait3A_1063 = arith.constant 0 : i32
      %dma_wait3A_1064 = tpu.memref_slice %arg2[%dma_wait3A_1062, %dma_wait3A_1063] : memref<100000x48xf32, #tpu.memory_space<hbm>> -> memref<100000x48xf32, #tpu.memory_space<hbm>>
      tpu.wait_indirect_dma semaphore(%arg19 : memref<!tpu.dma_semaphore, #tpu.memory_space<semaphore_mem>>) src(%dma_wait3A_1064 : memref<100000x48xf32, #tpu.memory_space<hbm>>) dst(%dma_wait3A_1059 : memref<128x48xf32, #tpu.memory_space<vmem>>)
      %dma_wait3A_1065 = arith.constant 384 : i32
      %dma_wait3A_1066 = arith.constant 0 : i32
      %dma_wait3A_1067 = tpu.memref_slice %arg11[%dma_wait3A_1065, %dma_wait3A_1066] : memref<512x48xf32, #tpu.memory_space<vmem>> -> memref<128x48xf32, #tpu.memory_space<vmem>>
      %dma_wait3A_1068 = arith.constant 384 : i32
      %dma_wait3A_1069 = tpu.memref_slice %arg9[%dma_wait3A_1068] : memref<512xi32, #tpu.memory_space<vmem>> -> memref<128xi32, #tpu.memory_space<vmem>>
      %dma_wait3A_1070 = arith.constant 0 : i32
      %dma_wait3A_1071 = arith.constant 0 : i32
      %dma_wait3A_1072 = tpu.memref_slice %arg2[%dma_wait3A_1070, %dma_wait3A_1071] : memref<100000x48xf32, #tpu.memory_space<hbm>> -> memref<100000x48xf32, #tpu.memory_space<hbm>>
      tpu.wait_indirect_dma semaphore(%arg19 : memref<!tpu.dma_semaphore, #tpu.memory_space<semaphore_mem>>) src(%dma_wait3A_1072 : memref<100000x48xf32, #tpu.memory_space<hbm>>) dst(%dma_wait3A_1067 : memref<128x48xf32, #tpu.memory_space<vmem>>)
      %dma_start3A_1073 = arith.constant 0 : i32
      %dma_start3A_1074 = arith.constant 0 : i32
      %dma_start3A_1075 = arith.constant 0 : i32
      %dma_start3A_1076 = tpu.memref_slice %arg11[%dma_start3A_1074, %dma_start3A_1075] : memref<512x48xf32, #tpu.memory_space<vmem>> -> memref<128x48xf32, #tpu.memory_space<vmem>>
      %dma_start3A_1077 = arith.constant 0 : i32
      %dma_start3A_1078 = tpu.memref_slice %arg10[%dma_start3A_1073, %dma_start3A_1077] : memref<4x128xi32, #tpu.memory_space<vmem>> -> memref<1x128xi32, #tpu.memory_space<vmem>>
      %dma_start3A_1079 = tpu.memref_squeeze %dma_start3A_1078 : memref<1x128xi32, #tpu.memory_space<vmem>> -> memref<128xi32, #tpu.memory_space<vmem>>
      %dma_start3A_1080 = arith.constant 0 : i32
      %dma_start3A_1081 = arith.constant 0 : i32
      %dma_start3A_1082 = tpu.memref_slice %arg6[%dma_start3A_1080, %dma_start3A_1081] : memref<25016x48xf32, #tpu.memory_space<vmem_shared>> -> memref<25016x48xf32, #tpu.memory_space<vmem_shared>>
      tpu.enqueue_indirect_dma source(%dma_start3A_1076 : memref<128x48xf32, #tpu.memory_space<vmem>>) target(%dma_start3A_1082 : memref<25016x48xf32, #tpu.memory_space<vmem_shared>>) offsets(%dma_start3A_1079 : memref<128xi32, #tpu.memory_space<vmem>>) semaphore(%arg21 : memref<!tpu.dma_semaphore, #tpu.memory_space<semaphore_mem>>) {add = true}
      %dma_start3A_1083 = arith.constant 1 : i32
      %dma_start3A_1084 = arith.constant 128 : i32
      %dma_start3A_1085 = arith.constant 0 : i32
      %dma_start3A_1086 = tpu.memref_slice %arg11[%dma_start3A_1084, %dma_start3A_1085] : memref<512x48xf32, #tpu.memory_space<vmem>> -> memref<128x48xf32, #tpu.memory_space<vmem>>
      %dma_start3A_1087 = arith.constant 0 : i32
      %dma_start3A_1088 = tpu.memref_slice %arg10[%dma_start3A_1083, %dma_start3A_1087] : memref<4x128xi32, #tpu.memory_space<vmem>> -> memref<1x128xi32, #tpu.memory_space<vmem>>
      %dma_start3A_1089 = tpu.memref_squeeze %dma_start3A_1088 : memref<1x128xi32, #tpu.memory_space<vmem>> -> memref<128xi32, #tpu.memory_space<vmem>>
      %dma_start3A_1090 = arith.constant 0 : i32
      %dma_start3A_1091 = arith.constant 0 : i32
      %dma_start3A_1092 = tpu.memref_slice %arg6[%dma_start3A_1090, %dma_start3A_1091] : memref<25016x48xf32, #tpu.memory_space<vmem_shared>> -> memref<25016x48xf32, #tpu.memory_space<vmem_shared>>
      tpu.enqueue_indirect_dma source(%dma_start3A_1086 : memref<128x48xf32, #tpu.memory_space<vmem>>) target(%dma_start3A_1092 : memref<25016x48xf32, #tpu.memory_space<vmem_shared>>) offsets(%dma_start3A_1089 : memref<128xi32, #tpu.memory_space<vmem>>) semaphore(%arg21 : memref<!tpu.dma_semaphore, #tpu.memory_space<semaphore_mem>>) {add = true}
      %dma_start3A_1093 = arith.constant 2 : i32
      %dma_start3A_1094 = arith.constant 256 : i32
      %dma_start3A_1095 = arith.constant 0 : i32
      %dma_start3A_1096 = tpu.memref_slice %arg11[%dma_start3A_1094, %dma_start3A_1095] : memref<512x48xf32, #tpu.memory_space<vmem>> -> memref<128x48xf32, #tpu.memory_space<vmem>>
      %dma_start3A_1097 = arith.constant 0 : i32
      %dma_start3A_1098 = tpu.memref_slice %arg10[%dma_start3A_1093, %dma_start3A_1097] : memref<4x128xi32, #tpu.memory_space<vmem>> -> memref<1x128xi32, #tpu.memory_space<vmem>>
      %dma_start3A_1099 = tpu.memref_squeeze %dma_start3A_1098 : memref<1x128xi32, #tpu.memory_space<vmem>> -> memref<128xi32, #tpu.memory_space<vmem>>
      %dma_start3A_1100 = arith.constant 0 : i32
      %dma_start3A_1101 = arith.constant 0 : i32
      %dma_start3A_1102 = tpu.memref_slice %arg6[%dma_start3A_1100, %dma_start3A_1101] : memref<25016x48xf32, #tpu.memory_space<vmem_shared>> -> memref<25016x48xf32, #tpu.memory_space<vmem_shared>>
      tpu.enqueue_indirect_dma source(%dma_start3A_1096 : memref<128x48xf32, #tpu.memory_space<vmem>>) target(%dma_start3A_1102 : memref<25016x48xf32, #tpu.memory_space<vmem_shared>>) offsets(%dma_start3A_1099 : memref<128xi32, #tpu.memory_space<vmem>>) semaphore(%arg21 : memref<!tpu.dma_semaphore, #tpu.memory_space<semaphore_mem>>) {add = true}
      %dma_start3A_1103 = arith.constant 3 : i32
      %dma_start3A_1104 = arith.constant 384 : i32
      %dma_start3A_1105 = arith.constant 0 : i32
      %dma_start3A_1106 = tpu.memref_slice %arg11[%dma_start3A_1104, %dma_start3A_1105] : memref<512x48xf32, #tpu.memory_space<vmem>> -> memref<128x48xf32, #tpu.memory_space<vmem>>
      %dma_start3A_1107 = arith.constant 0 : i32
      %dma_start3A_1108 = tpu.memref_slice %arg10[%dma_start3A_1103, %dma_start3A_1107] : memref<4x128xi32, #tpu.memory_space<vmem>> -> memref<1x128xi32, #tpu.memory_space<vmem>>
      %dma_start3A_1109 = tpu.memref_squeeze %dma_start3A_1108 : memref<1x128xi32, #tpu.memory_space<vmem>> -> memref<128xi32, #tpu.memory_space<vmem>>
      %dma_start3A_1110 = arith.constant 0 : i32
      %dma_start3A_1111 = arith.constant 0 : i32
      %dma_start3A_1112 = tpu.memref_slice %arg6[%dma_start3A_1110, %dma_start3A_1111] : memref<25016x48xf32, #tpu.memory_space<vmem_shared>> -> memref<25016x48xf32, #tpu.memory_space<vmem_shared>>
      tpu.enqueue_indirect_dma source(%dma_start3A_1106 : memref<128x48xf32, #tpu.memory_space<vmem>>) target(%dma_start3A_1112 : memref<25016x48xf32, #tpu.memory_space<vmem_shared>>) offsets(%dma_start3A_1109 : memref<128xi32, #tpu.memory_space<vmem>>) semaphore(%arg21 : memref<!tpu.dma_semaphore, #tpu.memory_space<semaphore_mem>>) {add = true}
      %scan3A_1113 = arith.constant 0 : i32
      scf.yield %scan3A_1113 : i32
    }
    %scan3A_218 = arith.constant 99 : i32
    %dma_wait3A_219 = arith.constant 0 : i32
    %dma_wait3A_220 = arith.constant 0 : i32
    %dma_wait3A_221 = tpu.memref_slice %arg16[%dma_wait3A_219, %dma_wait3A_220] : memref<512x48xf32, #tpu.memory_space<vmem>> -> memref<128x48xf32, #tpu.memory_space<vmem>>
    %dma_wait3A_222 = arith.constant 0 : i32
    %dma_wait3A_223 = tpu.memref_slice %arg14[%dma_wait3A_222] : memref<512xi32, #tpu.memory_space<vmem>> -> memref<128xi32, #tpu.memory_space<vmem>>
    %dma_wait3A_224 = arith.constant 0 : i32
    %dma_wait3A_225 = arith.constant 0 : i32
    %dma_wait3A_226 = tpu.memref_slice %arg2[%dma_wait3A_224, %dma_wait3A_225] : memref<100000x48xf32, #tpu.memory_space<hbm>> -> memref<100000x48xf32, #tpu.memory_space<hbm>>
    tpu.wait_indirect_dma semaphore(%arg20 : memref<!tpu.dma_semaphore, #tpu.memory_space<semaphore_mem>>) src(%dma_wait3A_226 : memref<100000x48xf32, #tpu.memory_space<hbm>>) dst(%dma_wait3A_221 : memref<128x48xf32, #tpu.memory_space<vmem>>)
    %dma_wait3A_227 = arith.constant 128 : i32
    %dma_wait3A_228 = arith.constant 0 : i32
    %dma_wait3A_229 = tpu.memref_slice %arg16[%dma_wait3A_227, %dma_wait3A_228] : memref<512x48xf32, #tpu.memory_space<vmem>> -> memref<128x48xf32, #tpu.memory_space<vmem>>
    %dma_wait3A_230 = arith.constant 128 : i32
    %dma_wait3A_231 = tpu.memref_slice %arg14[%dma_wait3A_230] : memref<512xi32, #tpu.memory_space<vmem>> -> memref<128xi32, #tpu.memory_space<vmem>>
    %dma_wait3A_232 = arith.constant 0 : i32
    %dma_wait3A_233 = arith.constant 0 : i32
    %dma_wait3A_234 = tpu.memref_slice %arg2[%dma_wait3A_232, %dma_wait3A_233] : memref<100000x48xf32, #tpu.memory_space<hbm>> -> memref<100000x48xf32, #tpu.memory_space<hbm>>
    tpu.wait_indirect_dma semaphore(%arg20 : memref<!tpu.dma_semaphore, #tpu.memory_space<semaphore_mem>>) src(%dma_wait3A_234 : memref<100000x48xf32, #tpu.memory_space<hbm>>) dst(%dma_wait3A_229 : memref<128x48xf32, #tpu.memory_space<vmem>>)
    %dma_wait3A_235 = arith.constant 256 : i32
    %dma_wait3A_236 = arith.constant 0 : i32
    %dma_wait3A_237 = tpu.memref_slice %arg16[%dma_wait3A_235, %dma_wait3A_236] : memref<512x48xf32, #tpu.memory_space<vmem>> -> memref<128x48xf32, #tpu.memory_space<vmem>>
    %dma_wait3A_238 = arith.constant 256 : i32
    %dma_wait3A_239 = tpu.memref_slice %arg14[%dma_wait3A_238] : memref<512xi32, #tpu.memory_space<vmem>> -> memref<128xi32, #tpu.memory_space<vmem>>
    %dma_wait3A_240 = arith.constant 0 : i32
    %dma_wait3A_241 = arith.constant 0 : i32
    %dma_wait3A_242 = tpu.memref_slice %arg2[%dma_wait3A_240, %dma_wait3A_241] : memref<100000x48xf32, #tpu.memory_space<hbm>> -> memref<100000x48xf32, #tpu.memory_space<hbm>>
    tpu.wait_indirect_dma semaphore(%arg20 : memref<!tpu.dma_semaphore, #tpu.memory_space<semaphore_mem>>) src(%dma_wait3A_242 : memref<100000x48xf32, #tpu.memory_space<hbm>>) dst(%dma_wait3A_237 : memref<128x48xf32, #tpu.memory_space<vmem>>)
    %dma_wait3A_243 = arith.constant 384 : i32
    %dma_wait3A_244 = arith.constant 0 : i32
    %dma_wait3A_245 = tpu.memref_slice %arg16[%dma_wait3A_243, %dma_wait3A_244] : memref<512x48xf32, #tpu.memory_space<vmem>> -> memref<128x48xf32, #tpu.memory_space<vmem>>
    %dma_wait3A_246 = arith.constant 384 : i32
    %dma_wait3A_247 = tpu.memref_slice %arg14[%dma_wait3A_246] : memref<512xi32, #tpu.memory_space<vmem>> -> memref<128xi32, #tpu.memory_space<vmem>>
    %dma_wait3A_248 = arith.constant 0 : i32
    %dma_wait3A_249 = arith.constant 0 : i32
    %dma_wait3A_250 = tpu.memref_slice %arg2[%dma_wait3A_248, %dma_wait3A_249] : memref<100000x48xf32, #tpu.memory_space<hbm>> -> memref<100000x48xf32, #tpu.memory_space<hbm>>
    tpu.wait_indirect_dma semaphore(%arg20 : memref<!tpu.dma_semaphore, #tpu.memory_space<semaphore_mem>>) src(%dma_wait3A_250 : memref<100000x48xf32, #tpu.memory_space<hbm>>) dst(%dma_wait3A_245 : memref<128x48xf32, #tpu.memory_space<vmem>>)
    %dma_start3A_251 = arith.constant 0 : i32
    %dma_start3A_252 = arith.constant 0 : i32
    %dma_start3A_253 = arith.constant 0 : i32
    %dma_start3A_254 = tpu.memref_slice %arg16[%dma_start3A_252, %dma_start3A_253] : memref<512x48xf32, #tpu.memory_space<vmem>> -> memref<128x48xf32, #tpu.memory_space<vmem>>
    %dma_start3A_255 = arith.constant 0 : i32
    %dma_start3A_256 = tpu.memref_slice %arg15[%dma_start3A_251, %dma_start3A_255] : memref<4x128xi32, #tpu.memory_space<vmem>> -> memref<1x128xi32, #tpu.memory_space<vmem>>
    %dma_start3A_257 = tpu.memref_squeeze %dma_start3A_256 : memref<1x128xi32, #tpu.memory_space<vmem>> -> memref<128xi32, #tpu.memory_space<vmem>>
    %dma_start3A_258 = arith.constant 0 : i32
    %dma_start3A_259 = arith.constant 0 : i32
    %dma_start3A_260 = tpu.memref_slice %arg6[%dma_start3A_258, %dma_start3A_259] : memref<25016x48xf32, #tpu.memory_space<vmem_shared>> -> memref<25016x48xf32, #tpu.memory_space<vmem_shared>>
    tpu.enqueue_indirect_dma source(%dma_start3A_254 : memref<128x48xf32, #tpu.memory_space<vmem>>) target(%dma_start3A_260 : memref<25016x48xf32, #tpu.memory_space<vmem_shared>>) offsets(%dma_start3A_257 : memref<128xi32, #tpu.memory_space<vmem>>) semaphore(%arg22 : memref<!tpu.dma_semaphore, #tpu.memory_space<semaphore_mem>>) {add = true}
    %dma_start3A_261 = arith.constant 1 : i32
    %dma_start3A_262 = arith.constant 128 : i32
    %dma_start3A_263 = arith.constant 0 : i32
    %dma_start3A_264 = tpu.memref_slice %arg16[%dma_start3A_262, %dma_start3A_263] : memref<512x48xf32, #tpu.memory_space<vmem>> -> memref<128x48xf32, #tpu.memory_space<vmem>>
    %dma_start3A_265 = arith.constant 0 : i32
    %dma_start3A_266 = tpu.memref_slice %arg15[%dma_start3A_261, %dma_start3A_265] : memref<4x128xi32, #tpu.memory_space<vmem>> -> memref<1x128xi32, #tpu.memory_space<vmem>>
    %dma_start3A_267 = tpu.memref_squeeze %dma_start3A_266 : memref<1x128xi32, #tpu.memory_space<vmem>> -> memref<128xi32, #tpu.memory_space<vmem>>
    %dma_start3A_268 = arith.constant 0 : i32
    %dma_start3A_269 = arith.constant 0 : i32
    %dma_start3A_270 = tpu.memref_slice %arg6[%dma_start3A_268, %dma_start3A_269] : memref<25016x48xf32, #tpu.memory_space<vmem_shared>> -> memref<25016x48xf32, #tpu.memory_space<vmem_shared>>
    tpu.enqueue_indirect_dma source(%dma_start3A_264 : memref<128x48xf32, #tpu.memory_space<vmem>>) target(%dma_start3A_270 : memref<25016x48xf32, #tpu.memory_space<vmem_shared>>) offsets(%dma_start3A_267 : memref<128xi32, #tpu.memory_space<vmem>>) semaphore(%arg22 : memref<!tpu.dma_semaphore, #tpu.memory_space<semaphore_mem>>) {add = true}
    %dma_start3A_271 = arith.constant 2 : i32
    %dma_start3A_272 = arith.constant 256 : i32
    %dma_start3A_273 = arith.constant 0 : i32
    %dma_start3A_274 = tpu.memref_slice %arg16[%dma_start3A_272, %dma_start3A_273] : memref<512x48xf32, #tpu.memory_space<vmem>> -> memref<128x48xf32, #tpu.memory_space<vmem>>
    %dma_start3A_275 = arith.constant 0 : i32
    %dma_start3A_276 = tpu.memref_slice %arg15[%dma_start3A_271, %dma_start3A_275] : memref<4x128xi32, #tpu.memory_space<vmem>> -> memref<1x128xi32, #tpu.memory_space<vmem>>
    %dma_start3A_277 = tpu.memref_squeeze %dma_start3A_276 : memref<1x128xi32, #tpu.memory_space<vmem>> -> memref<128xi32, #tpu.memory_space<vmem>>
    %dma_start3A_278 = arith.constant 0 : i32
    %dma_start3A_279 = arith.constant 0 : i32
    %dma_start3A_280 = tpu.memref_slice %arg6[%dma_start3A_278, %dma_start3A_279] : memref<25016x48xf32, #tpu.memory_space<vmem_shared>> -> memref<25016x48xf32, #tpu.memory_space<vmem_shared>>
    tpu.enqueue_indirect_dma source(%dma_start3A_274 : memref<128x48xf32, #tpu.memory_space<vmem>>) target(%dma_start3A_280 : memref<25016x48xf32, #tpu.memory_space<vmem_shared>>) offsets(%dma_start3A_277 : memref<128xi32, #tpu.memory_space<vmem>>) semaphore(%arg22 : memref<!tpu.dma_semaphore, #tpu.memory_space<semaphore_mem>>) {add = true}
    %dma_start3A_281 = arith.constant 3 : i32
    %dma_start3A_282 = arith.constant 384 : i32
    %dma_start3A_283 = arith.constant 0 : i32
    %dma_start3A_284 = tpu.memref_slice %arg16[%dma_start3A_282, %dma_start3A_283] : memref<512x48xf32, #tpu.memory_space<vmem>> -> memref<128x48xf32, #tpu.memory_space<vmem>>
    %dma_start3A_285 = arith.constant 0 : i32
    %dma_start3A_286 = tpu.memref_slice %arg15[%dma_start3A_281, %dma_start3A_285] : memref<4x128xi32, #tpu.memory_space<vmem>> -> memref<1x128xi32, #tpu.memory_space<vmem>>
    %dma_start3A_287 = tpu.memref_squeeze %dma_start3A_286 : memref<1x128xi32, #tpu.memory_space<vmem>> -> memref<128xi32, #tpu.memory_space<vmem>>
    %dma_start3A_288 = arith.constant 0 : i32
    %dma_start3A_289 = arith.constant 0 : i32
    %dma_start3A_290 = tpu.memref_slice %arg6[%dma_start3A_288, %dma_start3A_289] : memref<25016x48xf32, #tpu.memory_space<vmem_shared>> -> memref<25016x48xf32, #tpu.memory_space<vmem_shared>>
    tpu.enqueue_indirect_dma source(%dma_start3A_284 : memref<128x48xf32, #tpu.memory_space<vmem>>) target(%dma_start3A_290 : memref<25016x48xf32, #tpu.memory_space<vmem_shared>>) offsets(%dma_start3A_287 : memref<128xi32, #tpu.memory_space<vmem>>) semaphore(%arg22 : memref<!tpu.dma_semaphore, #tpu.memory_space<semaphore_mem>>) {add = true}
    %dma_wait3A_291 = arith.constant 0 : i32
    %dma_wait3A_292 = arith.constant 0 : i32
    %dma_wait3A_293 = arith.constant 0 : i32
    %dma_wait3A_294 = tpu.memref_slice %arg11[%dma_wait3A_292, %dma_wait3A_293] : memref<512x48xf32, #tpu.memory_space<vmem>> -> memref<128x48xf32, #tpu.memory_space<vmem>>
    %dma_wait3A_295 = arith.constant 0 : i32
    %dma_wait3A_296 = tpu.memref_slice %arg10[%dma_wait3A_291, %dma_wait3A_295] : memref<4x128xi32, #tpu.memory_space<vmem>> -> memref<1x128xi32, #tpu.memory_space<vmem>>
    %dma_wait3A_297 = tpu.memref_squeeze %dma_wait3A_296 : memref<1x128xi32, #tpu.memory_space<vmem>> -> memref<128xi32, #tpu.memory_space<vmem>>
    %dma_wait3A_298 = arith.constant 0 : i32
    %dma_wait3A_299 = arith.constant 0 : i32
    %dma_wait3A_300 = tpu.memref_slice %arg6[%dma_wait3A_298, %dma_wait3A_299] : memref<25016x48xf32, #tpu.memory_space<vmem_shared>> -> memref<25016x48xf32, #tpu.memory_space<vmem_shared>>
    tpu.wait_indirect_dma semaphore(%arg21 : memref<!tpu.dma_semaphore, #tpu.memory_space<semaphore_mem>>) src(%dma_wait3A_294 : memref<128x48xf32, #tpu.memory_space<vmem>>) dst(%dma_wait3A_300 : memref<25016x48xf32, #tpu.memory_space<vmem_shared>>)
    %dma_wait3A_301 = arith.constant 1 : i32
    %dma_wait3A_302 = arith.constant 128 : i32
    %dma_wait3A_303 = arith.constant 0 : i32
    %dma_wait3A_304 = tpu.memref_slice %arg11[%dma_wait3A_302, %dma_wait3A_303] : memref<512x48xf32, #tpu.memory_space<vmem>> -> memref<128x48xf32, #tpu.memory_space<vmem>>
    %dma_wait3A_305 = arith.constant 0 : i32
    %dma_wait3A_306 = tpu.memref_slice %arg10[%dma_wait3A_301, %dma_wait3A_305] : memref<4x128xi32, #tpu.memory_space<vmem>> -> memref<1x128xi32, #tpu.memory_space<vmem>>
    %dma_wait3A_307 = tpu.memref_squeeze %dma_wait3A_306 : memref<1x128xi32, #tpu.memory_space<vmem>> -> memref<128xi32, #tpu.memory_space<vmem>>
    %dma_wait3A_308 = arith.constant 0 : i32
    %dma_wait3A_309 = arith.constant 0 : i32
    %dma_wait3A_310 = tpu.memref_slice %arg6[%dma_wait3A_308, %dma_wait3A_309] : memref<25016x48xf32, #tpu.memory_space<vmem_shared>> -> memref<25016x48xf32, #tpu.memory_space<vmem_shared>>
    tpu.wait_indirect_dma semaphore(%arg21 : memref<!tpu.dma_semaphore, #tpu.memory_space<semaphore_mem>>) src(%dma_wait3A_304 : memref<128x48xf32, #tpu.memory_space<vmem>>) dst(%dma_wait3A_310 : memref<25016x48xf32, #tpu.memory_space<vmem_shared>>)
    %dma_wait3A_311 = arith.constant 2 : i32
    %dma_wait3A_312 = arith.constant 256 : i32
    %dma_wait3A_313 = arith.constant 0 : i32
    %dma_wait3A_314 = tpu.memref_slice %arg11[%dma_wait3A_312, %dma_wait3A_313] : memref<512x48xf32, #tpu.memory_space<vmem>> -> memref<128x48xf32, #tpu.memory_space<vmem>>
    %dma_wait3A_315 = arith.constant 0 : i32
    %dma_wait3A_316 = tpu.memref_slice %arg10[%dma_wait3A_311, %dma_wait3A_315] : memref<4x128xi32, #tpu.memory_space<vmem>> -> memref<1x128xi32, #tpu.memory_space<vmem>>
    %dma_wait3A_317 = tpu.memref_squeeze %dma_wait3A_316 : memref<1x128xi32, #tpu.memory_space<vmem>> -> memref<128xi32, #tpu.memory_space<vmem>>
    %dma_wait3A_318 = arith.constant 0 : i32
    %dma_wait3A_319 = arith.constant 0 : i32
    %dma_wait3A_320 = tpu.memref_slice %arg6[%dma_wait3A_318, %dma_wait3A_319] : memref<25016x48xf32, #tpu.memory_space<vmem_shared>> -> memref<25016x48xf32, #tpu.memory_space<vmem_shared>>
    tpu.wait_indirect_dma semaphore(%arg21 : memref<!tpu.dma_semaphore, #tpu.memory_space<semaphore_mem>>) src(%dma_wait3A_314 : memref<128x48xf32, #tpu.memory_space<vmem>>) dst(%dma_wait3A_320 : memref<25016x48xf32, #tpu.memory_space<vmem_shared>>)
    %dma_wait3A_321 = arith.constant 3 : i32
    %dma_wait3A_322 = arith.constant 384 : i32
    %dma_wait3A_323 = arith.constant 0 : i32
    %dma_wait3A_324 = tpu.memref_slice %arg11[%dma_wait3A_322, %dma_wait3A_323] : memref<512x48xf32, #tpu.memory_space<vmem>> -> memref<128x48xf32, #tpu.memory_space<vmem>>
    %dma_wait3A_325 = arith.constant 0 : i32
    %dma_wait3A_326 = tpu.memref_slice %arg10[%dma_wait3A_321, %dma_wait3A_325] : memref<4x128xi32, #tpu.memory_space<vmem>> -> memref<1x128xi32, #tpu.memory_space<vmem>>
    %dma_wait3A_327 = tpu.memref_squeeze %dma_wait3A_326 : memref<1x128xi32, #tpu.memory_space<vmem>> -> memref<128xi32, #tpu.memory_space<vmem>>
    %dma_wait3A_328 = arith.constant 0 : i32
    %dma_wait3A_329 = arith.constant 0 : i32
    %dma_wait3A_330 = tpu.memref_slice %arg6[%dma_wait3A_328, %dma_wait3A_329] : memref<25016x48xf32, #tpu.memory_space<vmem_shared>> -> memref<25016x48xf32, #tpu.memory_space<vmem_shared>>
    tpu.wait_indirect_dma semaphore(%arg21 : memref<!tpu.dma_semaphore, #tpu.memory_space<semaphore_mem>>) src(%dma_wait3A_324 : memref<128x48xf32, #tpu.memory_space<vmem>>) dst(%dma_wait3A_330 : memref<25016x48xf32, #tpu.memory_space<vmem_shared>>)
    %dma_wait3A_331 = arith.constant 0 : i32
    %dma_wait3A_332 = arith.constant 0 : i32
    %dma_wait3A_333 = arith.constant 0 : i32
    %dma_wait3A_334 = tpu.memref_slice %arg16[%dma_wait3A_332, %dma_wait3A_333] : memref<512x48xf32, #tpu.memory_space<vmem>> -> memref<128x48xf32, #tpu.memory_space<vmem>>
    %dma_wait3A_335 = arith.constant 0 : i32
    %dma_wait3A_336 = tpu.memref_slice %arg15[%dma_wait3A_331, %dma_wait3A_335] : memref<4x128xi32, #tpu.memory_space<vmem>> -> memref<1x128xi32, #tpu.memory_space<vmem>>
    %dma_wait3A_337 = tpu.memref_squeeze %dma_wait3A_336 : memref<1x128xi32, #tpu.memory_space<vmem>> -> memref<128xi32, #tpu.memory_space<vmem>>
    %dma_wait3A_338 = arith.constant 0 : i32
    %dma_wait3A_339 = arith.constant 0 : i32
    %dma_wait3A_340 = tpu.memref_slice %arg6[%dma_wait3A_338, %dma_wait3A_339] : memref<25016x48xf32, #tpu.memory_space<vmem_shared>> -> memref<25016x48xf32, #tpu.memory_space<vmem_shared>>
    tpu.wait_indirect_dma semaphore(%arg22 : memref<!tpu.dma_semaphore, #tpu.memory_space<semaphore_mem>>) src(%dma_wait3A_334 : memref<128x48xf32, #tpu.memory_space<vmem>>) dst(%dma_wait3A_340 : memref<25016x48xf32, #tpu.memory_space<vmem_shared>>)
    %dma_wait3A_341 = arith.constant 1 : i32
    %dma_wait3A_342 = arith.constant 128 : i32
    %dma_wait3A_343 = arith.constant 0 : i32
    %dma_wait3A_344 = tpu.memref_slice %arg16[%dma_wait3A_342, %dma_wait3A_343] : memref<512x48xf32, #tpu.memory_space<vmem>> -> memref<128x48xf32, #tpu.memory_space<vmem>>
    %dma_wait3A_345 = arith.constant 0 : i32
    %dma_wait3A_346 = tpu.memref_slice %arg15[%dma_wait3A_341, %dma_wait3A_345] : memref<4x128xi32, #tpu.memory_space<vmem>> -> memref<1x128xi32, #tpu.memory_space<vmem>>
    %dma_wait3A_347 = tpu.memref_squeeze %dma_wait3A_346 : memref<1x128xi32, #tpu.memory_space<vmem>> -> memref<128xi32, #tpu.memory_space<vmem>>
    %dma_wait3A_348 = arith.constant 0 : i32
    %dma_wait3A_349 = arith.constant 0 : i32
    %dma_wait3A_350 = tpu.memref_slice %arg6[%dma_wait3A_348, %dma_wait3A_349] : memref<25016x48xf32, #tpu.memory_space<vmem_shared>> -> memref<25016x48xf32, #tpu.memory_space<vmem_shared>>
    tpu.wait_indirect_dma semaphore(%arg22 : memref<!tpu.dma_semaphore, #tpu.memory_space<semaphore_mem>>) src(%dma_wait3A_344 : memref<128x48xf32, #tpu.memory_space<vmem>>) dst(%dma_wait3A_350 : memref<25016x48xf32, #tpu.memory_space<vmem_shared>>)
    %dma_wait3A_351 = arith.constant 2 : i32
    %dma_wait3A_352 = arith.constant 256 : i32
    %dma_wait3A_353 = arith.constant 0 : i32
    %dma_wait3A_354 = tpu.memref_slice %arg16[%dma_wait3A_352, %dma_wait3A_353] : memref<512x48xf32, #tpu.memory_space<vmem>> -> memref<128x48xf32, #tpu.memory_space<vmem>>
    %dma_wait3A_355 = arith.constant 0 : i32
    %dma_wait3A_356 = tpu.memref_slice %arg15[%dma_wait3A_351, %dma_wait3A_355] : memref<4x128xi32, #tpu.memory_space<vmem>> -> memref<1x128xi32, #tpu.memory_space<vmem>>
    %dma_wait3A_357 = tpu.memref_squeeze %dma_wait3A_356 : memref<1x128xi32, #tpu.memory_space<vmem>> -> memref<128xi32, #tpu.memory_space<vmem>>
    %dma_wait3A_358 = arith.constant 0 : i32
    %dma_wait3A_359 = arith.constant 0 : i32
    %dma_wait3A_360 = tpu.memref_slice %arg6[%dma_wait3A_358, %dma_wait3A_359] : memref<25016x48xf32, #tpu.memory_space<vmem_shared>> -> memref<25016x48xf32, #tpu.memory_space<vmem_shared>>
    tpu.wait_indirect_dma semaphore(%arg22 : memref<!tpu.dma_semaphore, #tpu.memory_space<semaphore_mem>>) src(%dma_wait3A_354 : memref<128x48xf32, #tpu.memory_space<vmem>>) dst(%dma_wait3A_360 : memref<25016x48xf32, #tpu.memory_space<vmem_shared>>)
    %dma_wait3A_361 = arith.constant 3 : i32
    %dma_wait3A_362 = arith.constant 384 : i32
    %dma_wait3A_363 = arith.constant 0 : i32
    %dma_wait3A_364 = tpu.memref_slice %arg16[%dma_wait3A_362, %dma_wait3A_363] : memref<512x48xf32, #tpu.memory_space<vmem>> -> memref<128x48xf32, #tpu.memory_space<vmem>>
    %dma_wait3A_365 = arith.constant 0 : i32
    %dma_wait3A_366 = tpu.memref_slice %arg15[%dma_wait3A_361, %dma_wait3A_365] : memref<4x128xi32, #tpu.memory_space<vmem>> -> memref<1x128xi32, #tpu.memory_space<vmem>>
    %dma_wait3A_367 = tpu.memref_squeeze %dma_wait3A_366 : memref<1x128xi32, #tpu.memory_space<vmem>> -> memref<128xi32, #tpu.memory_space<vmem>>
    %dma_wait3A_368 = arith.constant 0 : i32
    %dma_wait3A_369 = arith.constant 0 : i32
    %dma_wait3A_370 = tpu.memref_slice %arg6[%dma_wait3A_368, %dma_wait3A_369] : memref<25016x48xf32, #tpu.memory_space<vmem_shared>> -> memref<25016x48xf32, #tpu.memory_space<vmem_shared>>
    tpu.wait_indirect_dma semaphore(%arg22 : memref<!tpu.dma_semaphore, #tpu.memory_space<semaphore_mem>>) src(%dma_wait3A_364 : memref<128x48xf32, #tpu.memory_space<vmem>>) dst(%dma_wait3A_370 : memref<25016x48xf32, #tpu.memory_space<vmem_shared>>)
    %barrier3A_371 = arith.constant 0 : index
    tpu.barrier barrier_id(%barrier3A_371)
    %add3A_372 = arith.constant 0 : i32
    %add3A_373 = arith.addi %arg1, %add3A_372 : i32
    %lt3A_374 = arith.constant 25 : i32
    %lt3A_375 = arith.cmpi slt, %add3A_373, %lt3A_374 : i32
    %convert_element_type3A_376 = arith.extui %lt3A_375 : i1 to i32
    %cond3A_377 = arith.constant 0 : i32
    %cond3A_378 = arith.cmpi ne, %convert_element_type3A_376, %cond3A_377 : i32
    scf.if %cond3A_378 {
      %mul3A_783 = arith.constant 1000 : i32
      %mul3A_784 = arith.muli %add3A_373, %mul3A_783 : i32
      %mul3A_785 = arith.constant 1000 : i32
      %mul3A_786 = arith.muli %add3A_373, %mul3A_785 : i32
      %add3A_787 = arith.addi %mul3A_3, %mul3A_786 : i32
      "tpu.region"() ({
        %run_scoped3A = tpu.sem_alloc : memref<!tpu.dma_semaphore, #tpu.memory_space<semaphore_mem>>
        %dma_start3A_788 = arith.constant 0 : i32
        %dma_start3A_789 = tpu.memref_slice %arg5[%add3A_787, %dma_start3A_788] : memref<100000x48xf32, #tpu.memory_space<hbm>> -> memref<1000x48xf32, #tpu.memory_space<hbm>>
        %dma_start3A_790 = arith.constant 0 : i32
        %dma_start3A_791 = tpu.memref_slice %arg6[%mul3A_784, %dma_start3A_790] : memref<25016x48xf32, #tpu.memory_space<vmem_shared>> -> memref<1000x48xf32, #tpu.memory_space<vmem_shared>>
        tpu.enqueue_dma source(%dma_start3A_791 : memref<1000x48xf32, #tpu.memory_space<vmem_shared>>) target(%dma_start3A_789 : memref<1000x48xf32, #tpu.memory_space<hbm>>) target_semaphore(%run_scoped3A : memref<!tpu.dma_semaphore, #tpu.memory_space<semaphore_mem>>)
        %dma_wait3A_792 = arith.constant 0 : i32
        %dma_wait3A_793 = tpu.memref_slice %arg5[%add3A_787, %dma_wait3A_792] : memref<100000x48xf32, #tpu.memory_space<hbm>> -> memref<1000x48xf32, #tpu.memory_space<hbm>>
        %dma_wait3A_794 = arith.constant 0 : i32
        %dma_wait3A_795 = tpu.memref_slice %arg6[%mul3A_784, %dma_wait3A_794] : memref<25016x48xf32, #tpu.memory_space<vmem_shared>> -> memref<1000x48xf32, #tpu.memory_space<vmem_shared>>
        tpu.wait_dma2 semaphore(%run_scoped3A : memref<!tpu.dma_semaphore, #tpu.memory_space<semaphore_mem>>) src(%dma_wait3A_795 : memref<1000x48xf32, #tpu.memory_space<vmem_shared>>) dst(%dma_wait3A_793 : memref<1000x48xf32, #tpu.memory_space<hbm>>)
        tpu.yield
      }) : () -> ()
    } else {
    }
    %add3A_379 = arith.constant 16 : i32
    %add3A_380 = arith.addi %arg1, %add3A_379 : i32
    %lt3A_381 = arith.constant 25 : i32
    %lt3A_382 = arith.cmpi slt, %add3A_380, %lt3A_381 : i32
    %convert_element_type3A_383 = arith.extui %lt3A_382 : i1 to i32
    %cond3A_384 = arith.constant 0 : i32
    %cond3A_385 = arith.cmpi ne, %convert_element_type3A_383, %cond3A_384 : i32
    scf.if %cond3A_385 {
      %mul3A_783 = arith.constant 1000 : i32
      %mul3A_784 = arith.muli %add3A_380, %mul3A_783 : i32
      %mul3A_785 = arith.constant 1000 : i32
      %mul3A_786 = arith.muli %add3A_380, %mul3A_785 : i32
      %add3A_787 = arith.addi %mul3A_3, %mul3A_786 : i32
      "tpu.region"() ({
        %run_scoped3A = tpu.sem_alloc : memref<!tpu.dma_semaphore, #tpu.memory_space<semaphore_mem>>
        %dma_start3A_788 = arith.constant 0 : i32
        %dma_start3A_789 = tpu.memref_slice %arg5[%add3A_787, %dma_start3A_788] : memref<100000x48xf32, #tpu.memory_space<hbm>> -> memref<1000x48xf32, #tpu.memory_space<hbm>>
        %dma_start3A_790 = arith.constant 0 : i32
        %dma_start3A_791 = tpu.memref_slice %arg6[%mul3A_784, %dma_start3A_790] : memref<25016x48xf32, #tpu.memory_space<vmem_shared>> -> memref<1000x48xf32, #tpu.memory_space<vmem_shared>>
        tpu.enqueue_dma source(%dma_start3A_791 : memref<1000x48xf32, #tpu.memory_space<vmem_shared>>) target(%dma_start3A_789 : memref<1000x48xf32, #tpu.memory_space<hbm>>) target_semaphore(%run_scoped3A : memref<!tpu.dma_semaphore, #tpu.memory_space<semaphore_mem>>)
        %dma_wait3A_792 = arith.constant 0 : i32
        %dma_wait3A_793 = tpu.memref_slice %arg5[%add3A_787, %dma_wait3A_792] : memref<100000x48xf32, #tpu.memory_space<hbm>> -> memref<1000x48xf32, #tpu.memory_space<hbm>>
        %dma_wait3A_794 = arith.constant 0 : i32
        %dma_wait3A_795 = tpu.memref_slice %arg6[%mul3A_784, %dma_wait3A_794] : memref<25016x48xf32, #tpu.memory_space<vmem_shared>> -> memref<1000x48xf32, #tpu.memory_space<vmem_shared>>
        tpu.wait_dma2 semaphore(%run_scoped3A : memref<!tpu.dma_semaphore, #tpu.memory_space<semaphore_mem>>) src(%dma_wait3A_795 : memref<1000x48xf32, #tpu.memory_space<vmem_shared>>) dst(%dma_wait3A_793 : memref<1000x48xf32, #tpu.memory_space<hbm>>)
        tpu.yield
      }) : () -> ()
    } else {
    }
    %barrier3A_386 = arith.constant 0 : index
    tpu.barrier barrier_id(%barrier3A_386)
    %mul3A_387 = arith.constant 2 : i32
    %mul3A_388 = arith.muli %mul3A_387, %arg0 : i32
    %add3A_389 = arith.constant 1 : i32
    %add3A_390 = arith.addi %mul3A_388, %add3A_389 : i32
    %mul3A_391 = arith.constant 25000 : i32
    %mul3A_392 = arith.muli %add3A_390, %mul3A_391 : i32
    %add3A_393 = arith.constant 25000 : i32
    %add3A_394 = arith.addi %add3A_393, %arg1 : i32
    %add3A_395 = arith.constant 0 : i32
    %add3A_396 = arith.addi %arg1, %add3A_395 : i32
    %lt3A_397 = arith.constant 25 : i32
    %lt3A_398 = arith.cmpi slt, %add3A_396, %lt3A_397 : i32
    %convert_element_type3A_399 = arith.extui %lt3A_398 : i1 to i32
    %cond3A_400 = arith.constant 0 : i32
    %cond3A_401 = arith.cmpi ne, %convert_element_type3A_399, %cond3A_400 : i32
    scf.if %cond3A_401 {
      %mul3A_783 = arith.constant 1000 : i32
      %mul3A_784 = arith.muli %add3A_396, %mul3A_783 : i32
      %add3A_785 = arith.addi %mul3A_392, %mul3A_784 : i32
      %mul3A_786 = arith.constant 1000 : i32
      %mul3A_787 = arith.muli %add3A_396, %mul3A_786 : i32
      "tpu.region"() ({
        %run_scoped3A = tpu.sem_alloc : memref<!tpu.dma_semaphore, #tpu.memory_space<semaphore_mem>>
        %dma_start3A_788 = arith.constant 0 : i32
        %dma_start3A_789 = tpu.memref_slice %arg6[%mul3A_787, %dma_start3A_788] : memref<25016x48xf32, #tpu.memory_space<vmem_shared>> -> memref<1000x48xf32, #tpu.memory_space<vmem_shared>>
        %dma_start3A_790 = arith.constant 0 : i32
        %dma_start3A_791 = tpu.memref_slice %arg2[%add3A_785, %dma_start3A_790] : memref<100000x48xf32, #tpu.memory_space<hbm>> -> memref<1000x48xf32, #tpu.memory_space<hbm>>
        tpu.enqueue_dma source(%dma_start3A_791 : memref<1000x48xf32, #tpu.memory_space<hbm>>) target(%dma_start3A_789 : memref<1000x48xf32, #tpu.memory_space<vmem_shared>>) target_semaphore(%run_scoped3A : memref<!tpu.dma_semaphore, #tpu.memory_space<semaphore_mem>>)
        %dma_wait3A_792 = arith.constant 0 : i32
        %dma_wait3A_793 = tpu.memref_slice %arg6[%mul3A_787, %dma_wait3A_792] : memref<25016x48xf32, #tpu.memory_space<vmem_shared>> -> memref<1000x48xf32, #tpu.memory_space<vmem_shared>>
        %dma_wait3A_794 = arith.constant 0 : i32
        %dma_wait3A_795 = tpu.memref_slice %arg2[%add3A_785, %dma_wait3A_794] : memref<100000x48xf32, #tpu.memory_space<hbm>> -> memref<1000x48xf32, #tpu.memory_space<hbm>>
        tpu.wait_dma2 semaphore(%run_scoped3A : memref<!tpu.dma_semaphore, #tpu.memory_space<semaphore_mem>>) src(%dma_wait3A_795 : memref<1000x48xf32, #tpu.memory_space<hbm>>) dst(%dma_wait3A_793 : memref<1000x48xf32, #tpu.memory_space<vmem_shared>>)
        tpu.yield
      }) : () -> ()
    } else {
    }
    %add3A_402 = arith.constant 16 : i32
    %add3A_403 = arith.addi %arg1, %add3A_402 : i32
    %lt3A_404 = arith.constant 25 : i32
    %lt3A_405 = arith.cmpi slt, %add3A_403, %lt3A_404 : i32
    %convert_element_type3A_406 = arith.extui %lt3A_405 : i1 to i32
    %cond3A_407 = arith.constant 0 : i32
    %cond3A_408 = arith.cmpi ne, %convert_element_type3A_406, %cond3A_407 : i32
    scf.if %cond3A_408 {
      %mul3A_783 = arith.constant 1000 : i32
      %mul3A_784 = arith.muli %add3A_403, %mul3A_783 : i32
      %add3A_785 = arith.addi %mul3A_392, %mul3A_784 : i32
      %mul3A_786 = arith.constant 1000 : i32
      %mul3A_787 = arith.muli %add3A_403, %mul3A_786 : i32
      "tpu.region"() ({
        %run_scoped3A = tpu.sem_alloc : memref<!tpu.dma_semaphore, #tpu.memory_space<semaphore_mem>>
        %dma_start3A_788 = arith.constant 0 : i32
        %dma_start3A_789 = tpu.memref_slice %arg6[%mul3A_787, %dma_start3A_788] : memref<25016x48xf32, #tpu.memory_space<vmem_shared>> -> memref<1000x48xf32, #tpu.memory_space<vmem_shared>>
        %dma_start3A_790 = arith.constant 0 : i32
        %dma_start3A_791 = tpu.memref_slice %arg2[%add3A_785, %dma_start3A_790] : memref<100000x48xf32, #tpu.memory_space<hbm>> -> memref<1000x48xf32, #tpu.memory_space<hbm>>
        tpu.enqueue_dma source(%dma_start3A_791 : memref<1000x48xf32, #tpu.memory_space<hbm>>) target(%dma_start3A_789 : memref<1000x48xf32, #tpu.memory_space<vmem_shared>>) target_semaphore(%run_scoped3A : memref<!tpu.dma_semaphore, #tpu.memory_space<semaphore_mem>>)
        %dma_wait3A_792 = arith.constant 0 : i32
        %dma_wait3A_793 = tpu.memref_slice %arg6[%mul3A_787, %dma_wait3A_792] : memref<25016x48xf32, #tpu.memory_space<vmem_shared>> -> memref<1000x48xf32, #tpu.memory_space<vmem_shared>>
        %dma_wait3A_794 = arith.constant 0 : i32
        %dma_wait3A_795 = tpu.memref_slice %arg2[%add3A_785, %dma_wait3A_794] : memref<100000x48xf32, #tpu.memory_space<hbm>> -> memref<1000x48xf32, #tpu.memory_space<hbm>>
        tpu.wait_dma2 semaphore(%run_scoped3A : memref<!tpu.dma_semaphore, #tpu.memory_space<semaphore_mem>>) src(%dma_wait3A_795 : memref<1000x48xf32, #tpu.memory_space<hbm>>) dst(%dma_wait3A_793 : memref<1000x48xf32, #tpu.memory_space<vmem_shared>>)
        tpu.yield
      }) : () -> ()
    } else {
    }
    %barrier3A_409 = arith.constant 0 : index
    tpu.barrier barrier_id(%barrier3A_409)
    %mul3A_410 = arith.constant 102400 : i32
    %mul3A_411 = arith.muli %arg1, %mul3A_410 : i32
    %add3A_412 = arith.constant 0 : i32
    %add3A_413 = arith.addi %mul3A_411, %add3A_412 : i32
    %dma_start3A_414 = tpu.memref_slice %arg4[%add3A_413] : memref<1638400xi32, #tpu.memory_space<hbm>> -> memref<512xi32, #tpu.memory_space<hbm>>
    %dma_start3A_415 = tpu.memref_slice %arg4[%add3A_413] : memref<1638400xi32, #tpu.memory_space<hbm>> -> memref<512xi32, #tpu.memory_space<hbm>>
    tpu.enqueue_dma source(%dma_start3A_415 : memref<512xi32, #tpu.memory_space<hbm>>) target(%arg7 : memref<512xi32, #tpu.memory_space<vmem>>) target_semaphore(%arg17 : memref<!tpu.dma_semaphore, #tpu.memory_space<semaphore_mem>>)
    %dma_start3A_416 = tpu.memref_slice %arg3[%add3A_413] : memref<1638400xi32, #tpu.memory_space<hbm>> -> memref<512xi32, #tpu.memory_space<hbm>>
    %dma_start3A_417 = tpu.memref_slice %arg3[%add3A_413] : memref<1638400xi32, #tpu.memory_space<hbm>> -> memref<512xi32, #tpu.memory_space<hbm>>
    tpu.enqueue_dma source(%dma_start3A_417 : memref<512xi32, #tpu.memory_space<hbm>>) target(%arg8 : memref<512xi32, #tpu.memory_space<vmem>>) target_semaphore(%arg17 : memref<!tpu.dma_semaphore, #tpu.memory_space<semaphore_mem>>)
    %mul3A_418 = arith.constant 102400 : i32
    %mul3A_419 = arith.muli %arg1, %mul3A_418 : i32
    %add3A_420 = arith.constant 512 : i32
    %add3A_421 = arith.addi %mul3A_419, %add3A_420 : i32
    %dma_start3A_422 = tpu.memref_slice %arg4[%add3A_421] : memref<1638400xi32, #tpu.memory_space<hbm>> -> memref<512xi32, #tpu.memory_space<hbm>>
    %dma_start3A_423 = tpu.memref_slice %arg4[%add3A_421] : memref<1638400xi32, #tpu.memory_space<hbm>> -> memref<512xi32, #tpu.memory_space<hbm>>
    tpu.enqueue_dma source(%dma_start3A_423 : memref<512xi32, #tpu.memory_space<hbm>>) target(%arg12 : memref<512xi32, #tpu.memory_space<vmem>>) target_semaphore(%arg18 : memref<!tpu.dma_semaphore, #tpu.memory_space<semaphore_mem>>)
    %dma_start3A_424 = tpu.memref_slice %arg3[%add3A_421] : memref<1638400xi32, #tpu.memory_space<hbm>> -> memref<512xi32, #tpu.memory_space<hbm>>
    %dma_start3A_425 = tpu.memref_slice %arg3[%add3A_421] : memref<1638400xi32, #tpu.memory_space<hbm>> -> memref<512xi32, #tpu.memory_space<hbm>>
    tpu.enqueue_dma source(%dma_start3A_425 : memref<512xi32, #tpu.memory_space<hbm>>) target(%arg13 : memref<512xi32, #tpu.memory_space<vmem>>) target_semaphore(%arg18 : memref<!tpu.dma_semaphore, #tpu.memory_space<semaphore_mem>>)
    %dma_wait3A_426 = arith.constant 0 : i32
    %dma_wait3A_427 = tpu.memref_slice %arg4[%dma_wait3A_426] : memref<1638400xi32, #tpu.memory_space<hbm>> -> memref<512xi32, #tpu.memory_space<hbm>>
    %dma_wait3A_428 = arith.constant 0 : i32
    %dma_wait3A_429 = tpu.memref_slice %arg4[%dma_wait3A_428] : memref<1638400xi32, #tpu.memory_space<hbm>> -> memref<512xi32, #tpu.memory_space<hbm>>
    tpu.wait_dma2 semaphore(%arg17 : memref<!tpu.dma_semaphore, #tpu.memory_space<semaphore_mem>>) src(%dma_wait3A_429 : memref<512xi32, #tpu.memory_space<hbm>>) dst(%arg7 : memref<512xi32, #tpu.memory_space<vmem>>)
    %dma_wait3A_430 = arith.constant 0 : i32
    %dma_wait3A_431 = tpu.memref_slice %arg3[%dma_wait3A_430] : memref<1638400xi32, #tpu.memory_space<hbm>> -> memref<512xi32, #tpu.memory_space<hbm>>
    %dma_wait3A_432 = arith.constant 0 : i32
    %dma_wait3A_433 = tpu.memref_slice %arg3[%dma_wait3A_432] : memref<1638400xi32, #tpu.memory_space<hbm>> -> memref<512xi32, #tpu.memory_space<hbm>>
    tpu.wait_dma2 semaphore(%arg17 : memref<!tpu.dma_semaphore, #tpu.memory_space<semaphore_mem>>) src(%dma_wait3A_433 : memref<512xi32, #tpu.memory_space<hbm>>) dst(%arg8 : memref<512xi32, #tpu.memory_space<vmem>>)
    %scan3A_434 = arith.constant 0 : i32
    %scan3A_435 = arith.constant 0 : i32
    %scan3A_436 = arith.constant 32 : i32
    %scan3A_437 = arith.addi %scan3A_435, %scan3A_436 : i32
    %scan3A_438 = arith.constant 1 : i32
    %scan3A_439 = scf.for %scan3A_783 = %scan3A_435 to %scan3A_437 step %scan3A_438 iter_args(%scan3A_784 = %scan3A_434) -> (i32)  : i32 {
      %mul3A_785 = arith.constant 16 : i32
      %mul3A_786 = arith.muli %scan3A_783, %mul3A_785 : i32
      %get3A = arith.index_cast %mul3A_786 : i32 to index
      %get3A_787 = tpu.vector_load %arg7[%get3A] {strides = array<i32>} : memref<512xi32, #tpu.memory_space<vmem>>, vector<16xi32>,
      %mul3A_788 = arith.constant 16 : i32
      %mul3A_789 = arith.muli %scan3A_783, %mul3A_788 : i32
      %get3A_790 = arith.index_cast %mul3A_789 : i32 to index
      %get3A_791 = tpu.vector_load %arg8[%get3A_790] {strides = array<i32>} : memref<512xi32, #tpu.memory_space<vmem>>, vector<16xi32>,
      %mul3A_792 = arith.constant 16 : i32
      %mul3A_793 = arith.muli %scan3A_783, %mul3A_792 : i32
      %swap3A = arith.index_cast %mul3A_793 : i32 to index
      %swap3A_794 = tpu.vector_load %arg9[%swap3A] {strides = array<i32>} : memref<512xi32, #tpu.memory_space<vmem>>, vector<16xi32>,
      tpu.vector_store %arg9[%swap3A], %get3A_791 {strides = array<i32>} : memref<512xi32, #tpu.memory_space<vmem>>, vector<16xi32>,
      %ge3A = vector.broadcast %mul3A_392 : i32 to vector<16xi32>
      %ge3A_795 = arith.cmpi sge, %get3A_787, %ge3A : vector<16xi32>
      %add3A_796 = arith.constant 25000 : i32
      %add3A_797 = arith.addi %mul3A_392, %add3A_796 : i32
      %lt3A_798 = vector.broadcast %add3A_797 : i32 to vector<16xi32>
      %lt3A_799 = arith.cmpi slt, %get3A_787, %lt3A_798 : vector<16xi32>
      %and3A = arith.andi %ge3A_795, %lt3A_799 : vector<16xi1>
      %sub3A = vector.broadcast %mul3A_392 : i32 to vector<16xi32>
      %sub3A_800 = arith.subi %get3A_787, %sub3A : vector<16xi32>
      %broadcast_in_dim3A = vector.broadcast %add3A_394 : i32 to vector<16xi32>
      %select_n3A = arith.select %and3A, %sub3A_800, %broadcast_in_dim3A : vector<16xi1>, vector<16xi32>
      %jit3A = arith.constant 8 : i32
      %div3A = arith.divsi %scan3A_783, %jit3A : i32
      %sign3A = arith.constant 0 : i32
      %sign3A_801 = arith.cmpi sgt, %scan3A_783, %sign3A : i32
      %sign3A_802 = arith.extui %sign3A_801 : i1 to i32
      %sign3A_803 = arith.constant 0 : i32
      %sign3A_804 = arith.cmpi slt, %scan3A_783, %sign3A_803 : i32
      %sign3A_805 = arith.extui %sign3A_804 : i1 to i32
      %sign3A_806 = arith.subi %sign3A_802, %sign3A_805 : i32
      %sign3A_807 = arith.constant 0 : i32
      %sign3A_808 = arith.cmpi sgt, %jit3A, %sign3A_807 : i32
      %sign3A_809 = arith.extui %sign3A_808 : i1 to i32
      %sign3A_810 = arith.constant 0 : i32
      %sign3A_811 = arith.cmpi slt, %jit3A, %sign3A_810 : i32
      %sign3A_812 = arith.extui %sign3A_811 : i1 to i32
      %sign3A_813 = arith.subi %sign3A_809, %sign3A_812 : i32
      %ne3A = arith.cmpi ne, %sign3A_806, %sign3A_813 : i32
      %rem3A = arith.remsi %scan3A_783, %jit3A : i32
      %ne3A_814 = arith.constant 0 : i32
      %ne3A_815 = arith.cmpi ne, %rem3A, %ne3A_814 : i32
      %and3A_816 = arith.andi %ne3A, %ne3A_815 : i1
      %sub3A_817 = arith.constant 1 : i32
      %sub3A_818 = arith.subi %div3A, %sub3A_817 : i32
      %select_n3A_819 = arith.select %and3A_816, %sub3A_818, %div3A : i32
      %jit3A_820 = arith.constant 8 : i32
      %eq3A = arith.constant 0 : i32
      %eq3A_821 = arith.cmpi eq, %jit3A_820, %eq3A : i32
      %jit3A_822 = arith.constant 1 : i32
      %select_n3A_823 = arith.select %eq3A_821, %jit3A_822, %jit3A_820 : i32
      %rem3A_824 = arith.remsi %scan3A_783, %select_n3A_823 : i32
      %ne3A_825 = arith.constant 0 : i32
      %ne3A_826 = arith.cmpi ne, %rem3A_824, %ne3A_825 : i32
      %lt3A_827 = arith.constant 0 : i32
      %lt3A_828 = arith.cmpi slt, %rem3A_824, %lt3A_827 : i32
      %lt3A_829 = arith.constant 0 : i32
      %lt3A_830 = arith.cmpi slt, %select_n3A_823, %lt3A_829 : i32
      %ne3A_831 = arith.xori %lt3A_828, %lt3A_830 : i1
      %and3A_832 = arith.andi %ne3A_831, %ne3A_826 : i1
      %add3A_833 = arith.addi %rem3A_824, %select_n3A_823 : i32
      %select_n3A_834 = arith.select %and3A_832, %add3A_833, %rem3A_824 : i32
      %mul3A_835 = arith.constant 16 : i32
      %mul3A_836 = arith.muli %select_n3A_834, %mul3A_835 : i32
      %swap3A_837 = arith.index_cast %select_n3A_819 : i32 to index
      %swap3A_838 = arith.index_cast %mul3A_836 : i32 to index
      %swap3A_839 = tpu.vector_load %arg10[%swap3A_837, %swap3A_838] {strides = array<i32>} : memref<4x128xi32, #tpu.memory_space<vmem>>, vector<16xi32>,
      tpu.vector_store %arg10[%swap3A_837, %swap3A_838], %select_n3A {strides = array<i32>} : memref<4x128xi32, #tpu.memory_space<vmem>>, vector<16xi32>,
      %scan3A_840 = arith.constant 0 : i32
      scf.yield %scan3A_840 : i32
    }
    %scan3A_440 = arith.constant 32 : i32
    %mul3A_441 = arith.constant 102400 : i32
    %mul3A_442 = arith.muli %arg1, %mul3A_441 : i32
    %add3A_443 = arith.constant 1024 : i32
    %add3A_444 = arith.addi %mul3A_442, %add3A_443 : i32
    %dma_start3A_445 = tpu.memref_slice %arg4[%add3A_444] : memref<1638400xi32, #tpu.memory_space<hbm>> -> memref<512xi32, #tpu.memory_space<hbm>>
    %dma_start3A_446 = tpu.memref_slice %arg4[%add3A_444] : memref<1638400xi32, #tpu.memory_space<hbm>> -> memref<512xi32, #tpu.memory_space<hbm>>
    tpu.enqueue_dma source(%dma_start3A_446 : memref<512xi32, #tpu.memory_space<hbm>>) target(%arg7 : memref<512xi32, #tpu.memory_space<vmem>>) target_semaphore(%arg17 : memref<!tpu.dma_semaphore, #tpu.memory_space<semaphore_mem>>)
    %dma_start3A_447 = tpu.memref_slice %arg3[%add3A_444] : memref<1638400xi32, #tpu.memory_space<hbm>> -> memref<512xi32, #tpu.memory_space<hbm>>
    %dma_start3A_448 = tpu.memref_slice %arg3[%add3A_444] : memref<1638400xi32, #tpu.memory_space<hbm>> -> memref<512xi32, #tpu.memory_space<hbm>>
    tpu.enqueue_dma source(%dma_start3A_448 : memref<512xi32, #tpu.memory_space<hbm>>) target(%arg8 : memref<512xi32, #tpu.memory_space<vmem>>) target_semaphore(%arg17 : memref<!tpu.dma_semaphore, #tpu.memory_space<semaphore_mem>>)
    %dma_start3A_449 = arith.constant 0 : i32
    %dma_start3A_450 = arith.constant 0 : i32
    %dma_start3A_451 = tpu.memref_slice %arg11[%dma_start3A_449, %dma_start3A_450] : memref<512x48xf32, #tpu.memory_space<vmem>> -> memref<128x48xf32, #tpu.memory_space<vmem>>
    %dma_start3A_452 = arith.constant 0 : i32
    %dma_start3A_453 = tpu.memref_slice %arg9[%dma_start3A_452] : memref<512xi32, #tpu.memory_space<vmem>> -> memref<128xi32, #tpu.memory_space<vmem>>
    %dma_start3A_454 = arith.constant 0 : i32
    %dma_start3A_455 = arith.constant 0 : i32
    %dma_start3A_456 = tpu.memref_slice %arg2[%dma_start3A_454, %dma_start3A_455] : memref<100000x48xf32, #tpu.memory_space<hbm>> -> memref<100000x48xf32, #tpu.memory_space<hbm>>
    tpu.enqueue_indirect_dma source(%dma_start3A_456 : memref<100000x48xf32, #tpu.memory_space<hbm>>) target(%dma_start3A_451 : memref<128x48xf32, #tpu.memory_space<vmem>>) offsets(%dma_start3A_453 : memref<128xi32, #tpu.memory_space<vmem>>) semaphore(%arg19 : memref<!tpu.dma_semaphore, #tpu.memory_space<semaphore_mem>>)
    %dma_start3A_457 = arith.constant 128 : i32
    %dma_start3A_458 = arith.constant 0 : i32
    %dma_start3A_459 = tpu.memref_slice %arg11[%dma_start3A_457, %dma_start3A_458] : memref<512x48xf32, #tpu.memory_space<vmem>> -> memref<128x48xf32, #tpu.memory_space<vmem>>
    %dma_start3A_460 = arith.constant 128 : i32
    %dma_start3A_461 = tpu.memref_slice %arg9[%dma_start3A_460] : memref<512xi32, #tpu.memory_space<vmem>> -> memref<128xi32, #tpu.memory_space<vmem>>
    %dma_start3A_462 = arith.constant 0 : i32
    %dma_start3A_463 = arith.constant 0 : i32
    %dma_start3A_464 = tpu.memref_slice %arg2[%dma_start3A_462, %dma_start3A_463] : memref<100000x48xf32, #tpu.memory_space<hbm>> -> memref<100000x48xf32, #tpu.memory_space<hbm>>
    tpu.enqueue_indirect_dma source(%dma_start3A_464 : memref<100000x48xf32, #tpu.memory_space<hbm>>) target(%dma_start3A_459 : memref<128x48xf32, #tpu.memory_space<vmem>>) offsets(%dma_start3A_461 : memref<128xi32, #tpu.memory_space<vmem>>) semaphore(%arg19 : memref<!tpu.dma_semaphore, #tpu.memory_space<semaphore_mem>>)
    %dma_start3A_465 = arith.constant 256 : i32
    %dma_start3A_466 = arith.constant 0 : i32
    %dma_start3A_467 = tpu.memref_slice %arg11[%dma_start3A_465, %dma_start3A_466] : memref<512x48xf32, #tpu.memory_space<vmem>> -> memref<128x48xf32, #tpu.memory_space<vmem>>
    %dma_start3A_468 = arith.constant 256 : i32
    %dma_start3A_469 = tpu.memref_slice %arg9[%dma_start3A_468] : memref<512xi32, #tpu.memory_space<vmem>> -> memref<128xi32, #tpu.memory_space<vmem>>
    %dma_start3A_470 = arith.constant 0 : i32
    %dma_start3A_471 = arith.constant 0 : i32
    %dma_start3A_472 = tpu.memref_slice %arg2[%dma_start3A_470, %dma_start3A_471] : memref<100000x48xf32, #tpu.memory_space<hbm>> -> memref<100000x48xf32, #tpu.memory_space<hbm>>
    tpu.enqueue_indirect_dma source(%dma_start3A_472 : memref<100000x48xf32, #tpu.memory_space<hbm>>) target(%dma_start3A_467 : memref<128x48xf32, #tpu.memory_space<vmem>>) offsets(%dma_start3A_469 : memref<128xi32, #tpu.memory_space<vmem>>) semaphore(%arg19 : memref<!tpu.dma_semaphore, #tpu.memory_space<semaphore_mem>>)
    %dma_start3A_473 = arith.constant 384 : i32
    %dma_start3A_474 = arith.constant 0 : i32
    %dma_start3A_475 = tpu.memref_slice %arg11[%dma_start3A_473, %dma_start3A_474] : memref<512x48xf32, #tpu.memory_space<vmem>> -> memref<128x48xf32, #tpu.memory_space<vmem>>
    %dma_start3A_476 = arith.constant 384 : i32
    %dma_start3A_477 = tpu.memref_slice %arg9[%dma_start3A_476] : memref<512xi32, #tpu.memory_space<vmem>> -> memref<128xi32, #tpu.memory_space<vmem>>
    %dma_start3A_478 = arith.constant 0 : i32
    %dma_start3A_479 = arith.constant 0 : i32
    %dma_start3A_480 = tpu.memref_slice %arg2[%dma_start3A_478, %dma_start3A_479] : memref<100000x48xf32, #tpu.memory_space<hbm>> -> memref<100000x48xf32, #tpu.memory_space<hbm>>
    tpu.enqueue_indirect_dma source(%dma_start3A_480 : memref<100000x48xf32, #tpu.memory_space<hbm>>) target(%dma_start3A_475 : memref<128x48xf32, #tpu.memory_space<vmem>>) offsets(%dma_start3A_477 : memref<128xi32, #tpu.memory_space<vmem>>) semaphore(%arg19 : memref<!tpu.dma_semaphore, #tpu.memory_space<semaphore_mem>>)
    %dma_wait3A_481 = arith.constant 0 : i32
    %dma_wait3A_482 = tpu.memref_slice %arg4[%dma_wait3A_481] : memref<1638400xi32, #tpu.memory_space<hbm>> -> memref<512xi32, #tpu.memory_space<hbm>>
    %dma_wait3A_483 = arith.constant 0 : i32
    %dma_wait3A_484 = tpu.memref_slice %arg4[%dma_wait3A_483] : memref<1638400xi32, #tpu.memory_space<hbm>> -> memref<512xi32, #tpu.memory_space<hbm>>
    tpu.wait_dma2 semaphore(%arg18 : memref<!tpu.dma_semaphore, #tpu.memory_space<semaphore_mem>>) src(%dma_wait3A_484 : memref<512xi32, #tpu.memory_space<hbm>>) dst(%arg12 : memref<512xi32, #tpu.memory_space<vmem>>)
    %dma_wait3A_485 = arith.constant 0 : i32
    %dma_wait3A_486 = tpu.memref_slice %arg3[%dma_wait3A_485] : memref<1638400xi32, #tpu.memory_space<hbm>> -> memref<512xi32, #tpu.memory_space<hbm>>
    %dma_wait3A_487 = arith.constant 0 : i32
    %dma_wait3A_488 = tpu.memref_slice %arg3[%dma_wait3A_487] : memref<1638400xi32, #tpu.memory_space<hbm>> -> memref<512xi32, #tpu.memory_space<hbm>>
    tpu.wait_dma2 semaphore(%arg18 : memref<!tpu.dma_semaphore, #tpu.memory_space<semaphore_mem>>) src(%dma_wait3A_488 : memref<512xi32, #tpu.memory_space<hbm>>) dst(%arg13 : memref<512xi32, #tpu.memory_space<vmem>>)
    %scan3A_489 = arith.constant 0 : i32
    %scan3A_490 = arith.constant 0 : i32
    %scan3A_491 = arith.constant 32 : i32
    %scan3A_492 = arith.addi %scan3A_490, %scan3A_491 : i32
    %scan3A_493 = arith.constant 1 : i32
    %scan3A_494 = scf.for %scan3A_783 = %scan3A_490 to %scan3A_492 step %scan3A_493 iter_args(%scan3A_784 = %scan3A_489) -> (i32)  : i32 {
      %mul3A_785 = arith.constant 16 : i32
      %mul3A_786 = arith.muli %scan3A_783, %mul3A_785 : i32
      %get3A = arith.index_cast %mul3A_786 : i32 to index
      %get3A_787 = tpu.vector_load %arg12[%get3A] {strides = array<i32>} : memref<512xi32, #tpu.memory_space<vmem>>, vector<16xi32>,
      %mul3A_788 = arith.constant 16 : i32
      %mul3A_789 = arith.muli %scan3A_783, %mul3A_788 : i32
      %get3A_790 = arith.index_cast %mul3A_789 : i32 to index
      %get3A_791 = tpu.vector_load %arg13[%get3A_790] {strides = array<i32>} : memref<512xi32, #tpu.memory_space<vmem>>, vector<16xi32>,
      %mul3A_792 = arith.constant 16 : i32
      %mul3A_793 = arith.muli %scan3A_783, %mul3A_792 : i32
      %swap3A = arith.index_cast %mul3A_793 : i32 to index
      %swap3A_794 = tpu.vector_load %arg14[%swap3A] {strides = array<i32>} : memref<512xi32, #tpu.memory_space<vmem>>, vector<16xi32>,
      tpu.vector_store %arg14[%swap3A], %get3A_791 {strides = array<i32>} : memref<512xi32, #tpu.memory_space<vmem>>, vector<16xi32>,
      %ge3A = vector.broadcast %mul3A_392 : i32 to vector<16xi32>
      %ge3A_795 = arith.cmpi sge, %get3A_787, %ge3A : vector<16xi32>
      %add3A_796 = arith.constant 25000 : i32
      %add3A_797 = arith.addi %mul3A_392, %add3A_796 : i32
      %lt3A_798 = vector.broadcast %add3A_797 : i32 to vector<16xi32>
      %lt3A_799 = arith.cmpi slt, %get3A_787, %lt3A_798 : vector<16xi32>
      %and3A = arith.andi %ge3A_795, %lt3A_799 : vector<16xi1>
      %sub3A = vector.broadcast %mul3A_392 : i32 to vector<16xi32>
      %sub3A_800 = arith.subi %get3A_787, %sub3A : vector<16xi32>
      %broadcast_in_dim3A = vector.broadcast %add3A_394 : i32 to vector<16xi32>
      %select_n3A = arith.select %and3A, %sub3A_800, %broadcast_in_dim3A : vector<16xi1>, vector<16xi32>
      %jit3A = arith.constant 8 : i32
      %div3A = arith.divsi %scan3A_783, %jit3A : i32
      %sign3A = arith.constant 0 : i32
      %sign3A_801 = arith.cmpi sgt, %scan3A_783, %sign3A : i32
      %sign3A_802 = arith.extui %sign3A_801 : i1 to i32
      %sign3A_803 = arith.constant 0 : i32
      %sign3A_804 = arith.cmpi slt, %scan3A_783, %sign3A_803 : i32
      %sign3A_805 = arith.extui %sign3A_804 : i1 to i32
      %sign3A_806 = arith.subi %sign3A_802, %sign3A_805 : i32
      %sign3A_807 = arith.constant 0 : i32
      %sign3A_808 = arith.cmpi sgt, %jit3A, %sign3A_807 : i32
      %sign3A_809 = arith.extui %sign3A_808 : i1 to i32
      %sign3A_810 = arith.constant 0 : i32
      %sign3A_811 = arith.cmpi slt, %jit3A, %sign3A_810 : i32
      %sign3A_812 = arith.extui %sign3A_811 : i1 to i32
      %sign3A_813 = arith.subi %sign3A_809, %sign3A_812 : i32
      %ne3A = arith.cmpi ne, %sign3A_806, %sign3A_813 : i32
      %rem3A = arith.remsi %scan3A_783, %jit3A : i32
      %ne3A_814 = arith.constant 0 : i32
      %ne3A_815 = arith.cmpi ne, %rem3A, %ne3A_814 : i32
      %and3A_816 = arith.andi %ne3A, %ne3A_815 : i1
      %sub3A_817 = arith.constant 1 : i32
      %sub3A_818 = arith.subi %div3A, %sub3A_817 : i32
      %select_n3A_819 = arith.select %and3A_816, %sub3A_818, %div3A : i32
      %jit3A_820 = arith.constant 8 : i32
      %eq3A = arith.constant 0 : i32
      %eq3A_821 = arith.cmpi eq, %jit3A_820, %eq3A : i32
      %jit3A_822 = arith.constant 1 : i32
      %select_n3A_823 = arith.select %eq3A_821, %jit3A_822, %jit3A_820 : i32
      %rem3A_824 = arith.remsi %scan3A_783, %select_n3A_823 : i32
      %ne3A_825 = arith.constant 0 : i32
      %ne3A_826 = arith.cmpi ne, %rem3A_824, %ne3A_825 : i32
      %lt3A_827 = arith.constant 0 : i32
      %lt3A_828 = arith.cmpi slt, %rem3A_824, %lt3A_827 : i32
      %lt3A_829 = arith.constant 0 : i32
      %lt3A_830 = arith.cmpi slt, %select_n3A_823, %lt3A_829 : i32
      %ne3A_831 = arith.xori %lt3A_828, %lt3A_830 : i1
      %and3A_832 = arith.andi %ne3A_831, %ne3A_826 : i1
      %add3A_833 = arith.addi %rem3A_824, %select_n3A_823 : i32
      %select_n3A_834 = arith.select %and3A_832, %add3A_833, %rem3A_824 : i32
      %mul3A_835 = arith.constant 16 : i32
      %mul3A_836 = arith.muli %select_n3A_834, %mul3A_835 : i32
      %swap3A_837 = arith.index_cast %select_n3A_819 : i32 to index
      %swap3A_838 = arith.index_cast %mul3A_836 : i32 to index
      %swap3A_839 = tpu.vector_load %arg15[%swap3A_837, %swap3A_838] {strides = array<i32>} : memref<4x128xi32, #tpu.memory_space<vmem>>, vector<16xi32>,
      tpu.vector_store %arg15[%swap3A_837, %swap3A_838], %select_n3A {strides = array<i32>} : memref<4x128xi32, #tpu.memory_space<vmem>>, vector<16xi32>,
      %scan3A_840 = arith.constant 0 : i32
      scf.yield %scan3A_840 : i32
    }
    %scan3A_495 = arith.constant 32 : i32
    %mul3A_496 = arith.constant 102400 : i32
    %mul3A_497 = arith.muli %arg1, %mul3A_496 : i32
    %add3A_498 = arith.constant 1536 : i32
    %add3A_499 = arith.addi %mul3A_497, %add3A_498 : i32
    %dma_start3A_500 = tpu.memref_slice %arg4[%add3A_499] : memref<1638400xi32, #tpu.memory_space<hbm>> -> memref<512xi32, #tpu.memory_space<hbm>>
    %dma_start3A_501 = tpu.memref_slice %arg4[%add3A_499] : memref<1638400xi32, #tpu.memory_space<hbm>> -> memref<512xi32, #tpu.memory_space<hbm>>
    tpu.enqueue_dma source(%dma_start3A_501 : memref<512xi32, #tpu.memory_space<hbm>>) target(%arg12 : memref<512xi32, #tpu.memory_space<vmem>>) target_semaphore(%arg18 : memref<!tpu.dma_semaphore, #tpu.memory_space<semaphore_mem>>)
    %dma_start3A_502 = tpu.memref_slice %arg3[%add3A_499] : memref<1638400xi32, #tpu.memory_space<hbm>> -> memref<512xi32, #tpu.memory_space<hbm>>
    %dma_start3A_503 = tpu.memref_slice %arg3[%add3A_499] : memref<1638400xi32, #tpu.memory_space<hbm>> -> memref<512xi32, #tpu.memory_space<hbm>>
    tpu.enqueue_dma source(%dma_start3A_503 : memref<512xi32, #tpu.memory_space<hbm>>) target(%arg13 : memref<512xi32, #tpu.memory_space<vmem>>) target_semaphore(%arg18 : memref<!tpu.dma_semaphore, #tpu.memory_space<semaphore_mem>>)
    %dma_start3A_504 = arith.constant 0 : i32
    %dma_start3A_505 = arith.constant 0 : i32
    %dma_start3A_506 = tpu.memref_slice %arg16[%dma_start3A_504, %dma_start3A_505] : memref<512x48xf32, #tpu.memory_space<vmem>> -> memref<128x48xf32, #tpu.memory_space<vmem>>
    %dma_start3A_507 = arith.constant 0 : i32
    %dma_start3A_508 = tpu.memref_slice %arg14[%dma_start3A_507] : memref<512xi32, #tpu.memory_space<vmem>> -> memref<128xi32, #tpu.memory_space<vmem>>
    %dma_start3A_509 = arith.constant 0 : i32
    %dma_start3A_510 = arith.constant 0 : i32
    %dma_start3A_511 = tpu.memref_slice %arg2[%dma_start3A_509, %dma_start3A_510] : memref<100000x48xf32, #tpu.memory_space<hbm>> -> memref<100000x48xf32, #tpu.memory_space<hbm>>
    tpu.enqueue_indirect_dma source(%dma_start3A_511 : memref<100000x48xf32, #tpu.memory_space<hbm>>) target(%dma_start3A_506 : memref<128x48xf32, #tpu.memory_space<vmem>>) offsets(%dma_start3A_508 : memref<128xi32, #tpu.memory_space<vmem>>) semaphore(%arg20 : memref<!tpu.dma_semaphore, #tpu.memory_space<semaphore_mem>>)
    %dma_start3A_512 = arith.constant 128 : i32
    %dma_start3A_513 = arith.constant 0 : i32
    %dma_start3A_514 = tpu.memref_slice %arg16[%dma_start3A_512, %dma_start3A_513] : memref<512x48xf32, #tpu.memory_space<vmem>> -> memref<128x48xf32, #tpu.memory_space<vmem>>
    %dma_start3A_515 = arith.constant 128 : i32
    %dma_start3A_516 = tpu.memref_slice %arg14[%dma_start3A_515] : memref<512xi32, #tpu.memory_space<vmem>> -> memref<128xi32, #tpu.memory_space<vmem>>
    %dma_start3A_517 = arith.constant 0 : i32
    %dma_start3A_518 = arith.constant 0 : i32
    %dma_start3A_519 = tpu.memref_slice %arg2[%dma_start3A_517, %dma_start3A_518] : memref<100000x48xf32, #tpu.memory_space<hbm>> -> memref<100000x48xf32, #tpu.memory_space<hbm>>
    tpu.enqueue_indirect_dma source(%dma_start3A_519 : memref<100000x48xf32, #tpu.memory_space<hbm>>) target(%dma_start3A_514 : memref<128x48xf32, #tpu.memory_space<vmem>>) offsets(%dma_start3A_516 : memref<128xi32, #tpu.memory_space<vmem>>) semaphore(%arg20 : memref<!tpu.dma_semaphore, #tpu.memory_space<semaphore_mem>>)
    %dma_start3A_520 = arith.constant 256 : i32
    %dma_start3A_521 = arith.constant 0 : i32
    %dma_start3A_522 = tpu.memref_slice %arg16[%dma_start3A_520, %dma_start3A_521] : memref<512x48xf32, #tpu.memory_space<vmem>> -> memref<128x48xf32, #tpu.memory_space<vmem>>
    %dma_start3A_523 = arith.constant 256 : i32
    %dma_start3A_524 = tpu.memref_slice %arg14[%dma_start3A_523] : memref<512xi32, #tpu.memory_space<vmem>> -> memref<128xi32, #tpu.memory_space<vmem>>
    %dma_start3A_525 = arith.constant 0 : i32
    %dma_start3A_526 = arith.constant 0 : i32
    %dma_start3A_527 = tpu.memref_slice %arg2[%dma_start3A_525, %dma_start3A_526] : memref<100000x48xf32, #tpu.memory_space<hbm>> -> memref<100000x48xf32, #tpu.memory_space<hbm>>
    tpu.enqueue_indirect_dma source(%dma_start3A_527 : memref<100000x48xf32, #tpu.memory_space<hbm>>) target(%dma_start3A_522 : memref<128x48xf32, #tpu.memory_space<vmem>>) offsets(%dma_start3A_524 : memref<128xi32, #tpu.memory_space<vmem>>) semaphore(%arg20 : memref<!tpu.dma_semaphore, #tpu.memory_space<semaphore_mem>>)
    %dma_start3A_528 = arith.constant 384 : i32
    %dma_start3A_529 = arith.constant 0 : i32
    %dma_start3A_530 = tpu.memref_slice %arg16[%dma_start3A_528, %dma_start3A_529] : memref<512x48xf32, #tpu.memory_space<vmem>> -> memref<128x48xf32, #tpu.memory_space<vmem>>
    %dma_start3A_531 = arith.constant 384 : i32
    %dma_start3A_532 = tpu.memref_slice %arg14[%dma_start3A_531] : memref<512xi32, #tpu.memory_space<vmem>> -> memref<128xi32, #tpu.memory_space<vmem>>
    %dma_start3A_533 = arith.constant 0 : i32
    %dma_start3A_534 = arith.constant 0 : i32
    %dma_start3A_535 = tpu.memref_slice %arg2[%dma_start3A_533, %dma_start3A_534] : memref<100000x48xf32, #tpu.memory_space<hbm>> -> memref<100000x48xf32, #tpu.memory_space<hbm>>
    tpu.enqueue_indirect_dma source(%dma_start3A_535 : memref<100000x48xf32, #tpu.memory_space<hbm>>) target(%dma_start3A_530 : memref<128x48xf32, #tpu.memory_space<vmem>>) offsets(%dma_start3A_532 : memref<128xi32, #tpu.memory_space<vmem>>) semaphore(%arg20 : memref<!tpu.dma_semaphore, #tpu.memory_space<semaphore_mem>>)
    %dma_wait3A_536 = arith.constant 0 : i32
    %dma_wait3A_537 = arith.constant 0 : i32
    %dma_wait3A_538 = tpu.memref_slice %arg11[%dma_wait3A_536, %dma_wait3A_537] : memref<512x48xf32, #tpu.memory_space<vmem>> -> memref<128x48xf32, #tpu.memory_space<vmem>>
    %dma_wait3A_539 = arith.constant 0 : i32
    %dma_wait3A_540 = tpu.memref_slice %arg9[%dma_wait3A_539] : memref<512xi32, #tpu.memory_space<vmem>> -> memref<128xi32, #tpu.memory_space<vmem>>
    %dma_wait3A_541 = arith.constant 0 : i32
    %dma_wait3A_542 = arith.constant 0 : i32
    %dma_wait3A_543 = tpu.memref_slice %arg2[%dma_wait3A_541, %dma_wait3A_542] : memref<100000x48xf32, #tpu.memory_space<hbm>> -> memref<100000x48xf32, #tpu.memory_space<hbm>>
    tpu.wait_indirect_dma semaphore(%arg19 : memref<!tpu.dma_semaphore, #tpu.memory_space<semaphore_mem>>) src(%dma_wait3A_543 : memref<100000x48xf32, #tpu.memory_space<hbm>>) dst(%dma_wait3A_538 : memref<128x48xf32, #tpu.memory_space<vmem>>)
    %dma_wait3A_544 = arith.constant 128 : i32
    %dma_wait3A_545 = arith.constant 0 : i32
    %dma_wait3A_546 = tpu.memref_slice %arg11[%dma_wait3A_544, %dma_wait3A_545] : memref<512x48xf32, #tpu.memory_space<vmem>> -> memref<128x48xf32, #tpu.memory_space<vmem>>
    %dma_wait3A_547 = arith.constant 128 : i32
    %dma_wait3A_548 = tpu.memref_slice %arg9[%dma_wait3A_547] : memref<512xi32, #tpu.memory_space<vmem>> -> memref<128xi32, #tpu.memory_space<vmem>>
    %dma_wait3A_549 = arith.constant 0 : i32
    %dma_wait3A_550 = arith.constant 0 : i32
    %dma_wait3A_551 = tpu.memref_slice %arg2[%dma_wait3A_549, %dma_wait3A_550] : memref<100000x48xf32, #tpu.memory_space<hbm>> -> memref<100000x48xf32, #tpu.memory_space<hbm>>
    tpu.wait_indirect_dma semaphore(%arg19 : memref<!tpu.dma_semaphore, #tpu.memory_space<semaphore_mem>>) src(%dma_wait3A_551 : memref<100000x48xf32, #tpu.memory_space<hbm>>) dst(%dma_wait3A_546 : memref<128x48xf32, #tpu.memory_space<vmem>>)
    %dma_wait3A_552 = arith.constant 256 : i32
    %dma_wait3A_553 = arith.constant 0 : i32
    %dma_wait3A_554 = tpu.memref_slice %arg11[%dma_wait3A_552, %dma_wait3A_553] : memref<512x48xf32, #tpu.memory_space<vmem>> -> memref<128x48xf32, #tpu.memory_space<vmem>>
    %dma_wait3A_555 = arith.constant 256 : i32
    %dma_wait3A_556 = tpu.memref_slice %arg9[%dma_wait3A_555] : memref<512xi32, #tpu.memory_space<vmem>> -> memref<128xi32, #tpu.memory_space<vmem>>
    %dma_wait3A_557 = arith.constant 0 : i32
    %dma_wait3A_558 = arith.constant 0 : i32
    %dma_wait3A_559 = tpu.memref_slice %arg2[%dma_wait3A_557, %dma_wait3A_558] : memref<100000x48xf32, #tpu.memory_space<hbm>> -> memref<100000x48xf32, #tpu.memory_space<hbm>>
    tpu.wait_indirect_dma semaphore(%arg19 : memref<!tpu.dma_semaphore, #tpu.memory_space<semaphore_mem>>) src(%dma_wait3A_559 : memref<100000x48xf32, #tpu.memory_space<hbm>>) dst(%dma_wait3A_554 : memref<128x48xf32, #tpu.memory_space<vmem>>)
    %dma_wait3A_560 = arith.constant 384 : i32
    %dma_wait3A_561 = arith.constant 0 : i32
    %dma_wait3A_562 = tpu.memref_slice %arg11[%dma_wait3A_560, %dma_wait3A_561] : memref<512x48xf32, #tpu.memory_space<vmem>> -> memref<128x48xf32, #tpu.memory_space<vmem>>
    %dma_wait3A_563 = arith.constant 384 : i32
    %dma_wait3A_564 = tpu.memref_slice %arg9[%dma_wait3A_563] : memref<512xi32, #tpu.memory_space<vmem>> -> memref<128xi32, #tpu.memory_space<vmem>>
    %dma_wait3A_565 = arith.constant 0 : i32
    %dma_wait3A_566 = arith.constant 0 : i32
    %dma_wait3A_567 = tpu.memref_slice %arg2[%dma_wait3A_565, %dma_wait3A_566] : memref<100000x48xf32, #tpu.memory_space<hbm>> -> memref<100000x48xf32, #tpu.memory_space<hbm>>
    tpu.wait_indirect_dma semaphore(%arg19 : memref<!tpu.dma_semaphore, #tpu.memory_space<semaphore_mem>>) src(%dma_wait3A_567 : memref<100000x48xf32, #tpu.memory_space<hbm>>) dst(%dma_wait3A_562 : memref<128x48xf32, #tpu.memory_space<vmem>>)
    %dma_start3A_568 = arith.constant 0 : i32
    %dma_start3A_569 = arith.constant 0 : i32
    %dma_start3A_570 = arith.constant 0 : i32
    %dma_start3A_571 = tpu.memref_slice %arg11[%dma_start3A_569, %dma_start3A_570] : memref<512x48xf32, #tpu.memory_space<vmem>> -> memref<128x48xf32, #tpu.memory_space<vmem>>
    %dma_start3A_572 = arith.constant 0 : i32
    %dma_start3A_573 = tpu.memref_slice %arg10[%dma_start3A_568, %dma_start3A_572] : memref<4x128xi32, #tpu.memory_space<vmem>> -> memref<1x128xi32, #tpu.memory_space<vmem>>
    %dma_start3A_574 = tpu.memref_squeeze %dma_start3A_573 : memref<1x128xi32, #tpu.memory_space<vmem>> -> memref<128xi32, #tpu.memory_space<vmem>>
    %dma_start3A_575 = arith.constant 0 : i32
    %dma_start3A_576 = arith.constant 0 : i32
    %dma_start3A_577 = tpu.memref_slice %arg6[%dma_start3A_575, %dma_start3A_576] : memref<25016x48xf32, #tpu.memory_space<vmem_shared>> -> memref<25016x48xf32, #tpu.memory_space<vmem_shared>>
    tpu.enqueue_indirect_dma source(%dma_start3A_571 : memref<128x48xf32, #tpu.memory_space<vmem>>) target(%dma_start3A_577 : memref<25016x48xf32, #tpu.memory_space<vmem_shared>>) offsets(%dma_start3A_574 : memref<128xi32, #tpu.memory_space<vmem>>) semaphore(%arg21 : memref<!tpu.dma_semaphore, #tpu.memory_space<semaphore_mem>>) {add = true}
    %dma_start3A_578 = arith.constant 1 : i32
    %dma_start3A_579 = arith.constant 128 : i32
    %dma_start3A_580 = arith.constant 0 : i32
    %dma_start3A_581 = tpu.memref_slice %arg11[%dma_start3A_579, %dma_start3A_580] : memref<512x48xf32, #tpu.memory_space<vmem>> -> memref<128x48xf32, #tpu.memory_space<vmem>>
    %dma_start3A_582 = arith.constant 0 : i32
    %dma_start3A_583 = tpu.memref_slice %arg10[%dma_start3A_578, %dma_start3A_582] : memref<4x128xi32, #tpu.memory_space<vmem>> -> memref<1x128xi32, #tpu.memory_space<vmem>>
    %dma_start3A_584 = tpu.memref_squeeze %dma_start3A_583 : memref<1x128xi32, #tpu.memory_space<vmem>> -> memref<128xi32, #tpu.memory_space<vmem>>
    %dma_start3A_585 = arith.constant 0 : i32
    %dma_start3A_586 = arith.constant 0 : i32
    %dma_start3A_587 = tpu.memref_slice %arg6[%dma_start3A_585, %dma_start3A_586] : memref<25016x48xf32, #tpu.memory_space<vmem_shared>> -> memref<25016x48xf32, #tpu.memory_space<vmem_shared>>
    tpu.enqueue_indirect_dma source(%dma_start3A_581 : memref<128x48xf32, #tpu.memory_space<vmem>>) target(%dma_start3A_587 : memref<25016x48xf32, #tpu.memory_space<vmem_shared>>) offsets(%dma_start3A_584 : memref<128xi32, #tpu.memory_space<vmem>>) semaphore(%arg21 : memref<!tpu.dma_semaphore, #tpu.memory_space<semaphore_mem>>) {add = true}
    %dma_start3A_588 = arith.constant 2 : i32
    %dma_start3A_589 = arith.constant 256 : i32
    %dma_start3A_590 = arith.constant 0 : i32
    %dma_start3A_591 = tpu.memref_slice %arg11[%dma_start3A_589, %dma_start3A_590] : memref<512x48xf32, #tpu.memory_space<vmem>> -> memref<128x48xf32, #tpu.memory_space<vmem>>
    %dma_start3A_592 = arith.constant 0 : i32
    %dma_start3A_593 = tpu.memref_slice %arg10[%dma_start3A_588, %dma_start3A_592] : memref<4x128xi32, #tpu.memory_space<vmem>> -> memref<1x128xi32, #tpu.memory_space<vmem>>
    %dma_start3A_594 = tpu.memref_squeeze %dma_start3A_593 : memref<1x128xi32, #tpu.memory_space<vmem>> -> memref<128xi32, #tpu.memory_space<vmem>>
    %dma_start3A_595 = arith.constant 0 : i32
    %dma_start3A_596 = arith.constant 0 : i32
    %dma_start3A_597 = tpu.memref_slice %arg6[%dma_start3A_595, %dma_start3A_596] : memref<25016x48xf32, #tpu.memory_space<vmem_shared>> -> memref<25016x48xf32, #tpu.memory_space<vmem_shared>>
    tpu.enqueue_indirect_dma source(%dma_start3A_591 : memref<128x48xf32, #tpu.memory_space<vmem>>) target(%dma_start3A_597 : memref<25016x48xf32, #tpu.memory_space<vmem_shared>>) offsets(%dma_start3A_594 : memref<128xi32, #tpu.memory_space<vmem>>) semaphore(%arg21 : memref<!tpu.dma_semaphore, #tpu.memory_space<semaphore_mem>>) {add = true}
    %dma_start3A_598 = arith.constant 3 : i32
    %dma_start3A_599 = arith.constant 384 : i32
    %dma_start3A_600 = arith.constant 0 : i32
    %dma_start3A_601 = tpu.memref_slice %arg11[%dma_start3A_599, %dma_start3A_600] : memref<512x48xf32, #tpu.memory_space<vmem>> -> memref<128x48xf32, #tpu.memory_space<vmem>>
    %dma_start3A_602 = arith.constant 0 : i32
    %dma_start3A_603 = tpu.memref_slice %arg10[%dma_start3A_598, %dma_start3A_602] : memref<4x128xi32, #tpu.memory_space<vmem>> -> memref<1x128xi32, #tpu.memory_space<vmem>>
    %dma_start3A_604 = tpu.memref_squeeze %dma_start3A_603 : memref<1x128xi32, #tpu.memory_space<vmem>> -> memref<128xi32, #tpu.memory_space<vmem>>
    %dma_start3A_605 = arith.constant 0 : i32
    %dma_start3A_606 = arith.constant 0 : i32
    %dma_start3A_607 = tpu.memref_slice %arg6[%dma_start3A_605, %dma_start3A_606] : memref<25016x48xf32, #tpu.memory_space<vmem_shared>> -> memref<25016x48xf32, #tpu.memory_space<vmem_shared>>
    tpu.enqueue_indirect_dma source(%dma_start3A_601 : memref<128x48xf32, #tpu.memory_space<vmem>>) target(%dma_start3A_607 : memref<25016x48xf32, #tpu.memory_space<vmem_shared>>) offsets(%dma_start3A_604 : memref<128xi32, #tpu.memory_space<vmem>>) semaphore(%arg21 : memref<!tpu.dma_semaphore, #tpu.memory_space<semaphore_mem>>) {add = true}
    %scan3A_608 = arith.constant 0 : i32
    %scan3A_609 = arith.constant 1 : i32
    %scan3A_610 = arith.constant 99 : i32
    %scan3A_611 = arith.addi %scan3A_609, %scan3A_610 : i32
    %scan3A_612 = arith.constant 1 : i32
    %scan3A_613 = scf.for %scan3A_783 = %scan3A_609 to %scan3A_611 step %scan3A_612 iter_args(%scan3A_784 = %scan3A_608) -> (i32)  : i32 {
      %dma_wait3A_785 = arith.constant 0 : i32
      %dma_wait3A_786 = arith.constant 0 : i32
      %dma_wait3A_787 = tpu.memref_slice %arg16[%dma_wait3A_785, %dma_wait3A_786] : memref<512x48xf32, #tpu.memory_space<vmem>> -> memref<128x48xf32, #tpu.memory_space<vmem>>
      %dma_wait3A_788 = arith.constant 0 : i32
      %dma_wait3A_789 = tpu.memref_slice %arg14[%dma_wait3A_788] : memref<512xi32, #tpu.memory_space<vmem>> -> memref<128xi32, #tpu.memory_space<vmem>>
      %dma_wait3A_790 = arith.constant 0 : i32
      %dma_wait3A_791 = arith.constant 0 : i32
      %dma_wait3A_792 = tpu.memref_slice %arg2[%dma_wait3A_790, %dma_wait3A_791] : memref<100000x48xf32, #tpu.memory_space<hbm>> -> memref<100000x48xf32, #tpu.memory_space<hbm>>
      tpu.wait_indirect_dma semaphore(%arg20 : memref<!tpu.dma_semaphore, #tpu.memory_space<semaphore_mem>>) src(%dma_wait3A_792 : memref<100000x48xf32, #tpu.memory_space<hbm>>) dst(%dma_wait3A_787 : memref<128x48xf32, #tpu.memory_space<vmem>>)
      %dma_wait3A_793 = arith.constant 128 : i32
      %dma_wait3A_794 = arith.constant 0 : i32
      %dma_wait3A_795 = tpu.memref_slice %arg16[%dma_wait3A_793, %dma_wait3A_794] : memref<512x48xf32, #tpu.memory_space<vmem>> -> memref<128x48xf32, #tpu.memory_space<vmem>>
      %dma_wait3A_796 = arith.constant 128 : i32
      %dma_wait3A_797 = tpu.memref_slice %arg14[%dma_wait3A_796] : memref<512xi32, #tpu.memory_space<vmem>> -> memref<128xi32, #tpu.memory_space<vmem>>
      %dma_wait3A_798 = arith.constant 0 : i32
      %dma_wait3A_799 = arith.constant 0 : i32
      %dma_wait3A_800 = tpu.memref_slice %arg2[%dma_wait3A_798, %dma_wait3A_799] : memref<100000x48xf32, #tpu.memory_space<hbm>> -> memref<100000x48xf32, #tpu.memory_space<hbm>>
      tpu.wait_indirect_dma semaphore(%arg20 : memref<!tpu.dma_semaphore, #tpu.memory_space<semaphore_mem>>) src(%dma_wait3A_800 : memref<100000x48xf32, #tpu.memory_space<hbm>>) dst(%dma_wait3A_795 : memref<128x48xf32, #tpu.memory_space<vmem>>)
      %dma_wait3A_801 = arith.constant 256 : i32
      %dma_wait3A_802 = arith.constant 0 : i32
      %dma_wait3A_803 = tpu.memref_slice %arg16[%dma_wait3A_801, %dma_wait3A_802] : memref<512x48xf32, #tpu.memory_space<vmem>> -> memref<128x48xf32, #tpu.memory_space<vmem>>
      %dma_wait3A_804 = arith.constant 256 : i32
      %dma_wait3A_805 = tpu.memref_slice %arg14[%dma_wait3A_804] : memref<512xi32, #tpu.memory_space<vmem>> -> memref<128xi32, #tpu.memory_space<vmem>>
      %dma_wait3A_806 = arith.constant 0 : i32
      %dma_wait3A_807 = arith.constant 0 : i32
      %dma_wait3A_808 = tpu.memref_slice %arg2[%dma_wait3A_806, %dma_wait3A_807] : memref<100000x48xf32, #tpu.memory_space<hbm>> -> memref<100000x48xf32, #tpu.memory_space<hbm>>
      tpu.wait_indirect_dma semaphore(%arg20 : memref<!tpu.dma_semaphore, #tpu.memory_space<semaphore_mem>>) src(%dma_wait3A_808 : memref<100000x48xf32, #tpu.memory_space<hbm>>) dst(%dma_wait3A_803 : memref<128x48xf32, #tpu.memory_space<vmem>>)
      %dma_wait3A_809 = arith.constant 384 : i32
      %dma_wait3A_810 = arith.constant 0 : i32
      %dma_wait3A_811 = tpu.memref_slice %arg16[%dma_wait3A_809, %dma_wait3A_810] : memref<512x48xf32, #tpu.memory_space<vmem>> -> memref<128x48xf32, #tpu.memory_space<vmem>>
      %dma_wait3A_812 = arith.constant 384 : i32
      %dma_wait3A_813 = tpu.memref_slice %arg14[%dma_wait3A_812] : memref<512xi32, #tpu.memory_space<vmem>> -> memref<128xi32, #tpu.memory_space<vmem>>
      %dma_wait3A_814 = arith.constant 0 : i32
      %dma_wait3A_815 = arith.constant 0 : i32
      %dma_wait3A_816 = tpu.memref_slice %arg2[%dma_wait3A_814, %dma_wait3A_815] : memref<100000x48xf32, #tpu.memory_space<hbm>> -> memref<100000x48xf32, #tpu.memory_space<hbm>>
      tpu.wait_indirect_dma semaphore(%arg20 : memref<!tpu.dma_semaphore, #tpu.memory_space<semaphore_mem>>) src(%dma_wait3A_816 : memref<100000x48xf32, #tpu.memory_space<hbm>>) dst(%dma_wait3A_811 : memref<128x48xf32, #tpu.memory_space<vmem>>)
      %dma_start3A_817 = arith.constant 0 : i32
      %dma_start3A_818 = arith.constant 0 : i32
      %dma_start3A_819 = arith.constant 0 : i32
      %dma_start3A_820 = tpu.memref_slice %arg16[%dma_start3A_818, %dma_start3A_819] : memref<512x48xf32, #tpu.memory_space<vmem>> -> memref<128x48xf32, #tpu.memory_space<vmem>>
      %dma_start3A_821 = arith.constant 0 : i32
      %dma_start3A_822 = tpu.memref_slice %arg15[%dma_start3A_817, %dma_start3A_821] : memref<4x128xi32, #tpu.memory_space<vmem>> -> memref<1x128xi32, #tpu.memory_space<vmem>>
      %dma_start3A_823 = tpu.memref_squeeze %dma_start3A_822 : memref<1x128xi32, #tpu.memory_space<vmem>> -> memref<128xi32, #tpu.memory_space<vmem>>
      %dma_start3A_824 = arith.constant 0 : i32
      %dma_start3A_825 = arith.constant 0 : i32
      %dma_start3A_826 = tpu.memref_slice %arg6[%dma_start3A_824, %dma_start3A_825] : memref<25016x48xf32, #tpu.memory_space<vmem_shared>> -> memref<25016x48xf32, #tpu.memory_space<vmem_shared>>
      tpu.enqueue_indirect_dma source(%dma_start3A_820 : memref<128x48xf32, #tpu.memory_space<vmem>>) target(%dma_start3A_826 : memref<25016x48xf32, #tpu.memory_space<vmem_shared>>) offsets(%dma_start3A_823 : memref<128xi32, #tpu.memory_space<vmem>>) semaphore(%arg22 : memref<!tpu.dma_semaphore, #tpu.memory_space<semaphore_mem>>) {add = true}
      %dma_start3A_827 = arith.constant 1 : i32
      %dma_start3A_828 = arith.constant 128 : i32
      %dma_start3A_829 = arith.constant 0 : i32
      %dma_start3A_830 = tpu.memref_slice %arg16[%dma_start3A_828, %dma_start3A_829] : memref<512x48xf32, #tpu.memory_space<vmem>> -> memref<128x48xf32, #tpu.memory_space<vmem>>
      %dma_start3A_831 = arith.constant 0 : i32
      %dma_start3A_832 = tpu.memref_slice %arg15[%dma_start3A_827, %dma_start3A_831] : memref<4x128xi32, #tpu.memory_space<vmem>> -> memref<1x128xi32, #tpu.memory_space<vmem>>
      %dma_start3A_833 = tpu.memref_squeeze %dma_start3A_832 : memref<1x128xi32, #tpu.memory_space<vmem>> -> memref<128xi32, #tpu.memory_space<vmem>>
      %dma_start3A_834 = arith.constant 0 : i32
      %dma_start3A_835 = arith.constant 0 : i32
      %dma_start3A_836 = tpu.memref_slice %arg6[%dma_start3A_834, %dma_start3A_835] : memref<25016x48xf32, #tpu.memory_space<vmem_shared>> -> memref<25016x48xf32, #tpu.memory_space<vmem_shared>>
      tpu.enqueue_indirect_dma source(%dma_start3A_830 : memref<128x48xf32, #tpu.memory_space<vmem>>) target(%dma_start3A_836 : memref<25016x48xf32, #tpu.memory_space<vmem_shared>>) offsets(%dma_start3A_833 : memref<128xi32, #tpu.memory_space<vmem>>) semaphore(%arg22 : memref<!tpu.dma_semaphore, #tpu.memory_space<semaphore_mem>>) {add = true}
      %dma_start3A_837 = arith.constant 2 : i32
      %dma_start3A_838 = arith.constant 256 : i32
      %dma_start3A_839 = arith.constant 0 : i32
      %dma_start3A_840 = tpu.memref_slice %arg16[%dma_start3A_838, %dma_start3A_839] : memref<512x48xf32, #tpu.memory_space<vmem>> -> memref<128x48xf32, #tpu.memory_space<vmem>>
      %dma_start3A_841 = arith.constant 0 : i32
      %dma_start3A_842 = tpu.memref_slice %arg15[%dma_start3A_837, %dma_start3A_841] : memref<4x128xi32, #tpu.memory_space<vmem>> -> memref<1x128xi32, #tpu.memory_space<vmem>>
      %dma_start3A_843 = tpu.memref_squeeze %dma_start3A_842 : memref<1x128xi32, #tpu.memory_space<vmem>> -> memref<128xi32, #tpu.memory_space<vmem>>
      %dma_start3A_844 = arith.constant 0 : i32
      %dma_start3A_845 = arith.constant 0 : i32
      %dma_start3A_846 = tpu.memref_slice %arg6[%dma_start3A_844, %dma_start3A_845] : memref<25016x48xf32, #tpu.memory_space<vmem_shared>> -> memref<25016x48xf32, #tpu.memory_space<vmem_shared>>
      tpu.enqueue_indirect_dma source(%dma_start3A_840 : memref<128x48xf32, #tpu.memory_space<vmem>>) target(%dma_start3A_846 : memref<25016x48xf32, #tpu.memory_space<vmem_shared>>) offsets(%dma_start3A_843 : memref<128xi32, #tpu.memory_space<vmem>>) semaphore(%arg22 : memref<!tpu.dma_semaphore, #tpu.memory_space<semaphore_mem>>) {add = true}
      %dma_start3A_847 = arith.constant 3 : i32
      %dma_start3A_848 = arith.constant 384 : i32
      %dma_start3A_849 = arith.constant 0 : i32
      %dma_start3A_850 = tpu.memref_slice %arg16[%dma_start3A_848, %dma_start3A_849] : memref<512x48xf32, #tpu.memory_space<vmem>> -> memref<128x48xf32, #tpu.memory_space<vmem>>
      %dma_start3A_851 = arith.constant 0 : i32
      %dma_start3A_852 = tpu.memref_slice %arg15[%dma_start3A_847, %dma_start3A_851] : memref<4x128xi32, #tpu.memory_space<vmem>> -> memref<1x128xi32, #tpu.memory_space<vmem>>
      %dma_start3A_853 = tpu.memref_squeeze %dma_start3A_852 : memref<1x128xi32, #tpu.memory_space<vmem>> -> memref<128xi32, #tpu.memory_space<vmem>>
      %dma_start3A_854 = arith.constant 0 : i32
      %dma_start3A_855 = arith.constant 0 : i32
      %dma_start3A_856 = tpu.memref_slice %arg6[%dma_start3A_854, %dma_start3A_855] : memref<25016x48xf32, #tpu.memory_space<vmem_shared>> -> memref<25016x48xf32, #tpu.memory_space<vmem_shared>>
      tpu.enqueue_indirect_dma source(%dma_start3A_850 : memref<128x48xf32, #tpu.memory_space<vmem>>) target(%dma_start3A_856 : memref<25016x48xf32, #tpu.memory_space<vmem_shared>>) offsets(%dma_start3A_853 : memref<128xi32, #tpu.memory_space<vmem>>) semaphore(%arg22 : memref<!tpu.dma_semaphore, #tpu.memory_space<semaphore_mem>>) {add = true}
      %dma_wait3A_857 = arith.constant 0 : i32
      %dma_wait3A_858 = arith.constant 0 : i32
      %dma_wait3A_859 = arith.constant 0 : i32
      %dma_wait3A_860 = tpu.memref_slice %arg11[%dma_wait3A_858, %dma_wait3A_859] : memref<512x48xf32, #tpu.memory_space<vmem>> -> memref<128x48xf32, #tpu.memory_space<vmem>>
      %dma_wait3A_861 = arith.constant 0 : i32
      %dma_wait3A_862 = tpu.memref_slice %arg10[%dma_wait3A_857, %dma_wait3A_861] : memref<4x128xi32, #tpu.memory_space<vmem>> -> memref<1x128xi32, #tpu.memory_space<vmem>>
      %dma_wait3A_863 = tpu.memref_squeeze %dma_wait3A_862 : memref<1x128xi32, #tpu.memory_space<vmem>> -> memref<128xi32, #tpu.memory_space<vmem>>
      %dma_wait3A_864 = arith.constant 0 : i32
      %dma_wait3A_865 = arith.constant 0 : i32
      %dma_wait3A_866 = tpu.memref_slice %arg6[%dma_wait3A_864, %dma_wait3A_865] : memref<25016x48xf32, #tpu.memory_space<vmem_shared>> -> memref<25016x48xf32, #tpu.memory_space<vmem_shared>>
      tpu.wait_indirect_dma semaphore(%arg21 : memref<!tpu.dma_semaphore, #tpu.memory_space<semaphore_mem>>) src(%dma_wait3A_860 : memref<128x48xf32, #tpu.memory_space<vmem>>) dst(%dma_wait3A_866 : memref<25016x48xf32, #tpu.memory_space<vmem_shared>>)
      %dma_wait3A_867 = arith.constant 1 : i32
      %dma_wait3A_868 = arith.constant 128 : i32
      %dma_wait3A_869 = arith.constant 0 : i32
      %dma_wait3A_870 = tpu.memref_slice %arg11[%dma_wait3A_868, %dma_wait3A_869] : memref<512x48xf32, #tpu.memory_space<vmem>> -> memref<128x48xf32, #tpu.memory_space<vmem>>
      %dma_wait3A_871 = arith.constant 0 : i32
      %dma_wait3A_872 = tpu.memref_slice %arg10[%dma_wait3A_867, %dma_wait3A_871] : memref<4x128xi32, #tpu.memory_space<vmem>> -> memref<1x128xi32, #tpu.memory_space<vmem>>
      %dma_wait3A_873 = tpu.memref_squeeze %dma_wait3A_872 : memref<1x128xi32, #tpu.memory_space<vmem>> -> memref<128xi32, #tpu.memory_space<vmem>>
      %dma_wait3A_874 = arith.constant 0 : i32
      %dma_wait3A_875 = arith.constant 0 : i32
      %dma_wait3A_876 = tpu.memref_slice %arg6[%dma_wait3A_874, %dma_wait3A_875] : memref<25016x48xf32, #tpu.memory_space<vmem_shared>> -> memref<25016x48xf32, #tpu.memory_space<vmem_shared>>
      tpu.wait_indirect_dma semaphore(%arg21 : memref<!tpu.dma_semaphore, #tpu.memory_space<semaphore_mem>>) src(%dma_wait3A_870 : memref<128x48xf32, #tpu.memory_space<vmem>>) dst(%dma_wait3A_876 : memref<25016x48xf32, #tpu.memory_space<vmem_shared>>)
      %dma_wait3A_877 = arith.constant 2 : i32
      %dma_wait3A_878 = arith.constant 256 : i32
      %dma_wait3A_879 = arith.constant 0 : i32
      %dma_wait3A_880 = tpu.memref_slice %arg11[%dma_wait3A_878, %dma_wait3A_879] : memref<512x48xf32, #tpu.memory_space<vmem>> -> memref<128x48xf32, #tpu.memory_space<vmem>>
      %dma_wait3A_881 = arith.constant 0 : i32
      %dma_wait3A_882 = tpu.memref_slice %arg10[%dma_wait3A_877, %dma_wait3A_881] : memref<4x128xi32, #tpu.memory_space<vmem>> -> memref<1x128xi32, #tpu.memory_space<vmem>>
      %dma_wait3A_883 = tpu.memref_squeeze %dma_wait3A_882 : memref<1x128xi32, #tpu.memory_space<vmem>> -> memref<128xi32, #tpu.memory_space<vmem>>
      %dma_wait3A_884 = arith.constant 0 : i32
      %dma_wait3A_885 = arith.constant 0 : i32
      %dma_wait3A_886 = tpu.memref_slice %arg6[%dma_wait3A_884, %dma_wait3A_885] : memref<25016x48xf32, #tpu.memory_space<vmem_shared>> -> memref<25016x48xf32, #tpu.memory_space<vmem_shared>>
      tpu.wait_indirect_dma semaphore(%arg21 : memref<!tpu.dma_semaphore, #tpu.memory_space<semaphore_mem>>) src(%dma_wait3A_880 : memref<128x48xf32, #tpu.memory_space<vmem>>) dst(%dma_wait3A_886 : memref<25016x48xf32, #tpu.memory_space<vmem_shared>>)
      %dma_wait3A_887 = arith.constant 3 : i32
      %dma_wait3A_888 = arith.constant 384 : i32
      %dma_wait3A_889 = arith.constant 0 : i32
      %dma_wait3A_890 = tpu.memref_slice %arg11[%dma_wait3A_888, %dma_wait3A_889] : memref<512x48xf32, #tpu.memory_space<vmem>> -> memref<128x48xf32, #tpu.memory_space<vmem>>
      %dma_wait3A_891 = arith.constant 0 : i32
      %dma_wait3A_892 = tpu.memref_slice %arg10[%dma_wait3A_887, %dma_wait3A_891] : memref<4x128xi32, #tpu.memory_space<vmem>> -> memref<1x128xi32, #tpu.memory_space<vmem>>
      %dma_wait3A_893 = tpu.memref_squeeze %dma_wait3A_892 : memref<1x128xi32, #tpu.memory_space<vmem>> -> memref<128xi32, #tpu.memory_space<vmem>>
      %dma_wait3A_894 = arith.constant 0 : i32
      %dma_wait3A_895 = arith.constant 0 : i32
      %dma_wait3A_896 = tpu.memref_slice %arg6[%dma_wait3A_894, %dma_wait3A_895] : memref<25016x48xf32, #tpu.memory_space<vmem_shared>> -> memref<25016x48xf32, #tpu.memory_space<vmem_shared>>
      tpu.wait_indirect_dma semaphore(%arg21 : memref<!tpu.dma_semaphore, #tpu.memory_space<semaphore_mem>>) src(%dma_wait3A_890 : memref<128x48xf32, #tpu.memory_space<vmem>>) dst(%dma_wait3A_896 : memref<25016x48xf32, #tpu.memory_space<vmem_shared>>)
      %dma_wait3A_897 = arith.constant 0 : i32
      %dma_wait3A_898 = tpu.memref_slice %arg4[%dma_wait3A_897] : memref<1638400xi32, #tpu.memory_space<hbm>> -> memref<512xi32, #tpu.memory_space<hbm>>
      %dma_wait3A_899 = arith.constant 0 : i32
      %dma_wait3A_900 = tpu.memref_slice %arg4[%dma_wait3A_899] : memref<1638400xi32, #tpu.memory_space<hbm>> -> memref<512xi32, #tpu.memory_space<hbm>>
      tpu.wait_dma2 semaphore(%arg17 : memref<!tpu.dma_semaphore, #tpu.memory_space<semaphore_mem>>) src(%dma_wait3A_900 : memref<512xi32, #tpu.memory_space<hbm>>) dst(%arg7 : memref<512xi32, #tpu.memory_space<vmem>>)
      %dma_wait3A_901 = arith.constant 0 : i32
      %dma_wait3A_902 = tpu.memref_slice %arg3[%dma_wait3A_901] : memref<1638400xi32, #tpu.memory_space<hbm>> -> memref<512xi32, #tpu.memory_space<hbm>>
      %dma_wait3A_903 = arith.constant 0 : i32
      %dma_wait3A_904 = tpu.memref_slice %arg3[%dma_wait3A_903] : memref<1638400xi32, #tpu.memory_space<hbm>> -> memref<512xi32, #tpu.memory_space<hbm>>
      tpu.wait_dma2 semaphore(%arg17 : memref<!tpu.dma_semaphore, #tpu.memory_space<semaphore_mem>>) src(%dma_wait3A_904 : memref<512xi32, #tpu.memory_space<hbm>>) dst(%arg8 : memref<512xi32, #tpu.memory_space<vmem>>)
      %scan3A_905 = arith.constant 0 : i32
      %scan3A_906 = arith.constant 0 : i32
      %scan3A_907 = arith.constant 32 : i32
      %scan3A_908 = arith.addi %scan3A_906, %scan3A_907 : i32
      %scan3A_909 = arith.constant 1 : i32
      %scan3A_910 = scf.for %scan3A_1114 = %scan3A_906 to %scan3A_908 step %scan3A_909 iter_args(%scan3A_1115 = %scan3A_905) -> (i32)  : i32 {
        %mul3A_1116 = arith.constant 16 : i32
        %mul3A_1117 = arith.muli %scan3A_1114, %mul3A_1116 : i32
        %get3A = arith.index_cast %mul3A_1117 : i32 to index
        %get3A_1118 = tpu.vector_load %arg7[%get3A] {strides = array<i32>} : memref<512xi32, #tpu.memory_space<vmem>>, vector<16xi32>,
        %mul3A_1119 = arith.constant 16 : i32
        %mul3A_1120 = arith.muli %scan3A_1114, %mul3A_1119 : i32
        %get3A_1121 = arith.index_cast %mul3A_1120 : i32 to index
        %get3A_1122 = tpu.vector_load %arg8[%get3A_1121] {strides = array<i32>} : memref<512xi32, #tpu.memory_space<vmem>>, vector<16xi32>,
        %mul3A_1123 = arith.constant 16 : i32
        %mul3A_1124 = arith.muli %scan3A_1114, %mul3A_1123 : i32
        %swap3A = arith.index_cast %mul3A_1124 : i32 to index
        %swap3A_1125 = tpu.vector_load %arg9[%swap3A] {strides = array<i32>} : memref<512xi32, #tpu.memory_space<vmem>>, vector<16xi32>,
        tpu.vector_store %arg9[%swap3A], %get3A_1122 {strides = array<i32>} : memref<512xi32, #tpu.memory_space<vmem>>, vector<16xi32>,
        %ge3A = vector.broadcast %mul3A_392 : i32 to vector<16xi32>
        %ge3A_1126 = arith.cmpi sge, %get3A_1118, %ge3A : vector<16xi32>
        %add3A_1127 = arith.constant 25000 : i32
        %add3A_1128 = arith.addi %mul3A_392, %add3A_1127 : i32
        %lt3A_1129 = vector.broadcast %add3A_1128 : i32 to vector<16xi32>
        %lt3A_1130 = arith.cmpi slt, %get3A_1118, %lt3A_1129 : vector<16xi32>
        %and3A = arith.andi %ge3A_1126, %lt3A_1130 : vector<16xi1>
        %sub3A = vector.broadcast %mul3A_392 : i32 to vector<16xi32>
        %sub3A_1131 = arith.subi %get3A_1118, %sub3A : vector<16xi32>
        %broadcast_in_dim3A = vector.broadcast %add3A_394 : i32 to vector<16xi32>
        %select_n3A = arith.select %and3A, %sub3A_1131, %broadcast_in_dim3A : vector<16xi1>, vector<16xi32>
        %jit3A = arith.constant 8 : i32
        %div3A = arith.divsi %scan3A_1114, %jit3A : i32
        %sign3A = arith.constant 0 : i32
        %sign3A_1132 = arith.cmpi sgt, %scan3A_1114, %sign3A : i32
        %sign3A_1133 = arith.extui %sign3A_1132 : i1 to i32
        %sign3A_1134 = arith.constant 0 : i32
        %sign3A_1135 = arith.cmpi slt, %scan3A_1114, %sign3A_1134 : i32
        %sign3A_1136 = arith.extui %sign3A_1135 : i1 to i32
        %sign3A_1137 = arith.subi %sign3A_1133, %sign3A_1136 : i32
        %sign3A_1138 = arith.constant 0 : i32
        %sign3A_1139 = arith.cmpi sgt, %jit3A, %sign3A_1138 : i32
        %sign3A_1140 = arith.extui %sign3A_1139 : i1 to i32
        %sign3A_1141 = arith.constant 0 : i32
        %sign3A_1142 = arith.cmpi slt, %jit3A, %sign3A_1141 : i32
        %sign3A_1143 = arith.extui %sign3A_1142 : i1 to i32
        %sign3A_1144 = arith.subi %sign3A_1140, %sign3A_1143 : i32
        %ne3A = arith.cmpi ne, %sign3A_1137, %sign3A_1144 : i32
        %rem3A = arith.remsi %scan3A_1114, %jit3A : i32
        %ne3A_1145 = arith.constant 0 : i32
        %ne3A_1146 = arith.cmpi ne, %rem3A, %ne3A_1145 : i32
        %and3A_1147 = arith.andi %ne3A, %ne3A_1146 : i1
        %sub3A_1148 = arith.constant 1 : i32
        %sub3A_1149 = arith.subi %div3A, %sub3A_1148 : i32
        %select_n3A_1150 = arith.select %and3A_1147, %sub3A_1149, %div3A : i32
        %jit3A_1151 = arith.constant 8 : i32
        %eq3A = arith.constant 0 : i32
        %eq3A_1152 = arith.cmpi eq, %jit3A_1151, %eq3A : i32
        %jit3A_1153 = arith.constant 1 : i32
        %select_n3A_1154 = arith.select %eq3A_1152, %jit3A_1153, %jit3A_1151 : i32
        %rem3A_1155 = arith.remsi %scan3A_1114, %select_n3A_1154 : i32
        %ne3A_1156 = arith.constant 0 : i32
        %ne3A_1157 = arith.cmpi ne, %rem3A_1155, %ne3A_1156 : i32
        %lt3A_1158 = arith.constant 0 : i32
        %lt3A_1159 = arith.cmpi slt, %rem3A_1155, %lt3A_1158 : i32
        %lt3A_1160 = arith.constant 0 : i32
        %lt3A_1161 = arith.cmpi slt, %select_n3A_1154, %lt3A_1160 : i32
        %ne3A_1162 = arith.xori %lt3A_1159, %lt3A_1161 : i1
        %and3A_1163 = arith.andi %ne3A_1162, %ne3A_1157 : i1
        %add3A_1164 = arith.addi %rem3A_1155, %select_n3A_1154 : i32
        %select_n3A_1165 = arith.select %and3A_1163, %add3A_1164, %rem3A_1155 : i32
        %mul3A_1166 = arith.constant 16 : i32
        %mul3A_1167 = arith.muli %select_n3A_1165, %mul3A_1166 : i32
        %swap3A_1168 = arith.index_cast %select_n3A_1150 : i32 to index
        %swap3A_1169 = arith.index_cast %mul3A_1167 : i32 to index
        %swap3A_1170 = tpu.vector_load %arg10[%swap3A_1168, %swap3A_1169] {strides = array<i32>} : memref<4x128xi32, #tpu.memory_space<vmem>>, vector<16xi32>,
        tpu.vector_store %arg10[%swap3A_1168, %swap3A_1169], %select_n3A {strides = array<i32>} : memref<4x128xi32, #tpu.memory_space<vmem>>, vector<16xi32>,
        %scan3A_1171 = arith.constant 0 : i32
        scf.yield %scan3A_1171 : i32
      }
      %scan3A_911 = arith.constant 32 : i32
      %lt3A_912 = arith.constant 99 : i32
      %lt3A_913 = arith.cmpi slt, %scan3A_783, %lt3A_912 : i32
      %convert_element_type3A_914 = arith.extui %lt3A_913 : i1 to i32
      %cond3A_915 = arith.constant 0 : i32
      %cond3A_916 = arith.cmpi ne, %convert_element_type3A_914, %cond3A_915 : i32
      scf.if %cond3A_916 {
        %mul3A_1114 = arith.constant 2 : i32
        %mul3A_1115 = arith.muli %mul3A_1114, %scan3A_783 : i32
        %add3A_1116 = arith.constant 2 : i32
        %add3A_1117 = arith.addi %mul3A_1115, %add3A_1116 : i32
        %mul3A_1118 = arith.constant 102400 : i32
        %mul3A_1119 = arith.muli %arg1, %mul3A_1118 : i32
        %mul3A_1120 = arith.constant 512 : i32
        %mul3A_1121 = arith.muli %add3A_1117, %mul3A_1120 : i32
        %add3A_1122 = arith.addi %mul3A_1119, %mul3A_1121 : i32
        %dma_start3A_1123 = tpu.memref_slice %arg4[%add3A_1122] : memref<1638400xi32, #tpu.memory_space<hbm>> -> memref<512xi32, #tpu.memory_space<hbm>>
        %dma_start3A_1124 = tpu.memref_slice %arg4[%add3A_1122] : memref<1638400xi32, #tpu.memory_space<hbm>> -> memref<512xi32, #tpu.memory_space<hbm>>
        tpu.enqueue_dma source(%dma_start3A_1124 : memref<512xi32, #tpu.memory_space<hbm>>) target(%arg7 : memref<512xi32, #tpu.memory_space<vmem>>) target_semaphore(%arg17 : memref<!tpu.dma_semaphore, #tpu.memory_space<semaphore_mem>>)
        %dma_start3A_1125 = tpu.memref_slice %arg3[%add3A_1122] : memref<1638400xi32, #tpu.memory_space<hbm>> -> memref<512xi32, #tpu.memory_space<hbm>>
        %dma_start3A_1126 = tpu.memref_slice %arg3[%add3A_1122] : memref<1638400xi32, #tpu.memory_space<hbm>> -> memref<512xi32, #tpu.memory_space<hbm>>
        tpu.enqueue_dma source(%dma_start3A_1126 : memref<512xi32, #tpu.memory_space<hbm>>) target(%arg8 : memref<512xi32, #tpu.memory_space<vmem>>) target_semaphore(%arg17 : memref<!tpu.dma_semaphore, #tpu.memory_space<semaphore_mem>>)
      } else {
      }
      %dma_start3A_917 = arith.constant 0 : i32
      %dma_start3A_918 = arith.constant 0 : i32
      %dma_start3A_919 = tpu.memref_slice %arg11[%dma_start3A_917, %dma_start3A_918] : memref<512x48xf32, #tpu.memory_space<vmem>> -> memref<128x48xf32, #tpu.memory_space<vmem>>
      %dma_start3A_920 = arith.constant 0 : i32
      %dma_start3A_921 = tpu.memref_slice %arg9[%dma_start3A_920] : memref<512xi32, #tpu.memory_space<vmem>> -> memref<128xi32, #tpu.memory_space<vmem>>
      %dma_start3A_922 = arith.constant 0 : i32
      %dma_start3A_923 = arith.constant 0 : i32
      %dma_start3A_924 = tpu.memref_slice %arg2[%dma_start3A_922, %dma_start3A_923] : memref<100000x48xf32, #tpu.memory_space<hbm>> -> memref<100000x48xf32, #tpu.memory_space<hbm>>
      tpu.enqueue_indirect_dma source(%dma_start3A_924 : memref<100000x48xf32, #tpu.memory_space<hbm>>) target(%dma_start3A_919 : memref<128x48xf32, #tpu.memory_space<vmem>>) offsets(%dma_start3A_921 : memref<128xi32, #tpu.memory_space<vmem>>) semaphore(%arg19 : memref<!tpu.dma_semaphore, #tpu.memory_space<semaphore_mem>>)
      %dma_start3A_925 = arith.constant 128 : i32
      %dma_start3A_926 = arith.constant 0 : i32
      %dma_start3A_927 = tpu.memref_slice %arg11[%dma_start3A_925, %dma_start3A_926] : memref<512x48xf32, #tpu.memory_space<vmem>> -> memref<128x48xf32, #tpu.memory_space<vmem>>
      %dma_start3A_928 = arith.constant 128 : i32
      %dma_start3A_929 = tpu.memref_slice %arg9[%dma_start3A_928] : memref<512xi32, #tpu.memory_space<vmem>> -> memref<128xi32, #tpu.memory_space<vmem>>
      %dma_start3A_930 = arith.constant 0 : i32
      %dma_start3A_931 = arith.constant 0 : i32
      %dma_start3A_932 = tpu.memref_slice %arg2[%dma_start3A_930, %dma_start3A_931] : memref<100000x48xf32, #tpu.memory_space<hbm>> -> memref<100000x48xf32, #tpu.memory_space<hbm>>
      tpu.enqueue_indirect_dma source(%dma_start3A_932 : memref<100000x48xf32, #tpu.memory_space<hbm>>) target(%dma_start3A_927 : memref<128x48xf32, #tpu.memory_space<vmem>>) offsets(%dma_start3A_929 : memref<128xi32, #tpu.memory_space<vmem>>) semaphore(%arg19 : memref<!tpu.dma_semaphore, #tpu.memory_space<semaphore_mem>>)
      %dma_start3A_933 = arith.constant 256 : i32
      %dma_start3A_934 = arith.constant 0 : i32
      %dma_start3A_935 = tpu.memref_slice %arg11[%dma_start3A_933, %dma_start3A_934] : memref<512x48xf32, #tpu.memory_space<vmem>> -> memref<128x48xf32, #tpu.memory_space<vmem>>
      %dma_start3A_936 = arith.constant 256 : i32
      %dma_start3A_937 = tpu.memref_slice %arg9[%dma_start3A_936] : memref<512xi32, #tpu.memory_space<vmem>> -> memref<128xi32, #tpu.memory_space<vmem>>
      %dma_start3A_938 = arith.constant 0 : i32
      %dma_start3A_939 = arith.constant 0 : i32
      %dma_start3A_940 = tpu.memref_slice %arg2[%dma_start3A_938, %dma_start3A_939] : memref<100000x48xf32, #tpu.memory_space<hbm>> -> memref<100000x48xf32, #tpu.memory_space<hbm>>
      tpu.enqueue_indirect_dma source(%dma_start3A_940 : memref<100000x48xf32, #tpu.memory_space<hbm>>) target(%dma_start3A_935 : memref<128x48xf32, #tpu.memory_space<vmem>>) offsets(%dma_start3A_937 : memref<128xi32, #tpu.memory_space<vmem>>) semaphore(%arg19 : memref<!tpu.dma_semaphore, #tpu.memory_space<semaphore_mem>>)
      %dma_start3A_941 = arith.constant 384 : i32
      %dma_start3A_942 = arith.constant 0 : i32
      %dma_start3A_943 = tpu.memref_slice %arg11[%dma_start3A_941, %dma_start3A_942] : memref<512x48xf32, #tpu.memory_space<vmem>> -> memref<128x48xf32, #tpu.memory_space<vmem>>
      %dma_start3A_944 = arith.constant 384 : i32
      %dma_start3A_945 = tpu.memref_slice %arg9[%dma_start3A_944] : memref<512xi32, #tpu.memory_space<vmem>> -> memref<128xi32, #tpu.memory_space<vmem>>
      %dma_start3A_946 = arith.constant 0 : i32
      %dma_start3A_947 = arith.constant 0 : i32
      %dma_start3A_948 = tpu.memref_slice %arg2[%dma_start3A_946, %dma_start3A_947] : memref<100000x48xf32, #tpu.memory_space<hbm>> -> memref<100000x48xf32, #tpu.memory_space<hbm>>
      tpu.enqueue_indirect_dma source(%dma_start3A_948 : memref<100000x48xf32, #tpu.memory_space<hbm>>) target(%dma_start3A_943 : memref<128x48xf32, #tpu.memory_space<vmem>>) offsets(%dma_start3A_945 : memref<128xi32, #tpu.memory_space<vmem>>) semaphore(%arg19 : memref<!tpu.dma_semaphore, #tpu.memory_space<semaphore_mem>>)
      %dma_wait3A_949 = arith.constant 0 : i32
      %dma_wait3A_950 = arith.constant 0 : i32
      %dma_wait3A_951 = arith.constant 0 : i32
      %dma_wait3A_952 = tpu.memref_slice %arg16[%dma_wait3A_950, %dma_wait3A_951] : memref<512x48xf32, #tpu.memory_space<vmem>> -> memref<128x48xf32, #tpu.memory_space<vmem>>
      %dma_wait3A_953 = arith.constant 0 : i32
      %dma_wait3A_954 = tpu.memref_slice %arg15[%dma_wait3A_949, %dma_wait3A_953] : memref<4x128xi32, #tpu.memory_space<vmem>> -> memref<1x128xi32, #tpu.memory_space<vmem>>
      %dma_wait3A_955 = tpu.memref_squeeze %dma_wait3A_954 : memref<1x128xi32, #tpu.memory_space<vmem>> -> memref<128xi32, #tpu.memory_space<vmem>>
      %dma_wait3A_956 = arith.constant 0 : i32
      %dma_wait3A_957 = arith.constant 0 : i32
      %dma_wait3A_958 = tpu.memref_slice %arg6[%dma_wait3A_956, %dma_wait3A_957] : memref<25016x48xf32, #tpu.memory_space<vmem_shared>> -> memref<25016x48xf32, #tpu.memory_space<vmem_shared>>
      tpu.wait_indirect_dma semaphore(%arg22 : memref<!tpu.dma_semaphore, #tpu.memory_space<semaphore_mem>>) src(%dma_wait3A_952 : memref<128x48xf32, #tpu.memory_space<vmem>>) dst(%dma_wait3A_958 : memref<25016x48xf32, #tpu.memory_space<vmem_shared>>)
      %dma_wait3A_959 = arith.constant 1 : i32
      %dma_wait3A_960 = arith.constant 128 : i32
      %dma_wait3A_961 = arith.constant 0 : i32
      %dma_wait3A_962 = tpu.memref_slice %arg16[%dma_wait3A_960, %dma_wait3A_961] : memref<512x48xf32, #tpu.memory_space<vmem>> -> memref<128x48xf32, #tpu.memory_space<vmem>>
      %dma_wait3A_963 = arith.constant 0 : i32
      %dma_wait3A_964 = tpu.memref_slice %arg15[%dma_wait3A_959, %dma_wait3A_963] : memref<4x128xi32, #tpu.memory_space<vmem>> -> memref<1x128xi32, #tpu.memory_space<vmem>>
      %dma_wait3A_965 = tpu.memref_squeeze %dma_wait3A_964 : memref<1x128xi32, #tpu.memory_space<vmem>> -> memref<128xi32, #tpu.memory_space<vmem>>
      %dma_wait3A_966 = arith.constant 0 : i32
      %dma_wait3A_967 = arith.constant 0 : i32
      %dma_wait3A_968 = tpu.memref_slice %arg6[%dma_wait3A_966, %dma_wait3A_967] : memref<25016x48xf32, #tpu.memory_space<vmem_shared>> -> memref<25016x48xf32, #tpu.memory_space<vmem_shared>>
      tpu.wait_indirect_dma semaphore(%arg22 : memref<!tpu.dma_semaphore, #tpu.memory_space<semaphore_mem>>) src(%dma_wait3A_962 : memref<128x48xf32, #tpu.memory_space<vmem>>) dst(%dma_wait3A_968 : memref<25016x48xf32, #tpu.memory_space<vmem_shared>>)
      %dma_wait3A_969 = arith.constant 2 : i32
      %dma_wait3A_970 = arith.constant 256 : i32
      %dma_wait3A_971 = arith.constant 0 : i32
      %dma_wait3A_972 = tpu.memref_slice %arg16[%dma_wait3A_970, %dma_wait3A_971] : memref<512x48xf32, #tpu.memory_space<vmem>> -> memref<128x48xf32, #tpu.memory_space<vmem>>
      %dma_wait3A_973 = arith.constant 0 : i32
      %dma_wait3A_974 = tpu.memref_slice %arg15[%dma_wait3A_969, %dma_wait3A_973] : memref<4x128xi32, #tpu.memory_space<vmem>> -> memref<1x128xi32, #tpu.memory_space<vmem>>
      %dma_wait3A_975 = tpu.memref_squeeze %dma_wait3A_974 : memref<1x128xi32, #tpu.memory_space<vmem>> -> memref<128xi32, #tpu.memory_space<vmem>>
      %dma_wait3A_976 = arith.constant 0 : i32
      %dma_wait3A_977 = arith.constant 0 : i32
      %dma_wait3A_978 = tpu.memref_slice %arg6[%dma_wait3A_976, %dma_wait3A_977] : memref<25016x48xf32, #tpu.memory_space<vmem_shared>> -> memref<25016x48xf32, #tpu.memory_space<vmem_shared>>
      tpu.wait_indirect_dma semaphore(%arg22 : memref<!tpu.dma_semaphore, #tpu.memory_space<semaphore_mem>>) src(%dma_wait3A_972 : memref<128x48xf32, #tpu.memory_space<vmem>>) dst(%dma_wait3A_978 : memref<25016x48xf32, #tpu.memory_space<vmem_shared>>)
      %dma_wait3A_979 = arith.constant 3 : i32
      %dma_wait3A_980 = arith.constant 384 : i32
      %dma_wait3A_981 = arith.constant 0 : i32
      %dma_wait3A_982 = tpu.memref_slice %arg16[%dma_wait3A_980, %dma_wait3A_981] : memref<512x48xf32, #tpu.memory_space<vmem>> -> memref<128x48xf32, #tpu.memory_space<vmem>>
      %dma_wait3A_983 = arith.constant 0 : i32
      %dma_wait3A_984 = tpu.memref_slice %arg15[%dma_wait3A_979, %dma_wait3A_983] : memref<4x128xi32, #tpu.memory_space<vmem>> -> memref<1x128xi32, #tpu.memory_space<vmem>>
      %dma_wait3A_985 = tpu.memref_squeeze %dma_wait3A_984 : memref<1x128xi32, #tpu.memory_space<vmem>> -> memref<128xi32, #tpu.memory_space<vmem>>
      %dma_wait3A_986 = arith.constant 0 : i32
      %dma_wait3A_987 = arith.constant 0 : i32
      %dma_wait3A_988 = tpu.memref_slice %arg6[%dma_wait3A_986, %dma_wait3A_987] : memref<25016x48xf32, #tpu.memory_space<vmem_shared>> -> memref<25016x48xf32, #tpu.memory_space<vmem_shared>>
      tpu.wait_indirect_dma semaphore(%arg22 : memref<!tpu.dma_semaphore, #tpu.memory_space<semaphore_mem>>) src(%dma_wait3A_982 : memref<128x48xf32, #tpu.memory_space<vmem>>) dst(%dma_wait3A_988 : memref<25016x48xf32, #tpu.memory_space<vmem_shared>>)
      %dma_wait3A_989 = arith.constant 0 : i32
      %dma_wait3A_990 = tpu.memref_slice %arg4[%dma_wait3A_989] : memref<1638400xi32, #tpu.memory_space<hbm>> -> memref<512xi32, #tpu.memory_space<hbm>>
      %dma_wait3A_991 = arith.constant 0 : i32
      %dma_wait3A_992 = tpu.memref_slice %arg4[%dma_wait3A_991] : memref<1638400xi32, #tpu.memory_space<hbm>> -> memref<512xi32, #tpu.memory_space<hbm>>
      tpu.wait_dma2 semaphore(%arg18 : memref<!tpu.dma_semaphore, #tpu.memory_space<semaphore_mem>>) src(%dma_wait3A_992 : memref<512xi32, #tpu.memory_space<hbm>>) dst(%arg12 : memref<512xi32, #tpu.memory_space<vmem>>)
      %dma_wait3A_993 = arith.constant 0 : i32
      %dma_wait3A_994 = tpu.memref_slice %arg3[%dma_wait3A_993] : memref<1638400xi32, #tpu.memory_space<hbm>> -> memref<512xi32, #tpu.memory_space<hbm>>
      %dma_wait3A_995 = arith.constant 0 : i32
      %dma_wait3A_996 = tpu.memref_slice %arg3[%dma_wait3A_995] : memref<1638400xi32, #tpu.memory_space<hbm>> -> memref<512xi32, #tpu.memory_space<hbm>>
      tpu.wait_dma2 semaphore(%arg18 : memref<!tpu.dma_semaphore, #tpu.memory_space<semaphore_mem>>) src(%dma_wait3A_996 : memref<512xi32, #tpu.memory_space<hbm>>) dst(%arg13 : memref<512xi32, #tpu.memory_space<vmem>>)
      %scan3A_997 = arith.constant 0 : i32
      %scan3A_998 = arith.constant 0 : i32
      %scan3A_999 = arith.constant 32 : i32
      %scan3A_1000 = arith.addi %scan3A_998, %scan3A_999 : i32
      %scan3A_1001 = arith.constant 1 : i32
      %scan3A_1002 = scf.for %scan3A_1114 = %scan3A_998 to %scan3A_1000 step %scan3A_1001 iter_args(%scan3A_1115 = %scan3A_997) -> (i32)  : i32 {
        %mul3A_1116 = arith.constant 16 : i32
        %mul3A_1117 = arith.muli %scan3A_1114, %mul3A_1116 : i32
        %get3A = arith.index_cast %mul3A_1117 : i32 to index
        %get3A_1118 = tpu.vector_load %arg12[%get3A] {strides = array<i32>} : memref<512xi32, #tpu.memory_space<vmem>>, vector<16xi32>,
        %mul3A_1119 = arith.constant 16 : i32
        %mul3A_1120 = arith.muli %scan3A_1114, %mul3A_1119 : i32
        %get3A_1121 = arith.index_cast %mul3A_1120 : i32 to index
        %get3A_1122 = tpu.vector_load %arg13[%get3A_1121] {strides = array<i32>} : memref<512xi32, #tpu.memory_space<vmem>>, vector<16xi32>,
        %mul3A_1123 = arith.constant 16 : i32
        %mul3A_1124 = arith.muli %scan3A_1114, %mul3A_1123 : i32
        %swap3A = arith.index_cast %mul3A_1124 : i32 to index
        %swap3A_1125 = tpu.vector_load %arg14[%swap3A] {strides = array<i32>} : memref<512xi32, #tpu.memory_space<vmem>>, vector<16xi32>,
        tpu.vector_store %arg14[%swap3A], %get3A_1122 {strides = array<i32>} : memref<512xi32, #tpu.memory_space<vmem>>, vector<16xi32>,
        %ge3A = vector.broadcast %mul3A_392 : i32 to vector<16xi32>
        %ge3A_1126 = arith.cmpi sge, %get3A_1118, %ge3A : vector<16xi32>
        %add3A_1127 = arith.constant 25000 : i32
        %add3A_1128 = arith.addi %mul3A_392, %add3A_1127 : i32
        %lt3A_1129 = vector.broadcast %add3A_1128 : i32 to vector<16xi32>
        %lt3A_1130 = arith.cmpi slt, %get3A_1118, %lt3A_1129 : vector<16xi32>
        %and3A = arith.andi %ge3A_1126, %lt3A_1130 : vector<16xi1>
        %sub3A = vector.broadcast %mul3A_392 : i32 to vector<16xi32>
        %sub3A_1131 = arith.subi %get3A_1118, %sub3A : vector<16xi32>
        %broadcast_in_dim3A = vector.broadcast %add3A_394 : i32 to vector<16xi32>
        %select_n3A = arith.select %and3A, %sub3A_1131, %broadcast_in_dim3A : vector<16xi1>, vector<16xi32>
        %jit3A = arith.constant 8 : i32
        %div3A = arith.divsi %scan3A_1114, %jit3A : i32
        %sign3A = arith.constant 0 : i32
        %sign3A_1132 = arith.cmpi sgt, %scan3A_1114, %sign3A : i32
        %sign3A_1133 = arith.extui %sign3A_1132 : i1 to i32
        %sign3A_1134 = arith.constant 0 : i32
        %sign3A_1135 = arith.cmpi slt, %scan3A_1114, %sign3A_1134 : i32
        %sign3A_1136 = arith.extui %sign3A_1135 : i1 to i32
        %sign3A_1137 = arith.subi %sign3A_1133, %sign3A_1136 : i32
        %sign3A_1138 = arith.constant 0 : i32
        %sign3A_1139 = arith.cmpi sgt, %jit3A, %sign3A_1138 : i32
        %sign3A_1140 = arith.extui %sign3A_1139 : i1 to i32
        %sign3A_1141 = arith.constant 0 : i32
        %sign3A_1142 = arith.cmpi slt, %jit3A, %sign3A_1141 : i32
        %sign3A_1143 = arith.extui %sign3A_1142 : i1 to i32
        %sign3A_1144 = arith.subi %sign3A_1140, %sign3A_1143 : i32
        %ne3A = arith.cmpi ne, %sign3A_1137, %sign3A_1144 : i32
        %rem3A = arith.remsi %scan3A_1114, %jit3A : i32
        %ne3A_1145 = arith.constant 0 : i32
        %ne3A_1146 = arith.cmpi ne, %rem3A, %ne3A_1145 : i32
        %and3A_1147 = arith.andi %ne3A, %ne3A_1146 : i1
        %sub3A_1148 = arith.constant 1 : i32
        %sub3A_1149 = arith.subi %div3A, %sub3A_1148 : i32
        %select_n3A_1150 = arith.select %and3A_1147, %sub3A_1149, %div3A : i32
        %jit3A_1151 = arith.constant 8 : i32
        %eq3A = arith.constant 0 : i32
        %eq3A_1152 = arith.cmpi eq, %jit3A_1151, %eq3A : i32
        %jit3A_1153 = arith.constant 1 : i32
        %select_n3A_1154 = arith.select %eq3A_1152, %jit3A_1153, %jit3A_1151 : i32
        %rem3A_1155 = arith.remsi %scan3A_1114, %select_n3A_1154 : i32
        %ne3A_1156 = arith.constant 0 : i32
        %ne3A_1157 = arith.cmpi ne, %rem3A_1155, %ne3A_1156 : i32
        %lt3A_1158 = arith.constant 0 : i32
        %lt3A_1159 = arith.cmpi slt, %rem3A_1155, %lt3A_1158 : i32
        %lt3A_1160 = arith.constant 0 : i32
        %lt3A_1161 = arith.cmpi slt, %select_n3A_1154, %lt3A_1160 : i32
        %ne3A_1162 = arith.xori %lt3A_1159, %lt3A_1161 : i1
        %and3A_1163 = arith.andi %ne3A_1162, %ne3A_1157 : i1
        %add3A_1164 = arith.addi %rem3A_1155, %select_n3A_1154 : i32
        %select_n3A_1165 = arith.select %and3A_1163, %add3A_1164, %rem3A_1155 : i32
        %mul3A_1166 = arith.constant 16 : i32
        %mul3A_1167 = arith.muli %select_n3A_1165, %mul3A_1166 : i32
        %swap3A_1168 = arith.index_cast %select_n3A_1150 : i32 to index
        %swap3A_1169 = arith.index_cast %mul3A_1167 : i32 to index
        %swap3A_1170 = tpu.vector_load %arg15[%swap3A_1168, %swap3A_1169] {strides = array<i32>} : memref<4x128xi32, #tpu.memory_space<vmem>>, vector<16xi32>,
        tpu.vector_store %arg15[%swap3A_1168, %swap3A_1169], %select_n3A {strides = array<i32>} : memref<4x128xi32, #tpu.memory_space<vmem>>, vector<16xi32>,
        %scan3A_1171 = arith.constant 0 : i32
        scf.yield %scan3A_1171 : i32
      }
      %scan3A_1003 = arith.constant 32 : i32
      %lt3A_1004 = arith.constant 99 : i32
      %lt3A_1005 = arith.cmpi slt, %scan3A_783, %lt3A_1004 : i32
      %convert_element_type3A_1006 = arith.extui %lt3A_1005 : i1 to i32
      %cond3A_1007 = arith.constant 0 : i32
      %cond3A_1008 = arith.cmpi ne, %convert_element_type3A_1006, %cond3A_1007 : i32
      scf.if %cond3A_1008 {
        %mul3A_1114 = arith.constant 2 : i32
        %mul3A_1115 = arith.muli %mul3A_1114, %scan3A_783 : i32
        %add3A_1116 = arith.constant 3 : i32
        %add3A_1117 = arith.addi %mul3A_1115, %add3A_1116 : i32
        %mul3A_1118 = arith.constant 102400 : i32
        %mul3A_1119 = arith.muli %arg1, %mul3A_1118 : i32
        %mul3A_1120 = arith.constant 512 : i32
        %mul3A_1121 = arith.muli %add3A_1117, %mul3A_1120 : i32
        %add3A_1122 = arith.addi %mul3A_1119, %mul3A_1121 : i32
        %dma_start3A_1123 = tpu.memref_slice %arg4[%add3A_1122] : memref<1638400xi32, #tpu.memory_space<hbm>> -> memref<512xi32, #tpu.memory_space<hbm>>
        %dma_start3A_1124 = tpu.memref_slice %arg4[%add3A_1122] : memref<1638400xi32, #tpu.memory_space<hbm>> -> memref<512xi32, #tpu.memory_space<hbm>>
        tpu.enqueue_dma source(%dma_start3A_1124 : memref<512xi32, #tpu.memory_space<hbm>>) target(%arg12 : memref<512xi32, #tpu.memory_space<vmem>>) target_semaphore(%arg18 : memref<!tpu.dma_semaphore, #tpu.memory_space<semaphore_mem>>)
        %dma_start3A_1125 = tpu.memref_slice %arg3[%add3A_1122] : memref<1638400xi32, #tpu.memory_space<hbm>> -> memref<512xi32, #tpu.memory_space<hbm>>
        %dma_start3A_1126 = tpu.memref_slice %arg3[%add3A_1122] : memref<1638400xi32, #tpu.memory_space<hbm>> -> memref<512xi32, #tpu.memory_space<hbm>>
        tpu.enqueue_dma source(%dma_start3A_1126 : memref<512xi32, #tpu.memory_space<hbm>>) target(%arg13 : memref<512xi32, #tpu.memory_space<vmem>>) target_semaphore(%arg18 : memref<!tpu.dma_semaphore, #tpu.memory_space<semaphore_mem>>)
      } else {
      }
      %dma_start3A_1009 = arith.constant 0 : i32
      %dma_start3A_1010 = arith.constant 0 : i32
      %dma_start3A_1011 = tpu.memref_slice %arg16[%dma_start3A_1009, %dma_start3A_1010] : memref<512x48xf32, #tpu.memory_space<vmem>> -> memref<128x48xf32, #tpu.memory_space<vmem>>
      %dma_start3A_1012 = arith.constant 0 : i32
      %dma_start3A_1013 = tpu.memref_slice %arg14[%dma_start3A_1012] : memref<512xi32, #tpu.memory_space<vmem>> -> memref<128xi32, #tpu.memory_space<vmem>>
      %dma_start3A_1014 = arith.constant 0 : i32
      %dma_start3A_1015 = arith.constant 0 : i32
      %dma_start3A_1016 = tpu.memref_slice %arg2[%dma_start3A_1014, %dma_start3A_1015] : memref<100000x48xf32, #tpu.memory_space<hbm>> -> memref<100000x48xf32, #tpu.memory_space<hbm>>
      tpu.enqueue_indirect_dma source(%dma_start3A_1016 : memref<100000x48xf32, #tpu.memory_space<hbm>>) target(%dma_start3A_1011 : memref<128x48xf32, #tpu.memory_space<vmem>>) offsets(%dma_start3A_1013 : memref<128xi32, #tpu.memory_space<vmem>>) semaphore(%arg20 : memref<!tpu.dma_semaphore, #tpu.memory_space<semaphore_mem>>)
      %dma_start3A_1017 = arith.constant 128 : i32
      %dma_start3A_1018 = arith.constant 0 : i32
      %dma_start3A_1019 = tpu.memref_slice %arg16[%dma_start3A_1017, %dma_start3A_1018] : memref<512x48xf32, #tpu.memory_space<vmem>> -> memref<128x48xf32, #tpu.memory_space<vmem>>
      %dma_start3A_1020 = arith.constant 128 : i32
      %dma_start3A_1021 = tpu.memref_slice %arg14[%dma_start3A_1020] : memref<512xi32, #tpu.memory_space<vmem>> -> memref<128xi32, #tpu.memory_space<vmem>>
      %dma_start3A_1022 = arith.constant 0 : i32
      %dma_start3A_1023 = arith.constant 0 : i32
      %dma_start3A_1024 = tpu.memref_slice %arg2[%dma_start3A_1022, %dma_start3A_1023] : memref<100000x48xf32, #tpu.memory_space<hbm>> -> memref<100000x48xf32, #tpu.memory_space<hbm>>
      tpu.enqueue_indirect_dma source(%dma_start3A_1024 : memref<100000x48xf32, #tpu.memory_space<hbm>>) target(%dma_start3A_1019 : memref<128x48xf32, #tpu.memory_space<vmem>>) offsets(%dma_start3A_1021 : memref<128xi32, #tpu.memory_space<vmem>>) semaphore(%arg20 : memref<!tpu.dma_semaphore, #tpu.memory_space<semaphore_mem>>)
      %dma_start3A_1025 = arith.constant 256 : i32
      %dma_start3A_1026 = arith.constant 0 : i32
      %dma_start3A_1027 = tpu.memref_slice %arg16[%dma_start3A_1025, %dma_start3A_1026] : memref<512x48xf32, #tpu.memory_space<vmem>> -> memref<128x48xf32, #tpu.memory_space<vmem>>
      %dma_start3A_1028 = arith.constant 256 : i32
      %dma_start3A_1029 = tpu.memref_slice %arg14[%dma_start3A_1028] : memref<512xi32, #tpu.memory_space<vmem>> -> memref<128xi32, #tpu.memory_space<vmem>>
      %dma_start3A_1030 = arith.constant 0 : i32
      %dma_start3A_1031 = arith.constant 0 : i32
      %dma_start3A_1032 = tpu.memref_slice %arg2[%dma_start3A_1030, %dma_start3A_1031] : memref<100000x48xf32, #tpu.memory_space<hbm>> -> memref<100000x48xf32, #tpu.memory_space<hbm>>
      tpu.enqueue_indirect_dma source(%dma_start3A_1032 : memref<100000x48xf32, #tpu.memory_space<hbm>>) target(%dma_start3A_1027 : memref<128x48xf32, #tpu.memory_space<vmem>>) offsets(%dma_start3A_1029 : memref<128xi32, #tpu.memory_space<vmem>>) semaphore(%arg20 : memref<!tpu.dma_semaphore, #tpu.memory_space<semaphore_mem>>)
      %dma_start3A_1033 = arith.constant 384 : i32
      %dma_start3A_1034 = arith.constant 0 : i32
      %dma_start3A_1035 = tpu.memref_slice %arg16[%dma_start3A_1033, %dma_start3A_1034] : memref<512x48xf32, #tpu.memory_space<vmem>> -> memref<128x48xf32, #tpu.memory_space<vmem>>
      %dma_start3A_1036 = arith.constant 384 : i32
      %dma_start3A_1037 = tpu.memref_slice %arg14[%dma_start3A_1036] : memref<512xi32, #tpu.memory_space<vmem>> -> memref<128xi32, #tpu.memory_space<vmem>>
      %dma_start3A_1038 = arith.constant 0 : i32
      %dma_start3A_1039 = arith.constant 0 : i32
      %dma_start3A_1040 = tpu.memref_slice %arg2[%dma_start3A_1038, %dma_start3A_1039] : memref<100000x48xf32, #tpu.memory_space<hbm>> -> memref<100000x48xf32, #tpu.memory_space<hbm>>
      tpu.enqueue_indirect_dma source(%dma_start3A_1040 : memref<100000x48xf32, #tpu.memory_space<hbm>>) target(%dma_start3A_1035 : memref<128x48xf32, #tpu.memory_space<vmem>>) offsets(%dma_start3A_1037 : memref<128xi32, #tpu.memory_space<vmem>>) semaphore(%arg20 : memref<!tpu.dma_semaphore, #tpu.memory_space<semaphore_mem>>)
      %dma_wait3A_1041 = arith.constant 0 : i32
      %dma_wait3A_1042 = arith.constant 0 : i32
      %dma_wait3A_1043 = tpu.memref_slice %arg11[%dma_wait3A_1041, %dma_wait3A_1042] : memref<512x48xf32, #tpu.memory_space<vmem>> -> memref<128x48xf32, #tpu.memory_space<vmem>>
      %dma_wait3A_1044 = arith.constant 0 : i32
      %dma_wait3A_1045 = tpu.memref_slice %arg9[%dma_wait3A_1044] : memref<512xi32, #tpu.memory_space<vmem>> -> memref<128xi32, #tpu.memory_space<vmem>>
      %dma_wait3A_1046 = arith.constant 0 : i32
      %dma_wait3A_1047 = arith.constant 0 : i32
      %dma_wait3A_1048 = tpu.memref_slice %arg2[%dma_wait3A_1046, %dma_wait3A_1047] : memref<100000x48xf32, #tpu.memory_space<hbm>> -> memref<100000x48xf32, #tpu.memory_space<hbm>>
      tpu.wait_indirect_dma semaphore(%arg19 : memref<!tpu.dma_semaphore, #tpu.memory_space<semaphore_mem>>) src(%dma_wait3A_1048 : memref<100000x48xf32, #tpu.memory_space<hbm>>) dst(%dma_wait3A_1043 : memref<128x48xf32, #tpu.memory_space<vmem>>)
      %dma_wait3A_1049 = arith.constant 128 : i32
      %dma_wait3A_1050 = arith.constant 0 : i32
      %dma_wait3A_1051 = tpu.memref_slice %arg11[%dma_wait3A_1049, %dma_wait3A_1050] : memref<512x48xf32, #tpu.memory_space<vmem>> -> memref<128x48xf32, #tpu.memory_space<vmem>>
      %dma_wait3A_1052 = arith.constant 128 : i32
      %dma_wait3A_1053 = tpu.memref_slice %arg9[%dma_wait3A_1052] : memref<512xi32, #tpu.memory_space<vmem>> -> memref<128xi32, #tpu.memory_space<vmem>>
      %dma_wait3A_1054 = arith.constant 0 : i32
      %dma_wait3A_1055 = arith.constant 0 : i32
      %dma_wait3A_1056 = tpu.memref_slice %arg2[%dma_wait3A_1054, %dma_wait3A_1055] : memref<100000x48xf32, #tpu.memory_space<hbm>> -> memref<100000x48xf32, #tpu.memory_space<hbm>>
      tpu.wait_indirect_dma semaphore(%arg19 : memref<!tpu.dma_semaphore, #tpu.memory_space<semaphore_mem>>) src(%dma_wait3A_1056 : memref<100000x48xf32, #tpu.memory_space<hbm>>) dst(%dma_wait3A_1051 : memref<128x48xf32, #tpu.memory_space<vmem>>)
      %dma_wait3A_1057 = arith.constant 256 : i32
      %dma_wait3A_1058 = arith.constant 0 : i32
      %dma_wait3A_1059 = tpu.memref_slice %arg11[%dma_wait3A_1057, %dma_wait3A_1058] : memref<512x48xf32, #tpu.memory_space<vmem>> -> memref<128x48xf32, #tpu.memory_space<vmem>>
      %dma_wait3A_1060 = arith.constant 256 : i32
      %dma_wait3A_1061 = tpu.memref_slice %arg9[%dma_wait3A_1060] : memref<512xi32, #tpu.memory_space<vmem>> -> memref<128xi32, #tpu.memory_space<vmem>>
      %dma_wait3A_1062 = arith.constant 0 : i32
      %dma_wait3A_1063 = arith.constant 0 : i32
      %dma_wait3A_1064 = tpu.memref_slice %arg2[%dma_wait3A_1062, %dma_wait3A_1063] : memref<100000x48xf32, #tpu.memory_space<hbm>> -> memref<100000x48xf32, #tpu.memory_space<hbm>>
      tpu.wait_indirect_dma semaphore(%arg19 : memref<!tpu.dma_semaphore, #tpu.memory_space<semaphore_mem>>) src(%dma_wait3A_1064 : memref<100000x48xf32, #tpu.memory_space<hbm>>) dst(%dma_wait3A_1059 : memref<128x48xf32, #tpu.memory_space<vmem>>)
      %dma_wait3A_1065 = arith.constant 384 : i32
      %dma_wait3A_1066 = arith.constant 0 : i32
      %dma_wait3A_1067 = tpu.memref_slice %arg11[%dma_wait3A_1065, %dma_wait3A_1066] : memref<512x48xf32, #tpu.memory_space<vmem>> -> memref<128x48xf32, #tpu.memory_space<vmem>>
      %dma_wait3A_1068 = arith.constant 384 : i32
      %dma_wait3A_1069 = tpu.memref_slice %arg9[%dma_wait3A_1068] : memref<512xi32, #tpu.memory_space<vmem>> -> memref<128xi32, #tpu.memory_space<vmem>>
      %dma_wait3A_1070 = arith.constant 0 : i32
      %dma_wait3A_1071 = arith.constant 0 : i32
      %dma_wait3A_1072 = tpu.memref_slice %arg2[%dma_wait3A_1070, %dma_wait3A_1071] : memref<100000x48xf32, #tpu.memory_space<hbm>> -> memref<100000x48xf32, #tpu.memory_space<hbm>>
      tpu.wait_indirect_dma semaphore(%arg19 : memref<!tpu.dma_semaphore, #tpu.memory_space<semaphore_mem>>) src(%dma_wait3A_1072 : memref<100000x48xf32, #tpu.memory_space<hbm>>) dst(%dma_wait3A_1067 : memref<128x48xf32, #tpu.memory_space<vmem>>)
      %dma_start3A_1073 = arith.constant 0 : i32
      %dma_start3A_1074 = arith.constant 0 : i32
      %dma_start3A_1075 = arith.constant 0 : i32
      %dma_start3A_1076 = tpu.memref_slice %arg11[%dma_start3A_1074, %dma_start3A_1075] : memref<512x48xf32, #tpu.memory_space<vmem>> -> memref<128x48xf32, #tpu.memory_space<vmem>>
      %dma_start3A_1077 = arith.constant 0 : i32
      %dma_start3A_1078 = tpu.memref_slice %arg10[%dma_start3A_1073, %dma_start3A_1077] : memref<4x128xi32, #tpu.memory_space<vmem>> -> memref<1x128xi32, #tpu.memory_space<vmem>>
      %dma_start3A_1079 = tpu.memref_squeeze %dma_start3A_1078 : memref<1x128xi32, #tpu.memory_space<vmem>> -> memref<128xi32, #tpu.memory_space<vmem>>
      %dma_start3A_1080 = arith.constant 0 : i32
      %dma_start3A_1081 = arith.constant 0 : i32
      %dma_start3A_1082 = tpu.memref_slice %arg6[%dma_start3A_1080, %dma_start3A_1081] : memref<25016x48xf32, #tpu.memory_space<vmem_shared>> -> memref<25016x48xf32, #tpu.memory_space<vmem_shared>>
      tpu.enqueue_indirect_dma source(%dma_start3A_1076 : memref<128x48xf32, #tpu.memory_space<vmem>>) target(%dma_start3A_1082 : memref<25016x48xf32, #tpu.memory_space<vmem_shared>>) offsets(%dma_start3A_1079 : memref<128xi32, #tpu.memory_space<vmem>>) semaphore(%arg21 : memref<!tpu.dma_semaphore, #tpu.memory_space<semaphore_mem>>) {add = true}
      %dma_start3A_1083 = arith.constant 1 : i32
      %dma_start3A_1084 = arith.constant 128 : i32
      %dma_start3A_1085 = arith.constant 0 : i32
      %dma_start3A_1086 = tpu.memref_slice %arg11[%dma_start3A_1084, %dma_start3A_1085] : memref<512x48xf32, #tpu.memory_space<vmem>> -> memref<128x48xf32, #tpu.memory_space<vmem>>
      %dma_start3A_1087 = arith.constant 0 : i32
      %dma_start3A_1088 = tpu.memref_slice %arg10[%dma_start3A_1083, %dma_start3A_1087] : memref<4x128xi32, #tpu.memory_space<vmem>> -> memref<1x128xi32, #tpu.memory_space<vmem>>
      %dma_start3A_1089 = tpu.memref_squeeze %dma_start3A_1088 : memref<1x128xi32, #tpu.memory_space<vmem>> -> memref<128xi32, #tpu.memory_space<vmem>>
      %dma_start3A_1090 = arith.constant 0 : i32
      %dma_start3A_1091 = arith.constant 0 : i32
      %dma_start3A_1092 = tpu.memref_slice %arg6[%dma_start3A_1090, %dma_start3A_1091] : memref<25016x48xf32, #tpu.memory_space<vmem_shared>> -> memref<25016x48xf32, #tpu.memory_space<vmem_shared>>
      tpu.enqueue_indirect_dma source(%dma_start3A_1086 : memref<128x48xf32, #tpu.memory_space<vmem>>) target(%dma_start3A_1092 : memref<25016x48xf32, #tpu.memory_space<vmem_shared>>) offsets(%dma_start3A_1089 : memref<128xi32, #tpu.memory_space<vmem>>) semaphore(%arg21 : memref<!tpu.dma_semaphore, #tpu.memory_space<semaphore_mem>>) {add = true}
      %dma_start3A_1093 = arith.constant 2 : i32
      %dma_start3A_1094 = arith.constant 256 : i32
      %dma_start3A_1095 = arith.constant 0 : i32
      %dma_start3A_1096 = tpu.memref_slice %arg11[%dma_start3A_1094, %dma_start3A_1095] : memref<512x48xf32, #tpu.memory_space<vmem>> -> memref<128x48xf32, #tpu.memory_space<vmem>>
      %dma_start3A_1097 = arith.constant 0 : i32
      %dma_start3A_1098 = tpu.memref_slice %arg10[%dma_start3A_1093, %dma_start3A_1097] : memref<4x128xi32, #tpu.memory_space<vmem>> -> memref<1x128xi32, #tpu.memory_space<vmem>>
      %dma_start3A_1099 = tpu.memref_squeeze %dma_start3A_1098 : memref<1x128xi32, #tpu.memory_space<vmem>> -> memref<128xi32, #tpu.memory_space<vmem>>
      %dma_start3A_1100 = arith.constant 0 : i32
      %dma_start3A_1101 = arith.constant 0 : i32
      %dma_start3A_1102 = tpu.memref_slice %arg6[%dma_start3A_1100, %dma_start3A_1101] : memref<25016x48xf32, #tpu.memory_space<vmem_shared>> -> memref<25016x48xf32, #tpu.memory_space<vmem_shared>>
      tpu.enqueue_indirect_dma source(%dma_start3A_1096 : memref<128x48xf32, #tpu.memory_space<vmem>>) target(%dma_start3A_1102 : memref<25016x48xf32, #tpu.memory_space<vmem_shared>>) offsets(%dma_start3A_1099 : memref<128xi32, #tpu.memory_space<vmem>>) semaphore(%arg21 : memref<!tpu.dma_semaphore, #tpu.memory_space<semaphore_mem>>) {add = true}
      %dma_start3A_1103 = arith.constant 3 : i32
      %dma_start3A_1104 = arith.constant 384 : i32
      %dma_start3A_1105 = arith.constant 0 : i32
      %dma_start3A_1106 = tpu.memref_slice %arg11[%dma_start3A_1104, %dma_start3A_1105] : memref<512x48xf32, #tpu.memory_space<vmem>> -> memref<128x48xf32, #tpu.memory_space<vmem>>
      %dma_start3A_1107 = arith.constant 0 : i32
      %dma_start3A_1108 = tpu.memref_slice %arg10[%dma_start3A_1103, %dma_start3A_1107] : memref<4x128xi32, #tpu.memory_space<vmem>> -> memref<1x128xi32, #tpu.memory_space<vmem>>
      %dma_start3A_1109 = tpu.memref_squeeze %dma_start3A_1108 : memref<1x128xi32, #tpu.memory_space<vmem>> -> memref<128xi32, #tpu.memory_space<vmem>>
      %dma_start3A_1110 = arith.constant 0 : i32
      %dma_start3A_1111 = arith.constant 0 : i32
      %dma_start3A_1112 = tpu.memref_slice %arg6[%dma_start3A_1110, %dma_start3A_1111] : memref<25016x48xf32, #tpu.memory_space<vmem_shared>> -> memref<25016x48xf32, #tpu.memory_space<vmem_shared>>
      tpu.enqueue_indirect_dma source(%dma_start3A_1106 : memref<128x48xf32, #tpu.memory_space<vmem>>) target(%dma_start3A_1112 : memref<25016x48xf32, #tpu.memory_space<vmem_shared>>) offsets(%dma_start3A_1109 : memref<128xi32, #tpu.memory_space<vmem>>) semaphore(%arg21 : memref<!tpu.dma_semaphore, #tpu.memory_space<semaphore_mem>>) {add = true}
      %scan3A_1113 = arith.constant 0 : i32
      scf.yield %scan3A_1113 : i32
    }
    %scan3A_614 = arith.constant 99 : i32
    %dma_wait3A_615 = arith.constant 0 : i32
    %dma_wait3A_616 = arith.constant 0 : i32
    %dma_wait3A_617 = tpu.memref_slice %arg16[%dma_wait3A_615, %dma_wait3A_616] : memref<512x48xf32, #tpu.memory_space<vmem>> -> memref<128x48xf32, #tpu.memory_space<vmem>>
    %dma_wait3A_618 = arith.constant 0 : i32
    %dma_wait3A_619 = tpu.memref_slice %arg14[%dma_wait3A_618] : memref<512xi32, #tpu.memory_space<vmem>> -> memref<128xi32, #tpu.memory_space<vmem>>
    %dma_wait3A_620 = arith.constant 0 : i32
    %dma_wait3A_621 = arith.constant 0 : i32
    %dma_wait3A_622 = tpu.memref_slice %arg2[%dma_wait3A_620, %dma_wait3A_621] : memref<100000x48xf32, #tpu.memory_space<hbm>> -> memref<100000x48xf32, #tpu.memory_space<hbm>>
    tpu.wait_indirect_dma semaphore(%arg20 : memref<!tpu.dma_semaphore, #tpu.memory_space<semaphore_mem>>) src(%dma_wait3A_622 : memref<100000x48xf32, #tpu.memory_space<hbm>>) dst(%dma_wait3A_617 : memref<128x48xf32, #tpu.memory_space<vmem>>)
    %dma_wait3A_623 = arith.constant 128 : i32
    %dma_wait3A_624 = arith.constant 0 : i32
    %dma_wait3A_625 = tpu.memref_slice %arg16[%dma_wait3A_623, %dma_wait3A_624] : memref<512x48xf32, #tpu.memory_space<vmem>> -> memref<128x48xf32, #tpu.memory_space<vmem>>
    %dma_wait3A_626 = arith.constant 128 : i32
    %dma_wait3A_627 = tpu.memref_slice %arg14[%dma_wait3A_626] : memref<512xi32, #tpu.memory_space<vmem>> -> memref<128xi32, #tpu.memory_space<vmem>>
    %dma_wait3A_628 = arith.constant 0 : i32
    %dma_wait3A_629 = arith.constant 0 : i32
    %dma_wait3A_630 = tpu.memref_slice %arg2[%dma_wait3A_628, %dma_wait3A_629] : memref<100000x48xf32, #tpu.memory_space<hbm>> -> memref<100000x48xf32, #tpu.memory_space<hbm>>
    tpu.wait_indirect_dma semaphore(%arg20 : memref<!tpu.dma_semaphore, #tpu.memory_space<semaphore_mem>>) src(%dma_wait3A_630 : memref<100000x48xf32, #tpu.memory_space<hbm>>) dst(%dma_wait3A_625 : memref<128x48xf32, #tpu.memory_space<vmem>>)
    %dma_wait3A_631 = arith.constant 256 : i32
    %dma_wait3A_632 = arith.constant 0 : i32
    %dma_wait3A_633 = tpu.memref_slice %arg16[%dma_wait3A_631, %dma_wait3A_632] : memref<512x48xf32, #tpu.memory_space<vmem>> -> memref<128x48xf32, #tpu.memory_space<vmem>>
    %dma_wait3A_634 = arith.constant 256 : i32
    %dma_wait3A_635 = tpu.memref_slice %arg14[%dma_wait3A_634] : memref<512xi32, #tpu.memory_space<vmem>> -> memref<128xi32, #tpu.memory_space<vmem>>
    %dma_wait3A_636 = arith.constant 0 : i32
    %dma_wait3A_637 = arith.constant 0 : i32
    %dma_wait3A_638 = tpu.memref_slice %arg2[%dma_wait3A_636, %dma_wait3A_637] : memref<100000x48xf32, #tpu.memory_space<hbm>> -> memref<100000x48xf32, #tpu.memory_space<hbm>>
    tpu.wait_indirect_dma semaphore(%arg20 : memref<!tpu.dma_semaphore, #tpu.memory_space<semaphore_mem>>) src(%dma_wait3A_638 : memref<100000x48xf32, #tpu.memory_space<hbm>>) dst(%dma_wait3A_633 : memref<128x48xf32, #tpu.memory_space<vmem>>)
    %dma_wait3A_639 = arith.constant 384 : i32
    %dma_wait3A_640 = arith.constant 0 : i32
    %dma_wait3A_641 = tpu.memref_slice %arg16[%dma_wait3A_639, %dma_wait3A_640] : memref<512x48xf32, #tpu.memory_space<vmem>> -> memref<128x48xf32, #tpu.memory_space<vmem>>
    %dma_wait3A_642 = arith.constant 384 : i32
    %dma_wait3A_643 = tpu.memref_slice %arg14[%dma_wait3A_642] : memref<512xi32, #tpu.memory_space<vmem>> -> memref<128xi32, #tpu.memory_space<vmem>>
    %dma_wait3A_644 = arith.constant 0 : i32
    %dma_wait3A_645 = arith.constant 0 : i32
    %dma_wait3A_646 = tpu.memref_slice %arg2[%dma_wait3A_644, %dma_wait3A_645] : memref<100000x48xf32, #tpu.memory_space<hbm>> -> memref<100000x48xf32, #tpu.memory_space<hbm>>
    tpu.wait_indirect_dma semaphore(%arg20 : memref<!tpu.dma_semaphore, #tpu.memory_space<semaphore_mem>>) src(%dma_wait3A_646 : memref<100000x48xf32, #tpu.memory_space<hbm>>) dst(%dma_wait3A_641 : memref<128x48xf32, #tpu.memory_space<vmem>>)
    %dma_start3A_647 = arith.constant 0 : i32
    %dma_start3A_648 = arith.constant 0 : i32
    %dma_start3A_649 = arith.constant 0 : i32
    %dma_start3A_650 = tpu.memref_slice %arg16[%dma_start3A_648, %dma_start3A_649] : memref<512x48xf32, #tpu.memory_space<vmem>> -> memref<128x48xf32, #tpu.memory_space<vmem>>
    %dma_start3A_651 = arith.constant 0 : i32
    %dma_start3A_652 = tpu.memref_slice %arg15[%dma_start3A_647, %dma_start3A_651] : memref<4x128xi32, #tpu.memory_space<vmem>> -> memref<1x128xi32, #tpu.memory_space<vmem>>
    %dma_start3A_653 = tpu.memref_squeeze %dma_start3A_652 : memref<1x128xi32, #tpu.memory_space<vmem>> -> memref<128xi32, #tpu.memory_space<vmem>>
    %dma_start3A_654 = arith.constant 0 : i32
    %dma_start3A_655 = arith.constant 0 : i32
    %dma_start3A_656 = tpu.memref_slice %arg6[%dma_start3A_654, %dma_start3A_655] : memref<25016x48xf32, #tpu.memory_space<vmem_shared>> -> memref<25016x48xf32, #tpu.memory_space<vmem_shared>>
    tpu.enqueue_indirect_dma source(%dma_start3A_650 : memref<128x48xf32, #tpu.memory_space<vmem>>) target(%dma_start3A_656 : memref<25016x48xf32, #tpu.memory_space<vmem_shared>>) offsets(%dma_start3A_653 : memref<128xi32, #tpu.memory_space<vmem>>) semaphore(%arg22 : memref<!tpu.dma_semaphore, #tpu.memory_space<semaphore_mem>>) {add = true}
    %dma_start3A_657 = arith.constant 1 : i32
    %dma_start3A_658 = arith.constant 128 : i32
    %dma_start3A_659 = arith.constant 0 : i32
    %dma_start3A_660 = tpu.memref_slice %arg16[%dma_start3A_658, %dma_start3A_659] : memref<512x48xf32, #tpu.memory_space<vmem>> -> memref<128x48xf32, #tpu.memory_space<vmem>>
    %dma_start3A_661 = arith.constant 0 : i32
    %dma_start3A_662 = tpu.memref_slice %arg15[%dma_start3A_657, %dma_start3A_661] : memref<4x128xi32, #tpu.memory_space<vmem>> -> memref<1x128xi32, #tpu.memory_space<vmem>>
    %dma_start3A_663 = tpu.memref_squeeze %dma_start3A_662 : memref<1x128xi32, #tpu.memory_space<vmem>> -> memref<128xi32, #tpu.memory_space<vmem>>
    %dma_start3A_664 = arith.constant 0 : i32
    %dma_start3A_665 = arith.constant 0 : i32
    %dma_start3A_666 = tpu.memref_slice %arg6[%dma_start3A_664, %dma_start3A_665] : memref<25016x48xf32, #tpu.memory_space<vmem_shared>> -> memref<25016x48xf32, #tpu.memory_space<vmem_shared>>
    tpu.enqueue_indirect_dma source(%dma_start3A_660 : memref<128x48xf32, #tpu.memory_space<vmem>>) target(%dma_start3A_666 : memref<25016x48xf32, #tpu.memory_space<vmem_shared>>) offsets(%dma_start3A_663 : memref<128xi32, #tpu.memory_space<vmem>>) semaphore(%arg22 : memref<!tpu.dma_semaphore, #tpu.memory_space<semaphore_mem>>) {add = true}
    %dma_start3A_667 = arith.constant 2 : i32
    %dma_start3A_668 = arith.constant 256 : i32
    %dma_start3A_669 = arith.constant 0 : i32
    %dma_start3A_670 = tpu.memref_slice %arg16[%dma_start3A_668, %dma_start3A_669] : memref<512x48xf32, #tpu.memory_space<vmem>> -> memref<128x48xf32, #tpu.memory_space<vmem>>
    %dma_start3A_671 = arith.constant 0 : i32
    %dma_start3A_672 = tpu.memref_slice %arg15[%dma_start3A_667, %dma_start3A_671] : memref<4x128xi32, #tpu.memory_space<vmem>> -> memref<1x128xi32, #tpu.memory_space<vmem>>
    %dma_start3A_673 = tpu.memref_squeeze %dma_start3A_672 : memref<1x128xi32, #tpu.memory_space<vmem>> -> memref<128xi32, #tpu.memory_space<vmem>>
    %dma_start3A_674 = arith.constant 0 : i32
    %dma_start3A_675 = arith.constant 0 : i32
    %dma_start3A_676 = tpu.memref_slice %arg6[%dma_start3A_674, %dma_start3A_675] : memref<25016x48xf32, #tpu.memory_space<vmem_shared>> -> memref<25016x48xf32, #tpu.memory_space<vmem_shared>>
    tpu.enqueue_indirect_dma source(%dma_start3A_670 : memref<128x48xf32, #tpu.memory_space<vmem>>) target(%dma_start3A_676 : memref<25016x48xf32, #tpu.memory_space<vmem_shared>>) offsets(%dma_start3A_673 : memref<128xi32, #tpu.memory_space<vmem>>) semaphore(%arg22 : memref<!tpu.dma_semaphore, #tpu.memory_space<semaphore_mem>>) {add = true}
    %dma_start3A_677 = arith.constant 3 : i32
    %dma_start3A_678 = arith.constant 384 : i32
    %dma_start3A_679 = arith.constant 0 : i32
    %dma_start3A_680 = tpu.memref_slice %arg16[%dma_start3A_678, %dma_start3A_679] : memref<512x48xf32, #tpu.memory_space<vmem>> -> memref<128x48xf32, #tpu.memory_space<vmem>>
    %dma_start3A_681 = arith.constant 0 : i32
    %dma_start3A_682 = tpu.memref_slice %arg15[%dma_start3A_677, %dma_start3A_681] : memref<4x128xi32, #tpu.memory_space<vmem>> -> memref<1x128xi32, #tpu.memory_space<vmem>>
    %dma_start3A_683 = tpu.memref_squeeze %dma_start3A_682 : memref<1x128xi32, #tpu.memory_space<vmem>> -> memref<128xi32, #tpu.memory_space<vmem>>
    %dma_start3A_684 = arith.constant 0 : i32
    %dma_start3A_685 = arith.constant 0 : i32
    %dma_start3A_686 = tpu.memref_slice %arg6[%dma_start3A_684, %dma_start3A_685] : memref<25016x48xf32, #tpu.memory_space<vmem_shared>> -> memref<25016x48xf32, #tpu.memory_space<vmem_shared>>
    tpu.enqueue_indirect_dma source(%dma_start3A_680 : memref<128x48xf32, #tpu.memory_space<vmem>>) target(%dma_start3A_686 : memref<25016x48xf32, #tpu.memory_space<vmem_shared>>) offsets(%dma_start3A_683 : memref<128xi32, #tpu.memory_space<vmem>>) semaphore(%arg22 : memref<!tpu.dma_semaphore, #tpu.memory_space<semaphore_mem>>) {add = true}
    %dma_wait3A_687 = arith.constant 0 : i32
    %dma_wait3A_688 = arith.constant 0 : i32
    %dma_wait3A_689 = arith.constant 0 : i32
    %dma_wait3A_690 = tpu.memref_slice %arg11[%dma_wait3A_688, %dma_wait3A_689] : memref<512x48xf32, #tpu.memory_space<vmem>> -> memref<128x48xf32, #tpu.memory_space<vmem>>
    %dma_wait3A_691 = arith.constant 0 : i32
    %dma_wait3A_692 = tpu.memref_slice %arg10[%dma_wait3A_687, %dma_wait3A_691] : memref<4x128xi32, #tpu.memory_space<vmem>> -> memref<1x128xi32, #tpu.memory_space<vmem>>
    %dma_wait3A_693 = tpu.memref_squeeze %dma_wait3A_692 : memref<1x128xi32, #tpu.memory_space<vmem>> -> memref<128xi32, #tpu.memory_space<vmem>>
    %dma_wait3A_694 = arith.constant 0 : i32
    %dma_wait3A_695 = arith.constant 0 : i32
    %dma_wait3A_696 = tpu.memref_slice %arg6[%dma_wait3A_694, %dma_wait3A_695] : memref<25016x48xf32, #tpu.memory_space<vmem_shared>> -> memref<25016x48xf32, #tpu.memory_space<vmem_shared>>
    tpu.wait_indirect_dma semaphore(%arg21 : memref<!tpu.dma_semaphore, #tpu.memory_space<semaphore_mem>>) src(%dma_wait3A_690 : memref<128x48xf32, #tpu.memory_space<vmem>>) dst(%dma_wait3A_696 : memref<25016x48xf32, #tpu.memory_space<vmem_shared>>)
    %dma_wait3A_697 = arith.constant 1 : i32
    %dma_wait3A_698 = arith.constant 128 : i32
    %dma_wait3A_699 = arith.constant 0 : i32
    %dma_wait3A_700 = tpu.memref_slice %arg11[%dma_wait3A_698, %dma_wait3A_699] : memref<512x48xf32, #tpu.memory_space<vmem>> -> memref<128x48xf32, #tpu.memory_space<vmem>>
    %dma_wait3A_701 = arith.constant 0 : i32
    %dma_wait3A_702 = tpu.memref_slice %arg10[%dma_wait3A_697, %dma_wait3A_701] : memref<4x128xi32, #tpu.memory_space<vmem>> -> memref<1x128xi32, #tpu.memory_space<vmem>>
    %dma_wait3A_703 = tpu.memref_squeeze %dma_wait3A_702 : memref<1x128xi32, #tpu.memory_space<vmem>> -> memref<128xi32, #tpu.memory_space<vmem>>
    %dma_wait3A_704 = arith.constant 0 : i32
    %dma_wait3A_705 = arith.constant 0 : i32
    %dma_wait3A_706 = tpu.memref_slice %arg6[%dma_wait3A_704, %dma_wait3A_705] : memref<25016x48xf32, #tpu.memory_space<vmem_shared>> -> memref<25016x48xf32, #tpu.memory_space<vmem_shared>>
    tpu.wait_indirect_dma semaphore(%arg21 : memref<!tpu.dma_semaphore, #tpu.memory_space<semaphore_mem>>) src(%dma_wait3A_700 : memref<128x48xf32, #tpu.memory_space<vmem>>) dst(%dma_wait3A_706 : memref<25016x48xf32, #tpu.memory_space<vmem_shared>>)
    %dma_wait3A_707 = arith.constant 2 : i32
    %dma_wait3A_708 = arith.constant 256 : i32
    %dma_wait3A_709 = arith.constant 0 : i32
    %dma_wait3A_710 = tpu.memref_slice %arg11[%dma_wait3A_708, %dma_wait3A_709] : memref<512x48xf32, #tpu.memory_space<vmem>> -> memref<128x48xf32, #tpu.memory_space<vmem>>
    %dma_wait3A_711 = arith.constant 0 : i32
    %dma_wait3A_712 = tpu.memref_slice %arg10[%dma_wait3A_707, %dma_wait3A_711] : memref<4x128xi32, #tpu.memory_space<vmem>> -> memref<1x128xi32, #tpu.memory_space<vmem>>
    %dma_wait3A_713 = tpu.memref_squeeze %dma_wait3A_712 : memref<1x128xi32, #tpu.memory_space<vmem>> -> memref<128xi32, #tpu.memory_space<vmem>>
    %dma_wait3A_714 = arith.constant 0 : i32
    %dma_wait3A_715 = arith.constant 0 : i32
    %dma_wait3A_716 = tpu.memref_slice %arg6[%dma_wait3A_714, %dma_wait3A_715] : memref<25016x48xf32, #tpu.memory_space<vmem_shared>> -> memref<25016x48xf32, #tpu.memory_space<vmem_shared>>
    tpu.wait_indirect_dma semaphore(%arg21 : memref<!tpu.dma_semaphore, #tpu.memory_space<semaphore_mem>>) src(%dma_wait3A_710 : memref<128x48xf32, #tpu.memory_space<vmem>>) dst(%dma_wait3A_716 : memref<25016x48xf32, #tpu.memory_space<vmem_shared>>)
    %dma_wait3A_717 = arith.constant 3 : i32
    %dma_wait3A_718 = arith.constant 384 : i32
    %dma_wait3A_719 = arith.constant 0 : i32
    %dma_wait3A_720 = tpu.memref_slice %arg11[%dma_wait3A_718, %dma_wait3A_719] : memref<512x48xf32, #tpu.memory_space<vmem>> -> memref<128x48xf32, #tpu.memory_space<vmem>>
    %dma_wait3A_721 = arith.constant 0 : i32
    %dma_wait3A_722 = tpu.memref_slice %arg10[%dma_wait3A_717, %dma_wait3A_721] : memref<4x128xi32, #tpu.memory_space<vmem>> -> memref<1x128xi32, #tpu.memory_space<vmem>>
    %dma_wait3A_723 = tpu.memref_squeeze %dma_wait3A_722 : memref<1x128xi32, #tpu.memory_space<vmem>> -> memref<128xi32, #tpu.memory_space<vmem>>
    %dma_wait3A_724 = arith.constant 0 : i32
    %dma_wait3A_725 = arith.constant 0 : i32
    %dma_wait3A_726 = tpu.memref_slice %arg6[%dma_wait3A_724, %dma_wait3A_725] : memref<25016x48xf32, #tpu.memory_space<vmem_shared>> -> memref<25016x48xf32, #tpu.memory_space<vmem_shared>>
    tpu.wait_indirect_dma semaphore(%arg21 : memref<!tpu.dma_semaphore, #tpu.memory_space<semaphore_mem>>) src(%dma_wait3A_720 : memref<128x48xf32, #tpu.memory_space<vmem>>) dst(%dma_wait3A_726 : memref<25016x48xf32, #tpu.memory_space<vmem_shared>>)
    %dma_wait3A_727 = arith.constant 0 : i32
    %dma_wait3A_728 = arith.constant 0 : i32
    %dma_wait3A_729 = arith.constant 0 : i32
    %dma_wait3A_730 = tpu.memref_slice %arg16[%dma_wait3A_728, %dma_wait3A_729] : memref<512x48xf32, #tpu.memory_space<vmem>> -> memref<128x48xf32, #tpu.memory_space<vmem>>
    %dma_wait3A_731 = arith.constant 0 : i32
    %dma_wait3A_732 = tpu.memref_slice %arg15[%dma_wait3A_727, %dma_wait3A_731] : memref<4x128xi32, #tpu.memory_space<vmem>> -> memref<1x128xi32, #tpu.memory_space<vmem>>
    %dma_wait3A_733 = tpu.memref_squeeze %dma_wait3A_732 : memref<1x128xi32, #tpu.memory_space<vmem>> -> memref<128xi32, #tpu.memory_space<vmem>>
    %dma_wait3A_734 = arith.constant 0 : i32
    %dma_wait3A_735 = arith.constant 0 : i32
    %dma_wait3A_736 = tpu.memref_slice %arg6[%dma_wait3A_734, %dma_wait3A_735] : memref<25016x48xf32, #tpu.memory_space<vmem_shared>> -> memref<25016x48xf32, #tpu.memory_space<vmem_shared>>
    tpu.wait_indirect_dma semaphore(%arg22 : memref<!tpu.dma_semaphore, #tpu.memory_space<semaphore_mem>>) src(%dma_wait3A_730 : memref<128x48xf32, #tpu.memory_space<vmem>>) dst(%dma_wait3A_736 : memref<25016x48xf32, #tpu.memory_space<vmem_shared>>)
    %dma_wait3A_737 = arith.constant 1 : i32
    %dma_wait3A_738 = arith.constant 128 : i32
    %dma_wait3A_739 = arith.constant 0 : i32
    %dma_wait3A_740 = tpu.memref_slice %arg16[%dma_wait3A_738, %dma_wait3A_739] : memref<512x48xf32, #tpu.memory_space<vmem>> -> memref<128x48xf32, #tpu.memory_space<vmem>>
    %dma_wait3A_741 = arith.constant 0 : i32
    %dma_wait3A_742 = tpu.memref_slice %arg15[%dma_wait3A_737, %dma_wait3A_741] : memref<4x128xi32, #tpu.memory_space<vmem>> -> memref<1x128xi32, #tpu.memory_space<vmem>>
    %dma_wait3A_743 = tpu.memref_squeeze %dma_wait3A_742 : memref<1x128xi32, #tpu.memory_space<vmem>> -> memref<128xi32, #tpu.memory_space<vmem>>
    %dma_wait3A_744 = arith.constant 0 : i32
    %dma_wait3A_745 = arith.constant 0 : i32
    %dma_wait3A_746 = tpu.memref_slice %arg6[%dma_wait3A_744, %dma_wait3A_745] : memref<25016x48xf32, #tpu.memory_space<vmem_shared>> -> memref<25016x48xf32, #tpu.memory_space<vmem_shared>>
    tpu.wait_indirect_dma semaphore(%arg22 : memref<!tpu.dma_semaphore, #tpu.memory_space<semaphore_mem>>) src(%dma_wait3A_740 : memref<128x48xf32, #tpu.memory_space<vmem>>) dst(%dma_wait3A_746 : memref<25016x48xf32, #tpu.memory_space<vmem_shared>>)
    %dma_wait3A_747 = arith.constant 2 : i32
    %dma_wait3A_748 = arith.constant 256 : i32
    %dma_wait3A_749 = arith.constant 0 : i32
    %dma_wait3A_750 = tpu.memref_slice %arg16[%dma_wait3A_748, %dma_wait3A_749] : memref<512x48xf32, #tpu.memory_space<vmem>> -> memref<128x48xf32, #tpu.memory_space<vmem>>
    %dma_wait3A_751 = arith.constant 0 : i32
    %dma_wait3A_752 = tpu.memref_slice %arg15[%dma_wait3A_747, %dma_wait3A_751] : memref<4x128xi32, #tpu.memory_space<vmem>> -> memref<1x128xi32, #tpu.memory_space<vmem>>
    %dma_wait3A_753 = tpu.memref_squeeze %dma_wait3A_752 : memref<1x128xi32, #tpu.memory_space<vmem>> -> memref<128xi32, #tpu.memory_space<vmem>>
    %dma_wait3A_754 = arith.constant 0 : i32
    %dma_wait3A_755 = arith.constant 0 : i32
    %dma_wait3A_756 = tpu.memref_slice %arg6[%dma_wait3A_754, %dma_wait3A_755] : memref<25016x48xf32, #tpu.memory_space<vmem_shared>> -> memref<25016x48xf32, #tpu.memory_space<vmem_shared>>
    tpu.wait_indirect_dma semaphore(%arg22 : memref<!tpu.dma_semaphore, #tpu.memory_space<semaphore_mem>>) src(%dma_wait3A_750 : memref<128x48xf32, #tpu.memory_space<vmem>>) dst(%dma_wait3A_756 : memref<25016x48xf32, #tpu.memory_space<vmem_shared>>)
    %dma_wait3A_757 = arith.constant 3 : i32
    %dma_wait3A_758 = arith.constant 384 : i32
    %dma_wait3A_759 = arith.constant 0 : i32
    %dma_wait3A_760 = tpu.memref_slice %arg16[%dma_wait3A_758, %dma_wait3A_759] : memref<512x48xf32, #tpu.memory_space<vmem>> -> memref<128x48xf32, #tpu.memory_space<vmem>>
    %dma_wait3A_761 = arith.constant 0 : i32
    %dma_wait3A_762 = tpu.memref_slice %arg15[%dma_wait3A_757, %dma_wait3A_761] : memref<4x128xi32, #tpu.memory_space<vmem>> -> memref<1x128xi32, #tpu.memory_space<vmem>>
    %dma_wait3A_763 = tpu.memref_squeeze %dma_wait3A_762 : memref<1x128xi32, #tpu.memory_space<vmem>> -> memref<128xi32, #tpu.memory_space<vmem>>
    %dma_wait3A_764 = arith.constant 0 : i32
    %dma_wait3A_765 = arith.constant 0 : i32
    %dma_wait3A_766 = tpu.memref_slice %arg6[%dma_wait3A_764, %dma_wait3A_765] : memref<25016x48xf32, #tpu.memory_space<vmem_shared>> -> memref<25016x48xf32, #tpu.memory_space<vmem_shared>>
    tpu.wait_indirect_dma semaphore(%arg22 : memref<!tpu.dma_semaphore, #tpu.memory_space<semaphore_mem>>) src(%dma_wait3A_760 : memref<128x48xf32, #tpu.memory_space<vmem>>) dst(%dma_wait3A_766 : memref<25016x48xf32, #tpu.memory_space<vmem_shared>>)
    %barrier3A_767 = arith.constant 0 : index
    tpu.barrier barrier_id(%barrier3A_767)
    %add3A_768 = arith.constant 0 : i32
    %add3A_769 = arith.addi %arg1, %add3A_768 : i32
    %lt3A_770 = arith.constant 25 : i32
    %lt3A_771 = arith.cmpi slt, %add3A_769, %lt3A_770 : i32
    %convert_element_type3A_772 = arith.extui %lt3A_771 : i1 to i32
    %cond3A_773 = arith.constant 0 : i32
    %cond3A_774 = arith.cmpi ne, %convert_element_type3A_772, %cond3A_773 : i32
    scf.if %cond3A_774 {
      %mul3A_783 = arith.constant 1000 : i32
      %mul3A_784 = arith.muli %add3A_769, %mul3A_783 : i32
      %mul3A_785 = arith.constant 1000 : i32
      %mul3A_786 = arith.muli %add3A_769, %mul3A_785 : i32
      %add3A_787 = arith.addi %mul3A_392, %mul3A_786 : i32
      "tpu.region"() ({
        %run_scoped3A = tpu.sem_alloc : memref<!tpu.dma_semaphore, #tpu.memory_space<semaphore_mem>>
        %dma_start3A_788 = arith.constant 0 : i32
        %dma_start3A_789 = tpu.memref_slice %arg5[%add3A_787, %dma_start3A_788] : memref<100000x48xf32, #tpu.memory_space<hbm>> -> memref<1000x48xf32, #tpu.memory_space<hbm>>
        %dma_start3A_790 = arith.constant 0 : i32
        %dma_start3A_791 = tpu.memref_slice %arg6[%mul3A_784, %dma_start3A_790] : memref<25016x48xf32, #tpu.memory_space<vmem_shared>> -> memref<1000x48xf32, #tpu.memory_space<vmem_shared>>
        tpu.enqueue_dma source(%dma_start3A_791 : memref<1000x48xf32, #tpu.memory_space<vmem_shared>>) target(%dma_start3A_789 : memref<1000x48xf32, #tpu.memory_space<hbm>>) target_semaphore(%run_scoped3A : memref<!tpu.dma_semaphore, #tpu.memory_space<semaphore_mem>>)
        %dma_wait3A_792 = arith.constant 0 : i32
        %dma_wait3A_793 = tpu.memref_slice %arg5[%add3A_787, %dma_wait3A_792] : memref<100000x48xf32, #tpu.memory_space<hbm>> -> memref<1000x48xf32, #tpu.memory_space<hbm>>
        %dma_wait3A_794 = arith.constant 0 : i32
        %dma_wait3A_795 = tpu.memref_slice %arg6[%mul3A_784, %dma_wait3A_794] : memref<25016x48xf32, #tpu.memory_space<vmem_shared>> -> memref<1000x48xf32, #tpu.memory_space<vmem_shared>>
        tpu.wait_dma2 semaphore(%run_scoped3A : memref<!tpu.dma_semaphore, #tpu.memory_space<semaphore_mem>>) src(%dma_wait3A_795 : memref<1000x48xf32, #tpu.memory_space<vmem_shared>>) dst(%dma_wait3A_793 : memref<1000x48xf32, #tpu.memory_space<hbm>>)
        tpu.yield
      }) : () -> ()
    } else {
    }
    %add3A_775 = arith.constant 16 : i32
    %add3A_776 = arith.addi %arg1, %add3A_775 : i32
    %lt3A_777 = arith.constant 25 : i32
    %lt3A_778 = arith.cmpi slt, %add3A_776, %lt3A_777 : i32
    %convert_element_type3A_779 = arith.extui %lt3A_778 : i1 to i32
    %cond3A_780 = arith.constant 0 : i32
    %cond3A_781 = arith.cmpi ne, %convert_element_type3A_779, %cond3A_780 : i32
    scf.if %cond3A_781 {
      %mul3A_783 = arith.constant 1000 : i32
      %mul3A_784 = arith.muli %add3A_776, %mul3A_783 : i32
      %mul3A_785 = arith.constant 1000 : i32
      %mul3A_786 = arith.muli %add3A_776, %mul3A_785 : i32
      %add3A_787 = arith.addi %mul3A_392, %mul3A_786 : i32
      "tpu.region"() ({
        %run_scoped3A = tpu.sem_alloc : memref<!tpu.dma_semaphore, #tpu.memory_space<semaphore_mem>>
        %dma_start3A_788 = arith.constant 0 : i32
        %dma_start3A_789 = tpu.memref_slice %arg5[%add3A_787, %dma_start3A_788] : memref<100000x48xf32, #tpu.memory_space<hbm>> -> memref<1000x48xf32, #tpu.memory_space<hbm>>
        %dma_start3A_790 = arith.constant 0 : i32
        %dma_start3A_791 = tpu.memref_slice %arg6[%mul3A_784, %dma_start3A_790] : memref<25016x48xf32, #tpu.memory_space<vmem_shared>> -> memref<1000x48xf32, #tpu.memory_space<vmem_shared>>
        tpu.enqueue_dma source(%dma_start3A_791 : memref<1000x48xf32, #tpu.memory_space<vmem_shared>>) target(%dma_start3A_789 : memref<1000x48xf32, #tpu.memory_space<hbm>>) target_semaphore(%run_scoped3A : memref<!tpu.dma_semaphore, #tpu.memory_space<semaphore_mem>>)
        %dma_wait3A_792 = arith.constant 0 : i32
        %dma_wait3A_793 = tpu.memref_slice %arg5[%add3A_787, %dma_wait3A_792] : memref<100000x48xf32, #tpu.memory_space<hbm>> -> memref<1000x48xf32, #tpu.memory_space<hbm>>
        %dma_wait3A_794 = arith.constant 0 : i32
        %dma_wait3A_795 = tpu.memref_slice %arg6[%mul3A_784, %dma_wait3A_794] : memref<25016x48xf32, #tpu.memory_space<vmem_shared>> -> memref<1000x48xf32, #tpu.memory_space<vmem_shared>>
        tpu.wait_dma2 semaphore(%run_scoped3A : memref<!tpu.dma_semaphore, #tpu.memory_space<semaphore_mem>>) src(%dma_wait3A_795 : memref<1000x48xf32, #tpu.memory_space<vmem_shared>>) dst(%dma_wait3A_793 : memref<1000x48xf32, #tpu.memory_space<hbm>>)
        tpu.yield
      }) : () -> ()
    } else {
    }
    %barrier3A_782 = arith.constant 0 : index
    tpu.barrier barrier_id(%barrier3A_782)
    return
  }
}

module attributes {stable_mosaic.version = 14 : i64} {
  func.func @_conv_body(%arg0: i32, %arg1: memref<48x6400xf32, #tpu.memory_space<vmem>>, %arg2: memref<2x6400xf32, #tpu.memory_space<vmem>>, %arg3: memref<48x6400xf32, #tpu.memory_space<vmem>>) attributes {dimension_semantics = [#tpu.dimension_semantics<arbitrary>], iteration_bounds = array<i64: 16>, scalar_prefetch = 0 : i64, scratch_operands = 0 : i64, tpu.core_type = #tpu.core_type<tc>, window_params = [{transform_indices = @transform_0, window_bounds = array<i64: 48, 6400>}, {transform_indices = @transform_1, window_bounds = array<i64: 2, 6400>}, {transform_indices = @transform_2, window_bounds = array<i64: 48, 6400>}]} {
    %iota3A = tpu.iota {dimensions = array<i32: 0>} : vector<32x1xi32>
    %convert_element_type3A = arith.sitofp %iota3A : vector<32x1xi32> to vector<32x1xf32>
    %add3A = arith.constant 1.000000e+00 : f32
    %add3A_0 = vector.broadcast %add3A : f32 to vector<32x1xf32>
    %add3A_1 = arith.addf %convert_element_type3A, %add3A_0 : vector<32x1xf32>
    %log3A = math.log %add3A_1 : vector<32x1xf32>
    %get3A = arith.constant 0 : index
    %get3A_2 = arith.constant 0 : index
    %get3A_3 = vector.load %arg2[%get3A, %get3A_2] : memref<2x6400xf32, #tpu.memory_space<vmem>>, vector<1x6400xf32>
    %get3A_4 = arith.constant 1 : index
    %get3A_5 = arith.constant 0 : index
    %get3A_6 = vector.load %arg2[%get3A_4, %get3A_5] : memref<2x6400xf32, #tpu.memory_space<vmem>>, vector<1x6400xf32>
    %neg3A = arith.constant 0.000000e+00 : f32
    %neg3A_7 = vector.broadcast %neg3A : f32 to vector<1x6400xf32>
    %neg3A_8 = arith.subf %neg3A_7, %get3A_3 : vector<1x6400xf32>
    %exp3A = math.exp %neg3A_8 : vector<1x6400xf32>
    %add3A_9 = arith.constant 1.000000e+00 : f32
    %add3A_10 = vector.broadcast %add3A_9 : f32 to vector<1x6400xf32>
    %add3A_11 = arith.addf %add3A_10, %exp3A : vector<1x6400xf32>
    %div3A = arith.constant 1.000000e+00 : f32
    %div3A_12 = vector.broadcast %div3A : f32 to vector<1x6400xf32>
    %div3A_13 = arith.divf %div3A_12, %add3A_11 : vector<1x6400xf32>
    %neg3A_14 = arith.constant 0.000000e+00 : f32
    %neg3A_15 = vector.broadcast %neg3A_14 : f32 to vector<1x6400xf32>
    %neg3A_16 = arith.subf %neg3A_15, %get3A_6 : vector<1x6400xf32>
    %exp3A_17 = math.exp %neg3A_16 : vector<1x6400xf32>
    %add3A_18 = arith.constant 1.000000e+00 : f32
    %add3A_19 = vector.broadcast %add3A_18 : f32 to vector<1x6400xf32>
    %add3A_20 = arith.addf %add3A_19, %exp3A_17 : vector<1x6400xf32>
    %div3A_21 = arith.constant 1.000000e+00 : f32
    %div3A_22 = vector.broadcast %div3A_21 : f32 to vector<1x6400xf32>
    %div3A_23 = arith.divf %div3A_22, %add3A_20 : vector<1x6400xf32>
    %mul3A = arith.constant 2.500000e-01 : f32
    %mul3A_24 = vector.broadcast %mul3A : f32 to vector<1x6400xf32>
    %mul3A_25 = arith.mulf %div3A_13, %mul3A_24 : vector<1x6400xf32>
    %add3A_26 = arith.constant 5.000000e-03 : f32
    %add3A_27 = vector.broadcast %add3A_26 : f32 to vector<1x6400xf32>
    %add3A_28 = arith.addf %mul3A_25, %add3A_27 : vector<1x6400xf32>
    %mul3A_29 = arith.constant 1.000000e+01 : f32
    %mul3A_30 = vector.broadcast %mul3A_29 : f32 to vector<1x6400xf32>
    %mul3A_31 = arith.mulf %add3A_28, %mul3A_30 : vector<1x6400xf32>
    %add3A_32 = arith.constant 1.000000e+00 : f32
    %add3A_33 = vector.broadcast %add3A_32 : f32 to vector<1x6400xf32>
    %add3A_34 = arith.addf %add3A_33, %mul3A_31 : vector<1x6400xf32>
    %mul3A_35 = arith.constant 1.200000e+00 : f32
    %mul3A_36 = vector.broadcast %mul3A_35 : f32 to vector<1x6400xf32>
    %mul3A_37 = arith.mulf %div3A_23, %mul3A_36 : vector<1x6400xf32>
    %add3A_38 = arith.constant 1.000000e-01 : f32
    %add3A_39 = vector.broadcast %add3A_38 : f32 to vector<1x6400xf32>
    %add3A_40 = arith.addf %add3A_39, %mul3A_37 : vector<1x6400xf32>
    %sub3A = arith.constant 1.000000e+00 : f32
    %sub3A_41 = vector.broadcast %sub3A : f32 to vector<1x6400xf32>
    %sub3A_42 = arith.subf %add3A_34, %sub3A_41 : vector<1x6400xf32>
    %mul3A_43 = vector.broadcast %sub3A_42 : vector<1x6400xf32> to vector<32x6400xf32>
    %mul3A_44 = vector.broadcast %log3A : vector<32x1xf32> to vector<32x6400xf32>
    %mul3A_45 = arith.mulf %mul3A_43, %mul3A_44 : vector<32x6400xf32>
    %div3A_46 = vector.broadcast %add3A_1 : vector<32x1xf32> to vector<32x6400xf32>
    %div3A_47 = vector.broadcast %add3A_40 : vector<1x6400xf32> to vector<32x6400xf32>
    %div3A_48 = arith.divf %div3A_46, %div3A_47 : vector<32x6400xf32>
    %sub3A_49 = arith.subf %mul3A_45, %div3A_48 : vector<32x6400xf32>
    %exp3A_50 = math.exp %sub3A_49 : vector<32x6400xf32>
    %reduce_sum3A = arith.constant dense<0.000000e+00> : vector<6400xf32>
    %reduce_sum3A_51 = vector.multi_reduction <add>, %exp3A_50, %reduce_sum3A [0] : vector<32x6400xf32> to vector<6400xf32>
    %broadcast_in_dim3A = vector.shape_cast %reduce_sum3A_51 : vector<6400xf32> to vector<1x6400xf32>
    %add3A_52 = arith.constant 9.99999993E-9 : f32
    %add3A_53 = vector.broadcast %add3A_52 : f32 to vector<1x6400xf32>
    %add3A_54 = arith.addf %broadcast_in_dim3A, %add3A_53 : vector<1x6400xf32>
    %div3A_55 = vector.broadcast %add3A_54 : vector<1x6400xf32> to vector<32x6400xf32>
    %div3A_56 = arith.divf %exp3A_50, %div3A_55 : vector<32x6400xf32>
    %get3A_57 = arith.constant 0 : index
    %get3A_58 = arith.constant 0 : index
    %get3A_59 = vector.load %arg1[%get3A_57, %get3A_58] : memref<48x6400xf32, #tpu.memory_space<vmem>>, vector<48x6400xf32>
    %broadcast_in_dim3A_60 = arith.constant 0.000000e+00 : f32
    %broadcast_in_dim3A_61 = vector.broadcast %broadcast_in_dim3A_60 : f32 to vector<31x6400xf32>
    %concatenate3A = tpu.concatenate %broadcast_in_dim3A_61, %get3A_59 in 0 : vector<31x6400xf32>, vector<48x6400xf32> -> vector<79x6400xf32>
    %slice3A = vector.extract_strided_slice %div3A_56 {offsets = [0, 0], sizes = [1, 6400], strides = [1, 1]} : vector<32x6400xf32> to vector<1x6400xf32>
    %mul3A_62 = vector.broadcast %slice3A : vector<1x6400xf32> to vector<48x6400xf32>
    %mul3A_63 = arith.mulf %mul3A_62, %get3A_59 : vector<48x6400xf32>
    %slice3A_64 = vector.extract_strided_slice %div3A_56 {offsets = [1, 0], sizes = [1, 6400], strides = [1, 1]} : vector<32x6400xf32> to vector<1x6400xf32>
    %slice3A_65 = vector.extract_strided_slice %concatenate3A {offsets = [30, 0], sizes = [48, 6400], strides = [1, 1]} : vector<79x6400xf32> to vector<48x6400xf32>
    %mul3A_66 = vector.broadcast %slice3A_64 : vector<1x6400xf32> to vector<48x6400xf32>
    %mul3A_67 = arith.mulf %mul3A_66, %slice3A_65 : vector<48x6400xf32>
    %add3A_68 = arith.addf %mul3A_63, %mul3A_67 : vector<48x6400xf32>
    %slice3A_69 = vector.extract_strided_slice %div3A_56 {offsets = [2, 0], sizes = [1, 6400], strides = [1, 1]} : vector<32x6400xf32> to vector<1x6400xf32>
    %slice3A_70 = vector.extract_strided_slice %concatenate3A {offsets = [29, 0], sizes = [48, 6400], strides = [1, 1]} : vector<79x6400xf32> to vector<48x6400xf32>
    %mul3A_71 = vector.broadcast %slice3A_69 : vector<1x6400xf32> to vector<48x6400xf32>
    %mul3A_72 = arith.mulf %mul3A_71, %slice3A_70 : vector<48x6400xf32>
    %add3A_73 = arith.addf %add3A_68, %mul3A_72 : vector<48x6400xf32>
    %slice3A_74 = vector.extract_strided_slice %div3A_56 {offsets = [3, 0], sizes = [1, 6400], strides = [1, 1]} : vector<32x6400xf32> to vector<1x6400xf32>
    %slice3A_75 = vector.extract_strided_slice %concatenate3A {offsets = [28, 0], sizes = [48, 6400], strides = [1, 1]} : vector<79x6400xf32> to vector<48x6400xf32>
    %mul3A_76 = vector.broadcast %slice3A_74 : vector<1x6400xf32> to vector<48x6400xf32>
    %mul3A_77 = arith.mulf %mul3A_76, %slice3A_75 : vector<48x6400xf32>
    %add3A_78 = arith.addf %add3A_73, %mul3A_77 : vector<48x6400xf32>
    %slice3A_79 = vector.extract_strided_slice %div3A_56 {offsets = [4, 0], sizes = [1, 6400], strides = [1, 1]} : vector<32x6400xf32> to vector<1x6400xf32>
    %slice3A_80 = vector.extract_strided_slice %concatenate3A {offsets = [27, 0], sizes = [48, 6400], strides = [1, 1]} : vector<79x6400xf32> to vector<48x6400xf32>
    %mul3A_81 = vector.broadcast %slice3A_79 : vector<1x6400xf32> to vector<48x6400xf32>
    %mul3A_82 = arith.mulf %mul3A_81, %slice3A_80 : vector<48x6400xf32>
    %add3A_83 = arith.addf %add3A_78, %mul3A_82 : vector<48x6400xf32>
    %slice3A_84 = vector.extract_strided_slice %div3A_56 {offsets = [5, 0], sizes = [1, 6400], strides = [1, 1]} : vector<32x6400xf32> to vector<1x6400xf32>
    %slice3A_85 = vector.extract_strided_slice %concatenate3A {offsets = [26, 0], sizes = [48, 6400], strides = [1, 1]} : vector<79x6400xf32> to vector<48x6400xf32>
    %mul3A_86 = vector.broadcast %slice3A_84 : vector<1x6400xf32> to vector<48x6400xf32>
    %mul3A_87 = arith.mulf %mul3A_86, %slice3A_85 : vector<48x6400xf32>
    %add3A_88 = arith.addf %add3A_83, %mul3A_87 : vector<48x6400xf32>
    %slice3A_89 = vector.extract_strided_slice %div3A_56 {offsets = [6, 0], sizes = [1, 6400], strides = [1, 1]} : vector<32x6400xf32> to vector<1x6400xf32>
    %slice3A_90 = vector.extract_strided_slice %concatenate3A {offsets = [25, 0], sizes = [48, 6400], strides = [1, 1]} : vector<79x6400xf32> to vector<48x6400xf32>
    %mul3A_91 = vector.broadcast %slice3A_89 : vector<1x6400xf32> to vector<48x6400xf32>
    %mul3A_92 = arith.mulf %mul3A_91, %slice3A_90 : vector<48x6400xf32>
    %add3A_93 = arith.addf %add3A_88, %mul3A_92 : vector<48x6400xf32>
    %slice3A_94 = vector.extract_strided_slice %div3A_56 {offsets = [7, 0], sizes = [1, 6400], strides = [1, 1]} : vector<32x6400xf32> to vector<1x6400xf32>
    %slice3A_95 = vector.extract_strided_slice %concatenate3A {offsets = [24, 0], sizes = [48, 6400], strides = [1, 1]} : vector<79x6400xf32> to vector<48x6400xf32>
    %mul3A_96 = vector.broadcast %slice3A_94 : vector<1x6400xf32> to vector<48x6400xf32>
    %mul3A_97 = arith.mulf %mul3A_96, %slice3A_95 : vector<48x6400xf32>
    %add3A_98 = arith.addf %add3A_93, %mul3A_97 : vector<48x6400xf32>
    %slice3A_99 = vector.extract_strided_slice %div3A_56 {offsets = [8, 0], sizes = [1, 6400], strides = [1, 1]} : vector<32x6400xf32> to vector<1x6400xf32>
    %slice3A_100 = vector.extract_strided_slice %concatenate3A {offsets = [23, 0], sizes = [48, 6400], strides = [1, 1]} : vector<79x6400xf32> to vector<48x6400xf32>
    %mul3A_101 = vector.broadcast %slice3A_99 : vector<1x6400xf32> to vector<48x6400xf32>
    %mul3A_102 = arith.mulf %mul3A_101, %slice3A_100 : vector<48x6400xf32>
    %add3A_103 = arith.addf %add3A_98, %mul3A_102 : vector<48x6400xf32>
    %slice3A_104 = vector.extract_strided_slice %div3A_56 {offsets = [9, 0], sizes = [1, 6400], strides = [1, 1]} : vector<32x6400xf32> to vector<1x6400xf32>
    %slice3A_105 = vector.extract_strided_slice %concatenate3A {offsets = [22, 0], sizes = [48, 6400], strides = [1, 1]} : vector<79x6400xf32> to vector<48x6400xf32>
    %mul3A_106 = vector.broadcast %slice3A_104 : vector<1x6400xf32> to vector<48x6400xf32>
    %mul3A_107 = arith.mulf %mul3A_106, %slice3A_105 : vector<48x6400xf32>
    %add3A_108 = arith.addf %add3A_103, %mul3A_107 : vector<48x6400xf32>
    %slice3A_109 = vector.extract_strided_slice %div3A_56 {offsets = [10, 0], sizes = [1, 6400], strides = [1, 1]} : vector<32x6400xf32> to vector<1x6400xf32>
    %slice3A_110 = vector.extract_strided_slice %concatenate3A {offsets = [21, 0], sizes = [48, 6400], strides = [1, 1]} : vector<79x6400xf32> to vector<48x6400xf32>
    %mul3A_111 = vector.broadcast %slice3A_109 : vector<1x6400xf32> to vector<48x6400xf32>
    %mul3A_112 = arith.mulf %mul3A_111, %slice3A_110 : vector<48x6400xf32>
    %add3A_113 = arith.addf %add3A_108, %mul3A_112 : vector<48x6400xf32>
    %slice3A_114 = vector.extract_strided_slice %div3A_56 {offsets = [11, 0], sizes = [1, 6400], strides = [1, 1]} : vector<32x6400xf32> to vector<1x6400xf32>
    %slice3A_115 = vector.extract_strided_slice %concatenate3A {offsets = [20, 0], sizes = [48, 6400], strides = [1, 1]} : vector<79x6400xf32> to vector<48x6400xf32>
    %mul3A_116 = vector.broadcast %slice3A_114 : vector<1x6400xf32> to vector<48x6400xf32>
    %mul3A_117 = arith.mulf %mul3A_116, %slice3A_115 : vector<48x6400xf32>
    %add3A_118 = arith.addf %add3A_113, %mul3A_117 : vector<48x6400xf32>
    %slice3A_119 = vector.extract_strided_slice %div3A_56 {offsets = [12, 0], sizes = [1, 6400], strides = [1, 1]} : vector<32x6400xf32> to vector<1x6400xf32>
    %slice3A_120 = vector.extract_strided_slice %concatenate3A {offsets = [19, 0], sizes = [48, 6400], strides = [1, 1]} : vector<79x6400xf32> to vector<48x6400xf32>
    %mul3A_121 = vector.broadcast %slice3A_119 : vector<1x6400xf32> to vector<48x6400xf32>
    %mul3A_122 = arith.mulf %mul3A_121, %slice3A_120 : vector<48x6400xf32>
    %add3A_123 = arith.addf %add3A_118, %mul3A_122 : vector<48x6400xf32>
    %slice3A_124 = vector.extract_strided_slice %div3A_56 {offsets = [13, 0], sizes = [1, 6400], strides = [1, 1]} : vector<32x6400xf32> to vector<1x6400xf32>
    %slice3A_125 = vector.extract_strided_slice %concatenate3A {offsets = [18, 0], sizes = [48, 6400], strides = [1, 1]} : vector<79x6400xf32> to vector<48x6400xf32>
    %mul3A_126 = vector.broadcast %slice3A_124 : vector<1x6400xf32> to vector<48x6400xf32>
    %mul3A_127 = arith.mulf %mul3A_126, %slice3A_125 : vector<48x6400xf32>
    %add3A_128 = arith.addf %add3A_123, %mul3A_127 : vector<48x6400xf32>
    %slice3A_129 = vector.extract_strided_slice %div3A_56 {offsets = [14, 0], sizes = [1, 6400], strides = [1, 1]} : vector<32x6400xf32> to vector<1x6400xf32>
    %slice3A_130 = vector.extract_strided_slice %concatenate3A {offsets = [17, 0], sizes = [48, 6400], strides = [1, 1]} : vector<79x6400xf32> to vector<48x6400xf32>
    %mul3A_131 = vector.broadcast %slice3A_129 : vector<1x6400xf32> to vector<48x6400xf32>
    %mul3A_132 = arith.mulf %mul3A_131, %slice3A_130 : vector<48x6400xf32>
    %add3A_133 = arith.addf %add3A_128, %mul3A_132 : vector<48x6400xf32>
    %slice3A_134 = vector.extract_strided_slice %div3A_56 {offsets = [15, 0], sizes = [1, 6400], strides = [1, 1]} : vector<32x6400xf32> to vector<1x6400xf32>
    %slice3A_135 = vector.extract_strided_slice %concatenate3A {offsets = [16, 0], sizes = [48, 6400], strides = [1, 1]} : vector<79x6400xf32> to vector<48x6400xf32>
    %mul3A_136 = vector.broadcast %slice3A_134 : vector<1x6400xf32> to vector<48x6400xf32>
    %mul3A_137 = arith.mulf %mul3A_136, %slice3A_135 : vector<48x6400xf32>
    %add3A_138 = arith.addf %add3A_133, %mul3A_137 : vector<48x6400xf32>
    %slice3A_139 = vector.extract_strided_slice %div3A_56 {offsets = [16, 0], sizes = [1, 6400], strides = [1, 1]} : vector<32x6400xf32> to vector<1x6400xf32>
    %slice3A_140 = vector.extract_strided_slice %concatenate3A {offsets = [15, 0], sizes = [48, 6400], strides = [1, 1]} : vector<79x6400xf32> to vector<48x6400xf32>
    %mul3A_141 = vector.broadcast %slice3A_139 : vector<1x6400xf32> to vector<48x6400xf32>
    %mul3A_142 = arith.mulf %mul3A_141, %slice3A_140 : vector<48x6400xf32>
    %add3A_143 = arith.addf %add3A_138, %mul3A_142 : vector<48x6400xf32>
    %slice3A_144 = vector.extract_strided_slice %div3A_56 {offsets = [17, 0], sizes = [1, 6400], strides = [1, 1]} : vector<32x6400xf32> to vector<1x6400xf32>
    %slice3A_145 = vector.extract_strided_slice %concatenate3A {offsets = [14, 0], sizes = [48, 6400], strides = [1, 1]} : vector<79x6400xf32> to vector<48x6400xf32>
    %mul3A_146 = vector.broadcast %slice3A_144 : vector<1x6400xf32> to vector<48x6400xf32>
    %mul3A_147 = arith.mulf %mul3A_146, %slice3A_145 : vector<48x6400xf32>
    %add3A_148 = arith.addf %add3A_143, %mul3A_147 : vector<48x6400xf32>
    %slice3A_149 = vector.extract_strided_slice %div3A_56 {offsets = [18, 0], sizes = [1, 6400], strides = [1, 1]} : vector<32x6400xf32> to vector<1x6400xf32>
    %slice3A_150 = vector.extract_strided_slice %concatenate3A {offsets = [13, 0], sizes = [48, 6400], strides = [1, 1]} : vector<79x6400xf32> to vector<48x6400xf32>
    %mul3A_151 = vector.broadcast %slice3A_149 : vector<1x6400xf32> to vector<48x6400xf32>
    %mul3A_152 = arith.mulf %mul3A_151, %slice3A_150 : vector<48x6400xf32>
    %add3A_153 = arith.addf %add3A_148, %mul3A_152 : vector<48x6400xf32>
    %slice3A_154 = vector.extract_strided_slice %div3A_56 {offsets = [19, 0], sizes = [1, 6400], strides = [1, 1]} : vector<32x6400xf32> to vector<1x6400xf32>
    %slice3A_155 = vector.extract_strided_slice %concatenate3A {offsets = [12, 0], sizes = [48, 6400], strides = [1, 1]} : vector<79x6400xf32> to vector<48x6400xf32>
    %mul3A_156 = vector.broadcast %slice3A_154 : vector<1x6400xf32> to vector<48x6400xf32>
    %mul3A_157 = arith.mulf %mul3A_156, %slice3A_155 : vector<48x6400xf32>
    %add3A_158 = arith.addf %add3A_153, %mul3A_157 : vector<48x6400xf32>
    %slice3A_159 = vector.extract_strided_slice %div3A_56 {offsets = [20, 0], sizes = [1, 6400], strides = [1, 1]} : vector<32x6400xf32> to vector<1x6400xf32>
    %slice3A_160 = vector.extract_strided_slice %concatenate3A {offsets = [11, 0], sizes = [48, 6400], strides = [1, 1]} : vector<79x6400xf32> to vector<48x6400xf32>
    %mul3A_161 = vector.broadcast %slice3A_159 : vector<1x6400xf32> to vector<48x6400xf32>
    %mul3A_162 = arith.mulf %mul3A_161, %slice3A_160 : vector<48x6400xf32>
    %add3A_163 = arith.addf %add3A_158, %mul3A_162 : vector<48x6400xf32>
    %slice3A_164 = vector.extract_strided_slice %div3A_56 {offsets = [21, 0], sizes = [1, 6400], strides = [1, 1]} : vector<32x6400xf32> to vector<1x6400xf32>
    %slice3A_165 = vector.extract_strided_slice %concatenate3A {offsets = [10, 0], sizes = [48, 6400], strides = [1, 1]} : vector<79x6400xf32> to vector<48x6400xf32>
    %mul3A_166 = vector.broadcast %slice3A_164 : vector<1x6400xf32> to vector<48x6400xf32>
    %mul3A_167 = arith.mulf %mul3A_166, %slice3A_165 : vector<48x6400xf32>
    %add3A_168 = arith.addf %add3A_163, %mul3A_167 : vector<48x6400xf32>
    %slice3A_169 = vector.extract_strided_slice %div3A_56 {offsets = [22, 0], sizes = [1, 6400], strides = [1, 1]} : vector<32x6400xf32> to vector<1x6400xf32>
    %slice3A_170 = vector.extract_strided_slice %concatenate3A {offsets = [9, 0], sizes = [48, 6400], strides = [1, 1]} : vector<79x6400xf32> to vector<48x6400xf32>
    %mul3A_171 = vector.broadcast %slice3A_169 : vector<1x6400xf32> to vector<48x6400xf32>
    %mul3A_172 = arith.mulf %mul3A_171, %slice3A_170 : vector<48x6400xf32>
    %add3A_173 = arith.addf %add3A_168, %mul3A_172 : vector<48x6400xf32>
    %slice3A_174 = vector.extract_strided_slice %div3A_56 {offsets = [23, 0], sizes = [1, 6400], strides = [1, 1]} : vector<32x6400xf32> to vector<1x6400xf32>
    %slice3A_175 = vector.extract_strided_slice %concatenate3A {offsets = [8, 0], sizes = [48, 6400], strides = [1, 1]} : vector<79x6400xf32> to vector<48x6400xf32>
    %mul3A_176 = vector.broadcast %slice3A_174 : vector<1x6400xf32> to vector<48x6400xf32>
    %mul3A_177 = arith.mulf %mul3A_176, %slice3A_175 : vector<48x6400xf32>
    %add3A_178 = arith.addf %add3A_173, %mul3A_177 : vector<48x6400xf32>
    %slice3A_179 = vector.extract_strided_slice %div3A_56 {offsets = [24, 0], sizes = [1, 6400], strides = [1, 1]} : vector<32x6400xf32> to vector<1x6400xf32>
    %slice3A_180 = vector.extract_strided_slice %concatenate3A {offsets = [7, 0], sizes = [48, 6400], strides = [1, 1]} : vector<79x6400xf32> to vector<48x6400xf32>
    %mul3A_181 = vector.broadcast %slice3A_179 : vector<1x6400xf32> to vector<48x6400xf32>
    %mul3A_182 = arith.mulf %mul3A_181, %slice3A_180 : vector<48x6400xf32>
    %add3A_183 = arith.addf %add3A_178, %mul3A_182 : vector<48x6400xf32>
    %slice3A_184 = vector.extract_strided_slice %div3A_56 {offsets = [25, 0], sizes = [1, 6400], strides = [1, 1]} : vector<32x6400xf32> to vector<1x6400xf32>
    %slice3A_185 = vector.extract_strided_slice %concatenate3A {offsets = [6, 0], sizes = [48, 6400], strides = [1, 1]} : vector<79x6400xf32> to vector<48x6400xf32>
    %mul3A_186 = vector.broadcast %slice3A_184 : vector<1x6400xf32> to vector<48x6400xf32>
    %mul3A_187 = arith.mulf %mul3A_186, %slice3A_185 : vector<48x6400xf32>
    %add3A_188 = arith.addf %add3A_183, %mul3A_187 : vector<48x6400xf32>
    %slice3A_189 = vector.extract_strided_slice %div3A_56 {offsets = [26, 0], sizes = [1, 6400], strides = [1, 1]} : vector<32x6400xf32> to vector<1x6400xf32>
    %slice3A_190 = vector.extract_strided_slice %concatenate3A {offsets = [5, 0], sizes = [48, 6400], strides = [1, 1]} : vector<79x6400xf32> to vector<48x6400xf32>
    %mul3A_191 = vector.broadcast %slice3A_189 : vector<1x6400xf32> to vector<48x6400xf32>
    %mul3A_192 = arith.mulf %mul3A_191, %slice3A_190 : vector<48x6400xf32>
    %add3A_193 = arith.addf %add3A_188, %mul3A_192 : vector<48x6400xf32>
    %slice3A_194 = vector.extract_strided_slice %div3A_56 {offsets = [27, 0], sizes = [1, 6400], strides = [1, 1]} : vector<32x6400xf32> to vector<1x6400xf32>
    %slice3A_195 = vector.extract_strided_slice %concatenate3A {offsets = [4, 0], sizes = [48, 6400], strides = [1, 1]} : vector<79x6400xf32> to vector<48x6400xf32>
    %mul3A_196 = vector.broadcast %slice3A_194 : vector<1x6400xf32> to vector<48x6400xf32>
    %mul3A_197 = arith.mulf %mul3A_196, %slice3A_195 : vector<48x6400xf32>
    %add3A_198 = arith.addf %add3A_193, %mul3A_197 : vector<48x6400xf32>
    %slice3A_199 = vector.extract_strided_slice %div3A_56 {offsets = [28, 0], sizes = [1, 6400], strides = [1, 1]} : vector<32x6400xf32> to vector<1x6400xf32>
    %slice3A_200 = vector.extract_strided_slice %concatenate3A {offsets = [3, 0], sizes = [48, 6400], strides = [1, 1]} : vector<79x6400xf32> to vector<48x6400xf32>
    %mul3A_201 = vector.broadcast %slice3A_199 : vector<1x6400xf32> to vector<48x6400xf32>
    %mul3A_202 = arith.mulf %mul3A_201, %slice3A_200 : vector<48x6400xf32>
    %add3A_203 = arith.addf %add3A_198, %mul3A_202 : vector<48x6400xf32>
    %slice3A_204 = vector.extract_strided_slice %div3A_56 {offsets = [29, 0], sizes = [1, 6400], strides = [1, 1]} : vector<32x6400xf32> to vector<1x6400xf32>
    %slice3A_205 = vector.extract_strided_slice %concatenate3A {offsets = [2, 0], sizes = [48, 6400], strides = [1, 1]} : vector<79x6400xf32> to vector<48x6400xf32>
    %mul3A_206 = vector.broadcast %slice3A_204 : vector<1x6400xf32> to vector<48x6400xf32>
    %mul3A_207 = arith.mulf %mul3A_206, %slice3A_205 : vector<48x6400xf32>
    %add3A_208 = arith.addf %add3A_203, %mul3A_207 : vector<48x6400xf32>
    %slice3A_209 = vector.extract_strided_slice %div3A_56 {offsets = [30, 0], sizes = [1, 6400], strides = [1, 1]} : vector<32x6400xf32> to vector<1x6400xf32>
    %slice3A_210 = vector.extract_strided_slice %concatenate3A {offsets = [1, 0], sizes = [48, 6400], strides = [1, 1]} : vector<79x6400xf32> to vector<48x6400xf32>
    %mul3A_211 = vector.broadcast %slice3A_209 : vector<1x6400xf32> to vector<48x6400xf32>
    %mul3A_212 = arith.mulf %mul3A_211, %slice3A_210 : vector<48x6400xf32>
    %add3A_213 = arith.addf %add3A_208, %mul3A_212 : vector<48x6400xf32>
    %slice3A_214 = vector.extract_strided_slice %div3A_56 {offsets = [31, 0], sizes = [1, 6400], strides = [1, 1]} : vector<32x6400xf32> to vector<1x6400xf32>
    %slice3A_215 = vector.extract_strided_slice %concatenate3A {offsets = [0, 0], sizes = [48, 6400], strides = [1, 1]} : vector<79x6400xf32> to vector<48x6400xf32>
    %mul3A_216 = vector.broadcast %slice3A_214 : vector<1x6400xf32> to vector<48x6400xf32>
    %mul3A_217 = arith.mulf %mul3A_216, %slice3A_215 : vector<48x6400xf32>
    %add3A_218 = arith.addf %add3A_213, %mul3A_217 : vector<48x6400xf32>
    %swap3A = arith.constant 0 : index
    %swap3A_219 = arith.constant 0 : index
    %swap3A_220 = vector.load %arg3[%swap3A, %swap3A_219] : memref<48x6400xf32, #tpu.memory_space<vmem>>, vector<48x6400xf32>
    tpu.vector_store %arg3[%swap3A, %swap3A_219], %add3A_218 {strides = array<i32>} : memref<48x6400xf32, #tpu.memory_space<vmem>>, vector<48x6400xf32>,
    return
  }
  func.func @transform_0(%arg0: i32) -> (i32, i32) {
    %c0_i32 = arith.constant 0 : i32
    %c0_i32_0 = arith.constant 0 : i32
    return %c0_i32, %arg0 : i32, i32
  }
  func.func @transform_1(%arg0: i32) -> (i32, i32) {
    %c0_i32 = arith.constant 0 : i32
    %c0_i32_0 = arith.constant 0 : i32
    return %c0_i32, %arg0 : i32, i32
  }
  func.func @transform_2(%arg0: i32) -> (i32, i32) {
    %c0_i32 = arith.constant 0 : i32
    %c0_i32_0 = arith.constant 0 : i32
    return %c0_i32, %arg0 : i32, i32
  }
}

</mosaic_0001>

<sc_bundles>
// kernel: kernel.4.cloned.1.call-start
scs
__scs_entry_jumppad:
0x0: {  	(pc) =	sbr.rel $0x88, $3  }
0x1: {  	(tag) =	ssettag $0x0;
	lr =	simm.s32 $0x1  }
0x2: {  	[smem:$0x3F9E] =	sst lr;
	_ =	strace $0xD0000000  }
0x3: {  	_ = 	snop  }
0x4: {  	_ = 	snop  }
0x5: {  	_ = 	snop  }
0x6: {  	_ = 	snop  }
0x7: {  	_ = 	snop  }
__scs_overlays_trampoline_lowered:
0x8: {  	[smem:$0x3FAD] =	sst s0  }
0x9: {  	[smem:$0x3FAE] =	sst s1  }
0xa: {  	[smem:$0x3FAF] =	sst s2  }
0xb: {  	[smem:$0x3FB0] =	sst s3  }
0xc: {  	[smem:$0x3FB1] =	sst s4  }
0xd: {  	[smem:$0x3FB2] =	sst s5  }
0xe: {  	[smem:$0x3FB3] =	sst s6  }
0xf: {  	[smem:$0x3FB4] =	sst s7  }
0x10: {  	[smem:$0x3FB5] =	sst s8  }
0x11: {  	[smem:$0x3FB6] =	sst s9;
	s0 =	simm.s32 @!p0 $0x0  }
0x12: {  	s1 =	sld [smem:$0x3F9C];
	s0 =	simm.s32 @p0 $0x1  }
0x13: {  	[smem:$0x3FB7] =	sst s0;
	s0 =	simm.s32 @!p1 $0x0  }
0x14: {  	s2 =	sld [smem:$0x3F9B];
	s0 =	simm.s32 @p1 $0x1  }
0x15: {  	[smem:$0x3FB8] =	sst s0;
	s0 =	simm.s32 @!p2 $0x0  }
0x16: {  	s3 =	sld [smem:$0x3FDB];
	s0 =	simm.s32 @p2 $0x1  }
0x17: {  	s4 =	simm.s32 $0x1BF5;
	[smem:$0x3FBA] =	sst s0  }
0x18: {  	s0 =	sld [smem:$0x3F9D];
	_ =	swait.ge [sflag:s4], $0x0  }
0x19: {  	s7 =	sld [smem:$0x3F9E]  }
0x1a: {  	s8 =	sadd.s32 $0xFFFFE003, lr  }
0x1b: {  	s9 =	sadd.s32 $0xFFFFFEF7, lr;
	s5 =	simm.s32 $0xFFFFFFFF;
	p2 =	slt.u32 s8, $0xFFFFF086  }
0x1c: {  	p1 =	slt.u32 s9, $0xF7A;
	s5 =	simm.s32 @!p2 $0x0  }
0x1d: {  	s5 =	simm.s32 @p1 $0x1;
	p0 =	seq.s32 s7, s2  }
0x1e: {  	s7 =	smul.u32 @!p0 $0xF7A, s2;
	p2 =	seq.s32 @!p0 s5, $0x0  }
0x1f: {  	s9 =	smul.u32 $0xF7A, s1;
	s8 =	simm.s32 @!p0 $0x1BF5;
	p2 =	por !p2, p0  }
0x20: {  	[sflag:s8] =	ssyncset.s32 @!p0 $0xFFFFF086;
	s6 =	sadd.s32 @!p0 s3, s7;
	s7 =	simm.s32 @!p0 $0x108  }
0x21: {  	s3 =	sadd.s32 s3, s9;
	s6 =	sadd.s32 @!p0 $0x88, s6;
	s7 =	simm.s32 @p2 $0x1082  }
0x22: {  	[simem:s7], [sflag:s8] =	dma.local @!p0 [hbm:s6], $0xF7A  }
0x23: {  	s9 =	sor.u32 $0xD0000000, s2;
	s6 =	simm.s32 $0x108;
	_ =	swait.ge @!p0 [sflag:s8], $0x0  }
0x24: {  	s3 =	sadd.s32 $0x88, s3;
	s6 =	simm.s32 @!p1 $0x1082;
	[sflag:s4] =	ssyncset.s32 $0xFFFFF086  }
0x25: {  	[simem:s6], [sflag:s4] =	dma.local [hbm:s3], $0xF7A  }
0x26: {  	[smem:$0x3F9E] =	sst s1;
	(tag) =	ssettag s2;
	_ =	strace s9  }
0x27: {  	s1 =	sld [smem:$0x3FAE]  }
0x28: {  	s2 =	sld [smem:$0x3FAF]  }
0x29: {  	s4 =	sld [smem:$0x3FB1]  }
0x2a: {  	p0 =	seq.s32 s5, $0x0;
	s5 =	sld [smem:$0x3FB2]  }
0x2b: {  	s6 =	sld [smem:$0x3FB3]  }
0x2c: {  	s7 =	sld [smem:$0x3FB4]  }
0x2d: {  	s3 =	simm.s32 $0x108;
	s8 =	sld [smem:$0x3FB5]  }
0x2e: {  	s3 =	simm.s32 @!p0 $0x1082;
	s9 =	sld [smem:$0x3FB6]  }
0x2f: {  	lr =	sadd.s32 s0, s3;
	s0 =	sld [smem:$0x3FAD]  }
0x30: {  	s3 =	sld [smem:$0x3FB0]  }
0x31: {  	[smem:$0x3FB9] =	sst s10  }
0x32: {  	s10 =	sld [smem:$0x3FB7];
	_ =	sdelay $0x3  }
0x33: {  	p0 =	seq.s32 s10, $0x1;
	s10 =	sld [smem:$0x3FB9];
	_ =	sdelay $0x3  }
0x34: {  	[smem:$0x3FB9] =	sst s10  }
0x35: {  	s10 =	sld [smem:$0x3FB8];
	_ =	sdelay $0x3  }
0x36: {  	p1 =	seq.s32 s10, $0x1;
	s10 =	sld [smem:$0x3FB9];
	_ =	sdelay $0x3  }
0x37: {  	[smem:$0x3FB9] =	sst s10  }
0x38: {  	s10 =	sld [smem:$0x3FBA]  }
0x39: {  	_ = 	snop;
	(pc) =	sbr.ind lr, $3  }
0x3a: {  	_ = 	snop  }
0x3b: {  	_ = 	snop  }
0x3c: {  	p2 =	seq.s32 s10, $0x1;
	s10 =	sld [smem:$0x3FB9]  }
0x3d: {  	_ =	shalt  }
0x3e: {  	_ =	shalt  }
0x3f: {  	_ =	shalt  }
0x40: {  	_ =	shalt  }
0x41: {  	_ =	shalt  }
0x42: {  	_ =	shalt  }
0x43: {  	_ =	shalt  }
0x44: {  	_ =	shalt  }
0x45: {  	_ =	shalt  }
0x46: {  	_ =	shalt  }
0x47: {  	_ =	shalt  }
0x48: {  	_ =	shalt  }
0x49: {  	_ =	shalt  }
0x4a: {  	_ =	shalt  }
0x4b: {  	_ =	shalt  }
0x4c: {  	_ =	shalt  }
0x4d: {  	_ =	shalt  }
0x4e: {  	_ =	shalt  }
0x4f: {  	_ =	shalt  }
0x50: {  	_ =	shalt  }
0x51: {  	_ =	shalt  }
0x52: {  	_ =	shalt  }
0x53: {  	_ =	shalt  }
0x54: {  	_ =	shalt  }
0x55: {  	_ =	shalt  }
0x56: {  	_ =	shalt  }
0x57: {  	_ =	shalt  }
0x58: {  	_ =	shalt  }
0x59: {  	_ =	shalt  }
0x5a: {  	_ =	shalt  }
0x5b: {  	_ =	shalt  }
0x5c: {  	_ =	shalt  }
0x5d: {  	_ =	shalt  }
0x5e: {  	_ =	shalt  }
0x5f: {  	_ =	shalt  }
0x60: {  	_ =	shalt  }
0x61: {  	_ =	shalt  }
0x62: {  	_ =	shalt  }
0x63: {  	_ =	shalt  }
0x64: {  	_ =	shalt  }
0x65: {  	_ =	shalt  }
0x66: {  	_ =	shalt  }
0x67: {  	_ =	shalt  }
0x68: {  	_ =	shalt  }
0x69: {  	_ =	shalt  }
0x6a: {  	_ =	shalt  }
0x6b: {  	_ =	shalt  }
0x6c: {  	_ =	shalt  }
0x6d: {  	_ =	shalt  }
0x6e: {  	_ =	shalt  }
0x6f: {  	_ =	shalt  }
0x70: {  	_ =	shalt  }
0x71: {  	_ =	shalt  }
0x72: {  	_ =	shalt  }
0x73: {  	_ =	shalt  }
0x74: {  	_ =	shalt  }
0x75: {  	_ =	shalt  }
0x76: {  	_ =	shalt  }
0x77: {  	_ =	shalt  }
0x78: {  	_ =	shalt  }
0x79: {  	_ =	shalt  }
0x7a: {  	_ =	shalt  }
0x7b: {  	_ =	shalt  }
0x7c: {  	_ =	shalt  }
0x7d: {  	_ =	shalt  }
0x7e: {  	_ =	shalt  }
0x7f: {  	_ =	shalt  }
0x80: {  	_ =	shalt  }
0x81: {  	_ =	shalt  }
0x82: {  	_ =	shalt  }
0x83: {  	_ =	shalt  }
0x84: {  	_ =	shalt  }
0x85: {  	_ =	shalt  }
0x86: {  	_ =	shalt  }
0x87: {  	_ =	shalt  }
.Lfunc_end0:
.L_simem_size_0:
called_computation_lowered:
.L_overlay_start_0:
0x88: {  	s2 =	sld [smem:$0x3FD9]  }
0x89: {  	s3 =	sld [smem:$0x3FFE];
	_ =	sdelay $0x1  }
0x8a: {  	s1 =	srdreg.scid  }
0x8b: {  	s0 =	sand.u32 $0x1, s1  }
0x8c: {  	s17 =	sshll.u32 s0, $0xA;
	s2 =	sadd.s32 s3, s2  }
0x8d: {  	s2 =	sadd.s32 s2, s17  }
0x8e: {  	[smem:$0x3FC5] =	sst s2  }
0x8f: {  	_ = 	snop  }
0x90: {  	s2 =	sld [smem:$0x3FD0];
	(tm) =	ssettm $0x1  }
0x91: {  	s18 =	sld [smem:$0x3FFB];
	_ =	sdelay $0x3  }
0x92: {  	_ =	strace s18  }
0x93: {  	s3 =	sld [smem:$0x3FFC];
	_ =	sdelay $0x3  }
0x94: {  	_ =	strace s3  }
0x95: {  	s3 =	sld [smem:$0x3FFD];
	_ =	sdelay $0x3  }
0x96: {  	_ =	strace s3  }
0x97: {  	_ =	strace $0x8FFFFFFF  }
0x98: {  	s19 =	sld [smem:$0x3FDB];
	_ =	sdelay $0x1  }
0x99: {  	s4 =	simm.s32 $_scs_section_size  }
0x9a: {  	s5 =	simm.s32 $_size__tile_overlayer_lowered;
	s6 =	simm.s32 $_tile_overlayer_lowered  }
0x9b: {  	s22 =	simm.s32 $0x1BFF;
	s21 =	sshll.u32 s6, $0x1;
	s3 =	sadd.s32 s4, s19  }
0x9c: {  	s7 =	simm.s32 $0x0;
	s20 =	sshll.u32 s5, $0x1;
	s5 =	sadd.s32 s21, s3  }
0x9d: {  	[timem:s7], [sflag:s22] =	dma.local [hbm:s5], s20  }
0x9e: {  	_ =	swait.ge [sflag:s22], s20  }
0x9f: {  	s4 =	ssub.s32 $0x0, s20;
	[sflag:s22] =	ssyncset.done $0x0  }
0xa0: {  	[sflag:s22] =	ssyncadd.s32 s4;
	_ =	sdelay $0x1  }
0xa1: {  	s23 =	simm.s32 $0x1B8B  }
0xa2: {  	_ =	swait.ge [sflag:s23], $0x1  }
0xa3: {  	[sflag:s23] =	ssyncset.done $0x0  }
0xa4: {  	s25 =	simm.s32 $0x1B8E;
	s24 =	sld [smem:$0x3FFE];
	[sflag:s23] =	ssyncadd.s32 $0xFFFFFFFF  }
0xa5: {  	s26 =	simm.s32 $execute0_lowered;
	[smem:$0x3FD2] =	sst s25  }
0xa6: {  	s5 =	sshll.u32 s26, $0x1;
	_ =	strace $0x80000046;
	[dreg:$0x1] =	wrdreg $0xFFFFFFFF  }
0xa7: {  	s28 =	simm.s32 $_size_execute0_lowered;
	s3 =	sadd.s32 s3, s5;
	[dreg:$0x0] =	wrdreg $0x0  }
0xa8: {  	s5 =	sshll.u32 s28, $0x1;
	[dreg:$0x2] =	wrdreg s3  }
0xa9: {  	[dreg:$0x3] =	wrdreg s5  }
0xaa: {  	[dreg:$0x4] =	wrdreg $0xC0  }
0xab: {  	_ =	task [dreg:s7], $0x5FFFF  }
0xac: {  	[dreg:$0x1] =	wrdreg $0xFFFFFFFF  }
0xad: {  	[dreg:$0x0] =	wrdreg $0x60  }
0xae: {  	[dreg:$0x2] =	wrdreg s2  }
0xaf: {  	[dreg:$0x3] =	wrdreg s24  }
0xb0: {  	[dreg:$0x4] =	wrdreg $0x0  }
0xb1: {  	[dreg:$0x5] =	wrdreg $0x9  }
0xb2: {  	_ =	task.clear_ibuf [dreg:s7], $0x6FFFF;
	_ =	strace $0x90000046  }
0xb3: {  	s29 =	simm.s32 $0x9;
	_ =	strace $0x80000048  }
0xb4: {  	_ =	swait.ge [sflag:s29], $0x1  }
0xb5: {  	[sflag:s29] =	ssyncadd.s32 $0xFFFFFFFF  }
0xb6: {  	_ =	strace $0x90000048  }
0xb7: {  	_ =	sfence  }
0xb8: {  	s30 =	sld [smem:$0x0];
	_ =	sdelay $0x2  }
0xb9: {  	s31 =	sshll.u32 s1, $0xD;
	s1 =	sshrl.u32 s1, $0x2  }
0xba: {  	s3 =	sand.u32 $0x4000, s31;
	s1 =	sadd.s32 s1, s30  }
0xbb: {  	s0 =	sor.u32 s3, s0;
	s1 =	sshll.u32 s1, $0x11  }
0xbc: {  	s0 =	sor.u32 s1, s0  }
0xbd: {  	s0 =	sadd.s32 $0x8F2B, s0  }
0xbe: {  	[sflag:s0] =	ssyncadd.remote.s32 $0x1  }
0xbf: {  	_ =	sfence.sel $0xFFFF  }
0xc0: {  	[dreg:$0x0] =	wrdreg $0xFFFFFFFF;
	(pc) =	sbr.abs _section_cstart, $3  }
0xc1: {  	[dreg:$0x1] =	wrdreg $0xFFFFFFFF  }
0xc2: {  	_ =	task.clear_ibuf [dreg:s7], $0x2FFFF;
	_ =	strace $0x9FFFFFFF  }
0xc3: {  	(tm) =	ssettm $0x7FFFFFFF  }
tec
execute0_lowered:
.L_overlay_start_1:
0x0: {  	(tag) =	ssettag $0x1  }
0x1: {  	s1 =	rddreg [dreg:$0x0]  }
0x2: {  	s0 =	rddreg [dreg:$0x1]  }
0x3: {  	s2 =	rddreg [dreg:$0x2];
	s3 =	simm.s32 $0x0  }
0x4: {  	s23 =	srdreg.scid;
	s15 =	stileid.u32;
	s29 =	simm.s32 $0x14528  }
0x5: {  	[smem:$0x7FF] =	sst s3;
	s3 =	sand.u32 $0x1, s23;
	s4 =	smul.u32 $0x3E8, s15  }
0x6: {  	s5 =	sadd.s32 $0xE00, s0;
	s6 =	sadd.s32 $0x32E00, s0;
	s8 =	smul.u32 $0x2EE00, s15  }
0x7: {  	s10 =	sor.u32 $0x10, s15;
	s0 =	sadd.s32 $0x64E00, s0;
	s12 =	smul.u32 $0x19000, s15  }
0x8: {  	s25 =	sshll.u32 s15, $0x6;
	p0 =	sgt.u32 s15, $0x8;
	s9 =	smul.u32 $0xC350, s3  }
0x9: {  	_ =	strace $0x80000047;
	s3 =	ssub.s32 $0x2, s3;
	s24 =	smul.u32 $0x3E8, s10  }
0xa: {  	s10 =	smul.u32 $0x2EE00, s10;
	s16 =	sor.u32 $0x1C07, s25;
	s7 =	sshrl.u32 s3, $0x1  }
0xb: {  	s8 =	sshrl.u32 s8, $0x2;
	s31 =	sshrl.u32 s12, $0x3;
	s28 =	sor.u32 $0x600, s12  }
0xc: {  	[dreg:$0x5] =	wrdreg s16;
	s3 =	ssub.s32 s3, s7;
	s11 =	sadd.s32 s4, s9  }
0xd: {  	s8 =	sadd.s32 s8, s2;
	s26 =	sshrl.u32 s10, $0x2;
	s30 =	sadd.s32 s9, s24  }
0xe: {  	s13 =	sadd.s32 s6, s31;
	s18 =	sor.u32 $0x40, s31;
	s14 =	sadd.s32 s5, s31  }
0xf: {  	s20 =	sor.u32 $0x80, s31;
	s21 =	sadd.s32 $0x61A8, s9;
	[dreg:$0x4] =	wrdreg s8  }
0x10: {  	s11 =	smul.u32 $0x6, s11;
	s8 =	sadd.s32 s26, s2;
	[dreg:$0x7] =	wrdreg s13  }
0x11: {  	s10 =	smul.u32 $0x6, s30;
	[dreg:$0x8] =	wrdreg s14;
	s19 =	sadd.s32 s6, s18  }
0x12: {  	s13 =	sadd.s32 s5, s18;
	s17 =	sadd.s32 s6, s20;
	s14 =	sadd.s32 s5, s20  }
0x13: {  	s4 =	sadd.s32 s4, s21;
	s7 =	sadd.s32 s24, s21;
	[dreg:$0x6] =	wrdreg s8  }
0x14: {  	s3 =	smax.u32 s3, $0x1;
	s30 =	sadd.s32 $0x61A8, s15;
	[dreg:$0x9] =	wrdreg s19  }
0x15: {  	s18 =	simm.s32 $0x7;
	s20 =	simm.s32 $0x80;
	[dreg:$0xa] =	wrdreg s13  }
0x16: {  	s15 =	simm.s32 $0x1AD28;
	[dreg:$0xb] =	wrdreg s17;
	s4 =	smul.u32 $0x6, s4  }
0x17: {  	[dreg:$0xc] =	wrdreg s14;
	s8 =	sor.u32 $0xC0, s31;
	s7 =	smul.u32 $0x6, s7  }
0x18: {  	[dreg:$0x17] =	wrdreg s3;
	s31 =	sadd.s32 $0xC350, s9;
	s22 =	sadd.s32 s6, s8  }
0x19: {  	s19 =	simm.s32 $0x1;
	s8 =	sadd.s32 s5, s8;
	[dreg:$0xd] =	wrdreg s22  }
0x1a: {  	s14 =	simm.s32 $0x19528;
	s23 =	sadd.s32 s1, s11;
	[dreg:$0xe] =	wrdreg s8  }
0x1b: {  	s17 =	simm.s32 $0x1C528;
	s24 =	sadd.s32 s0, s11;
	[dreg:$0xf] =	wrdreg s23  }
0x1c: {  	s13 =	simm.s32 $0x5;
	s25 =	sadd.s32 s1, s10;
	[dreg:$0x10] =	wrdreg s24  }
0x1d: {  	v0 =	vmov s9;
	s9 =	simm.s32 $0x6;
	s26 =	sadd.s32 s0, s10;
	[dreg:$0x11] =	wrdreg s25  }
0x1e: {  	s11 =	simm.s32 $0x17528;
	s10 =	simm.s32 $0x194A8;
	[dreg:$0x12] =	wrdreg s26  }
0x1f: {  	s8 =	sadd.s32 s1, s4;
	s4 =	sadd.s32 s0, s4;
	s0 =	sadd.s32 s0, s7  }
0x20: {  	s26 =	sor.u32 $0x400, s12;
	s23 =	simm.s32 $0x12D28;
	[dreg:$0x14] =	wrdreg s4  }
0x21: {  	s25 =	simm.s32 $0x15D28;
	s12 =	simm.s32 $0x2;
	[dreg:$0x15] =	wrdreg s0  }
0x22: {  	s22 =	simm.s32 $0x19428;
	s0 =	sadd.s32 s1, s7;
	[dreg:$0x13] =	wrdreg s8  }
0x23: {  	s4 =	simm.s32 $0x3;
	s7 =	simm.s32 $0x0;
	s0 =	smov.u32 @p0 s8  }
0x24: {  	v1 =	vmov s21;
	v2 =	vmov s30;
	v3 =	vmov s31;
	s8 =	simm.s32 $0x4;
	[dreg:$0x16] =	wrdreg s0;
	s0 =	simm.s32 $0x1DD28  }
.LBB2_1:
0x25: {  	[dreg:$0x18] =	wrdreg s7  }
0x26: {  	s3 =	rddreg [dreg:$0x4]  }
0x27: {  	s31 =	rddreg [dreg:$0xf];
	s30 =	sshrl.u32 s3, $0x3  }
0x28: {  	[dreg:$0x19] =	wrdreg s30  }
0x29: {  	[spmem:s30], [sflag:s16] =	dma.local [hbm:s31], $0x1770  }
0x2a: {  	_ =	swait.ge [sflag:s18], $0x1770  }
0x2b: {  	s3 =	rddreg [dreg:$0x6]  }
0x2c: {  	[sflag:s18] =	ssyncset.done $0x0;
	s7 =	sshrl.u32 @!p0 s3, $0x3;
	s3 =	rddreg [dreg:$0x11]  }
0x2d: {  	[sflag:s18] =	ssyncadd.s32 $0xFFFFE890;
	[dreg:$0x1a] =	wrdreg s7  }
0x2e: {  	[spmem:s7], [sflag:s16] =	dma.local @!p0 [hbm:s3], $0x1770  }
0x2f: {  	s3 =	simm.s32 @!p0 $0x7  }
0x30: {  	_ =	swait.ge @!p0 [sflag:s3], $0x1770  }
0x31: {  	[sflag:s3] =	ssyncset.done @!p0 $0x0  }
0x32: {  	[sflag:s3] =	ssyncadd.s32 @!p0 $0xFFFFE890  }
0x33: {  	[bflag:$0x0] =	sbarrier.arrive $0xFFFF  }
0x34: {  	s18 =	simm.s32 $0x12528;
	s16 =	simm.s32 $0x0;
	s7 =	rddreg [dreg:$0x7]  }
0x35: {  	[tilespmem:s18], [sflag:$0x1] =	stream.linear.gather [hbm4b:s7+s16], $0x200, $0x38;
	[tilespmem:$0x1F528] =	vst v63  }
0x36: {  	s24 =	simm.s32 $0x12728;
	s21 =	rddreg [dreg:$0x8]  }
0x37: {  	[tilespmem:s24], [sflag:$0x1] =	stream.linear.gather [hbm4b:s21+s16], $0x200, $0x38;
	[tilespmem:$0x1F528] =	vst v63  }
0x38: {  	s31 =	simm.s32 $0x18D28;
	s30 =	rddreg [dreg:$0x9]  }
0x39: {  	[tilespmem:s31], [sflag:$0x2] =	stream.linear.gather [hbm4b:s30+s16], $0x200, $0x38;
	[tilespmem:$0x1F528] =	vst v63  }
0x3a: {  	s7 =	rddreg [dreg:$0xa];
	s18 =	simm.s32 $0x18F28  }
0x3b: {  	[tilespmem:s18], [sflag:$0x2] =	stream.linear.gather [hbm4b:s7+s16], $0x200, $0x38;
	[tilespmem:$0x1F528] =	vst v63  }
0x3c: {  	_ =	swait.ge [sflag:s19], $0x200  }
0x3d: {  	[sflag:s19] =	ssyncset.done $0x0  }
0x3e: {  	[sflag:s19] =	ssyncadd.s32 $0xFFFFFE00  }
0x3f: {  	_ =	swait.ge [sflag:s19], $0x200  }
0x40: {  	[sflag:s19] =	ssyncset.done $0x0  }
0x41: {  	s21 =	simm.s32 $0x0;
	[sflag:s19] =	ssyncadd.s32 $0xFFFFFE00  }
0x42: {  	v4 =	vld [tilespmem:s21+$0x12528];
	_ =	sdelay $0x1  }
0x43: {  	v5 =	vld [tilespmem:s21+$0x12728];
	_ =	sdelay $0x2  }
0x44: {  	s24 =	sand.u32 $0x600, s16;
	vm0 =	vge.s32 v4, v0;
	vm1 =	vlt.s32 v4, v1  }
0x45: {  	s30 =	sand.u32 $0x70, s16;
	s7 =	sshrl.u32 s24, $0x2;
	v4 =	vsub.s32 v4, v0;
	vm0 =	vmand vm0, vm1  }
0x46: {  	s3 =	simm.s32 $0x0;
	s31 =	sor.u32 s30, s7;
	[tilespmem:s21+$0x12928] =	vst v5;
	v4 =	vsel vm0, v4, v2  }
0x47: {  	s16 =	simm.s32 $0x40;
	s18 =	simm.s32 $0x10;
	s7 =	simm.s32 $0x80;
	[tilespmem:s31+$0x12B28] =	vst v4  }
.LBB2_2:
0x48: {  	p1 =	sne.s32 s7, $0x7C0;
	v4 =	vld [tilespmem:s18+$0x12528];
	_ =	sdelay $0x1  }
0x49: {  	v5 =	vld [tilespmem:s18+$0x12728];
	_ =	sdelay $0x1  }
.Ltmp0:
0x4a: {  	(pc) =	sbr.rel @p1 .LBB2_2-.Ltmp0, $4  }
0x4b: {  	s30 =	sand.u32 $0x600, s16;
	s3 =	sadd.s32 $0x10, s3;
	s16 =	smov.u32 s7;
	vm0 =	vge.s32 v4, v0;
	vm1 =	vlt.s32 v4, v1  }
0x4c: {  	s31 =	sand.u32 $0x70, s3;
	s30 =	sshrl.u32 s30, $0x2;
	v4 =	vsub.s32 v4, v0;
	vm0 =	vmand vm0, vm1  }
0x4d: {  	s30 =	sor.u32 s31, s30;
	[tilespmem:s18+$0x12928] =	vst v5;
	v4 =	vsel vm0, v4, v2  }
0x4e: {  	s7 =	sadd.s32 $0x40, s7;
	s18 =	sshra.s32 s16, $0x2;
	[tilespmem:s30+$0x12B28] =	vst v4  }
0x4f: {  	v4 =	vld [tilespmem:s18+$0x12528];
	_ =	sdelay $0x1  }
0x50: {  	v5 =	vld [tilespmem:s18+$0x12728];
	_ =	sdelay $0x2  }
0x51: {  	s7 =	sand.u32 $0x600, s16;
	s3 =	sadd.s32 $0x10, s3;
	vm0 =	vge.s32 v4, v0;
	vm1 =	vlt.s32 v4, v1  }
0x52: {  	s3 =	sand.u32 $0x70, s3;
	s7 =	sshrl.u32 s7, $0x2;
	v4 =	vsub.s32 v4, v0;
	vm0 =	vmand vm0, vm1  }
0x53: {  	s3 =	sor.u32 s3, s7;
	[tilespmem:s18+$0x12928] =	vst v5;
	v4 =	vsel vm0, v4, v2  }
0x54: {  	s16 =	simm.s32 $0x0;
	s21 =	simm.s32 $0x12528;
	s18 =	rddreg [dreg:$0xb];
	[tilespmem:s3+$0x12B28] =	vst v4  }
0x55: {  	[tilespmem:s21], [sflag:$0x1] =	stream.linear.gather [hbm4b:s18+s16], $0x200, $0x38;
	[tilespmem:$0x1F528] =	vst v63  }
0x56: {  	s24 =	rddreg [dreg:$0xc];
	s30 =	simm.s32 $0x12728  }
0x57: {  	[tilespmem:s30], [sflag:$0x1] =	stream.linear.gather [hbm4b:s24+s16], $0x200, $0x38;
	[tilespmem:$0x1F528] =	vst v63  }
0x58: {  	s31 =	simm.s32 $0x12928  }
0x59: {  	[tilespmem:s23], [sflag:$0x3] =	stream.indirect.gather [hbm4b:s1+s20], $0x30, s31, s20, $0xb8;
	[tilespmem:$0x1F528] =	vst v63  }
0x5a: {  	s7 =	simm.s32 $0x129A8  }
0x5b: {  	[tilespmem:s29], [sflag:$0x3] =	stream.indirect.gather [hbm4b:s1+s20], $0x30, s7, s20, $0xb8;
	[tilespmem:$0x1F528] =	vst v63  }
0x5c: {  	s18 =	simm.s32 $0x12A28  }
0x5d: {  	[tilespmem:s25], [sflag:$0x3] =	stream.indirect.gather [hbm4b:s1+s20], $0x30, s18, s20, $0xb8;
	[tilespmem:$0x1F528] =	vst v63  }
0x5e: {  	s21 =	simm.s32 $0x12AA8  }
0x5f: {  	[tilespmem:s11], [sflag:$0x3] =	stream.indirect.gather [hbm4b:s1+s20], $0x30, s21, s20, $0xb8;
	[tilespmem:$0x1F528] =	vst v63  }
0x60: {  	_ =	swait.ge [sflag:s12], $0x200  }
0x61: {  	[sflag:s12] =	ssyncset.done $0x0  }
0x62: {  	[sflag:s12] =	ssyncadd.s32 $0xFFFFFE00  }
0x63: {  	_ =	swait.ge [sflag:s12], $0x200  }
0x64: {  	[sflag:s12] =	ssyncset.done $0x0  }
0x65: {  	s24 =	simm.s32 $0x0;
	[sflag:s12] =	ssyncadd.s32 $0xFFFFFE00  }
0x66: {  	v4 =	vld [tilespmem:s24+$0x18D28];
	_ =	sdelay $0x1  }
0x67: {  	v5 =	vld [tilespmem:s24+$0x18F28];
	_ =	sdelay $0x2  }
0x68: {  	s30 =	sand.u32 $0x600, s16;
	vm14 =	vge.s32 v4, v0;
	vm15 =	vlt.s32 v4, v1  }
0x69: {  	s31 =	sand.u32 $0x70, s16;
	s7 =	sshrl.u32 s30, $0x2;
	v4 =	vsub.s32 v4, v0;
	vm0 =	vmand vm14, vm15  }
0x6a: {  	s30 =	sor.u32 s31, s7;
	[tilespmem:s24+$0x19128] =	vst v5;
	v4 =	vsel vm0, v4, v2  }
0x6b: {  	s3 =	simm.s32 $0x80;
	s7 =	simm.s32 $0x10;
	s18 =	simm.s32 $0x40;
	[tilespmem:s30+$0x19328] =	vst v4  }
.LBB2_4:
0x6c: {  	p1 =	sne.s32 s3, $0x7C0;
	v4 =	vld [tilespmem:s7+$0x18D28];
	_ =	sdelay $0x1  }
0x6d: {  	v5 =	vld [tilespmem:s7+$0x18F28];
	_ =	sdelay $0x1  }
.Ltmp1:
0x6e: {  	(pc) =	sbr.rel @p1 .LBB2_4-.Ltmp1, $4  }
0x6f: {  	s30 =	sand.u32 $0x600, s18;
	s16 =	sadd.s32 $0x10, s16;
	s18 =	smov.u32 s3;
	vm0 =	vge.s32 v4, v0;
	vm1 =	vlt.s32 v4, v1  }
0x70: {  	s31 =	sand.u32 $0x70, s16;
	s30 =	sshrl.u32 s30, $0x2;
	v4 =	vsub.s32 v4, v0;
	vm0 =	vmand vm0, vm1  }
0x71: {  	s30 =	sor.u32 s31, s30;
	[tilespmem:s7+$0x19128] =	vst v5;
	v4 =	vsel vm0, v4, v2  }
0x72: {  	s3 =	sadd.s32 $0x40, s3;
	s7 =	sshra.s32 s18, $0x2;
	[tilespmem:s30+$0x19328] =	vst v4  }
0x73: {  	v4 =	vld [tilespmem:s7+$0x18D28];
	_ =	sdelay $0x1  }
0x74: {  	v5 =	vld [tilespmem:s7+$0x18F28];
	_ =	sdelay $0x2  }
0x75: {  	s3 =	sand.u32 $0x600, s18;
	s16 =	sadd.s32 $0x10, s16;
	vm0 =	vge.s32 v4, v0;
	vm1 =	vlt.s32 v4, v1  }
0x76: {  	s16 =	sand.u32 $0x70, s16;
	s3 =	sshrl.u32 s3, $0x2;
	v4 =	vsub.s32 v4, v0;
	vm0 =	vmand vm0, vm1  }
0x77: {  	s3 =	sor.u32 s16, s3;
	[tilespmem:s7+$0x19128] =	vst v5;
	v4 =	vsel vm0, v4, v2  }
0x78: {  	s31 =	simm.s32 $0x0;
	s18 =	rddreg [dreg:$0xd];
	s21 =	simm.s32 $0x18D28;
	[tilespmem:s3+$0x19328] =	vst v4  }
0x79: {  	[tilespmem:s21], [sflag:$0x2] =	stream.linear.gather [hbm4b:s18+s31], $0x200, $0x38;
	[tilespmem:$0x1F528] =	vst v63  }
0x7a: {  	s24 =	rddreg [dreg:$0xe];
	s30 =	simm.s32 $0x18F28  }
0x7b: {  	[tilespmem:s30], [sflag:$0x2] =	stream.linear.gather [hbm4b:s24+s31], $0x200, $0x38;
	[tilespmem:$0x1F528] =	vst v63  }
0x7c: {  	s31 =	simm.s32 $0x19128  }
0x7d: {  	[tilespmem:s14], [sflag:$0x4] =	stream.indirect.gather [hbm4b:s1+s20], $0x30, s31, s20, $0xb8;
	[tilespmem:$0x1F528] =	vst v63  }
0x7e: {  	s7 =	simm.s32 $0x191A8  }
0x7f: {  	[tilespmem:s15], [sflag:$0x4] =	stream.indirect.gather [hbm4b:s1+s20], $0x30, s7, s20, $0xb8;
	[tilespmem:$0x1F528] =	vst v63  }
0x80: {  	s16 =	simm.s32 $0x19228  }
0x81: {  	[tilespmem:s17], [sflag:$0x4] =	stream.indirect.gather [hbm4b:s1+s20], $0x30, s16, s20, $0xb8;
	[tilespmem:$0x1F528] =	vst v63  }
0x82: {  	s18 =	simm.s32 $0x192A8  }
0x83: {  	[tilespmem:s0], [sflag:$0x4] =	stream.indirect.gather [hbm4b:s1+s20], $0x30, s18, s20, $0xb8;
	[tilespmem:$0x1F528] =	vst v63  }
0x84: {  	_ =	swait.ge [sflag:s4], $0x1800  }
0x85: {  	[sflag:s4] =	ssyncset.done $0x0  }
0x86: {  	[sflag:s4] =	ssyncadd.s32 $0xFFFFE800  }
0x87: {  	_ =	swait.ge [sflag:s4], $0x1800  }
0x88: {  	[sflag:s4] =	ssyncset.done $0x0  }
0x89: {  	[sflag:s4] =	ssyncadd.s32 $0xFFFFE800  }
0x8a: {  	_ =	swait.ge [sflag:s4], $0x1800  }
0x8b: {  	[sflag:s4] =	ssyncset.done $0x0  }
0x8c: {  	[sflag:s4] =	ssyncadd.s32 $0xFFFFE800  }
0x8d: {  	_ =	swait.ge [sflag:s4], $0x1800  }
0x8e: {  	[sflag:s4] =	ssyncset.done $0x0  }
0x8f: {  	s21 =	simm.s32 $0x12B28;
	[sflag:s4] =	ssyncadd.s32 $0xFFFFE800  }
0x90: {  	[spmem:s2] =	stream.indirect.scatter.add.f32 [tilespmem:s23], [sflag:$0x5], $0x30, s21, s20, $0xb8;
	[tilespmem:$0x1F528] =	vst v63  }
0x91: {  	s24 =	simm.s32 $0x12BA8  }
0x92: {  	[spmem:s2] =	stream.indirect.scatter.add.f32 [tilespmem:s29], [sflag:$0x5], $0x30, s24, s20, $0xb8;
	[tilespmem:$0x1F528] =	vst v63  }
0x93: {  	s30 =	simm.s32 $0x12C28  }
0x94: {  	[spmem:s2] =	stream.indirect.scatter.add.f32 [tilespmem:s25], [sflag:$0x5], $0x30, s30, s20, $0xb8;
	[tilespmem:$0x1F528] =	vst v63  }
0x95: {  	s31 =	simm.s32 $0x12CA8;
	s16 =	simm.s32 $0x1  }
0x96: {  	[spmem:s2] =	stream.indirect.scatter.add.f32 [tilespmem:s11], [sflag:$0x5], $0x30, s31, s20, $0xb8;
	[tilespmem:$0x1F528] =	vst v63  }
.LBB2_6:
0x97: {  	_ =	swait.ge [sflag:s8], $0x1800  }
0x98: {  	[sflag:s8] =	ssyncset.done $0x0  }
0x99: {  	[sflag:s8] =	ssyncadd.s32 $0xFFFFE800  }
0x9a: {  	_ =	swait.ge [sflag:s8], $0x1800  }
0x9b: {  	[sflag:s8] =	ssyncset.done $0x0  }
0x9c: {  	[sflag:s8] =	ssyncadd.s32 $0xFFFFE800  }
0x9d: {  	_ =	swait.ge [sflag:s8], $0x1800  }
0x9e: {  	[sflag:s8] =	ssyncset.done $0x0  }
0x9f: {  	[sflag:s8] =	ssyncadd.s32 $0xFFFFE800  }
0xa0: {  	_ =	swait.ge [sflag:s8], $0x1800  }
0xa1: {  	[sflag:s8] =	ssyncset.done $0x0  }
0xa2: {  	s3 =	simm.s32 $0x19328;
	[sflag:s8] =	ssyncadd.s32 $0xFFFFE800  }
0xa3: {  	[spmem:s2] =	stream.indirect.scatter.add.f32 [tilespmem:s14], [sflag:$0x6], $0x30, s3, s20, $0xb8;
	[tilespmem:$0x1F528] =	vst v63  }
0xa4: {  	s24 =	simm.s32 $0x193A8  }
0xa5: {  	[spmem:s2] =	stream.indirect.scatter.add.f32 [tilespmem:s15], [sflag:$0x6], $0x30, s24, s20, $0xb8;
	[tilespmem:$0x1F528] =	vst v63  }
0xa6: {  	_ = 	snop  }
0xa7: {  	[spmem:s2] =	stream.indirect.scatter.add.f32 [tilespmem:s17], [sflag:$0x6], $0x30, s22, s20, $0xb8;
	[tilespmem:$0x1F528] =	vst v63  }
0xa8: {  	_ = 	snop  }
0xa9: {  	[spmem:s2] =	stream.indirect.scatter.add.f32 [tilespmem:s0], [sflag:$0x6], $0x30, s10, s20, $0xb8;
	[tilespmem:$0x1F528] =	vst v63  }
0xaa: {  	_ =	swait.ge [sflag:s13], $0x1800  }
0xab: {  	[sflag:s13] =	ssyncset.done $0x0  }
0xac: {  	[sflag:s13] =	ssyncadd.s32 $0xFFFFE800  }
0xad: {  	_ =	swait.ge [sflag:s13], $0x1800  }
0xae: {  	[sflag:s13] =	ssyncset.done $0x0  }
0xaf: {  	[sflag:s13] =	ssyncadd.s32 $0xFFFFE800  }
0xb0: {  	_ =	swait.ge [sflag:s13], $0x1800  }
0xb1: {  	[sflag:s13] =	ssyncset.done $0x0  }
0xb2: {  	[sflag:s13] =	ssyncadd.s32 $0xFFFFE800  }
0xb3: {  	_ =	swait.ge [sflag:s13], $0x1800  }
0xb4: {  	[sflag:s13] =	ssyncset.done $0x0  }
0xb5: {  	[sflag:s13] =	ssyncadd.s32 $0xFFFFE800  }
0xb6: {  	_ =	swait.ge [sflag:s19], $0x200  }
0xb7: {  	[sflag:s19] =	ssyncset.done $0x0  }
0xb8: {  	[sflag:s19] =	ssyncadd.s32 $0xFFFFFE00  }
0xb9: {  	_ =	swait.ge [sflag:s19], $0x200  }
0xba: {  	[sflag:s19] =	ssyncset.done $0x0  }
0xbb: {  	s30 =	simm.s32 $0x0;
	[sflag:s19] =	ssyncadd.s32 $0xFFFFFE00  }
0xbc: {  	v4 =	vld [tilespmem:s30+$0x12528];
	_ =	sdelay $0x1  }
0xbd: {  	v5 =	vld [tilespmem:s30+$0x12728];
	_ =	sdelay $0x1  }
0xbe: {  	s31 =	simm.s32 $0x0  }
0xbf: {  	s7 =	sand.u32 $0x600, s31;
	vm0 =	vge.s32 v4, v0;
	vm1 =	vlt.s32 v4, v1  }
0xc0: {  	s18 =	sand.u32 $0x70, s31;
	s7 =	sshrl.u32 s7, $0x2;
	v4 =	vsub.s32 v4, v0;
	vm0 =	vmand vm0, vm1  }
0xc1: {  	[tilespmem:s30+$0x12928] =	vst v5;
	s30 =	sor.u32 s18, s7;
	v4 =	vsel vm0, v4, v2  }
0xc2: {  	s3 =	simm.s32 $0x80;
	s7 =	simm.s32 $0x40;
	s18 =	simm.s32 $0x10;
	[tilespmem:s30+$0x12B28] =	vst v4  }
.LBB2_7:
0xc3: {  	p1 =	sne.s32 s3, $0x7C0;
	v4 =	vld [tilespmem:s18+$0x12528];
	_ =	sdelay $0x1  }
0xc4: {  	v5 =	vld [tilespmem:s18+$0x12728];
	_ =	sdelay $0x1  }
.Ltmp2:
0xc5: {  	(pc) =	sbr.rel @p1 .LBB2_7-.Ltmp2, $4  }
0xc6: {  	s30 =	sand.u32 $0x600, s7;
	s31 =	sadd.s32 $0x10, s31;
	s7 =	smov.u32 s3;
	vm0 =	vge.s32 v4, v0;
	vm1 =	vlt.s32 v4, v1  }
0xc7: {  	s21 =	sand.u32 $0x70, s31;
	s30 =	sshrl.u32 s30, $0x2;
	v4 =	vsub.s32 v4, v0;
	vm0 =	vmand vm0, vm1  }
0xc8: {  	s21 =	sor.u32 s21, s30;
	[tilespmem:s18+$0x12928] =	vst v5;
	v4 =	vsel vm0, v4, v2  }
0xc9: {  	s3 =	sadd.s32 $0x40, s3;
	s18 =	sshra.s32 s7, $0x2;
	[tilespmem:s21+$0x12B28] =	vst v4  }
0xca: {  	v4 =	vld [tilespmem:s18+$0x12528];
	_ =	sdelay $0x1  }
0xcb: {  	v5 =	vld [tilespmem:s18+$0x12728];
	_ =	sdelay $0x1  }
0xcc: {  	p1 =	seq.s32 s16, $0x63  }
0xcd: {  	s3 =	sand.u32 $0x600, s7;
	s24 =	sadd.s32 $0x10, s31;
	s31 =	sshll.u32 @!p1 s16, $0xA;
	vm0 =	vge.s32 v4, v0;
	vm1 =	vlt.s32 v4, v1  }
0xce: {  	s7 =	sand.u32 $0x70, s24;
	s3 =	sshrl.u32 s3, $0x2;
	s21 =	sadd.s32 @!p1 s31, s26;
	v4 =	vsub.s32 v4, v0;
	vm0 =	vmand vm0, vm1  }
0xcf: {  	s3 =	sor.u32 s7, s3;
	s7 =	sshrl.u32 @!p1 s21, $0x3;
	[tilespmem:s18+$0x12928] =	vst v5;
	v4 =	vsel vm0, v4, v2  }
0xd0: {  	s21 =	simm.s32 @!p1 $0x12528;
	s18 =	simm.s32 @!p1 $0x0;
	[tilespmem:s3+$0x12B28] =	vst v4;
	s3 =	sadd.s32 @!p1 s6, s7  }
0xd1: {  	[tilespmem:s21], [sflag:$0x1] =	stream.linear.gather @!p1 [hbm4b:s3+s18], $0x200, $0x38;
	[tilespmem:$0x1F528] =	vst v63  }
0xd2: {  	s3 =	sadd.s32 @!p1 s5, s7;
	s7 =	simm.s32 @!p1 $0x12728  }
0xd3: {  	[tilespmem:s7], [sflag:$0x1] =	stream.linear.gather @!p1 [hbm4b:s3+s18], $0x200, $0x38;
	[tilespmem:$0x1F528] =	vst v63  }
0xd4: {  	s21 =	simm.s32 $0x12928  }
0xd5: {  	[tilespmem:s23], [sflag:$0x3] =	stream.indirect.gather [hbm4b:s1+s20], $0x30, s21, s20, $0xb8;
	[tilespmem:$0x1F528] =	vst v63  }
0xd6: {  	s24 =	simm.s32 $0x129A8  }
0xd7: {  	[tilespmem:s29], [sflag:$0x3] =	stream.indirect.gather [hbm4b:s1+s20], $0x30, s24, s20, $0xb8;
	[tilespmem:$0x1F528] =	vst v63  }
0xd8: {  	s7 =	simm.s32 $0x12A28  }
0xd9: {  	[tilespmem:s25], [sflag:$0x3] =	stream.indirect.gather [hbm4b:s1+s20], $0x30, s7, s20, $0xb8;
	[tilespmem:$0x1F528] =	vst v63  }
0xda: {  	s18 =	simm.s32 $0x12AA8  }
0xdb: {  	[tilespmem:s11], [sflag:$0x3] =	stream.indirect.gather [hbm4b:s1+s20], $0x30, s18, s20, $0xb8;
	[tilespmem:$0x1F528] =	vst v63  }
0xdc: {  	_ =	swait.ge [sflag:s9], $0x1800  }
0xdd: {  	[sflag:s9] =	ssyncset.done $0x0  }
0xde: {  	[sflag:s9] =	ssyncadd.s32 $0xFFFFE800  }
0xdf: {  	_ =	swait.ge [sflag:s9], $0x1800  }
0xe0: {  	[sflag:s9] =	ssyncset.done $0x0  }
0xe1: {  	[sflag:s9] =	ssyncadd.s32 $0xFFFFE800  }
0xe2: {  	_ =	swait.ge [sflag:s9], $0x1800  }
0xe3: {  	[sflag:s9] =	ssyncset.done $0x0  }
0xe4: {  	[sflag:s9] =	ssyncadd.s32 $0xFFFFE800  }
0xe5: {  	_ =	swait.ge [sflag:s9], $0x1800  }
0xe6: {  	[sflag:s9] =	ssyncset.done $0x0  }
0xe7: {  	[sflag:s9] =	ssyncadd.s32 $0xFFFFE800  }
0xe8: {  	_ =	swait.ge [sflag:s12], $0x200  }
0xe9: {  	[sflag:s12] =	ssyncset.done $0x0  }
0xea: {  	[sflag:s12] =	ssyncadd.s32 $0xFFFFFE00  }
0xeb: {  	_ =	swait.ge [sflag:s12], $0x200  }
0xec: {  	[sflag:s12] =	ssyncset.done $0x0  }
0xed: {  	s3 =	simm.s32 $0x0;
	[sflag:s12] =	ssyncadd.s32 $0xFFFFFE00  }
0xee: {  	v4 =	vld [tilespmem:s3+$0x18D28];
	_ =	sdelay $0x1  }
0xef: {  	v5 =	vld [tilespmem:s3+$0x18F28];
	_ =	sdelay $0x1  }
0xf0: {  	s18 =	simm.s32 $0x0  }
0xf1: {  	s21 =	sand.u32 $0x600, s18;
	vm14 =	vge.s32 v4, v0;
	vm15 =	vlt.s32 v4, v1  }
0xf2: {  	s24 =	sand.u32 $0x70, s18;
	s7 =	sshrl.u32 s21, $0x2;
	v4 =	vsub.s32 v4, v0;
	vm0 =	vmand vm14, vm15  }
0xf3: {  	s21 =	sor.u32 s24, s7;
	[tilespmem:s3+$0x19128] =	vst v5;
	v4 =	vsel vm0, v4, v2  }
0xf4: {  	s30 =	simm.s32 $0x80;
	s7 =	simm.s32 $0x10;
	s3 =	simm.s32 $0x40;
	[tilespmem:s21+$0x19328] =	vst v4  }
.LBB2_9:
0xf5: {  	p2 =	sne.s32 s30, $0x7C0;
	v4 =	vld [tilespmem:s7+$0x18D28];
	_ =	sdelay $0x1  }
0xf6: {  	v5 =	vld [tilespmem:s7+$0x18F28];
	_ =	sdelay $0x1  }
.Ltmp3:
0xf7: {  	(pc) =	sbr.rel @p2 .LBB2_9-.Ltmp3, $4  }
0xf8: {  	s21 =	sand.u32 $0x600, s3;
	s18 =	sadd.s32 $0x10, s18;
	s3 =	smov.u32 s30;
	vm0 =	vge.s32 v4, v0;
	vm1 =	vlt.s32 v4, v1  }
0xf9: {  	s24 =	sand.u32 $0x70, s18;
	s21 =	sshrl.u32 s21, $0x2;
	v4 =	vsub.s32 v4, v0;
	vm0 =	vmand vm0, vm1  }
0xfa: {  	s21 =	sor.u32 s24, s21;
	[tilespmem:s7+$0x19128] =	vst v5;
	v4 =	vsel vm0, v4, v2  }
0xfb: {  	s30 =	sadd.s32 $0x40, s30;
	s7 =	sshra.s32 s3, $0x2;
	[tilespmem:s21+$0x19328] =	vst v4  }
0xfc: {  	v4 =	vld [tilespmem:s7+$0x18D28];
	_ =	sdelay $0x1  }
0xfd: {  	v5 =	vld [tilespmem:s7+$0x18F28];
	_ =	sdelay $0x2  }
0xfe: {  	s3 =	sand.u32 $0x600, s3;
	s18 =	sadd.s32 $0x10, s18;
	vm0 =	vge.s32 v4, v0;
	vm1 =	vlt.s32 v4, v1  }
0xff: {  	s21 =	sadd.s32 @!p1 s31, s28;
	s18 =	sand.u32 $0x70, s18;
	s3 =	sshrl.u32 s3, $0x2;
	v4 =	vsub.s32 v4, v0;
	vm0 =	vmand vm0, vm1  }
0x100: {  	s3 =	sor.u32 s18, s3;
	[tilespmem:s7+$0x19128] =	vst v5;
	s7 =	sshrl.u32 @!p1 s21, $0x3;
	v4 =	vsel vm0, v4, v2  }
0x101: {  	s18 =	simm.s32 @!p1 $0x0;
	s21 =	simm.s32 @!p1 $0x18D28;
	[tilespmem:s3+$0x19328] =	vst v4;
	s3 =	sadd.s32 @!p1 s6, s7  }
0x102: {  	[tilespmem:s21], [sflag:$0x2] =	stream.linear.gather @!p1 [hbm4b:s3+s18], $0x200, $0x38;
	[tilespmem:$0x1F528] =	vst v63  }
0x103: {  	s3 =	sadd.s32 @!p1 s5, s7;
	s7 =	simm.s32 @!p1 $0x18F28  }
0x104: {  	[tilespmem:s7], [sflag:$0x2] =	stream.linear.gather @!p1 [hbm4b:s3+s18], $0x200, $0x38;
	[tilespmem:$0x1F528] =	vst v63  }
0x105: {  	s30 =	simm.s32 $0x19128  }
0x106: {  	[tilespmem:s14], [sflag:$0x4] =	stream.indirect.gather [hbm4b:s1+s20], $0x30, s30, s20, $0xb8;
	[tilespmem:$0x1F528] =	vst v63  }
0x107: {  	s31 =	simm.s32 $0x191A8  }
0x108: {  	[tilespmem:s15], [sflag:$0x4] =	stream.indirect.gather [hbm4b:s1+s20], $0x30, s31, s20, $0xb8;
	[tilespmem:$0x1F528] =	vst v63  }
0x109: {  	s7 =	simm.s32 $0x19228  }
0x10a: {  	[tilespmem:s17], [sflag:$0x4] =	stream.indirect.gather [hbm4b:s1+s20], $0x30, s7, s20, $0xb8;
	[tilespmem:$0x1F528] =	vst v63  }
0x10b: {  	s18 =	simm.s32 $0x192A8  }
0x10c: {  	[tilespmem:s0], [sflag:$0x4] =	stream.indirect.gather [hbm4b:s1+s20], $0x30, s18, s20, $0xb8;
	[tilespmem:$0x1F528] =	vst v63  }
0x10d: {  	_ =	swait.ge [sflag:s4], $0x1800  }
0x10e: {  	[sflag:s4] =	ssyncset.done $0x0  }
0x10f: {  	[sflag:s4] =	ssyncadd.s32 $0xFFFFE800  }
0x110: {  	_ =	swait.ge [sflag:s4], $0x1800  }
0x111: {  	[sflag:s4] =	ssyncset.done $0x0  }
0x112: {  	[sflag:s4] =	ssyncadd.s32 $0xFFFFE800  }
0x113: {  	_ =	swait.ge [sflag:s4], $0x1800  }
0x114: {  	[sflag:s4] =	ssyncset.done $0x0  }
0x115: {  	[sflag:s4] =	ssyncadd.s32 $0xFFFFE800  }
0x116: {  	_ =	swait.ge [sflag:s4], $0x1800  }
0x117: {  	[sflag:s4] =	ssyncset.done $0x0  }
0x118: {  	s16 =	sadd.s32 $0x1, s16;
	s21 =	simm.s32 $0x12B28;
	[sflag:s4] =	ssyncadd.s32 $0xFFFFE800  }
0x119: {  	[spmem:s2] =	stream.indirect.scatter.add.f32 [tilespmem:s23], [sflag:$0x5], $0x30, s21, s20, $0xb8;
	[tilespmem:$0x1F528] =	vst v63  }
0x11a: {  	s24 =	simm.s32 $0x12BA8;
	p1 =	sne.s32 s16, $0x64  }
0x11b: {  	[spmem:s2] =	stream.indirect.scatter.add.f32 [tilespmem:s29], [sflag:$0x5], $0x30, s24, s20, $0xb8;
	[tilespmem:$0x1F528] =	vst v63  }
.Ltmp4:
0x11c: {  	_ = 	snop;
	(pc) =	sbr.rel @p1 .LBB2_6-.Ltmp4, $4  }
0x11d: {  	s30 =	simm.s32 $0x12C28  }
0x11e: {  	[spmem:s2] =	stream.indirect.scatter.add.f32 [tilespmem:s25], [sflag:$0x5], $0x30, s30, s20, $0xb8;
	[tilespmem:$0x1F528] =	vst v63  }
0x11f: {  	s31 =	simm.s32 $0x12CA8  }
0x120: {  	[spmem:s2] =	stream.indirect.scatter.add.f32 [tilespmem:s11], [sflag:$0x5], $0x30, s31, s20, $0xb8;
	[tilespmem:$0x1F528] =	vst v63  }
0x121: {  	_ =	swait.ge [sflag:s8], $0x1800  }
0x122: {  	[sflag:s8] =	ssyncset.done $0x0  }
0x123: {  	[sflag:s8] =	ssyncadd.s32 $0xFFFFE800  }
0x124: {  	_ =	swait.ge [sflag:s8], $0x1800  }
0x125: {  	[sflag:s8] =	ssyncset.done $0x0  }
0x126: {  	[sflag:s8] =	ssyncadd.s32 $0xFFFFE800  }
0x127: {  	_ =	swait.ge [sflag:s8], $0x1800  }
0x128: {  	[sflag:s8] =	ssyncset.done $0x0  }
0x129: {  	[sflag:s8] =	ssyncadd.s32 $0xFFFFE800  }
0x12a: {  	_ =	swait.ge [sflag:s8], $0x1800  }
0x12b: {  	[sflag:s8] =	ssyncset.done $0x0  }
0x12c: {  	s3 =	simm.s32 $0x19328;
	[sflag:s8] =	ssyncadd.s32 $0xFFFFE800  }
0x12d: {  	[spmem:s2] =	stream.indirect.scatter.add.f32 [tilespmem:s14], [sflag:$0x6], $0x30, s3, s20, $0xb8;
	[tilespmem:$0x1F528] =	vst v63  }
0x12e: {  	s21 =	simm.s32 $0x193A8  }
0x12f: {  	[spmem:s2] =	stream.indirect.scatter.add.f32 [tilespmem:s15], [sflag:$0x6], $0x30, s21, s20, $0xb8;
	[tilespmem:$0x1F528] =	vst v63  }
0x130: {  	_ = 	snop  }
0x131: {  	[spmem:s2] =	stream.indirect.scatter.add.f32 [tilespmem:s17], [sflag:$0x6], $0x30, s22, s20, $0xb8;
	[tilespmem:$0x1F528] =	vst v63  }
0x132: {  	_ = 	snop  }
0x133: {  	[spmem:s2] =	stream.indirect.scatter.add.f32 [tilespmem:s0], [sflag:$0x6], $0x30, s10, s20, $0xb8;
	[tilespmem:$0x1F528] =	vst v63  }
0x134: {  	_ =	swait.ge [sflag:s13], $0x1800  }
0x135: {  	[sflag:s13] =	ssyncset.done $0x0  }
0x136: {  	[sflag:s13] =	ssyncadd.s32 $0xFFFFE800  }
0x137: {  	_ =	swait.ge [sflag:s13], $0x1800  }
0x138: {  	[sflag:s13] =	ssyncset.done $0x0  }
0x139: {  	[sflag:s13] =	ssyncadd.s32 $0xFFFFE800  }
0x13a: {  	_ =	swait.ge [sflag:s13], $0x1800  }
0x13b: {  	[sflag:s13] =	ssyncset.done $0x0  }
0x13c: {  	[sflag:s13] =	ssyncadd.s32 $0xFFFFE800  }
0x13d: {  	_ =	swait.ge [sflag:s13], $0x1800  }
0x13e: {  	[sflag:s13] =	ssyncset.done $0x0  }
0x13f: {  	[sflag:s13] =	ssyncadd.s32 $0xFFFFE800  }
0x140: {  	_ =	swait.ge [sflag:s9], $0x1800  }
0x141: {  	[sflag:s9] =	ssyncset.done $0x0  }
0x142: {  	[sflag:s9] =	ssyncadd.s32 $0xFFFFE800  }
0x143: {  	_ =	swait.ge [sflag:s9], $0x1800  }
0x144: {  	[sflag:s9] =	ssyncset.done $0x0  }
0x145: {  	[sflag:s9] =	ssyncadd.s32 $0xFFFFE800  }
0x146: {  	_ =	swait.ge [sflag:s9], $0x1800  }
0x147: {  	[sflag:s9] =	ssyncset.done $0x0  }
0x148: {  	[sflag:s9] =	ssyncadd.s32 $0xFFFFE800  }
0x149: {  	_ =	swait.ge [sflag:s9], $0x1800  }
0x14a: {  	[sflag:s9] =	ssyncset.done $0x0  }
0x14b: {  	[sflag:s9] =	ssyncadd.s32 $0xFFFFE800  }
0x14c: {  	[bflag:$0x0] =	sbarrier.arrive $0xFFFF  }
0x14d: {  	s18 =	rddreg [dreg:$0x5]  }
0x14e: {  	s24 =	rddreg [dreg:$0x10]  }
0x14f: {  	s7 =	rddreg [dreg:$0x19]  }
0x150: {  	[hbm:s24], [sflag:s18] =	dma.local [spmem:s7], $0x1770  }
0x151: {  	s24 =	simm.s32 $0x7  }
0x152: {  	_ =	swait.ge [sflag:s24], $0x1770  }
0x153: {  	[sflag:s24] =	ssyncset.done $0x0  }
0x154: {  	[sflag:s24] =	ssyncadd.s32 $0xFFFFE890  }
0x155: {  	[bflag:$0x0] =	sbarrier.arrive @p0 $0xFFFF  }
0x156: {  	s3 =	rddreg [dreg:$0x12]  }
0x157: {  	s7 =	rddreg [dreg:$0x1a]  }
0x158: {  	[hbm:s3], [sflag:s18] =	dma.local @!p0 [spmem:s7], $0x1770  }
0x159: {  	s3 =	simm.s32 @!p0 $0x7  }
0x15a: {  	_ =	swait.ge @!p0 [sflag:s3], $0x1770  }
0x15b: {  	[sflag:s3] =	ssyncset.done @!p0 $0x0  }
0x15c: {  	[sflag:s3] =	ssyncadd.s32 @!p0 $0xFFFFE890  }
0x15d: {  	[bflag:$0x0] =	sbarrier.arrive @!p0 $0xFFFF  }
0x15e: {  	s16 =	rddreg [dreg:$0x4]  }
0x15f: {  	s21 =	rddreg [dreg:$0x13];
	s7 =	sshrl.u32 @!p0 s16, $0x3  }
0x160: {  	[spmem:s7], [sflag:s18] =	dma.local @!p0 [hbm:s21], $0x1770  }
0x161: {  	_ =	swait.ge @!p0 [sflag:s3], $0x1770  }
0x162: {  	s7 =	rddreg [dreg:$0x6]  }
0x163: {  	[sflag:s3] =	ssyncset.done @!p0 $0x0;
	s7 =	smov.u32 @p0 s16  }
0x164: {  	s31 =	rddreg [dreg:$0x16];
	[sflag:s3] =	ssyncadd.s32 @!p0 $0xFFFFE890;
	s30 =	sshrl.u32 s7, $0x3  }
0x165: {  	[spmem:s30], [sflag:s18] =	dma.local [hbm:s31], $0x1770  }
0x166: {  	_ =	swait.ge [sflag:s24], $0x1770  }
0x167: {  	[sflag:s24] =	ssyncset.done $0x0  }
0x168: {  	[sflag:s24] =	ssyncadd.s32 $0xFFFFE890  }
0x169: {  	[bflag:$0x0] =	sbarrier.arrive $0xFFFF  }
0x16a: {  	s16 =	simm.s32 $0x0;
	s18 =	simm.s32 $0x12528;
	s7 =	rddreg [dreg:$0x7]  }
0x16b: {  	[tilespmem:s18], [sflag:$0x1] =	stream.linear.gather [hbm4b:s7+s16], $0x200, $0x38;
	[tilespmem:$0x1F528] =	vst v63  }
0x16c: {  	s24 =	simm.s32 $0x12728;
	s21 =	rddreg [dreg:$0x8]  }
0x16d: {  	[tilespmem:s24], [sflag:$0x1] =	stream.linear.gather [hbm4b:s21+s16], $0x200, $0x38;
	[tilespmem:$0x1F528] =	vst v63  }
0x16e: {  	s31 =	simm.s32 $0x18D28;
	s30 =	rddreg [dreg:$0x9]  }
0x16f: {  	[tilespmem:s31], [sflag:$0x2] =	stream.linear.gather [hbm4b:s30+s16], $0x200, $0x38;
	[tilespmem:$0x1F528] =	vst v63  }
0x170: {  	s18 =	rddreg [dreg:$0xa];
	s21 =	simm.s32 $0x18F28  }
0x171: {  	[tilespmem:s21], [sflag:$0x2] =	stream.linear.gather [hbm4b:s18+s16], $0x200, $0x38;
	[tilespmem:$0x1F528] =	vst v63  }
0x172: {  	_ =	swait.ge [sflag:s19], $0x200  }
0x173: {  	[sflag:s19] =	ssyncset.done $0x0  }
0x174: {  	[sflag:s19] =	ssyncadd.s32 $0xFFFFFE00  }
0x175: {  	_ =	swait.ge [sflag:s19], $0x200  }
0x176: {  	[sflag:s19] =	ssyncset.done $0x0  }
0x177: {  	s24 =	simm.s32 $0x0;
	[sflag:s19] =	ssyncadd.s32 $0xFFFFFE00  }
0x178: {  	v4 =	vld [tilespmem:s24+$0x12528];
	_ =	sdelay $0x1  }
0x179: {  	v5 =	vld [tilespmem:s24+$0x12728];
	_ =	sdelay $0x2  }
0x17a: {  	s30 =	sand.u32 $0x600, s16;
	vm0 =	vge.s32 v4, v1;
	vm1 =	vlt.s32 v4, v3  }
0x17b: {  	s31 =	sand.u32 $0x70, s16;
	s7 =	sshrl.u32 s30, $0x2;
	v4 =	vsub.s32 v4, v1;
	vm0 =	vmand vm0, vm1  }
0x17c: {  	s18 =	sor.u32 s31, s7;
	[tilespmem:s24+$0x12928] =	vst v5;
	v4 =	vsel vm0, v4, v2  }
0x17d: {  	s3 =	simm.s32 $0x40;
	s7 =	simm.s32 $0x10;
	[tilespmem:s18+$0x12B28] =	vst v4;
	s18 =	simm.s32 $0x80  }
.LBB2_12:
0x17e: {  	p1 =	sne.s32 s18, $0x7C0;
	v4 =	vld [tilespmem:s7+$0x12528];
	_ =	sdelay $0x1  }
0x17f: {  	v5 =	vld [tilespmem:s7+$0x12728];
	_ =	sdelay $0x1  }
.Ltmp5:
0x180: {  	(pc) =	sbr.rel @p1 .LBB2_12-.Ltmp5, $4  }
0x181: {  	s21 =	sand.u32 $0x600, s3;
	s16 =	sadd.s32 $0x10, s16;
	s3 =	smov.u32 s18;
	vm0 =	vge.s32 v4, v1;
	vm1 =	vlt.s32 v4, v3  }
0x182: {  	s24 =	sand.u32 $0x70, s16;
	s21 =	sshrl.u32 s21, $0x2;
	v4 =	vsub.s32 v4, v1;
	vm0 =	vmand vm0, vm1  }
0x183: {  	s21 =	sor.u32 s24, s21;
	[tilespmem:s7+$0x12928] =	vst v5;
	v4 =	vsel vm0, v4, v2  }
0x184: {  	s18 =	sadd.s32 $0x40, s18;
	s7 =	sshra.s32 s3, $0x2;
	[tilespmem:s21+$0x12B28] =	vst v4  }
0x185: {  	v4 =	vld [tilespmem:s7+$0x12528];
	_ =	sdelay $0x1  }
0x186: {  	v5 =	vld [tilespmem:s7+$0x12728];
	_ =	sdelay $0x2  }
0x187: {  	s3 =	sand.u32 $0x600, s3;
	s16 =	sadd.s32 $0x10, s16;
	vm0 =	vge.s32 v4, v1;
	vm1 =	vlt.s32 v4, v3  }
0x188: {  	s16 =	sand.u32 $0x70, s16;
	s3 =	sshrl.u32 s3, $0x2;
	v4 =	vsub.s32 v4, v1;
	vm0 =	vmand vm0, vm1  }
0x189: {  	s3 =	sor.u32 s16, s3;
	[tilespmem:s7+$0x12928] =	vst v5;
	v4 =	vsel vm0, v4, v2  }
0x18a: {  	s21 =	rddreg [dreg:$0xb];
	s24 =	simm.s32 $0x12528;
	s16 =	simm.s32 $0x0;
	[tilespmem:s3+$0x12B28] =	vst v4  }
0x18b: {  	[tilespmem:s24], [sflag:$0x1] =	stream.linear.gather [hbm4b:s21+s16], $0x200, $0x38;
	[tilespmem:$0x1F528] =	vst v63  }
0x18c: {  	s30 =	rddreg [dreg:$0xc];
	s31 =	simm.s32 $0x12728  }
0x18d: {  	[tilespmem:s31], [sflag:$0x1] =	stream.linear.gather [hbm4b:s30+s16], $0x200, $0x38;
	[tilespmem:$0x1F528] =	vst v63  }
0x18e: {  	s7 =	simm.s32 $0x12928  }
0x18f: {  	[tilespmem:s23], [sflag:$0x3] =	stream.indirect.gather [hbm4b:s1+s20], $0x30, s7, s20, $0xb8;
	[tilespmem:$0x1F528] =	vst v63  }
0x190: {  	s18 =	simm.s32 $0x129A8  }
0x191: {  	[tilespmem:s29], [sflag:$0x3] =	stream.indirect.gather [hbm4b:s1+s20], $0x30, s18, s20, $0xb8;
	[tilespmem:$0x1F528] =	vst v63  }
0x192: {  	s21 =	simm.s32 $0x12A28  }
0x193: {  	[tilespmem:s25], [sflag:$0x3] =	stream.indirect.gather [hbm4b:s1+s20], $0x30, s21, s20, $0xb8;
	[tilespmem:$0x1F528] =	vst v63  }
0x194: {  	s24 =	simm.s32 $0x12AA8  }
0x195: {  	[tilespmem:s11], [sflag:$0x3] =	stream.indirect.gather [hbm4b:s1+s20], $0x30, s24, s20, $0xb8;
	[tilespmem:$0x1F528] =	vst v63  }
0x196: {  	_ =	swait.ge [sflag:s12], $0x200  }
0x197: {  	[sflag:s12] =	ssyncset.done $0x0  }
0x198: {  	[sflag:s12] =	ssyncadd.s32 $0xFFFFFE00  }
0x199: {  	_ =	swait.ge [sflag:s12], $0x200  }
0x19a: {  	[sflag:s12] =	ssyncset.done $0x0  }
0x19b: {  	s30 =	simm.s32 $0x0;
	[sflag:s12] =	ssyncadd.s32 $0xFFFFFE00  }
0x19c: {  	v4 =	vld [tilespmem:s30+$0x18D28];
	_ =	sdelay $0x1  }
0x19d: {  	v5 =	vld [tilespmem:s30+$0x18F28];
	_ =	sdelay $0x2  }
0x19e: {  	s31 =	sand.u32 $0x600, s16;
	vm14 =	vge.s32 v4, v1;
	vm15 =	vlt.s32 v4, v3  }
0x19f: {  	s7 =	sshrl.u32 s31, $0x2;
	s18 =	sand.u32 $0x70, s16;
	v4 =	vsub.s32 v4, v1;
	vm0 =	vmand vm14, vm15  }
0x1a0: {  	s21 =	sor.u32 s18, s7;
	[tilespmem:s30+$0x19128] =	vst v5;
	v4 =	vsel vm0, v4, v2  }
0x1a1: {  	s3 =	simm.s32 $0x40;
	s7 =	simm.s32 $0x10;
	s18 =	simm.s32 $0x80;
	[tilespmem:s21+$0x19328] =	vst v4  }
.LBB2_14:
0x1a2: {  	p1 =	sne.s32 s18, $0x7C0;
	v4 =	vld [tilespmem:s7+$0x18D28];
	_ =	sdelay $0x1  }
0x1a3: {  	v5 =	vld [tilespmem:s7+$0x18F28];
	_ =	sdelay $0x1  }
.Ltmp6:
0x1a4: {  	(pc) =	sbr.rel @p1 .LBB2_14-.Ltmp6, $4  }
0x1a5: {  	s21 =	sand.u32 $0x600, s3;
	s16 =	sadd.s32 $0x10, s16;
	s3 =	smov.u32 s18;
	vm0 =	vge.s32 v4, v1;
	vm1 =	vlt.s32 v4, v3  }
0x1a6: {  	s24 =	sand.u32 $0x70, s16;
	s21 =	sshrl.u32 s21, $0x2;
	v4 =	vsub.s32 v4, v1;
	vm0 =	vmand vm0, vm1  }
0x1a7: {  	s21 =	sor.u32 s24, s21;
	[tilespmem:s7+$0x19128] =	vst v5;
	v4 =	vsel vm0, v4, v2  }
0x1a8: {  	s18 =	sadd.s32 $0x40, s18;
	s7 =	sshra.s32 s3, $0x2;
	[tilespmem:s21+$0x19328] =	vst v4  }
0x1a9: {  	v4 =	vld [tilespmem:s7+$0x18D28];
	_ =	sdelay $0x1  }
0x1aa: {  	v5 =	vld [tilespmem:s7+$0x18F28];
	_ =	sdelay $0x2  }
0x1ab: {  	s3 =	sand.u32 $0x600, s3;
	s16 =	sadd.s32 $0x10, s16;
	vm0 =	vge.s32 v4, v1;
	vm1 =	vlt.s32 v4, v3  }
0x1ac: {  	s16 =	sand.u32 $0x70, s16;
	s3 =	sshrl.u32 s3, $0x2;
	v4 =	vsub.s32 v4, v1;
	vm0 =	vmand vm0, vm1  }
0x1ad: {  	s3 =	sor.u32 s16, s3;
	[tilespmem:s7+$0x19128] =	vst v5;
	v4 =	vsel vm0, v4, v2  }
0x1ae: {  	s31 =	simm.s32 $0x0;
	s18 =	rddreg [dreg:$0xd];
	s21 =	simm.s32 $0x18D28;
	[tilespmem:s3+$0x19328] =	vst v4  }
0x1af: {  	[tilespmem:s21], [sflag:$0x2] =	stream.linear.gather [hbm4b:s18+s31], $0x200, $0x38;
	[tilespmem:$0x1F528] =	vst v63  }
0x1b0: {  	s24 =	rddreg [dreg:$0xe];
	s30 =	simm.s32 $0x18F28  }
0x1b1: {  	[tilespmem:s30], [sflag:$0x2] =	stream.linear.gather [hbm4b:s24+s31], $0x200, $0x38;
	[tilespmem:$0x1F528] =	vst v63  }
0x1b2: {  	s31 =	simm.s32 $0x19128  }
0x1b3: {  	[tilespmem:s14], [sflag:$0x4] =	stream.indirect.gather [hbm4b:s1+s20], $0x30, s31, s20, $0xb8;
	[tilespmem:$0x1F528] =	vst v63  }
0x1b4: {  	s7 =	simm.s32 $0x191A8  }
0x1b5: {  	[tilespmem:s15], [sflag:$0x4] =	stream.indirect.gather [hbm4b:s1+s20], $0x30, s7, s20, $0xb8;
	[tilespmem:$0x1F528] =	vst v63  }
0x1b6: {  	s16 =	simm.s32 $0x19228  }
0x1b7: {  	[tilespmem:s17], [sflag:$0x4] =	stream.indirect.gather [hbm4b:s1+s20], $0x30, s16, s20, $0xb8;
	[tilespmem:$0x1F528] =	vst v63  }
0x1b8: {  	s18 =	simm.s32 $0x192A8  }
0x1b9: {  	[tilespmem:s0], [sflag:$0x4] =	stream.indirect.gather [hbm4b:s1+s20], $0x30, s18, s20, $0xb8;
	[tilespmem:$0x1F528] =	vst v63  }
0x1ba: {  	_ =	swait.ge [sflag:s4], $0x1800  }
0x1bb: {  	[sflag:s4] =	ssyncset.done $0x0  }
0x1bc: {  	[sflag:s4] =	ssyncadd.s32 $0xFFFFE800  }
0x1bd: {  	_ =	swait.ge [sflag:s4], $0x1800  }
0x1be: {  	[sflag:s4] =	ssyncset.done $0x0  }
0x1bf: {  	[sflag:s4] =	ssyncadd.s32 $0xFFFFE800  }
0x1c0: {  	_ =	swait.ge [sflag:s4], $0x1800  }
0x1c1: {  	[sflag:s4] =	ssyncset.done $0x0  }
0x1c2: {  	[sflag:s4] =	ssyncadd.s32 $0xFFFFE800  }
0x1c3: {  	_ =	swait.ge [sflag:s4], $0x1800  }
0x1c4: {  	[sflag:s4] =	ssyncset.done $0x0  }
0x1c5: {  	s21 =	simm.s32 $0x12B28;
	[sflag:s4] =	ssyncadd.s32 $0xFFFFE800  }
0x1c6: {  	[spmem:s2] =	stream.indirect.scatter.add.f32 [tilespmem:s23], [sflag:$0x5], $0x30, s21, s20, $0xb8;
	[tilespmem:$0x1F528] =	vst v63  }
0x1c7: {  	s24 =	simm.s32 $0x12BA8  }
0x1c8: {  	[spmem:s2] =	stream.indirect.scatter.add.f32 [tilespmem:s29], [sflag:$0x5], $0x30, s24, s20, $0xb8;
	[tilespmem:$0x1F528] =	vst v63  }
0x1c9: {  	s30 =	simm.s32 $0x12C28  }
0x1ca: {  	[spmem:s2] =	stream.indirect.scatter.add.f32 [tilespmem:s25], [sflag:$0x5], $0x30, s30, s20, $0xb8;
	[tilespmem:$0x1F528] =	vst v63  }
0x1cb: {  	s31 =	simm.s32 $0x12CA8;
	s16 =	simm.s32 $0x1  }
0x1cc: {  	[spmem:s2] =	stream.indirect.scatter.add.f32 [tilespmem:s11], [sflag:$0x5], $0x30, s31, s20, $0xb8;
	[tilespmem:$0x1F528] =	vst v63  }
.LBB2_16:
0x1cd: {  	_ =	swait.ge [sflag:s8], $0x1800  }
0x1ce: {  	[sflag:s8] =	ssyncset.done $0x0  }
0x1cf: {  	[sflag:s8] =	ssyncadd.s32 $0xFFFFE800  }
0x1d0: {  	_ =	swait.ge [sflag:s8], $0x1800  }
0x1d1: {  	[sflag:s8] =	ssyncset.done $0x0  }
0x1d2: {  	[sflag:s8] =	ssyncadd.s32 $0xFFFFE800  }
0x1d3: {  	_ =	swait.ge [sflag:s8], $0x1800  }
0x1d4: {  	[sflag:s8] =	ssyncset.done $0x0  }
0x1d5: {  	[sflag:s8] =	ssyncadd.s32 $0xFFFFE800  }
0x1d6: {  	_ =	swait.ge [sflag:s8], $0x1800  }
0x1d7: {  	[sflag:s8] =	ssyncset.done $0x0  }
0x1d8: {  	s3 =	simm.s32 $0x19328;
	[sflag:s8] =	ssyncadd.s32 $0xFFFFE800  }
0x1d9: {  	[spmem:s2] =	stream.indirect.scatter.add.f32 [tilespmem:s14], [sflag:$0x6], $0x30, s3, s20, $0xb8;
	[tilespmem:$0x1F528] =	vst v63  }
0x1da: {  	s24 =	simm.s32 $0x193A8  }
0x1db: {  	[spmem:s2] =	stream.indirect.scatter.add.f32 [tilespmem:s15], [sflag:$0x6], $0x30, s24, s20, $0xb8;
	[tilespmem:$0x1F528] =	vst v63  }
0x1dc: {  	_ = 	snop  }
0x1dd: {  	[spmem:s2] =	stream.indirect.scatter.add.f32 [tilespmem:s17], [sflag:$0x6], $0x30, s22, s20, $0xb8;
	[tilespmem:$0x1F528] =	vst v63  }
0x1de: {  	_ = 	snop  }
0x1df: {  	[spmem:s2] =	stream.indirect.scatter.add.f32 [tilespmem:s0], [sflag:$0x6], $0x30, s10, s20, $0xb8;
	[tilespmem:$0x1F528] =	vst v63  }
0x1e0: {  	_ =	swait.ge [sflag:s13], $0x1800  }
0x1e1: {  	[sflag:s13] =	ssyncset.done $0x0  }
0x1e2: {  	[sflag:s13] =	ssyncadd.s32 $0xFFFFE800  }
0x1e3: {  	_ =	swait.ge [sflag:s13], $0x1800  }
0x1e4: {  	[sflag:s13] =	ssyncset.done $0x0  }
0x1e5: {  	[sflag:s13] =	ssyncadd.s32 $0xFFFFE800  }
0x1e6: {  	_ =	swait.ge [sflag:s13], $0x1800  }
0x1e7: {  	[sflag:s13] =	ssyncset.done $0x0  }
0x1e8: {  	[sflag:s13] =	ssyncadd.s32 $0xFFFFE800  }
0x1e9: {  	_ =	swait.ge [sflag:s13], $0x1800  }
0x1ea: {  	[sflag:s13] =	ssyncset.done $0x0  }
0x1eb: {  	[sflag:s13] =	ssyncadd.s32 $0xFFFFE800  }
0x1ec: {  	_ =	swait.ge [sflag:s19], $0x200  }
0x1ed: {  	[sflag:s19] =	ssyncset.done $0x0  }
0x1ee: {  	[sflag:s19] =	ssyncadd.s32 $0xFFFFFE00  }
0x1ef: {  	_ =	swait.ge [sflag:s19], $0x200  }
0x1f0: {  	[sflag:s19] =	ssyncset.done $0x0  }
0x1f1: {  	s30 =	simm.s32 $0x0;
	[sflag:s19] =	ssyncadd.s32 $0xFFFFFE00  }
0x1f2: {  	v4 =	vld [tilespmem:s30+$0x12528];
	_ =	sdelay $0x1  }
0x1f3: {  	v5 =	vld [tilespmem:s30+$0x12728];
	_ =	sdelay $0x1  }
0x1f4: {  	s31 =	simm.s32 $0x0  }
0x1f5: {  	s7 =	sand.u32 $0x600, s31;
	vm0 =	vge.s32 v4, v1;
	vm1 =	vlt.s32 v4, v3  }
0x1f6: {  	s18 =	sand.u32 $0x70, s31;
	s7 =	sshrl.u32 s7, $0x2;
	v4 =	vsub.s32 v4, v1;
	vm0 =	vmand vm0, vm1  }
0x1f7: {  	s21 =	sor.u32 s18, s7;
	[tilespmem:s30+$0x12928] =	vst v5;
	v4 =	vsel vm0, v4, v2  }
0x1f8: {  	s7 =	simm.s32 $0x40;
	s18 =	simm.s32 $0x10;
	s3 =	simm.s32 $0x80;
	[tilespmem:s21+$0x12B28] =	vst v4  }
.LBB2_17:
0x1f9: {  	p1 =	sne.s32 s3, $0x7C0;
	v4 =	vld [tilespmem:s18+$0x12528];
	_ =	sdelay $0x1  }
0x1fa: {  	v5 =	vld [tilespmem:s18+$0x12728];
	_ =	sdelay $0x1  }
.Ltmp7:
0x1fb: {  	(pc) =	sbr.rel @p1 .LBB2_17-.Ltmp7, $4  }
0x1fc: {  	s21 =	sand.u32 $0x600, s7;
	s31 =	sadd.s32 $0x10, s31;
	s7 =	smov.u32 s3;
	vm0 =	vge.s32 v4, v1;
	vm1 =	vlt.s32 v4, v3  }
0x1fd: {  	s24 =	sand.u32 $0x70, s31;
	s21 =	sshrl.u32 s21, $0x2;
	v4 =	vsub.s32 v4, v1;
	vm0 =	vmand vm0, vm1  }
0x1fe: {  	s21 =	sor.u32 s24, s21;
	[tilespmem:s18+$0x12928] =	vst v5;
	v4 =	vsel vm0, v4, v2  }
0x1ff: {  	s3 =	sadd.s32 $0x40, s3;
	s18 =	sshra.s32 s7, $0x2;
	[tilespmem:s21+$0x12B28] =	vst v4  }
0x200: {  	v4 =	vld [tilespmem:s18+$0x12528];
	_ =	sdelay $0x1  }
0x201: {  	v5 =	vld [tilespmem:s18+$0x12728];
	_ =	sdelay $0x1  }
0x202: {  	p1 =	seq.s32 s16, $0x63  }
0x203: {  	s3 =	sand.u32 $0x600, s7;
	s24 =	sadd.s32 $0x10, s31;
	s31 =	sshll.u32 @!p1 s16, $0xA;
	vm0 =	vge.s32 v4, v1;
	vm1 =	vlt.s32 v4, v3  }
0x204: {  	s7 =	sand.u32 $0x70, s24;
	s3 =	sshrl.u32 s3, $0x2;
	s21 =	sadd.s32 @!p1 s31, s26;
	v4 =	vsub.s32 v4, v1;
	vm0 =	vmand vm0, vm1  }
0x205: {  	s3 =	sor.u32 s7, s3;
	s7 =	sshrl.u32 @!p1 s21, $0x3;
	[tilespmem:s18+$0x12928] =	vst v5;
	v4 =	vsel vm0, v4, v2  }
0x206: {  	s21 =	simm.s32 @!p1 $0x12528;
	s18 =	simm.s32 @!p1 $0x0;
	[tilespmem:s3+$0x12B28] =	vst v4;
	s3 =	sadd.s32 @!p1 s6, s7  }
0x207: {  	[tilespmem:s21], [sflag:$0x1] =	stream.linear.gather @!p1 [hbm4b:s3+s18], $0x200, $0x38;
	[tilespmem:$0x1F528] =	vst v63  }
0x208: {  	s3 =	sadd.s32 @!p1 s5, s7;
	s7 =	simm.s32 @!p1 $0x12728  }
0x209: {  	[tilespmem:s7], [sflag:$0x1] =	stream.linear.gather @!p1 [hbm4b:s3+s18], $0x200, $0x38;
	[tilespmem:$0x1F528] =	vst v63  }
0x20a: {  	s21 =	simm.s32 $0x12928  }
0x20b: {  	[tilespmem:s23], [sflag:$0x3] =	stream.indirect.gather [hbm4b:s1+s20], $0x30, s21, s20, $0xb8;
	[tilespmem:$0x1F528] =	vst v63  }
0x20c: {  	s24 =	simm.s32 $0x129A8  }
0x20d: {  	[tilespmem:s29], [sflag:$0x3] =	stream.indirect.gather [hbm4b:s1+s20], $0x30, s24, s20, $0xb8;
	[tilespmem:$0x1F528] =	vst v63  }
0x20e: {  	s7 =	simm.s32 $0x12A28  }
0x20f: {  	[tilespmem:s25], [sflag:$0x3] =	stream.indirect.gather [hbm4b:s1+s20], $0x30, s7, s20, $0xb8;
	[tilespmem:$0x1F528] =	vst v63  }
0x210: {  	s18 =	simm.s32 $0x12AA8  }
0x211: {  	[tilespmem:s11], [sflag:$0x3] =	stream.indirect.gather [hbm4b:s1+s20], $0x30, s18, s20, $0xb8;
	[tilespmem:$0x1F528] =	vst v63  }
0x212: {  	_ =	swait.ge [sflag:s9], $0x1800  }
0x213: {  	[sflag:s9] =	ssyncset.done $0x0  }
0x214: {  	[sflag:s9] =	ssyncadd.s32 $0xFFFFE800  }
0x215: {  	_ =	swait.ge [sflag:s9], $0x1800  }
0x216: {  	[sflag:s9] =	ssyncset.done $0x0  }
0x217: {  	[sflag:s9] =	ssyncadd.s32 $0xFFFFE800  }
0x218: {  	_ =	swait.ge [sflag:s9], $0x1800  }
0x219: {  	[sflag:s9] =	ssyncset.done $0x0  }
0x21a: {  	[sflag:s9] =	ssyncadd.s32 $0xFFFFE800  }
0x21b: {  	_ =	swait.ge [sflag:s9], $0x1800  }
0x21c: {  	[sflag:s9] =	ssyncset.done $0x0  }
0x21d: {  	[sflag:s9] =	ssyncadd.s32 $0xFFFFE800  }
0x21e: {  	_ =	swait.ge [sflag:s12], $0x200  }
0x21f: {  	[sflag:s12] =	ssyncset.done $0x0  }
0x220: {  	[sflag:s12] =	ssyncadd.s32 $0xFFFFFE00  }
0x221: {  	_ =	swait.ge [sflag:s12], $0x200  }
0x222: {  	[sflag:s12] =	ssyncset.done $0x0  }
0x223: {  	s3 =	simm.s32 $0x0;
	[sflag:s12] =	ssyncadd.s32 $0xFFFFFE00  }
0x224: {  	v4 =	vld [tilespmem:s3+$0x18D28];
	_ =	sdelay $0x1  }
0x225: {  	v5 =	vld [tilespmem:s3+$0x18F28];
	_ =	sdelay $0x1  }
0x226: {  	s18 =	simm.s32 $0x0  }
0x227: {  	s21 =	sand.u32 $0x600, s18;
	vm14 =	vge.s32 v4, v1;
	vm15 =	vlt.s32 v4, v3  }
0x228: {  	s24 =	sand.u32 $0x70, s18;
	s7 =	sshrl.u32 s21, $0x2;
	v4 =	vsub.s32 v4, v1;
	vm0 =	vmand vm14, vm15  }
0x229: {  	s21 =	sor.u32 s24, s7;
	[tilespmem:s3+$0x19128] =	vst v5;
	v4 =	vsel vm0, v4, v2  }
0x22a: {  	s30 =	simm.s32 $0x80;
	s7 =	simm.s32 $0x10;
	s3 =	simm.s32 $0x40;
	[tilespmem:s21+$0x19328] =	vst v4  }
.LBB2_19:
0x22b: {  	p2 =	sne.s32 s30, $0x7C0;
	v4 =	vld [tilespmem:s7+$0x18D28];
	_ =	sdelay $0x1  }
0x22c: {  	v5 =	vld [tilespmem:s7+$0x18F28];
	_ =	sdelay $0x1  }
.Ltmp8:
0x22d: {  	(pc) =	sbr.rel @p2 .LBB2_19-.Ltmp8, $4  }
0x22e: {  	s21 =	sand.u32 $0x600, s3;
	s18 =	sadd.s32 $0x10, s18;
	s3 =	smov.u32 s30;
	vm0 =	vge.s32 v4, v1;
	vm1 =	vlt.s32 v4, v3  }
0x22f: {  	s24 =	sand.u32 $0x70, s18;
	s21 =	sshrl.u32 s21, $0x2;
	v4 =	vsub.s32 v4, v1;
	vm0 =	vmand vm0, vm1  }
0x230: {  	s21 =	sor.u32 s24, s21;
	[tilespmem:s7+$0x19128] =	vst v5;
	v4 =	vsel vm0, v4, v2  }
0x231: {  	s30 =	sadd.s32 $0x40, s30;
	s7 =	sshra.s32 s3, $0x2;
	[tilespmem:s21+$0x19328] =	vst v4  }
0x232: {  	v4 =	vld [tilespmem:s7+$0x18D28];
	_ =	sdelay $0x1  }
0x233: {  	v5 =	vld [tilespmem:s7+$0x18F28];
	_ =	sdelay $0x2  }
0x234: {  	s3 =	sand.u32 $0x600, s3;
	s18 =	sadd.s32 $0x10, s18;
	vm0 =	vge.s32 v4, v1;
	vm1 =	vlt.s32 v4, v3  }
0x235: {  	s21 =	sadd.s32 @!p1 s31, s28;
	s18 =	sand.u32 $0x70, s18;
	s3 =	sshrl.u32 s3, $0x2;
	v4 =	vsub.s32 v4, v1;
	vm0 =	vmand vm0, vm1  }
0x236: {  	s3 =	sor.u32 s18, s3;
	[tilespmem:s7+$0x19128] =	vst v5;
	s7 =	sshrl.u32 @!p1 s21, $0x3;
	v4 =	vsel vm0, v4, v2  }
0x237: {  	s18 =	simm.s32 @!p1 $0x0;
	s21 =	simm.s32 @!p1 $0x18D28;
	[tilespmem:s3+$0x19328] =	vst v4;
	s3 =	sadd.s32 @!p1 s6, s7  }
0x238: {  	[tilespmem:s21], [sflag:$0x2] =	stream.linear.gather @!p1 [hbm4b:s3+s18], $0x200, $0x38;
	[tilespmem:$0x1F528] =	vst v63  }
0x239: {  	s3 =	sadd.s32 @!p1 s5, s7;
	s7 =	simm.s32 @!p1 $0x18F28  }
0x23a: {  	[tilespmem:s7], [sflag:$0x2] =	stream.linear.gather @!p1 [hbm4b:s3+s18], $0x200, $0x38;
	[tilespmem:$0x1F528] =	vst v63  }
0x23b: {  	s30 =	simm.s32 $0x19128  }
0x23c: {  	[tilespmem:s14], [sflag:$0x4] =	stream.indirect.gather [hbm4b:s1+s20], $0x30, s30, s20, $0xb8;
	[tilespmem:$0x1F528] =	vst v63  }
0x23d: {  	s31 =	simm.s32 $0x191A8  }
0x23e: {  	[tilespmem:s15], [sflag:$0x4] =	stream.indirect.gather [hbm4b:s1+s20], $0x30, s31, s20, $0xb8;
	[tilespmem:$0x1F528] =	vst v63  }
0x23f: {  	s7 =	simm.s32 $0x19228  }
0x240: {  	[tilespmem:s17], [sflag:$0x4] =	stream.indirect.gather [hbm4b:s1+s20], $0x30, s7, s20, $0xb8;
	[tilespmem:$0x1F528] =	vst v63  }
0x241: {  	s18 =	simm.s32 $0x192A8  }
0x242: {  	[tilespmem:s0], [sflag:$0x4] =	stream.indirect.gather [hbm4b:s1+s20], $0x30, s18, s20, $0xb8;
	[tilespmem:$0x1F528] =	vst v63  }
0x243: {  	_ =	swait.ge [sflag:s4], $0x1800  }
0x244: {  	[sflag:s4] =	ssyncset.done $0x0  }
0x245: {  	[sflag:s4] =	ssyncadd.s32 $0xFFFFE800  }
0x246: {  	_ =	swait.ge [sflag:s4], $0x1800  }
0x247: {  	[sflag:s4] =	ssyncset.done $0x0  }
0x248: {  	[sflag:s4] =	ssyncadd.s32 $0xFFFFE800  }
0x249: {  	_ =	swait.ge [sflag:s4], $0x1800  }
0x24a: {  	[sflag:s4] =	ssyncset.done $0x0  }
0x24b: {  	[sflag:s4] =	ssyncadd.s32 $0xFFFFE800  }
0x24c: {  	_ =	swait.ge [sflag:s4], $0x1800  }
0x24d: {  	[sflag:s4] =	ssyncset.done $0x0  }
0x24e: {  	s16 =	sadd.s32 $0x1, s16;
	s21 =	simm.s32 $0x12B28;
	[sflag:s4] =	ssyncadd.s32 $0xFFFFE800  }
0x24f: {  	[spmem:s2] =	stream.indirect.scatter.add.f32 [tilespmem:s23], [sflag:$0x5], $0x30, s21, s20, $0xb8;
	[tilespmem:$0x1F528] =	vst v63  }
0x250: {  	s24 =	simm.s32 $0x12BA8;
	p1 =	sne.s32 s16, $0x64  }
0x251: {  	[spmem:s2] =	stream.indirect.scatter.add.f32 [tilespmem:s29], [sflag:$0x5], $0x30, s24, s20, $0xb8;
	[tilespmem:$0x1F528] =	vst v63  }
.Ltmp9:
0x252: {  	_ = 	snop;
	(pc) =	sbr.rel @p1 .LBB2_16-.Ltmp9, $4  }
0x253: {  	s30 =	simm.s32 $0x12C28  }
0x254: {  	[spmem:s2] =	stream.indirect.scatter.add.f32 [tilespmem:s25], [sflag:$0x5], $0x30, s30, s20, $0xb8;
	[tilespmem:$0x1F528] =	vst v63  }
0x255: {  	s31 =	simm.s32 $0x12CA8  }
0x256: {  	[spmem:s2] =	stream.indirect.scatter.add.f32 [tilespmem:s11], [sflag:$0x5], $0x30, s31, s20, $0xb8;
	[tilespmem:$0x1F528] =	vst v63  }
0x257: {  	_ =	swait.ge [sflag:s8], $0x1800  }
0x258: {  	[sflag:s8] =	ssyncset.done $0x0  }
0x259: {  	[sflag:s8] =	ssyncadd.s32 $0xFFFFE800  }
0x25a: {  	_ =	swait.ge [sflag:s8], $0x1800  }
0x25b: {  	[sflag:s8] =	ssyncset.done $0x0  }
0x25c: {  	[sflag:s8] =	ssyncadd.s32 $0xFFFFE800  }
0x25d: {  	_ =	swait.ge [sflag:s8], $0x1800  }
0x25e: {  	[sflag:s8] =	ssyncset.done $0x0  }
0x25f: {  	[sflag:s8] =	ssyncadd.s32 $0xFFFFE800  }
0x260: {  	_ =	swait.ge [sflag:s8], $0x1800  }
0x261: {  	[sflag:s8] =	ssyncset.done $0x0  }
0x262: {  	s3 =	simm.s32 $0x19328;
	[sflag:s8] =	ssyncadd.s32 $0xFFFFE800  }
0x263: {  	[spmem:s2] =	stream.indirect.scatter.add.f32 [tilespmem:s14], [sflag:$0x6], $0x30, s3, s20, $0xb8;
	[tilespmem:$0x1F528] =	vst v63  }
0x264: {  	s21 =	simm.s32 $0x193A8  }
0x265: {  	[spmem:s2] =	stream.indirect.scatter.add.f32 [tilespmem:s15], [sflag:$0x6], $0x30, s21, s20, $0xb8;
	[tilespmem:$0x1F528] =	vst v63  }
0x266: {  	_ = 	snop  }
0x267: {  	[spmem:s2] =	stream.indirect.scatter.add.f32 [tilespmem:s17], [sflag:$0x6], $0x30, s22, s20, $0xb8;
	[tilespmem:$0x1F528] =	vst v63  }
0x268: {  	_ = 	snop  }
0x269: {  	[spmem:s2] =	stream.indirect.scatter.add.f32 [tilespmem:s0], [sflag:$0x6], $0x30, s10, s20, $0xb8;
	[tilespmem:$0x1F528] =	vst v63  }
0x26a: {  	_ =	swait.ge [sflag:s13], $0x1800  }
0x26b: {  	[sflag:s13] =	ssyncset.done $0x0  }
0x26c: {  	[sflag:s13] =	ssyncadd.s32 $0xFFFFE800  }
0x26d: {  	_ =	swait.ge [sflag:s13], $0x1800  }
0x26e: {  	[sflag:s13] =	ssyncset.done $0x0  }
0x26f: {  	[sflag:s13] =	ssyncadd.s32 $0xFFFFE800  }
0x270: {  	_ =	swait.ge [sflag:s13], $0x1800  }
0x271: {  	[sflag:s13] =	ssyncset.done $0x0  }
0x272: {  	[sflag:s13] =	ssyncadd.s32 $0xFFFFE800  }
0x273: {  	_ =	swait.ge [sflag:s13], $0x1800  }
0x274: {  	[sflag:s13] =	ssyncset.done $0x0  }
0x275: {  	[sflag:s13] =	ssyncadd.s32 $0xFFFFE800  }
0x276: {  	_ =	swait.ge [sflag:s9], $0x1800  }
0x277: {  	[sflag:s9] =	ssyncset.done $0x0  }
0x278: {  	[sflag:s9] =	ssyncadd.s32 $0xFFFFE800  }
0x279: {  	_ =	swait.ge [sflag:s9], $0x1800  }
0x27a: {  	[sflag:s9] =	ssyncset.done $0x0  }
0x27b: {  	[sflag:s9] =	ssyncadd.s32 $0xFFFFE800  }
0x27c: {  	_ =	swait.ge [sflag:s9], $0x1800  }
0x27d: {  	[sflag:s9] =	ssyncset.done $0x0  }
0x27e: {  	[sflag:s9] =	ssyncadd.s32 $0xFFFFE800  }
0x27f: {  	_ =	swait.ge [sflag:s9], $0x1800  }
0x280: {  	[sflag:s9] =	ssyncset.done $0x0  }
0x281: {  	[sflag:s9] =	ssyncadd.s32 $0xFFFFE800  }
0x282: {  	[bflag:$0x0] =	sbarrier.arrive $0xFFFF  }
0x283: {  	s16 =	rddreg [dreg:$0x5]  }
0x284: {  	s24 =	rddreg [dreg:$0x14]  }
0x285: {  	s18 =	simm.s32 $0x7;
	s7 =	rddreg [dreg:$0x19]  }
0x286: {  	[hbm:s24], [sflag:s16] =	dma.local [spmem:s7], $0x1770  }
0x287: {  	_ =	swait.ge [sflag:s18], $0x1770  }
0x288: {  	[sflag:s18] =	ssyncset.done $0x0;
	s3 =	rddreg [dreg:$0x15]  }
0x289: {  	s7 =	rddreg [dreg:$0x1a];
	[sflag:s18] =	ssyncadd.s32 $0xFFFFE890  }
0x28a: {  	[hbm:s3], [sflag:s16] =	dma.local @!p0 [spmem:s7], $0x1770  }
0x28b: {  	s3 =	simm.s32 @!p0 $0x7  }
0x28c: {  	_ =	swait.ge @!p0 [sflag:s3], $0x1770  }
0x28d: {  	s30 =	rddreg [dreg:$0x18]  }
0x28e: {  	s31 =	rddreg [dreg:$0x17];
	s7 =	sadd.s32 $0x1, s30  }
0x28f: {  	p1 =	sne.s32 s7, s31  }
.Ltmp10:
0x290: {  	_ = 	snop;
	(pc) =	sbr.rel @p1 .LBB2_1-.Ltmp10, $3  }
0x291: {  	[sflag:s3] =	ssyncset.done @!p0 $0x0  }
0x292: {  	[sflag:s3] =	ssyncadd.s32 @!p0 $0xFFFFE890  }
0x293: {  	[bflag:$0x0] =	sbarrier.arrive $0xFFFF;
	_ =	sdelay $0x1  }
0x294: {  	_ =	sfence.sel $0x180000  }
0x295: {  	[bflag:$0x0] =	sbarrier.arrive $0xFFFF  }
0x296: {  	_ =	strace $0x90000047  }
0x297: {  	s0 =	stileid.u32;
	[bflag:$0x2] =	sbarrier.arrive $0xFFFF  }
0x298: {  	p0 =	sne.s32 s0, $0x0;
	s0 =	rddreg [dreg:$0x3]  }
0x299: {  	s0 =	sadd.s32 @!p0 $0x100000, s0  }
0x29a: {  	[sflag:s0] =	ssyncadd.tile.s32 @!p0 $0x1;
	_ =	shalt  }
.Lfunc_end2:
_tile_overlayer_lowered:
.L_overlay_start_2:
0x29b: {  	(tag) =	ssettag $0x2  }
0x29c: {  	s0 =	rddreg [dreg:$0x0];
	s2 =	stileid.u32  }
0x29d: {  	s1 =	rddreg [dreg:$0x1];
	p0 =	sne.s32 s2, $0x0  }
0x29e: {  	s3 =	rddreg [dreg:$0x2];
	[bflag:$0x3] =	sbarrier.arrive $0xFFFF;
	s2 =	simm.s32 @!p0 $0x1C07  }
0x29f: {  	[timem:s3], [sflag:s2] =	dma.local @!p0 [hbm:s0], s1  }
0x2a0: {  	s0 =	simm.s32 @!p0 $0x7  }
0x2a1: {  	_ =	swait.ge @!p0 [sflag:s0], s1  }
0x2a2: {  	s1 =	ssub.s32 @!p0 $0x0, s1;
	[sflag:s0] =	ssyncset.done @!p0 $0x0  }
0x2a3: {  	[sflag:s0] =	ssyncadd.s32 @!p0 s1  }
0x2a4: {  	[bflag:$0x3] =	sbarrier.arrive $0xFFFF  }
0x2a5: {  	_ =	shalt  }

</sc_bundles>
